<compile_context>
chip_gen: v7x
topology: tpu7x:2x2x1
jax: 0.10.2.dev20260603
libtpu: 0.0.44.dev20260713+nightly
codegen_flags: <defaults>
</compile_context>

<pallas_src>
import functools

import jax
import jax.numpy as jnp
from jax import lax
from jax.experimental import pallas as pl
from jax.experimental.pallas import tpu as pltpu
from jax.experimental.pallas import tpu_sc as plsc

_VOCAB = 1000000
_EMBED = 64
_BATCH = 16384
_HIST = 50

_NC = 2
_NS = 16
_L = 16
_NW = _NC * _NS
_NB = _BATCH // _NW
_RING = 4
_DC = _EMBED // _L
_NG = (_HIST + _L - 1) // _L
_HPAD = 56


def _vperm(vec, idx):
    dn = lax.GatherDimensionNumbers(
        offset_dims=(), collapsed_slice_dims=(0,), start_index_map=(0,))
    return lax.gather(vec, idx[:, None], dn, (1,),
                      mode=lax.GatherScatterMode.PROMISE_IN_BOUNDS)


_mesh = plsc.VectorSubcoreMesh(
    core_axis_name="c", subcore_axis_name="s",
    num_cores=_NC, num_subcores=_NS)


@functools.partial(
    pl.kernel,
    out_type=jax.ShapeDtypeStruct((_BATCH, 1, _HIST), jnp.float32),
    mesh=_mesh,
    scratch_types=[
        pltpu.VMEM((_NB, _HPAD), jnp.int32),
        pltpu.VMEM((4, 128), jnp.int32),
        pltpu.VMEM((_NB, _EMBED), jnp.float32),
        pltpu.VMEM((_RING, _HPAD, _EMBED), jnp.float32),
        pltpu.VMEM((_NB, 1, _HIST), jnp.float32),
        pltpu.SemaphoreType.DMA,
        pltpu.SemaphoreType.DMA,
        pltpu.SemaphoreType.DMA,
        pltpu.SemaphoreType.DMA,
        pltpu.SemaphoreType.DMA,
    ],
    compiler_params=pltpu.CompilerParams(
        needs_layout_passes=False, use_tc_tiling_on_sc=False),
)
def _w2v_sc(ctx_idx_hbm, cen_idx_hbm, ctx_tbl, cen_tbl, out_hbm,
            xidx, cidx, cen_all, ctx_ring, out_v,
            cen_sem, sem0, sem1, sem2, sem3):
    cid = lax.axis_index("c")
    sid = lax.axis_index("s")
    wid = sid * _NC + cid
    sems = [sem0, sem1, sem2, sem3]
    iota = lax.iota(jnp.int32, _L)
    zeros16 = jnp.zeros((_L,), jnp.int32)

    pltpu.sync_copy(ctx_idx_hbm.at[pl.ds(wid * _NB, _NB), pl.ds(0, _HPAD)],
                    xidx)
    pltpu.sync_copy(cen_idx_hbm.at[pl.ds(wid * 4, 4)], cidx)

    for j in range(4):
        pltpu.async_copy(cen_tbl.at[cidx.at[j]],
                         cen_all.at[pl.ds(j * 128, 128)], cen_sem)
    for j in range(4):
        pltpu.make_async_copy(cen_tbl.at[cidx.at[j]],
                              cen_all.at[pl.ds(j * 128, 128)], cen_sem).wait()

    def fire(b, slot):
        pltpu.async_copy(ctx_tbl.at[xidx.at[b]], ctx_ring.at[slot], sems[slot])

    def drain(b, slot):
        pltpu.make_async_copy(ctx_tbl.at[xidx.at[b]], ctx_ring.at[slot],
                              sems[slot]).wait()

    rot = [(iota + r) & (_L - 1) for r in range(_L)]
    rows = []
    for g in range(_NG):
        r = g * _L + iota
        rows.append(jnp.minimum(r, _HIST - 1) if g == _NG - 1 else r)
    tail_mask = ((_NG - 1) * _L + iota) < _HIST

    def compute(b, slot):
        def dbody(dc, accs):
            accs = list(accs)
            cen = cen_all[b, pl.ds(dc * _L, _L)]
            base = dc * _L
            for r in range(_L):
                dvec = rot[r] + base
                crot = _vperm(cen, rot[r])
                for g in range(_NG):
                    col = plsc.load_gather(ctx_ring.at[slot], [rows[g], dvec])
                    accs[g] = accs[g] + col * crot
            return tuple(accs)

        accs = lax.fori_loop(
            0, _DC, dbody,
            tuple(jnp.zeros((_L,), jnp.float32) for _ in range(_NG)))
        bvec = jnp.full((_L,), b, jnp.int32)
        for g in range(_NG):
            lvec = g * _L + iota
            if g < _NG - 1:
                plsc.store_scatter(out_v, [bvec, zeros16, lvec], accs[g])
            else:
                plsc.store_scatter(
                    out_v, [bvec, zeros16, jnp.minimum(lvec, _HIST - 1)],
                    accs[g], mask=tail_mask)

    for s in range(_RING):
        fire(s, s)

    def body(i, carry):
        b0 = i * _RING
        for s in range(_RING):
            b = b0 + s
            drain(b, s)
            compute(b, s)

            @pl.when(b + _RING < _NB)
            def _():
                fire(b + _RING, s)
        return carry

    lax.fori_loop(0, _NB // _RING, body, jnp.int32(0))

    pltpu.sync_copy(out_v, out_hbm.at[pl.ds(wid * _NB, _NB)])


def kernel(center, contexts_and_negatives, context_table, center_table):
    ctx_idx = jnp.pad(
        jnp.concatenate(
            [contexts_and_negatives,
             contexts_and_negatives[:, :_HPAD - _HIST]], axis=1),
        ((0, 0), (0, 128 - _HPAD)))
    cen_idx = center.reshape(_BATCH // 128, 128)
    return _w2v_sc(ctx_idx, cen_idx, context_table, center_table)

# --- scband reference (transcript-rebuilt; emitter-appended) ---
"""Pipeline reference for scband-word2-vec-73658689127099 (READ-ONLY COPY).

The authoritative reference and input builder live on the scoring server;
editing this copy changes nothing except your own understanding.
"""

import jax, jax.numpy as jnp
import numpy as np

VOCAB = 1000000
EMBED = 64
BATCH = 16384
HIST = 50

def setup_inputs(seed: int = 0) -> dict:
    key = jax.random.key(seed)
    k1, k2, k3, k4 = jax.random.split(key, 4)
    center = jax.random.randint(k1, (BATCH, 1), 0, VOCAB, dtype=jnp.int64 if jax.config.jax_enable_x64 else jnp.int32).astype(jnp.int32)
    contexts_and_negatives = jax.random.randint(k2, (BATCH, HIST), 0, VOCAB).astype(jnp.int32)
    context_table = jax.random.normal(k3, (VOCAB, EMBED), dtype=jnp.float32) * 0.02
    center_table = jax.random.normal(k4, (VOCAB, EMBED), dtype=jnp.float32) * 0.02
    return {
        "center": center,
        "contexts_and_negatives": contexts_and_negatives,
        "context_table": context_table,
        "center_table": center_table,
    }

def reference(center, contexts_and_negatives, context_table, center_table):
    # contexts = self.context(contexts_and_negatives) -> [B, L, D]
    contexts = jnp.take(context_table, contexts_and_negatives, axis=0)
    # centers = self.center(center) -> [B, 1, D]
    centers = jnp.take(center_table, center, axis=0)
    # similarity = centers @ contexts.transpose(1, 2) -> [B, 1, L]
    similarity = jnp.einsum('bqd,bld->bql', centers, contexts)
    return similarity

if __name__ == "__main__":
    import jax
    _d = setup_inputs()
    print(jax.jit(kernel)(*tuple(_d.values())))

</pallas_src>

<mosaic_0001>
#map = affine_map<(d0, d1) -> (0, 0)>
#map1 = affine_map<(d0, d1) -> (0, 0, 0)>
module attributes {stable_mosaic.version = 14 : i64} {
  func.func @_w2v_sc(%arg0: i32, %arg1: i32, %arg2: memref<16384x128xi32, #tpu.memory_space<hbm>>, %arg3: memref<128x128xi32, #tpu.memory_space<hbm>>, %arg4: memref<1000000x64xf32, #tpu.memory_space<hbm>>, %arg5: memref<1000000x64xf32, #tpu.memory_space<hbm>>, %arg6: memref<16384x1x50xf32, #tpu.memory_space<hbm>>, %arg7: memref<512x56xi32, #tpu.memory_space<vmem>>, %arg8: memref<4x128xi32, #tpu.memory_space<vmem>>, %arg9: memref<512x64xf32, #tpu.memory_space<vmem>>, %arg10: memref<4x56x64xf32, #tpu.memory_space<vmem>>, %arg11: memref<512x1x50xf32, #tpu.memory_space<vmem>>, %arg12: memref<!tpu.dma_semaphore, #tpu.memory_space<semaphore_mem>>, %arg13: memref<!tpu.dma_semaphore, #tpu.memory_space<semaphore_mem>>, %arg14: memref<!tpu.dma_semaphore, #tpu.memory_space<semaphore_mem>>, %arg15: memref<!tpu.dma_semaphore, #tpu.memory_space<semaphore_mem>>, %arg16: memref<!tpu.dma_semaphore, #tpu.memory_space<semaphore_mem>>) attributes {dimension_semantics = [#tpu.dimension_semantics<core_parallel>, #tpu.dimension_semantics<subcore_parallel>], iteration_bounds = array<i64: 2, 16>, scalar_prefetch = 0 : i64, scratch_operands = 10 : i64, tpu.core_type = #tpu.core_type<sc_vector_subcore>, window_params = [{transform_indices = #map}, {transform_indices = #map}, {transform_indices = #map}, {transform_indices = #map}, {transform_indices = #map1}]} {
    %mul3A = arith.constant 2 : i32
    %mul3A_0 = arith.muli %arg1, %mul3A : i32
    %add3A = arith.addi %mul3A_0, %arg0 : i32
    %iota3A = tpu.iota {dimensions = array<i32: 0>} : vector<16xi32>
    %broadcast_in_dim3A = arith.constant 0 : i32
    %broadcast_in_dim3A_1 = vector.broadcast %broadcast_in_dim3A : i32 to vector<16xi32>
    %mul3A_2 = arith.constant 512 : i32
    %mul3A_3 = arith.muli %add3A, %mul3A_2 : i32
    "tpu.region"() ({
      %run_scoped3A = tpu.sem_alloc : memref<!tpu.dma_semaphore, #tpu.memory_space<semaphore_mem>>
      %dma_start3A_253 = arith.constant 0 : i32
      %dma_start3A_254 = tpu.memref_slice %arg2[%mul3A_3, %dma_start3A_253] : memref<16384x128xi32, #tpu.memory_space<hbm>> -> memref<512x56xi32, #tpu.memory_space<hbm>>
      %dma_start3A_255 = arith.constant 0 : i32
      %dma_start3A_256 = tpu.memref_slice %arg2[%mul3A_3, %dma_start3A_255] : memref<16384x128xi32, #tpu.memory_space<hbm>> -> memref<512x56xi32, #tpu.memory_space<hbm>>
      tpu.enqueue_dma source(%dma_start3A_256 : memref<512x56xi32, #tpu.memory_space<hbm>>) target(%arg7 : memref<512x56xi32, #tpu.memory_space<vmem>>) target_semaphore(%run_scoped3A : memref<!tpu.dma_semaphore, #tpu.memory_space<semaphore_mem>>)
      %dma_wait3A_257 = arith.constant 0 : i32
      %dma_wait3A_258 = tpu.memref_slice %arg2[%mul3A_3, %dma_wait3A_257] : memref<16384x128xi32, #tpu.memory_space<hbm>> -> memref<512x56xi32, #tpu.memory_space<hbm>>
      %dma_wait3A_259 = arith.constant 0 : i32
      %dma_wait3A_260 = tpu.memref_slice %arg2[%mul3A_3, %dma_wait3A_259] : memref<16384x128xi32, #tpu.memory_space<hbm>> -> memref<512x56xi32, #tpu.memory_space<hbm>>
      tpu.wait_dma2 semaphore(%run_scoped3A : memref<!tpu.dma_semaphore, #tpu.memory_space<semaphore_mem>>) src(%dma_wait3A_260 : memref<512x56xi32, #tpu.memory_space<hbm>>) dst(%arg7 : memref<512x56xi32, #tpu.memory_space<vmem>>)
      tpu.yield
    }) : () -> ()
    %mul3A_4 = arith.constant 4 : i32
    %mul3A_5 = arith.muli %add3A, %mul3A_4 : i32
    "tpu.region"() ({
      %run_scoped3A = tpu.sem_alloc : memref<!tpu.dma_semaphore, #tpu.memory_space<semaphore_mem>>
      %dma_start3A_253 = arith.constant 0 : i32
      %dma_start3A_254 = tpu.memref_slice %arg3[%mul3A_5, %dma_start3A_253] : memref<128x128xi32, #tpu.memory_space<hbm>> -> memref<4x128xi32, #tpu.memory_space<hbm>>
      %dma_start3A_255 = arith.constant 0 : i32
      %dma_start3A_256 = tpu.memref_slice %arg3[%mul3A_5, %dma_start3A_255] : memref<128x128xi32, #tpu.memory_space<hbm>> -> memref<4x128xi32, #tpu.memory_space<hbm>>
      tpu.enqueue_dma source(%dma_start3A_256 : memref<4x128xi32, #tpu.memory_space<hbm>>) target(%arg8 : memref<4x128xi32, #tpu.memory_space<vmem>>) target_semaphore(%run_scoped3A : memref<!tpu.dma_semaphore, #tpu.memory_space<semaphore_mem>>)
      %dma_wait3A_257 = arith.constant 0 : i32
      %dma_wait3A_258 = tpu.memref_slice %arg3[%mul3A_5, %dma_wait3A_257] : memref<128x128xi32, #tpu.memory_space<hbm>> -> memref<4x128xi32, #tpu.memory_space<hbm>>
      %dma_wait3A_259 = arith.constant 0 : i32
      %dma_wait3A_260 = tpu.memref_slice %arg3[%mul3A_5, %dma_wait3A_259] : memref<128x128xi32, #tpu.memory_space<hbm>> -> memref<4x128xi32, #tpu.memory_space<hbm>>
      tpu.wait_dma2 semaphore(%run_scoped3A : memref<!tpu.dma_semaphore, #tpu.memory_space<semaphore_mem>>) src(%dma_wait3A_260 : memref<4x128xi32, #tpu.memory_space<hbm>>) dst(%arg8 : memref<4x128xi32, #tpu.memory_space<vmem>>)
      tpu.yield
    }) : () -> ()
    %dma_start3A = arith.constant 0 : i32
    %dma_start3A_6 = arith.constant 0 : i32
    %dma_start3A_7 = arith.constant 0 : i32
    %dma_start3A_8 = tpu.memref_slice %arg9[%dma_start3A_6, %dma_start3A_7] : memref<512x64xf32, #tpu.memory_space<vmem>> -> memref<128x64xf32, #tpu.memory_space<vmem>>
    %dma_start3A_9 = arith.constant 0 : i32
    %dma_start3A_10 = tpu.memref_slice %arg8[%dma_start3A, %dma_start3A_9] : memref<4x128xi32, #tpu.memory_space<vmem>> -> memref<1x128xi32, #tpu.memory_space<vmem>>
    %dma_start3A_11 = tpu.memref_squeeze %dma_start3A_10 : memref<1x128xi32, #tpu.memory_space<vmem>> -> memref<128xi32, #tpu.memory_space<vmem>>
    %dma_start3A_12 = arith.constant 0 : i32
    %dma_start3A_13 = arith.constant 0 : i32
    %dma_start3A_14 = tpu.memref_slice %arg5[%dma_start3A_12, %dma_start3A_13] : memref<1000000x64xf32, #tpu.memory_space<hbm>> -> memref<1000000x64xf32, #tpu.memory_space<hbm>>
    tpu.enqueue_indirect_dma source(%dma_start3A_14 : memref<1000000x64xf32, #tpu.memory_space<hbm>>) target(%dma_start3A_8 : memref<128x64xf32, #tpu.memory_space<vmem>>) offsets(%dma_start3A_11 : memref<128xi32, #tpu.memory_space<vmem>>) semaphore(%arg12 : memref<!tpu.dma_semaphore, #tpu.memory_space<semaphore_mem>>)
    %dma_start3A_15 = arith.constant 1 : i32
    %dma_start3A_16 = arith.constant 128 : i32
    %dma_start3A_17 = arith.constant 0 : i32
    %dma_start3A_18 = tpu.memref_slice %arg9[%dma_start3A_16, %dma_start3A_17] : memref<512x64xf32, #tpu.memory_space<vmem>> -> memref<128x64xf32, #tpu.memory_space<vmem>>
    %dma_start3A_19 = arith.constant 0 : i32
    %dma_start3A_20 = tpu.memref_slice %arg8[%dma_start3A_15, %dma_start3A_19] : memref<4x128xi32, #tpu.memory_space<vmem>> -> memref<1x128xi32, #tpu.memory_space<vmem>>
    %dma_start3A_21 = tpu.memref_squeeze %dma_start3A_20 : memref<1x128xi32, #tpu.memory_space<vmem>> -> memref<128xi32, #tpu.memory_space<vmem>>
    %dma_start3A_22 = arith.constant 0 : i32
    %dma_start3A_23 = arith.constant 0 : i32
    %dma_start3A_24 = tpu.memref_slice %arg5[%dma_start3A_22, %dma_start3A_23] : memref<1000000x64xf32, #tpu.memory_space<hbm>> -> memref<1000000x64xf32, #tpu.memory_space<hbm>>
    tpu.enqueue_indirect_dma source(%dma_start3A_24 : memref<1000000x64xf32, #tpu.memory_space<hbm>>) target(%dma_start3A_18 : memref<128x64xf32, #tpu.memory_space<vmem>>) offsets(%dma_start3A_21 : memref<128xi32, #tpu.memory_space<vmem>>) semaphore(%arg12 : memref<!tpu.dma_semaphore, #tpu.memory_space<semaphore_mem>>)
    %dma_start3A_25 = arith.constant 2 : i32
    %dma_start3A_26 = arith.constant 256 : i32
    %dma_start3A_27 = arith.constant 0 : i32
    %dma_start3A_28 = tpu.memref_slice %arg9[%dma_start3A_26, %dma_start3A_27] : memref<512x64xf32, #tpu.memory_space<vmem>> -> memref<128x64xf32, #tpu.memory_space<vmem>>
    %dma_start3A_29 = arith.constant 0 : i32
    %dma_start3A_30 = tpu.memref_slice %arg8[%dma_start3A_25, %dma_start3A_29] : memref<4x128xi32, #tpu.memory_space<vmem>> -> memref<1x128xi32, #tpu.memory_space<vmem>>
    %dma_start3A_31 = tpu.memref_squeeze %dma_start3A_30 : memref<1x128xi32, #tpu.memory_space<vmem>> -> memref<128xi32, #tpu.memory_space<vmem>>
    %dma_start3A_32 = arith.constant 0 : i32
    %dma_start3A_33 = arith.constant 0 : i32
    %dma_start3A_34 = tpu.memref_slice %arg5[%dma_start3A_32, %dma_start3A_33] : memref<1000000x64xf32, #tpu.memory_space<hbm>> -> memref<1000000x64xf32, #tpu.memory_space<hbm>>
    tpu.enqueue_indirect_dma source(%dma_start3A_34 : memref<1000000x64xf32, #tpu.memory_space<hbm>>) target(%dma_start3A_28 : memref<128x64xf32, #tpu.memory_space<vmem>>) offsets(%dma_start3A_31 : memref<128xi32, #tpu.memory_space<vmem>>) semaphore(%arg12 : memref<!tpu.dma_semaphore, #tpu.memory_space<semaphore_mem>>)
    %dma_start3A_35 = arith.constant 3 : i32
    %dma_start3A_36 = arith.constant 384 : i32
    %dma_start3A_37 = arith.constant 0 : i32
    %dma_start3A_38 = tpu.memref_slice %arg9[%dma_start3A_36, %dma_start3A_37] : memref<512x64xf32, #tpu.memory_space<vmem>> -> memref<128x64xf32, #tpu.memory_space<vmem>>
    %dma_start3A_39 = arith.constant 0 : i32
    %dma_start3A_40 = tpu.memref_slice %arg8[%dma_start3A_35, %dma_start3A_39] : memref<4x128xi32, #tpu.memory_space<vmem>> -> memref<1x128xi32, #tpu.memory_space<vmem>>
    %dma_start3A_41 = tpu.memref_squeeze %dma_start3A_40 : memref<1x128xi32, #tpu.memory_space<vmem>> -> memref<128xi32, #tpu.memory_space<vmem>>
    %dma_start3A_42 = arith.constant 0 : i32
    %dma_start3A_43 = arith.constant 0 : i32
    %dma_start3A_44 = tpu.memref_slice %arg5[%dma_start3A_42, %dma_start3A_43] : memref<1000000x64xf32, #tpu.memory_space<hbm>> -> memref<1000000x64xf32, #tpu.memory_space<hbm>>
    tpu.enqueue_indirect_dma source(%dma_start3A_44 : memref<1000000x64xf32, #tpu.memory_space<hbm>>) target(%dma_start3A_38 : memref<128x64xf32, #tpu.memory_space<vmem>>) offsets(%dma_start3A_41 : memref<128xi32, #tpu.memory_space<vmem>>) semaphore(%arg12 : memref<!tpu.dma_semaphore, #tpu.memory_space<semaphore_mem>>)
    %dma_wait3A = arith.constant 0 : i32
    %dma_wait3A_45 = arith.constant 0 : i32
    %dma_wait3A_46 = arith.constant 0 : i32
    %dma_wait3A_47 = tpu.memref_slice %arg9[%dma_wait3A_45, %dma_wait3A_46] : memref<512x64xf32, #tpu.memory_space<vmem>> -> memref<128x64xf32, #tpu.memory_space<vmem>>
    %dma_wait3A_48 = arith.constant 0 : i32
    %dma_wait3A_49 = tpu.memref_slice %arg8[%dma_wait3A, %dma_wait3A_48] : memref<4x128xi32, #tpu.memory_space<vmem>> -> memref<1x128xi32, #tpu.memory_space<vmem>>
    %dma_wait3A_50 = tpu.memref_squeeze %dma_wait3A_49 : memref<1x128xi32, #tpu.memory_space<vmem>> -> memref<128xi32, #tpu.memory_space<vmem>>
    %dma_wait3A_51 = arith.constant 0 : i32
    %dma_wait3A_52 = arith.constant 0 : i32
    %dma_wait3A_53 = tpu.memref_slice %arg5[%dma_wait3A_51, %dma_wait3A_52] : memref<1000000x64xf32, #tpu.memory_space<hbm>> -> memref<1000000x64xf32, #tpu.memory_space<hbm>>
    tpu.wait_indirect_dma semaphore(%arg12 : memref<!tpu.dma_semaphore, #tpu.memory_space<semaphore_mem>>) src(%dma_wait3A_53 : memref<1000000x64xf32, #tpu.memory_space<hbm>>) dst(%dma_wait3A_47 : memref<128x64xf32, #tpu.memory_space<vmem>>)
    %dma_wait3A_54 = arith.constant 1 : i32
    %dma_wait3A_55 = arith.constant 128 : i32
    %dma_wait3A_56 = arith.constant 0 : i32
    %dma_wait3A_57 = tpu.memref_slice %arg9[%dma_wait3A_55, %dma_wait3A_56] : memref<512x64xf32, #tpu.memory_space<vmem>> -> memref<128x64xf32, #tpu.memory_space<vmem>>
    %dma_wait3A_58 = arith.constant 0 : i32
    %dma_wait3A_59 = tpu.memref_slice %arg8[%dma_wait3A_54, %dma_wait3A_58] : memref<4x128xi32, #tpu.memory_space<vmem>> -> memref<1x128xi32, #tpu.memory_space<vmem>>
    %dma_wait3A_60 = tpu.memref_squeeze %dma_wait3A_59 : memref<1x128xi32, #tpu.memory_space<vmem>> -> memref<128xi32, #tpu.memory_space<vmem>>
    %dma_wait3A_61 = arith.constant 0 : i32
    %dma_wait3A_62 = arith.constant 0 : i32
    %dma_wait3A_63 = tpu.memref_slice %arg5[%dma_wait3A_61, %dma_wait3A_62] : memref<1000000x64xf32, #tpu.memory_space<hbm>> -> memref<1000000x64xf32, #tpu.memory_space<hbm>>
    tpu.wait_indirect_dma semaphore(%arg12 : memref<!tpu.dma_semaphore, #tpu.memory_space<semaphore_mem>>) src(%dma_wait3A_63 : memref<1000000x64xf32, #tpu.memory_space<hbm>>) dst(%dma_wait3A_57 : memref<128x64xf32, #tpu.memory_space<vmem>>)
    %dma_wait3A_64 = arith.constant 2 : i32
    %dma_wait3A_65 = arith.constant 256 : i32
    %dma_wait3A_66 = arith.constant 0 : i32
    %dma_wait3A_67 = tpu.memref_slice %arg9[%dma_wait3A_65, %dma_wait3A_66] : memref<512x64xf32, #tpu.memory_space<vmem>> -> memref<128x64xf32, #tpu.memory_space<vmem>>
    %dma_wait3A_68 = arith.constant 0 : i32
    %dma_wait3A_69 = tpu.memref_slice %arg8[%dma_wait3A_64, %dma_wait3A_68] : memref<4x128xi32, #tpu.memory_space<vmem>> -> memref<1x128xi32, #tpu.memory_space<vmem>>
    %dma_wait3A_70 = tpu.memref_squeeze %dma_wait3A_69 : memref<1x128xi32, #tpu.memory_space<vmem>> -> memref<128xi32, #tpu.memory_space<vmem>>
    %dma_wait3A_71 = arith.constant 0 : i32
    %dma_wait3A_72 = arith.constant 0 : i32
    %dma_wait3A_73 = tpu.memref_slice %arg5[%dma_wait3A_71, %dma_wait3A_72] : memref<1000000x64xf32, #tpu.memory_space<hbm>> -> memref<1000000x64xf32, #tpu.memory_space<hbm>>
    tpu.wait_indirect_dma semaphore(%arg12 : memref<!tpu.dma_semaphore, #tpu.memory_space<semaphore_mem>>) src(%dma_wait3A_73 : memref<1000000x64xf32, #tpu.memory_space<hbm>>) dst(%dma_wait3A_67 : memref<128x64xf32, #tpu.memory_space<vmem>>)
    %dma_wait3A_74 = arith.constant 3 : i32
    %dma_wait3A_75 = arith.constant 384 : i32
    %dma_wait3A_76 = arith.constant 0 : i32
    %dma_wait3A_77 = tpu.memref_slice %arg9[%dma_wait3A_75, %dma_wait3A_76] : memref<512x64xf32, #tpu.memory_space<vmem>> -> memref<128x64xf32, #tpu.memory_space<vmem>>
    %dma_wait3A_78 = arith.constant 0 : i32
    %dma_wait3A_79 = tpu.memref_slice %arg8[%dma_wait3A_74, %dma_wait3A_78] : memref<4x128xi32, #tpu.memory_space<vmem>> -> memref<1x128xi32, #tpu.memory_space<vmem>>
    %dma_wait3A_80 = tpu.memref_squeeze %dma_wait3A_79 : memref<1x128xi32, #tpu.memory_space<vmem>> -> memref<128xi32, #tpu.memory_space<vmem>>
    %dma_wait3A_81 = arith.constant 0 : i32
    %dma_wait3A_82 = arith.constant 0 : i32
    %dma_wait3A_83 = tpu.memref_slice %arg5[%dma_wait3A_81, %dma_wait3A_82] : memref<1000000x64xf32, #tpu.memory_space<hbm>> -> memref<1000000x64xf32, #tpu.memory_space<hbm>>
    tpu.wait_indirect_dma semaphore(%arg12 : memref<!tpu.dma_semaphore, #tpu.memory_space<semaphore_mem>>) src(%dma_wait3A_83 : memref<1000000x64xf32, #tpu.memory_space<hbm>>) dst(%dma_wait3A_77 : memref<128x64xf32, #tpu.memory_space<vmem>>)
    %add3A_84 = arith.constant 0 : i32
    %add3A_85 = vector.broadcast %add3A_84 : i32 to vector<16xi32>
    %add3A_86 = arith.addi %iota3A, %add3A_85 : vector<16xi32>
    %and3A = arith.constant 15 : i32
    %and3A_87 = vector.broadcast %and3A : i32 to vector<16xi32>
    %and3A_88 = arith.andi %add3A_86, %and3A_87 : vector<16xi32>
    %add3A_89 = arith.constant 1 : i32
    %add3A_90 = vector.broadcast %add3A_89 : i32 to vector<16xi32>
    %add3A_91 = arith.addi %iota3A, %add3A_90 : vector<16xi32>
    %and3A_92 = arith.constant 15 : i32
    %and3A_93 = vector.broadcast %and3A_92 : i32 to vector<16xi32>
    %and3A_94 = arith.andi %add3A_91, %and3A_93 : vector<16xi32>
    %add3A_95 = arith.constant 2 : i32
    %add3A_96 = vector.broadcast %add3A_95 : i32 to vector<16xi32>
    %add3A_97 = arith.addi %iota3A, %add3A_96 : vector<16xi32>
    %and3A_98 = arith.constant 15 : i32
    %and3A_99 = vector.broadcast %and3A_98 : i32 to vector<16xi32>
    %and3A_100 = arith.andi %add3A_97, %and3A_99 : vector<16xi32>
    %add3A_101 = arith.constant 3 : i32
    %add3A_102 = vector.broadcast %add3A_101 : i32 to vector<16xi32>
    %add3A_103 = arith.addi %iota3A, %add3A_102 : vector<16xi32>
    %and3A_104 = arith.constant 15 : i32
    %and3A_105 = vector.broadcast %and3A_104 : i32 to vector<16xi32>
    %and3A_106 = arith.andi %add3A_103, %and3A_105 : vector<16xi32>
    %add3A_107 = arith.constant 4 : i32
    %add3A_108 = vector.broadcast %add3A_107 : i32 to vector<16xi32>
    %add3A_109 = arith.addi %iota3A, %add3A_108 : vector<16xi32>
    %and3A_110 = arith.constant 15 : i32
    %and3A_111 = vector.broadcast %and3A_110 : i32 to vector<16xi32>
    %and3A_112 = arith.andi %add3A_109, %and3A_111 : vector<16xi32>
    %add3A_113 = arith.constant 5 : i32
    %add3A_114 = vector.broadcast %add3A_113 : i32 to vector<16xi32>
    %add3A_115 = arith.addi %iota3A, %add3A_114 : vector<16xi32>
    %and3A_116 = arith.constant 15 : i32
    %and3A_117 = vector.broadcast %and3A_116 : i32 to vector<16xi32>
    %and3A_118 = arith.andi %add3A_115, %and3A_117 : vector<16xi32>
    %add3A_119 = arith.constant 6 : i32
    %add3A_120 = vector.broadcast %add3A_119 : i32 to vector<16xi32>
    %add3A_121 = arith.addi %iota3A, %add3A_120 : vector<16xi32>
    %and3A_122 = arith.constant 15 : i32
    %and3A_123 = vector.broadcast %and3A_122 : i32 to vector<16xi32>
    %and3A_124 = arith.andi %add3A_121, %and3A_123 : vector<16xi32>
    %add3A_125 = arith.constant 7 : i32
    %add3A_126 = vector.broadcast %add3A_125 : i32 to vector<16xi32>
    %add3A_127 = arith.addi %iota3A, %add3A_126 : vector<16xi32>
    %and3A_128 = arith.constant 15 : i32
    %and3A_129 = vector.broadcast %and3A_128 : i32 to vector<16xi32>
    %and3A_130 = arith.andi %add3A_127, %and3A_129 : vector<16xi32>
    %add3A_131 = arith.constant 8 : i32
    %add3A_132 = vector.broadcast %add3A_131 : i32 to vector<16xi32>
    %add3A_133 = arith.addi %iota3A, %add3A_132 : vector<16xi32>
    %and3A_134 = arith.constant 15 : i32
    %and3A_135 = vector.broadcast %and3A_134 : i32 to vector<16xi32>
    %and3A_136 = arith.andi %add3A_133, %and3A_135 : vector<16xi32>
    %add3A_137 = arith.constant 9 : i32
    %add3A_138 = vector.broadcast %add3A_137 : i32 to vector<16xi32>
    %add3A_139 = arith.addi %iota3A, %add3A_138 : vector<16xi32>
    %and3A_140 = arith.constant 15 : i32
    %and3A_141 = vector.broadcast %and3A_140 : i32 to vector<16xi32>
    %and3A_142 = arith.andi %add3A_139, %and3A_141 : vector<16xi32>
    %add3A_143 = arith.constant 10 : i32
    %add3A_144 = vector.broadcast %add3A_143 : i32 to vector<16xi32>
    %add3A_145 = arith.addi %iota3A, %add3A_144 : vector<16xi32>
    %and3A_146 = arith.constant 15 : i32
    %and3A_147 = vector.broadcast %and3A_146 : i32 to vector<16xi32>
    %and3A_148 = arith.andi %add3A_145, %and3A_147 : vector<16xi32>
    %add3A_149 = arith.constant 11 : i32
    %add3A_150 = vector.broadcast %add3A_149 : i32 to vector<16xi32>
    %add3A_151 = arith.addi %iota3A, %add3A_150 : vector<16xi32>
    %and3A_152 = arith.constant 15 : i32
    %and3A_153 = vector.broadcast %and3A_152 : i32 to vector<16xi32>
    %and3A_154 = arith.andi %add3A_151, %and3A_153 : vector<16xi32>
    %add3A_155 = arith.constant 12 : i32
    %add3A_156 = vector.broadcast %add3A_155 : i32 to vector<16xi32>
    %add3A_157 = arith.addi %iota3A, %add3A_156 : vector<16xi32>
    %and3A_158 = arith.constant 15 : i32
    %and3A_159 = vector.broadcast %and3A_158 : i32 to vector<16xi32>
    %and3A_160 = arith.andi %add3A_157, %and3A_159 : vector<16xi32>
    %add3A_161 = arith.constant 13 : i32
    %add3A_162 = vector.broadcast %add3A_161 : i32 to vector<16xi32>
    %add3A_163 = arith.addi %iota3A, %add3A_162 : vector<16xi32>
    %and3A_164 = arith.constant 15 : i32
    %and3A_165 = vector.broadcast %and3A_164 : i32 to vector<16xi32>
    %and3A_166 = arith.andi %add3A_163, %and3A_165 : vector<16xi32>
    %add3A_167 = arith.constant 14 : i32
    %add3A_168 = vector.broadcast %add3A_167 : i32 to vector<16xi32>
    %add3A_169 = arith.addi %iota3A, %add3A_168 : vector<16xi32>
    %and3A_170 = arith.constant 15 : i32
    %and3A_171 = vector.broadcast %and3A_170 : i32 to vector<16xi32>
    %and3A_172 = arith.andi %add3A_169, %and3A_171 : vector<16xi32>
    %add3A_173 = arith.constant 15 : i32
    %add3A_174 = vector.broadcast %add3A_173 : i32 to vector<16xi32>
    %add3A_175 = arith.addi %iota3A, %add3A_174 : vector<16xi32>
    %and3A_176 = arith.constant 15 : i32
    %and3A_177 = vector.broadcast %and3A_176 : i32 to vector<16xi32>
    %and3A_178 = arith.andi %add3A_175, %and3A_177 : vector<16xi32>
    %add3A_179 = arith.constant 0 : i32
    %add3A_180 = vector.broadcast %add3A_179 : i32 to vector<16xi32>
    %add3A_181 = arith.addi %add3A_180, %iota3A : vector<16xi32>
    %add3A_182 = arith.constant 16 : i32
    %add3A_183 = vector.broadcast %add3A_182 : i32 to vector<16xi32>
    %add3A_184 = arith.addi %add3A_183, %iota3A : vector<16xi32>
    %add3A_185 = arith.constant 32 : i32
    %add3A_186 = vector.broadcast %add3A_185 : i32 to vector<16xi32>
    %add3A_187 = arith.addi %add3A_186, %iota3A : vector<16xi32>
    %add3A_188 = arith.constant 48 : i32
    %add3A_189 = vector.broadcast %add3A_188 : i32 to vector<16xi32>
    %add3A_190 = arith.addi %add3A_189, %iota3A : vector<16xi32>
    %min3A = arith.constant 49 : i32
    %min3A_191 = vector.broadcast %min3A : i32 to vector<16xi32>
    %min3A_192 = arith.minsi %add3A_190, %min3A_191 : vector<16xi32>
    %add3A_193 = arith.constant 48 : i32
    %add3A_194 = vector.broadcast %add3A_193 : i32 to vector<16xi32>
    %add3A_195 = arith.addi %add3A_194, %iota3A : vector<16xi32>
    %lt3A = arith.constant 50 : i32
    %lt3A_196 = vector.broadcast %lt3A : i32 to vector<16xi32>
    %lt3A_197 = arith.cmpi slt, %add3A_195, %lt3A_196 : vector<16xi32>
    %dma_start3A_198 = arith.constant 0 : i32
    %dma_start3A_199 = arith.constant 0 : i32
    %dma_start3A_200 = arith.constant 0 : i32
    %dma_start3A_201 = arith.constant 0 : i32
    %dma_start3A_202 = tpu.memref_slice %arg10[%dma_start3A_199, %dma_start3A_200, %dma_start3A_201] : memref<4x56x64xf32, #tpu.memory_space<vmem>> -> memref<1x56x64xf32, #tpu.memory_space<vmem>>
    %dma_start3A_203 = tpu.memref_squeeze %dma_start3A_202 : memref<1x56x64xf32, #tpu.memory_space<vmem>> -> memref<56x64xf32, #tpu.memory_space<vmem>>
    %dma_start3A_204 = arith.constant 0 : i32
    %dma_start3A_205 = tpu.memref_slice %arg7[%dma_start3A_198, %dma_start3A_204] : memref<512x56xi32, #tpu.memory_space<vmem>> -> memref<1x56xi32, #tpu.memory_space<vmem>>
    %dma_start3A_206 = tpu.memref_squeeze %dma_start3A_205 : memref<1x56xi32, #tpu.memory_space<vmem>> -> memref<56xi32, #tpu.memory_space<vmem>>
    %dma_start3A_207 = arith.constant 0 : i32
    %dma_start3A_208 = arith.constant 0 : i32
    %dma_start3A_209 = tpu.memref_slice %arg4[%dma_start3A_207, %dma_start3A_208] : memref<1000000x64xf32, #tpu.memory_space<hbm>> -> memref<1000000x64xf32, #tpu.memory_space<hbm>>
    tpu.enqueue_indirect_dma source(%dma_start3A_209 : memref<1000000x64xf32, #tpu.memory_space<hbm>>) target(%dma_start3A_203 : memref<56x64xf32, #tpu.memory_space<vmem>>) offsets(%dma_start3A_206 : memref<56xi32, #tpu.memory_space<vmem>>) semaphore(%arg13 : memref<!tpu.dma_semaphore, #tpu.memory_space<semaphore_mem>>)
    %dma_start3A_210 = arith.constant 1 : i32
    %dma_start3A_211 = arith.constant 1 : i32
    %dma_start3A_212 = arith.constant 0 : i32
    %dma_start3A_213 = arith.constant 0 : i32
    %dma_start3A_214 = tpu.memref_slice %arg10[%dma_start3A_211, %dma_start3A_212, %dma_start3A_213] : memref<4x56x64xf32, #tpu.memory_space<vmem>> -> memref<1x56x64xf32, #tpu.memory_space<vmem>>
    %dma_start3A_215 = tpu.memref_squeeze %dma_start3A_214 : memref<1x56x64xf32, #tpu.memory_space<vmem>> -> memref<56x64xf32, #tpu.memory_space<vmem>>
    %dma_start3A_216 = arith.constant 0 : i32
    %dma_start3A_217 = tpu.memref_slice %arg7[%dma_start3A_210, %dma_start3A_216] : memref<512x56xi32, #tpu.memory_space<vmem>> -> memref<1x56xi32, #tpu.memory_space<vmem>>
    %dma_start3A_218 = tpu.memref_squeeze %dma_start3A_217 : memref<1x56xi32, #tpu.memory_space<vmem>> -> memref<56xi32, #tpu.memory_space<vmem>>
    %dma_start3A_219 = arith.constant 0 : i32
    %dma_start3A_220 = arith.constant 0 : i32
    %dma_start3A_221 = tpu.memref_slice %arg4[%dma_start3A_219, %dma_start3A_220] : memref<1000000x64xf32, #tpu.memory_space<hbm>> -> memref<1000000x64xf32, #tpu.memory_space<hbm>>
    tpu.enqueue_indirect_dma source(%dma_start3A_221 : memref<1000000x64xf32, #tpu.memory_space<hbm>>) target(%dma_start3A_215 : memref<56x64xf32, #tpu.memory_space<vmem>>) offsets(%dma_start3A_218 : memref<56xi32, #tpu.memory_space<vmem>>) semaphore(%arg14 : memref<!tpu.dma_semaphore, #tpu.memory_space<semaphore_mem>>)
    %dma_start3A_222 = arith.constant 2 : i32
    %dma_start3A_223 = arith.constant 2 : i32
    %dma_start3A_224 = arith.constant 0 : i32
    %dma_start3A_225 = arith.constant 0 : i32
    %dma_start3A_226 = tpu.memref_slice %arg10[%dma_start3A_223, %dma_start3A_224, %dma_start3A_225] : memref<4x56x64xf32, #tpu.memory_space<vmem>> -> memref<1x56x64xf32, #tpu.memory_space<vmem>>
    %dma_start3A_227 = tpu.memref_squeeze %dma_start3A_226 : memref<1x56x64xf32, #tpu.memory_space<vmem>> -> memref<56x64xf32, #tpu.memory_space<vmem>>
    %dma_start3A_228 = arith.constant 0 : i32
    %dma_start3A_229 = tpu.memref_slice %arg7[%dma_start3A_222, %dma_start3A_228] : memref<512x56xi32, #tpu.memory_space<vmem>> -> memref<1x56xi32, #tpu.memory_space<vmem>>
    %dma_start3A_230 = tpu.memref_squeeze %dma_start3A_229 : memref<1x56xi32, #tpu.memory_space<vmem>> -> memref<56xi32, #tpu.memory_space<vmem>>
    %dma_start3A_231 = arith.constant 0 : i32
    %dma_start3A_232 = arith.constant 0 : i32
    %dma_start3A_233 = tpu.memref_slice %arg4[%dma_start3A_231, %dma_start3A_232] : memref<1000000x64xf32, #tpu.memory_space<hbm>> -> memref<1000000x64xf32, #tpu.memory_space<hbm>>
    tpu.enqueue_indirect_dma source(%dma_start3A_233 : memref<1000000x64xf32, #tpu.memory_space<hbm>>) target(%dma_start3A_227 : memref<56x64xf32, #tpu.memory_space<vmem>>) offsets(%dma_start3A_230 : memref<56xi32, #tpu.memory_space<vmem>>) semaphore(%arg15 : memref<!tpu.dma_semaphore, #tpu.memory_space<semaphore_mem>>)
    %dma_start3A_234 = arith.constant 3 : i32
    %dma_start3A_235 = arith.constant 3 : i32
    %dma_start3A_236 = arith.constant 0 : i32
    %dma_start3A_237 = arith.constant 0 : i32
    %dma_start3A_238 = tpu.memref_slice %arg10[%dma_start3A_235, %dma_start3A_236, %dma_start3A_237] : memref<4x56x64xf32, #tpu.memory_space<vmem>> -> memref<1x56x64xf32, #tpu.memory_space<vmem>>
    %dma_start3A_239 = tpu.memref_squeeze %dma_start3A_238 : memref<1x56x64xf32, #tpu.memory_space<vmem>> -> memref<56x64xf32, #tpu.memory_space<vmem>>
    %dma_start3A_240 = arith.constant 0 : i32
    %dma_start3A_241 = tpu.memref_slice %arg7[%dma_start3A_234, %dma_start3A_240] : memref<512x56xi32, #tpu.memory_space<vmem>> -> memref<1x56xi32, #tpu.memory_space<vmem>>
    %dma_start3A_242 = tpu.memref_squeeze %dma_start3A_241 : memref<1x56xi32, #tpu.memory_space<vmem>> -> memref<56xi32, #tpu.memory_space<vmem>>
    %dma_start3A_243 = arith.constant 0 : i32
    %dma_start3A_244 = arith.constant 0 : i32
    %dma_start3A_245 = tpu.memref_slice %arg4[%dma_start3A_243, %dma_start3A_244] : memref<1000000x64xf32, #tpu.memory_space<hbm>> -> memref<1000000x64xf32, #tpu.memory_space<hbm>>
    tpu.enqueue_indirect_dma source(%dma_start3A_245 : memref<1000000x64xf32, #tpu.memory_space<hbm>>) target(%dma_start3A_239 : memref<56x64xf32, #tpu.memory_space<vmem>>) offsets(%dma_start3A_242 : memref<56xi32, #tpu.memory_space<vmem>>) semaphore(%arg16 : memref<!tpu.dma_semaphore, #tpu.memory_space<semaphore_mem>>)
    %scan3A = arith.constant 0 : i32
    %scan3A_246 = arith.constant 0 : i32
    %scan3A_247 = arith.constant 128 : i32
    %scan3A_248 = arith.addi %scan3A_246, %scan3A_247 : i32
    %scan3A_249 = arith.constant 1 : i32
    scf.for %scan3A_253 = %scan3A_246 to %scan3A_248 step %scan3A_249  : i32 {
      %mul3A_254 = arith.constant 4 : i32
      %mul3A_255 = arith.muli %scan3A_253, %mul3A_254 : i32
      %add3A_256 = arith.constant 0 : i32
      %add3A_257 = arith.addi %mul3A_255, %add3A_256 : i32
      %dma_wait3A_258 = arith.constant 0 : i32
      %dma_wait3A_259 = arith.constant 0 : i32
      %dma_wait3A_260 = arith.constant 0 : i32
      %dma_wait3A_261 = tpu.memref_slice %arg10[%dma_wait3A_258, %dma_wait3A_259, %dma_wait3A_260] : memref<4x56x64xf32, #tpu.memory_space<vmem>> -> memref<1x56x64xf32, #tpu.memory_space<vmem>>
      %dma_wait3A_262 = tpu.memref_squeeze %dma_wait3A_261 : memref<1x56x64xf32, #tpu.memory_space<vmem>> -> memref<56x64xf32, #tpu.memory_space<vmem>>
      %dma_wait3A_263 = arith.constant 0 : i32
      %dma_wait3A_264 = tpu.memref_slice %arg7[%add3A_257, %dma_wait3A_263] : memref<512x56xi32, #tpu.memory_space<vmem>> -> memref<1x56xi32, #tpu.memory_space<vmem>>
      %dma_wait3A_265 = tpu.memref_squeeze %dma_wait3A_264 : memref<1x56xi32, #tpu.memory_space<vmem>> -> memref<56xi32, #tpu.memory_space<vmem>>
      %dma_wait3A_266 = arith.constant 0 : i32
      %dma_wait3A_267 = arith.constant 0 : i32
      %dma_wait3A_268 = tpu.memref_slice %arg4[%dma_wait3A_266, %dma_wait3A_267] : memref<1000000x64xf32, #tpu.memory_space<hbm>> -> memref<1000000x64xf32, #tpu.memory_space<hbm>>
      tpu.wait_indirect_dma semaphore(%arg13 : memref<!tpu.dma_semaphore, #tpu.memory_space<semaphore_mem>>) src(%dma_wait3A_268 : memref<1000000x64xf32, #tpu.memory_space<hbm>>) dst(%dma_wait3A_262 : memref<56x64xf32, #tpu.memory_space<vmem>>)
      %broadcast_in_dim3A_269 = arith.constant 0.000000e+00 : f32
      %broadcast_in_dim3A_270 = vector.broadcast %broadcast_in_dim3A_269 : f32 to vector<16xf32>
      %broadcast_in_dim3A_271 = arith.constant 0.000000e+00 : f32
      %broadcast_in_dim3A_272 = vector.broadcast %broadcast_in_dim3A_271 : f32 to vector<16xf32>
      %broadcast_in_dim3A_273 = arith.constant 0.000000e+00 : f32
      %broadcast_in_dim3A_274 = vector.broadcast %broadcast_in_dim3A_273 : f32 to vector<16xf32>
      %broadcast_in_dim3A_275 = arith.constant 0.000000e+00 : f32
      %broadcast_in_dim3A_276 = vector.broadcast %broadcast_in_dim3A_275 : f32 to vector<16xf32>
      %scan3A_277 = arith.constant 0 : i32
      %scan3A_278 = arith.constant 4 : i32
      %scan3A_279 = arith.addi %scan3A_277, %scan3A_278 : i32
      %scan3A_280 = arith.constant 1 : i32
      %scan3A_281:4 = scf.for %scan3A_454 = %scan3A_277 to %scan3A_279 step %scan3A_280 iter_args(%scan3A_455 = %broadcast_in_dim3A_270, %scan3A_456 = %broadcast_in_dim3A_272, %scan3A_457 = %broadcast_in_dim3A_274, %scan3A_458 = %broadcast_in_dim3A_276) -> (vector<16xf32>, vector<16xf32>, vector<16xf32>, vector<16xf32>)  : i32 {
        %mul3A_459 = arith.constant 16 : i32
        %mul3A_460 = arith.muli %scan3A_454, %mul3A_459 : i32
        %get3A = arith.index_cast %add3A_257 : i32 to index
        %get3A_461 = arith.index_cast %mul3A_460 : i32 to index
        %get3A_462 = tpu.vector_load %arg9[%get3A, %get3A_461] {strides = array<i32>} : memref<512x64xf32, #tpu.memory_space<vmem>>, vector<16xf32>,
        %mul3A_463 = arith.constant 16 : i32
        %mul3A_464 = arith.muli %scan3A_454, %mul3A_463 : i32
        %add3A_465 = vector.broadcast %mul3A_464 : i32 to vector<16xi32>
        %add3A_466 = arith.addi %and3A_88, %add3A_465 : vector<16xi32>
        %broadcast_in_dim3A_467 = vector.shape_cast %and3A_88 : vector<16xi32> to vector<16x1xi32>
        %gather3A = vector.shape_cast %broadcast_in_dim3A_467 : vector<16x1xi32> to vector<16xi32>
        %gather3A_468 = tpu.dynamic_gather %get3A_462[%gather3A] in [0] : vector<16xf32>, vector<16xi32> -> vector<16xf32>
        %gather3A_469 = arith.constant 0 : i32
        %gather3A_470 = arith.constant 0 : i32
        %gather3A_471 = arith.constant 0 : i32
        %gather3A_472 = tpu.memref_slice %arg10[%gather3A_469, %gather3A_470, %gather3A_471] : memref<4x56x64xf32, #tpu.memory_space<vmem>> -> memref<1x56x64xf32, #tpu.memory_space<vmem>>
        %gather3A_473 = tpu.memref_squeeze %gather3A_472 : memref<1x56x64xf32, #tpu.memory_space<vmem>> -> memref<56x64xf32, #tpu.memory_space<vmem>>
        %gather3A_474 = tpu.vector_load_idx %gather3A_473[%add3A_181, %add3A_466] : memref<56x64xf32, #tpu.memory_space<vmem>>[vector<16xi32>, vector<16xi32>], vector<16xf32>,
        %mul3A_475 = arith.mulf %gather3A_474, %gather3A_468 : vector<16xf32>
        %add3A_476 = arith.addf %scan3A_455, %mul3A_475 : vector<16xf32>
        %gather3A_477 = arith.constant 0 : i32
        %gather3A_478 = arith.constant 0 : i32
        %gather3A_479 = arith.constant 0 : i32
        %gather3A_480 = tpu.memref_slice %arg10[%gather3A_477, %gather3A_478, %gather3A_479] : memref<4x56x64xf32, #tpu.memory_space<vmem>> -> memref<1x56x64xf32, #tpu.memory_space<vmem>>
        %gather3A_481 = tpu.memref_squeeze %gather3A_480 : memref<1x56x64xf32, #tpu.memory_space<vmem>> -> memref<56x64xf32, #tpu.memory_space<vmem>>
        %gather3A_482 = tpu.vector_load_idx %gather3A_481[%add3A_184, %add3A_466] : memref<56x64xf32, #tpu.memory_space<vmem>>[vector<16xi32>, vector<16xi32>], vector<16xf32>,
        %mul3A_483 = arith.mulf %gather3A_482, %gather3A_468 : vector<16xf32>
        %add3A_484 = arith.addf %scan3A_456, %mul3A_483 : vector<16xf32>
        %gather3A_485 = arith.constant 0 : i32
        %gather3A_486 = arith.constant 0 : i32
        %gather3A_487 = arith.constant 0 : i32
        %gather3A_488 = tpu.memref_slice %arg10[%gather3A_485, %gather3A_486, %gather3A_487] : memref<4x56x64xf32, #tpu.memory_space<vmem>> -> memref<1x56x64xf32, #tpu.memory_space<vmem>>
        %gather3A_489 = tpu.memref_squeeze %gather3A_488 : memref<1x56x64xf32, #tpu.memory_space<vmem>> -> memref<56x64xf32, #tpu.memory_space<vmem>>
        %gather3A_490 = tpu.vector_load_idx %gather3A_489[%add3A_187, %add3A_466] : memref<56x64xf32, #tpu.memory_space<vmem>>[vector<16xi32>, vector<16xi32>], vector<16xf32>,
        %mul3A_491 = arith.mulf %gather3A_490, %gather3A_468 : vector<16xf32>
        %add3A_492 = arith.addf %scan3A_457, %mul3A_491 : vector<16xf32>
        %gather3A_493 = arith.constant 0 : i32
        %gather3A_494 = arith.constant 0 : i32
        %gather3A_495 = arith.constant 0 : i32
        %gather3A_496 = tpu.memref_slice %arg10[%gather3A_493, %gather3A_494, %gather3A_495] : memref<4x56x64xf32, #tpu.memory_space<vmem>> -> memref<1x56x64xf32, #tpu.memory_space<vmem>>
        %gather3A_497 = tpu.memref_squeeze %gather3A_496 : memref<1x56x64xf32, #tpu.memory_space<vmem>> -> memref<56x64xf32, #tpu.memory_space<vmem>>
        %gather3A_498 = tpu.vector_load_idx %gather3A_497[%min3A_192, %add3A_466] : memref<56x64xf32, #tpu.memory_space<vmem>>[vector<16xi32>, vector<16xi32>], vector<16xf32>,
        %mul3A_499 = arith.mulf %gather3A_498, %gather3A_468 : vector<16xf32>
        %add3A_500 = arith.addf %scan3A_458, %mul3A_499 : vector<16xf32>
        %add3A_501 = vector.broadcast %mul3A_464 : i32 to vector<16xi32>
        %add3A_502 = arith.addi %and3A_94, %add3A_501 : vector<16xi32>
        %broadcast_in_dim3A_503 = vector.shape_cast %and3A_94 : vector<16xi32> to vector<16x1xi32>
        %gather3A_504 = vector.shape_cast %broadcast_in_dim3A_503 : vector<16x1xi32> to vector<16xi32>
        %gather3A_505 = tpu.dynamic_gather %get3A_462[%gather3A_504] in [0] : vector<16xf32>, vector<16xi32> -> vector<16xf32>
        %gather3A_506 = arith.constant 0 : i32
        %gather3A_507 = arith.constant 0 : i32
        %gather3A_508 = arith.constant 0 : i32
        %gather3A_509 = tpu.memref_slice %arg10[%gather3A_506, %gather3A_507, %gather3A_508] : memref<4x56x64xf32, #tpu.memory_space<vmem>> -> memref<1x56x64xf32, #tpu.memory_space<vmem>>
        %gather3A_510 = tpu.memref_squeeze %gather3A_509 : memref<1x56x64xf32, #tpu.memory_space<vmem>> -> memref<56x64xf32, #tpu.memory_space<vmem>>
        %gather3A_511 = tpu.vector_load_idx %gather3A_510[%add3A_181, %add3A_502] : memref<56x64xf32, #tpu.memory_space<vmem>>[vector<16xi32>, vector<16xi32>], vector<16xf32>,
        %mul3A_512 = arith.mulf %gather3A_511, %gather3A_505 : vector<16xf32>
        %add3A_513 = arith.addf %add3A_476, %mul3A_512 : vector<16xf32>
        %gather3A_514 = arith.constant 0 : i32
        %gather3A_515 = arith.constant 0 : i32
        %gather3A_516 = arith.constant 0 : i32
        %gather3A_517 = tpu.memref_slice %arg10[%gather3A_514, %gather3A_515, %gather3A_516] : memref<4x56x64xf32, #tpu.memory_space<vmem>> -> memref<1x56x64xf32, #tpu.memory_space<vmem>>
        %gather3A_518 = tpu.memref_squeeze %gather3A_517 : memref<1x56x64xf32, #tpu.memory_space<vmem>> -> memref<56x64xf32, #tpu.memory_space<vmem>>
        %gather3A_519 = tpu.vector_load_idx %gather3A_518[%add3A_184, %add3A_502] : memref<56x64xf32, #tpu.memory_space<vmem>>[vector<16xi32>, vector<16xi32>], vector<16xf32>,
        %mul3A_520 = arith.mulf %gather3A_519, %gather3A_505 : vector<16xf32>
        %add3A_521 = arith.addf %add3A_484, %mul3A_520 : vector<16xf32>
        %gather3A_522 = arith.constant 0 : i32
        %gather3A_523 = arith.constant 0 : i32
        %gather3A_524 = arith.constant 0 : i32
        %gather3A_525 = tpu.memref_slice %arg10[%gather3A_522, %gather3A_523, %gather3A_524] : memref<4x56x64xf32, #tpu.memory_space<vmem>> -> memref<1x56x64xf32, #tpu.memory_space<vmem>>
        %gather3A_526 = tpu.memref_squeeze %gather3A_525 : memref<1x56x64xf32, #tpu.memory_space<vmem>> -> memref<56x64xf32, #tpu.memory_space<vmem>>
        %gather3A_527 = tpu.vector_load_idx %gather3A_526[%add3A_187, %add3A_502] : memref<56x64xf32, #tpu.memory_space<vmem>>[vector<16xi32>, vector<16xi32>], vector<16xf32>,
        %mul3A_528 = arith.mulf %gather3A_527, %gather3A_505 : vector<16xf32>
        %add3A_529 = arith.addf %add3A_492, %mul3A_528 : vector<16xf32>
        %gather3A_530 = arith.constant 0 : i32
        %gather3A_531 = arith.constant 0 : i32
        %gather3A_532 = arith.constant 0 : i32
        %gather3A_533 = tpu.memref_slice %arg10[%gather3A_530, %gather3A_531, %gather3A_532] : memref<4x56x64xf32, #tpu.memory_space<vmem>> -> memref<1x56x64xf32, #tpu.memory_space<vmem>>
        %gather3A_534 = tpu.memref_squeeze %gather3A_533 : memref<1x56x64xf32, #tpu.memory_space<vmem>> -> memref<56x64xf32, #tpu.memory_space<vmem>>
        %gather3A_535 = tpu.vector_load_idx %gather3A_534[%min3A_192, %add3A_502] : memref<56x64xf32, #tpu.memory_space<vmem>>[vector<16xi32>, vector<16xi32>], vector<16xf32>,
        %mul3A_536 = arith.mulf %gather3A_535, %gather3A_505 : vector<16xf32>
        %add3A_537 = arith.addf %add3A_500, %mul3A_536 : vector<16xf32>
        %add3A_538 = vector.broadcast %mul3A_464 : i32 to vector<16xi32>
        %add3A_539 = arith.addi %and3A_100, %add3A_538 : vector<16xi32>
        %broadcast_in_dim3A_540 = vector.shape_cast %and3A_100 : vector<16xi32> to vector<16x1xi32>
        %gather3A_541 = vector.shape_cast %broadcast_in_dim3A_540 : vector<16x1xi32> to vector<16xi32>
        %gather3A_542 = tpu.dynamic_gather %get3A_462[%gather3A_541] in [0] : vector<16xf32>, vector<16xi32> -> vector<16xf32>
        %gather3A_543 = arith.constant 0 : i32
        %gather3A_544 = arith.constant 0 : i32
        %gather3A_545 = arith.constant 0 : i32
        %gather3A_546 = tpu.memref_slice %arg10[%gather3A_543, %gather3A_544, %gather3A_545] : memref<4x56x64xf32, #tpu.memory_space<vmem>> -> memref<1x56x64xf32, #tpu.memory_space<vmem>>
        %gather3A_547 = tpu.memref_squeeze %gather3A_546 : memref<1x56x64xf32, #tpu.memory_space<vmem>> -> memref<56x64xf32, #tpu.memory_space<vmem>>
        %gather3A_548 = tpu.vector_load_idx %gather3A_547[%add3A_181, %add3A_539] : memref<56x64xf32, #tpu.memory_space<vmem>>[vector<16xi32>, vector<16xi32>], vector<16xf32>,
        %mul3A_549 = arith.mulf %gather3A_548, %gather3A_542 : vector<16xf32>
        %add3A_550 = arith.addf %add3A_513, %mul3A_549 : vector<16xf32>
        %gather3A_551 = arith.constant 0 : i32
        %gather3A_552 = arith.constant 0 : i32
        %gather3A_553 = arith.constant 0 : i32
        %gather3A_554 = tpu.memref_slice %arg10[%gather3A_551, %gather3A_552, %gather3A_553] : memref<4x56x64xf32, #tpu.memory_space<vmem>> -> memref<1x56x64xf32, #tpu.memory_space<vmem>>
        %gather3A_555 = tpu.memref_squeeze %gather3A_554 : memref<1x56x64xf32, #tpu.memory_space<vmem>> -> memref<56x64xf32, #tpu.memory_space<vmem>>
        %gather3A_556 = tpu.vector_load_idx %gather3A_555[%add3A_184, %add3A_539] : memref<56x64xf32, #tpu.memory_space<vmem>>[vector<16xi32>, vector<16xi32>], vector<16xf32>,
        %mul3A_557 = arith.mulf %gather3A_556, %gather3A_542 : vector<16xf32>
        %add3A_558 = arith.addf %add3A_521, %mul3A_557 : vector<16xf32>
        %gather3A_559 = arith.constant 0 : i32
        %gather3A_560 = arith.constant 0 : i32
        %gather3A_561 = arith.constant 0 : i32
        %gather3A_562 = tpu.memref_slice %arg10[%gather3A_559, %gather3A_560, %gather3A_561] : memref<4x56x64xf32, #tpu.memory_space<vmem>> -> memref<1x56x64xf32, #tpu.memory_space<vmem>>
        %gather3A_563 = tpu.memref_squeeze %gather3A_562 : memref<1x56x64xf32, #tpu.memory_space<vmem>> -> memref<56x64xf32, #tpu.memory_space<vmem>>
        %gather3A_564 = tpu.vector_load_idx %gather3A_563[%add3A_187, %add3A_539] : memref<56x64xf32, #tpu.memory_space<vmem>>[vector<16xi32>, vector<16xi32>], vector<16xf32>,
        %mul3A_565 = arith.mulf %gather3A_564, %gather3A_542 : vector<16xf32>
        %add3A_566 = arith.addf %add3A_529, %mul3A_565 : vector<16xf32>
        %gather3A_567 = arith.constant 0 : i32
        %gather3A_568 = arith.constant 0 : i32
        %gather3A_569 = arith.constant 0 : i32
        %gather3A_570 = tpu.memref_slice %arg10[%gather3A_567, %gather3A_568, %gather3A_569] : memref<4x56x64xf32, #tpu.memory_space<vmem>> -> memref<1x56x64xf32, #tpu.memory_space<vmem>>
        %gather3A_571 = tpu.memref_squeeze %gather3A_570 : memref<1x56x64xf32, #tpu.memory_space<vmem>> -> memref<56x64xf32, #tpu.memory_space<vmem>>
        %gather3A_572 = tpu.vector_load_idx %gather3A_571[%min3A_192, %add3A_539] : memref<56x64xf32, #tpu.memory_space<vmem>>[vector<16xi32>, vector<16xi32>], vector<16xf32>,
        %mul3A_573 = arith.mulf %gather3A_572, %gather3A_542 : vector<16xf32>
        %add3A_574 = arith.addf %add3A_537, %mul3A_573 : vector<16xf32>
        %add3A_575 = vector.broadcast %mul3A_464 : i32 to vector<16xi32>
        %add3A_576 = arith.addi %and3A_106, %add3A_575 : vector<16xi32>
        %broadcast_in_dim3A_577 = vector.shape_cast %and3A_106 : vector<16xi32> to vector<16x1xi32>
        %gather3A_578 = vector.shape_cast %broadcast_in_dim3A_577 : vector<16x1xi32> to vector<16xi32>
        %gather3A_579 = tpu.dynamic_gather %get3A_462[%gather3A_578] in [0] : vector<16xf32>, vector<16xi32> -> vector<16xf32>
        %gather3A_580 = arith.constant 0 : i32
        %gather3A_581 = arith.constant 0 : i32
        %gather3A_582 = arith.constant 0 : i32
        %gather3A_583 = tpu.memref_slice %arg10[%gather3A_580, %gather3A_581, %gather3A_582] : memref<4x56x64xf32, #tpu.memory_space<vmem>> -> memref<1x56x64xf32, #tpu.memory_space<vmem>>
        %gather3A_584 = tpu.memref_squeeze %gather3A_583 : memref<1x56x64xf32, #tpu.memory_space<vmem>> -> memref<56x64xf32, #tpu.memory_space<vmem>>
        %gather3A_585 = tpu.vector_load_idx %gather3A_584[%add3A_181, %add3A_576] : memref<56x64xf32, #tpu.memory_space<vmem>>[vector<16xi32>, vector<16xi32>], vector<16xf32>,
        %mul3A_586 = arith.mulf %gather3A_585, %gather3A_579 : vector<16xf32>
        %add3A_587 = arith.addf %add3A_550, %mul3A_586 : vector<16xf32>
        %gather3A_588 = arith.constant 0 : i32
        %gather3A_589 = arith.constant 0 : i32
        %gather3A_590 = arith.constant 0 : i32
        %gather3A_591 = tpu.memref_slice %arg10[%gather3A_588, %gather3A_589, %gather3A_590] : memref<4x56x64xf32, #tpu.memory_space<vmem>> -> memref<1x56x64xf32, #tpu.memory_space<vmem>>
        %gather3A_592 = tpu.memref_squeeze %gather3A_591 : memref<1x56x64xf32, #tpu.memory_space<vmem>> -> memref<56x64xf32, #tpu.memory_space<vmem>>
        %gather3A_593 = tpu.vector_load_idx %gather3A_592[%add3A_184, %add3A_576] : memref<56x64xf32, #tpu.memory_space<vmem>>[vector<16xi32>, vector<16xi32>], vector<16xf32>,
        %mul3A_594 = arith.mulf %gather3A_593, %gather3A_579 : vector<16xf32>
        %add3A_595 = arith.addf %add3A_558, %mul3A_594 : vector<16xf32>
        %gather3A_596 = arith.constant 0 : i32
        %gather3A_597 = arith.constant 0 : i32
        %gather3A_598 = arith.constant 0 : i32
        %gather3A_599 = tpu.memref_slice %arg10[%gather3A_596, %gather3A_597, %gather3A_598] : memref<4x56x64xf32, #tpu.memory_space<vmem>> -> memref<1x56x64xf32, #tpu.memory_space<vmem>>
        %gather3A_600 = tpu.memref_squeeze %gather3A_599 : memref<1x56x64xf32, #tpu.memory_space<vmem>> -> memref<56x64xf32, #tpu.memory_space<vmem>>
        %gather3A_601 = tpu.vector_load_idx %gather3A_600[%add3A_187, %add3A_576] : memref<56x64xf32, #tpu.memory_space<vmem>>[vector<16xi32>, vector<16xi32>], vector<16xf32>,
        %mul3A_602 = arith.mulf %gather3A_601, %gather3A_579 : vector<16xf32>
        %add3A_603 = arith.addf %add3A_566, %mul3A_602 : vector<16xf32>
        %gather3A_604 = arith.constant 0 : i32
        %gather3A_605 = arith.constant 0 : i32
        %gather3A_606 = arith.constant 0 : i32
        %gather3A_607 = tpu.memref_slice %arg10[%gather3A_604, %gather3A_605, %gather3A_606] : memref<4x56x64xf32, #tpu.memory_space<vmem>> -> memref<1x56x64xf32, #tpu.memory_space<vmem>>
        %gather3A_608 = tpu.memref_squeeze %gather3A_607 : memref<1x56x64xf32, #tpu.memory_space<vmem>> -> memref<56x64xf32, #tpu.memory_space<vmem>>
        %gather3A_609 = tpu.vector_load_idx %gather3A_608[%min3A_192, %add3A_576] : memref<56x64xf32, #tpu.memory_space<vmem>>[vector<16xi32>, vector<16xi32>], vector<16xf32>,
        %mul3A_610 = arith.mulf %gather3A_609, %gather3A_579 : vector<16xf32>
        %add3A_611 = arith.addf %add3A_574, %mul3A_610 : vector<16xf32>
        %add3A_612 = vector.broadcast %mul3A_464 : i32 to vector<16xi32>
        %add3A_613 = arith.addi %and3A_112, %add3A_612 : vector<16xi32>
        %broadcast_in_dim3A_614 = vector.shape_cast %and3A_112 : vector<16xi32> to vector<16x1xi32>
        %gather3A_615 = vector.shape_cast %broadcast_in_dim3A_614 : vector<16x1xi32> to vector<16xi32>
        %gather3A_616 = tpu.dynamic_gather %get3A_462[%gather3A_615] in [0] : vector<16xf32>, vector<16xi32> -> vector<16xf32>
        %gather3A_617 = arith.constant 0 : i32
        %gather3A_618 = arith.constant 0 : i32
        %gather3A_619 = arith.constant 0 : i32
        %gather3A_620 = tpu.memref_slice %arg10[%gather3A_617, %gather3A_618, %gather3A_619] : memref<4x56x64xf32, #tpu.memory_space<vmem>> -> memref<1x56x64xf32, #tpu.memory_space<vmem>>
        %gather3A_621 = tpu.memref_squeeze %gather3A_620 : memref<1x56x64xf32, #tpu.memory_space<vmem>> -> memref<56x64xf32, #tpu.memory_space<vmem>>
        %gather3A_622 = tpu.vector_load_idx %gather3A_621[%add3A_181, %add3A_613] : memref<56x64xf32, #tpu.memory_space<vmem>>[vector<16xi32>, vector<16xi32>], vector<16xf32>,
        %mul3A_623 = arith.mulf %gather3A_622, %gather3A_616 : vector<16xf32>
        %add3A_624 = arith.addf %add3A_587, %mul3A_623 : vector<16xf32>
        %gather3A_625 = arith.constant 0 : i32
        %gather3A_626 = arith.constant 0 : i32
        %gather3A_627 = arith.constant 0 : i32
        %gather3A_628 = tpu.memref_slice %arg10[%gather3A_625, %gather3A_626, %gather3A_627] : memref<4x56x64xf32, #tpu.memory_space<vmem>> -> memref<1x56x64xf32, #tpu.memory_space<vmem>>
        %gather3A_629 = tpu.memref_squeeze %gather3A_628 : memref<1x56x64xf32, #tpu.memory_space<vmem>> -> memref<56x64xf32, #tpu.memory_space<vmem>>
        %gather3A_630 = tpu.vector_load_idx %gather3A_629[%add3A_184, %add3A_613] : memref<56x64xf32, #tpu.memory_space<vmem>>[vector<16xi32>, vector<16xi32>], vector<16xf32>,
        %mul3A_631 = arith.mulf %gather3A_630, %gather3A_616 : vector<16xf32>
        %add3A_632 = arith.addf %add3A_595, %mul3A_631 : vector<16xf32>
        %gather3A_633 = arith.constant 0 : i32
        %gather3A_634 = arith.constant 0 : i32
        %gather3A_635 = arith.constant 0 : i32
        %gather3A_636 = tpu.memref_slice %arg10[%gather3A_633, %gather3A_634, %gather3A_635] : memref<4x56x64xf32, #tpu.memory_space<vmem>> -> memref<1x56x64xf32, #tpu.memory_space<vmem>>
        %gather3A_637 = tpu.memref_squeeze %gather3A_636 : memref<1x56x64xf32, #tpu.memory_space<vmem>> -> memref<56x64xf32, #tpu.memory_space<vmem>>
        %gather3A_638 = tpu.vector_load_idx %gather3A_637[%add3A_187, %add3A_613] : memref<56x64xf32, #tpu.memory_space<vmem>>[vector<16xi32>, vector<16xi32>], vector<16xf32>,
        %mul3A_639 = arith.mulf %gather3A_638, %gather3A_616 : vector<16xf32>
        %add3A_640 = arith.addf %add3A_603, %mul3A_639 : vector<16xf32>
        %gather3A_641 = arith.constant 0 : i32
        %gather3A_642 = arith.constant 0 : i32
        %gather3A_643 = arith.constant 0 : i32
        %gather3A_644 = tpu.memref_slice %arg10[%gather3A_641, %gather3A_642, %gather3A_643] : memref<4x56x64xf32, #tpu.memory_space<vmem>> -> memref<1x56x64xf32, #tpu.memory_space<vmem>>
        %gather3A_645 = tpu.memref_squeeze %gather3A_644 : memref<1x56x64xf32, #tpu.memory_space<vmem>> -> memref<56x64xf32, #tpu.memory_space<vmem>>
        %gather3A_646 = tpu.vector_load_idx %gather3A_645[%min3A_192, %add3A_613] : memref<56x64xf32, #tpu.memory_space<vmem>>[vector<16xi32>, vector<16xi32>], vector<16xf32>,
        %mul3A_647 = arith.mulf %gather3A_646, %gather3A_616 : vector<16xf32>
        %add3A_648 = arith.addf %add3A_611, %mul3A_647 : vector<16xf32>
        %add3A_649 = vector.broadcast %mul3A_464 : i32 to vector<16xi32>
        %add3A_650 = arith.addi %and3A_118, %add3A_649 : vector<16xi32>
        %broadcast_in_dim3A_651 = vector.shape_cast %and3A_118 : vector<16xi32> to vector<16x1xi32>
        %gather3A_652 = vector.shape_cast %broadcast_in_dim3A_651 : vector<16x1xi32> to vector<16xi32>
        %gather3A_653 = tpu.dynamic_gather %get3A_462[%gather3A_652] in [0] : vector<16xf32>, vector<16xi32> -> vector<16xf32>
        %gather3A_654 = arith.constant 0 : i32
        %gather3A_655 = arith.constant 0 : i32
        %gather3A_656 = arith.constant 0 : i32
        %gather3A_657 = tpu.memref_slice %arg10[%gather3A_654, %gather3A_655, %gather3A_656] : memref<4x56x64xf32, #tpu.memory_space<vmem>> -> memref<1x56x64xf32, #tpu.memory_space<vmem>>
        %gather3A_658 = tpu.memref_squeeze %gather3A_657 : memref<1x56x64xf32, #tpu.memory_space<vmem>> -> memref<56x64xf32, #tpu.memory_space<vmem>>
        %gather3A_659 = tpu.vector_load_idx %gather3A_658[%add3A_181, %add3A_650] : memref<56x64xf32, #tpu.memory_space<vmem>>[vector<16xi32>, vector<16xi32>], vector<16xf32>,
        %mul3A_660 = arith.mulf %gather3A_659, %gather3A_653 : vector<16xf32>
        %add3A_661 = arith.addf %add3A_624, %mul3A_660 : vector<16xf32>
        %gather3A_662 = arith.constant 0 : i32
        %gather3A_663 = arith.constant 0 : i32
        %gather3A_664 = arith.constant 0 : i32
        %gather3A_665 = tpu.memref_slice %arg10[%gather3A_662, %gather3A_663, %gather3A_664] : memref<4x56x64xf32, #tpu.memory_space<vmem>> -> memref<1x56x64xf32, #tpu.memory_space<vmem>>
        %gather3A_666 = tpu.memref_squeeze %gather3A_665 : memref<1x56x64xf32, #tpu.memory_space<vmem>> -> memref<56x64xf32, #tpu.memory_space<vmem>>
        %gather3A_667 = tpu.vector_load_idx %gather3A_666[%add3A_184, %add3A_650] : memref<56x64xf32, #tpu.memory_space<vmem>>[vector<16xi32>, vector<16xi32>], vector<16xf32>,
        %mul3A_668 = arith.mulf %gather3A_667, %gather3A_653 : vector<16xf32>
        %add3A_669 = arith.addf %add3A_632, %mul3A_668 : vector<16xf32>
        %gather3A_670 = arith.constant 0 : i32
        %gather3A_671 = arith.constant 0 : i32
        %gather3A_672 = arith.constant 0 : i32
        %gather3A_673 = tpu.memref_slice %arg10[%gather3A_670, %gather3A_671, %gather3A_672] : memref<4x56x64xf32, #tpu.memory_space<vmem>> -> memref<1x56x64xf32, #tpu.memory_space<vmem>>
        %gather3A_674 = tpu.memref_squeeze %gather3A_673 : memref<1x56x64xf32, #tpu.memory_space<vmem>> -> memref<56x64xf32, #tpu.memory_space<vmem>>
        %gather3A_675 = tpu.vector_load_idx %gather3A_674[%add3A_187, %add3A_650] : memref<56x64xf32, #tpu.memory_space<vmem>>[vector<16xi32>, vector<16xi32>], vector<16xf32>,
        %mul3A_676 = arith.mulf %gather3A_675, %gather3A_653 : vector<16xf32>
        %add3A_677 = arith.addf %add3A_640, %mul3A_676 : vector<16xf32>
        %gather3A_678 = arith.constant 0 : i32
        %gather3A_679 = arith.constant 0 : i32
        %gather3A_680 = arith.constant 0 : i32
        %gather3A_681 = tpu.memref_slice %arg10[%gather3A_678, %gather3A_679, %gather3A_680] : memref<4x56x64xf32, #tpu.memory_space<vmem>> -> memref<1x56x64xf32, #tpu.memory_space<vmem>>
        %gather3A_682 = tpu.memref_squeeze %gather3A_681 : memref<1x56x64xf32, #tpu.memory_space<vmem>> -> memref<56x64xf32, #tpu.memory_space<vmem>>
        %gather3A_683 = tpu.vector_load_idx %gather3A_682[%min3A_192, %add3A_650] : memref<56x64xf32, #tpu.memory_space<vmem>>[vector<16xi32>, vector<16xi32>], vector<16xf32>,
        %mul3A_684 = arith.mulf %gather3A_683, %gather3A_653 : vector<16xf32>
        %add3A_685 = arith.addf %add3A_648, %mul3A_684 : vector<16xf32>
        %add3A_686 = vector.broadcast %mul3A_464 : i32 to vector<16xi32>
        %add3A_687 = arith.addi %and3A_124, %add3A_686 : vector<16xi32>
        %broadcast_in_dim3A_688 = vector.shape_cast %and3A_124 : vector<16xi32> to vector<16x1xi32>
        %gather3A_689 = vector.shape_cast %broadcast_in_dim3A_688 : vector<16x1xi32> to vector<16xi32>
        %gather3A_690 = tpu.dynamic_gather %get3A_462[%gather3A_689] in [0] : vector<16xf32>, vector<16xi32> -> vector<16xf32>
        %gather3A_691 = arith.constant 0 : i32
        %gather3A_692 = arith.constant 0 : i32
        %gather3A_693 = arith.constant 0 : i32
        %gather3A_694 = tpu.memref_slice %arg10[%gather3A_691, %gather3A_692, %gather3A_693] : memref<4x56x64xf32, #tpu.memory_space<vmem>> -> memref<1x56x64xf32, #tpu.memory_space<vmem>>
        %gather3A_695 = tpu.memref_squeeze %gather3A_694 : memref<1x56x64xf32, #tpu.memory_space<vmem>> -> memref<56x64xf32, #tpu.memory_space<vmem>>
        %gather3A_696 = tpu.vector_load_idx %gather3A_695[%add3A_181, %add3A_687] : memref<56x64xf32, #tpu.memory_space<vmem>>[vector<16xi32>, vector<16xi32>], vector<16xf32>,
        %mul3A_697 = arith.mulf %gather3A_696, %gather3A_690 : vector<16xf32>
        %add3A_698 = arith.addf %add3A_661, %mul3A_697 : vector<16xf32>
        %gather3A_699 = arith.constant 0 : i32
        %gather3A_700 = arith.constant 0 : i32
        %gather3A_701 = arith.constant 0 : i32
        %gather3A_702 = tpu.memref_slice %arg10[%gather3A_699, %gather3A_700, %gather3A_701] : memref<4x56x64xf32, #tpu.memory_space<vmem>> -> memref<1x56x64xf32, #tpu.memory_space<vmem>>
        %gather3A_703 = tpu.memref_squeeze %gather3A_702 : memref<1x56x64xf32, #tpu.memory_space<vmem>> -> memref<56x64xf32, #tpu.memory_space<vmem>>
        %gather3A_704 = tpu.vector_load_idx %gather3A_703[%add3A_184, %add3A_687] : memref<56x64xf32, #tpu.memory_space<vmem>>[vector<16xi32>, vector<16xi32>], vector<16xf32>,
        %mul3A_705 = arith.mulf %gather3A_704, %gather3A_690 : vector<16xf32>
        %add3A_706 = arith.addf %add3A_669, %mul3A_705 : vector<16xf32>
        %gather3A_707 = arith.constant 0 : i32
        %gather3A_708 = arith.constant 0 : i32
        %gather3A_709 = arith.constant 0 : i32
        %gather3A_710 = tpu.memref_slice %arg10[%gather3A_707, %gather3A_708, %gather3A_709] : memref<4x56x64xf32, #tpu.memory_space<vmem>> -> memref<1x56x64xf32, #tpu.memory_space<vmem>>
        %gather3A_711 = tpu.memref_squeeze %gather3A_710 : memref<1x56x64xf32, #tpu.memory_space<vmem>> -> memref<56x64xf32, #tpu.memory_space<vmem>>
        %gather3A_712 = tpu.vector_load_idx %gather3A_711[%add3A_187, %add3A_687] : memref<56x64xf32, #tpu.memory_space<vmem>>[vector<16xi32>, vector<16xi32>], vector<16xf32>,
        %mul3A_713 = arith.mulf %gather3A_712, %gather3A_690 : vector<16xf32>
        %add3A_714 = arith.addf %add3A_677, %mul3A_713 : vector<16xf32>
        %gather3A_715 = arith.constant 0 : i32
        %gather3A_716 = arith.constant 0 : i32
        %gather3A_717 = arith.constant 0 : i32
        %gather3A_718 = tpu.memref_slice %arg10[%gather3A_715, %gather3A_716, %gather3A_717] : memref<4x56x64xf32, #tpu.memory_space<vmem>> -> memref<1x56x64xf32, #tpu.memory_space<vmem>>
        %gather3A_719 = tpu.memref_squeeze %gather3A_718 : memref<1x56x64xf32, #tpu.memory_space<vmem>> -> memref<56x64xf32, #tpu.memory_space<vmem>>
        %gather3A_720 = tpu.vector_load_idx %gather3A_719[%min3A_192, %add3A_687] : memref<56x64xf32, #tpu.memory_space<vmem>>[vector<16xi32>, vector<16xi32>], vector<16xf32>,
        %mul3A_721 = arith.mulf %gather3A_720, %gather3A_690 : vector<16xf32>
        %add3A_722 = arith.addf %add3A_685, %mul3A_721 : vector<16xf32>
        %add3A_723 = vector.broadcast %mul3A_464 : i32 to vector<16xi32>
        %add3A_724 = arith.addi %and3A_130, %add3A_723 : vector<16xi32>
        %broadcast_in_dim3A_725 = vector.shape_cast %and3A_130 : vector<16xi32> to vector<16x1xi32>
        %gather3A_726 = vector.shape_cast %broadcast_in_dim3A_725 : vector<16x1xi32> to vector<16xi32>
        %gather3A_727 = tpu.dynamic_gather %get3A_462[%gather3A_726] in [0] : vector<16xf32>, vector<16xi32> -> vector<16xf32>
        %gather3A_728 = arith.constant 0 : i32
        %gather3A_729 = arith.constant 0 : i32
        %gather3A_730 = arith.constant 0 : i32
        %gather3A_731 = tpu.memref_slice %arg10[%gather3A_728, %gather3A_729, %gather3A_730] : memref<4x56x64xf32, #tpu.memory_space<vmem>> -> memref<1x56x64xf32, #tpu.memory_space<vmem>>
        %gather3A_732 = tpu.memref_squeeze %gather3A_731 : memref<1x56x64xf32, #tpu.memory_space<vmem>> -> memref<56x64xf32, #tpu.memory_space<vmem>>
        %gather3A_733 = tpu.vector_load_idx %gather3A_732[%add3A_181, %add3A_724] : memref<56x64xf32, #tpu.memory_space<vmem>>[vector<16xi32>, vector<16xi32>], vector<16xf32>,
        %mul3A_734 = arith.mulf %gather3A_733, %gather3A_727 : vector<16xf32>
        %add3A_735 = arith.addf %add3A_698, %mul3A_734 : vector<16xf32>
        %gather3A_736 = arith.constant 0 : i32
        %gather3A_737 = arith.constant 0 : i32
        %gather3A_738 = arith.constant 0 : i32
        %gather3A_739 = tpu.memref_slice %arg10[%gather3A_736, %gather3A_737, %gather3A_738] : memref<4x56x64xf32, #tpu.memory_space<vmem>> -> memref<1x56x64xf32, #tpu.memory_space<vmem>>
        %gather3A_740 = tpu.memref_squeeze %gather3A_739 : memref<1x56x64xf32, #tpu.memory_space<vmem>> -> memref<56x64xf32, #tpu.memory_space<vmem>>
        %gather3A_741 = tpu.vector_load_idx %gather3A_740[%add3A_184, %add3A_724] : memref<56x64xf32, #tpu.memory_space<vmem>>[vector<16xi32>, vector<16xi32>], vector<16xf32>,
        %mul3A_742 = arith.mulf %gather3A_741, %gather3A_727 : vector<16xf32>
        %add3A_743 = arith.addf %add3A_706, %mul3A_742 : vector<16xf32>
        %gather3A_744 = arith.constant 0 : i32
        %gather3A_745 = arith.constant 0 : i32
        %gather3A_746 = arith.constant 0 : i32
        %gather3A_747 = tpu.memref_slice %arg10[%gather3A_744, %gather3A_745, %gather3A_746] : memref<4x56x64xf32, #tpu.memory_space<vmem>> -> memref<1x56x64xf32, #tpu.memory_space<vmem>>
        %gather3A_748 = tpu.memref_squeeze %gather3A_747 : memref<1x56x64xf32, #tpu.memory_space<vmem>> -> memref<56x64xf32, #tpu.memory_space<vmem>>
        %gather3A_749 = tpu.vector_load_idx %gather3A_748[%add3A_187, %add3A_724] : memref<56x64xf32, #tpu.memory_space<vmem>>[vector<16xi32>, vector<16xi32>], vector<16xf32>,
        %mul3A_750 = arith.mulf %gather3A_749, %gather3A_727 : vector<16xf32>
        %add3A_751 = arith.addf %add3A_714, %mul3A_750 : vector<16xf32>
        %gather3A_752 = arith.constant 0 : i32
        %gather3A_753 = arith.constant 0 : i32
        %gather3A_754 = arith.constant 0 : i32
        %gather3A_755 = tpu.memref_slice %arg10[%gather3A_752, %gather3A_753, %gather3A_754] : memref<4x56x64xf32, #tpu.memory_space<vmem>> -> memref<1x56x64xf32, #tpu.memory_space<vmem>>
        %gather3A_756 = tpu.memref_squeeze %gather3A_755 : memref<1x56x64xf32, #tpu.memory_space<vmem>> -> memref<56x64xf32, #tpu.memory_space<vmem>>
        %gather3A_757 = tpu.vector_load_idx %gather3A_756[%min3A_192, %add3A_724] : memref<56x64xf32, #tpu.memory_space<vmem>>[vector<16xi32>, vector<16xi32>], vector<16xf32>,
        %mul3A_758 = arith.mulf %gather3A_757, %gather3A_727 : vector<16xf32>
        %add3A_759 = arith.addf %add3A_722, %mul3A_758 : vector<16xf32>
        %add3A_760 = vector.broadcast %mul3A_464 : i32 to vector<16xi32>
        %add3A_761 = arith.addi %and3A_136, %add3A_760 : vector<16xi32>
        %broadcast_in_dim3A_762 = vector.shape_cast %and3A_136 : vector<16xi32> to vector<16x1xi32>
        %gather3A_763 = vector.shape_cast %broadcast_in_dim3A_762 : vector<16x1xi32> to vector<16xi32>
        %gather3A_764 = tpu.dynamic_gather %get3A_462[%gather3A_763] in [0] : vector<16xf32>, vector<16xi32> -> vector<16xf32>
        %gather3A_765 = arith.constant 0 : i32
        %gather3A_766 = arith.constant 0 : i32
        %gather3A_767 = arith.constant 0 : i32
        %gather3A_768 = tpu.memref_slice %arg10[%gather3A_765, %gather3A_766, %gather3A_767] : memref<4x56x64xf32, #tpu.memory_space<vmem>> -> memref<1x56x64xf32, #tpu.memory_space<vmem>>
        %gather3A_769 = tpu.memref_squeeze %gather3A_768 : memref<1x56x64xf32, #tpu.memory_space<vmem>> -> memref<56x64xf32, #tpu.memory_space<vmem>>
        %gather3A_770 = tpu.vector_load_idx %gather3A_769[%add3A_181, %add3A_761] : memref<56x64xf32, #tpu.memory_space<vmem>>[vector<16xi32>, vector<16xi32>], vector<16xf32>,
        %mul3A_771 = arith.mulf %gather3A_770, %gather3A_764 : vector<16xf32>
        %add3A_772 = arith.addf %add3A_735, %mul3A_771 : vector<16xf32>
        %gather3A_773 = arith.constant 0 : i32
        %gather3A_774 = arith.constant 0 : i32
        %gather3A_775 = arith.constant 0 : i32
        %gather3A_776 = tpu.memref_slice %arg10[%gather3A_773, %gather3A_774, %gather3A_775] : memref<4x56x64xf32, #tpu.memory_space<vmem>> -> memref<1x56x64xf32, #tpu.memory_space<vmem>>
        %gather3A_777 = tpu.memref_squeeze %gather3A_776 : memref<1x56x64xf32, #tpu.memory_space<vmem>> -> memref<56x64xf32, #tpu.memory_space<vmem>>
        %gather3A_778 = tpu.vector_load_idx %gather3A_777[%add3A_184, %add3A_761] : memref<56x64xf32, #tpu.memory_space<vmem>>[vector<16xi32>, vector<16xi32>], vector<16xf32>,
        %mul3A_779 = arith.mulf %gather3A_778, %gather3A_764 : vector<16xf32>
        %add3A_780 = arith.addf %add3A_743, %mul3A_779 : vector<16xf32>
        %gather3A_781 = arith.constant 0 : i32
        %gather3A_782 = arith.constant 0 : i32
        %gather3A_783 = arith.constant 0 : i32
        %gather3A_784 = tpu.memref_slice %arg10[%gather3A_781, %gather3A_782, %gather3A_783] : memref<4x56x64xf32, #tpu.memory_space<vmem>> -> memref<1x56x64xf32, #tpu.memory_space<vmem>>
        %gather3A_785 = tpu.memref_squeeze %gather3A_784 : memref<1x56x64xf32, #tpu.memory_space<vmem>> -> memref<56x64xf32, #tpu.memory_space<vmem>>
        %gather3A_786 = tpu.vector_load_idx %gather3A_785[%add3A_187, %add3A_761] : memref<56x64xf32, #tpu.memory_space<vmem>>[vector<16xi32>, vector<16xi32>], vector<16xf32>,
        %mul3A_787 = arith.mulf %gather3A_786, %gather3A_764 : vector<16xf32>
        %add3A_788 = arith.addf %add3A_751, %mul3A_787 : vector<16xf32>
        %gather3A_789 = arith.constant 0 : i32
        %gather3A_790 = arith.constant 0 : i32
        %gather3A_791 = arith.constant 0 : i32
        %gather3A_792 = tpu.memref_slice %arg10[%gather3A_789, %gather3A_790, %gather3A_791] : memref<4x56x64xf32, #tpu.memory_space<vmem>> -> memref<1x56x64xf32, #tpu.memory_space<vmem>>
        %gather3A_793 = tpu.memref_squeeze %gather3A_792 : memref<1x56x64xf32, #tpu.memory_space<vmem>> -> memref<56x64xf32, #tpu.memory_space<vmem>>
        %gather3A_794 = tpu.vector_load_idx %gather3A_793[%min3A_192, %add3A_761] : memref<56x64xf32, #tpu.memory_space<vmem>>[vector<16xi32>, vector<16xi32>], vector<16xf32>,
        %mul3A_795 = arith.mulf %gather3A_794, %gather3A_764 : vector<16xf32>
        %add3A_796 = arith.addf %add3A_759, %mul3A_795 : vector<16xf32>
        %add3A_797 = vector.broadcast %mul3A_464 : i32 to vector<16xi32>
        %add3A_798 = arith.addi %and3A_142, %add3A_797 : vector<16xi32>
        %broadcast_in_dim3A_799 = vector.shape_cast %and3A_142 : vector<16xi32> to vector<16x1xi32>
        %gather3A_800 = vector.shape_cast %broadcast_in_dim3A_799 : vector<16x1xi32> to vector<16xi32>
        %gather3A_801 = tpu.dynamic_gather %get3A_462[%gather3A_800] in [0] : vector<16xf32>, vector<16xi32> -> vector<16xf32>
        %gather3A_802 = arith.constant 0 : i32
        %gather3A_803 = arith.constant 0 : i32
        %gather3A_804 = arith.constant 0 : i32
        %gather3A_805 = tpu.memref_slice %arg10[%gather3A_802, %gather3A_803, %gather3A_804] : memref<4x56x64xf32, #tpu.memory_space<vmem>> -> memref<1x56x64xf32, #tpu.memory_space<vmem>>
        %gather3A_806 = tpu.memref_squeeze %gather3A_805 : memref<1x56x64xf32, #tpu.memory_space<vmem>> -> memref<56x64xf32, #tpu.memory_space<vmem>>
        %gather3A_807 = tpu.vector_load_idx %gather3A_806[%add3A_181, %add3A_798] : memref<56x64xf32, #tpu.memory_space<vmem>>[vector<16xi32>, vector<16xi32>], vector<16xf32>,
        %mul3A_808 = arith.mulf %gather3A_807, %gather3A_801 : vector<16xf32>
        %add3A_809 = arith.addf %add3A_772, %mul3A_808 : vector<16xf32>
        %gather3A_810 = arith.constant 0 : i32
        %gather3A_811 = arith.constant 0 : i32
        %gather3A_812 = arith.constant 0 : i32
        %gather3A_813 = tpu.memref_slice %arg10[%gather3A_810, %gather3A_811, %gather3A_812] : memref<4x56x64xf32, #tpu.memory_space<vmem>> -> memref<1x56x64xf32, #tpu.memory_space<vmem>>
        %gather3A_814 = tpu.memref_squeeze %gather3A_813 : memref<1x56x64xf32, #tpu.memory_space<vmem>> -> memref<56x64xf32, #tpu.memory_space<vmem>>
        %gather3A_815 = tpu.vector_load_idx %gather3A_814[%add3A_184, %add3A_798] : memref<56x64xf32, #tpu.memory_space<vmem>>[vector<16xi32>, vector<16xi32>], vector<16xf32>,
        %mul3A_816 = arith.mulf %gather3A_815, %gather3A_801 : vector<16xf32>
        %add3A_817 = arith.addf %add3A_780, %mul3A_816 : vector<16xf32>
        %gather3A_818 = arith.constant 0 : i32
        %gather3A_819 = arith.constant 0 : i32
        %gather3A_820 = arith.constant 0 : i32
        %gather3A_821 = tpu.memref_slice %arg10[%gather3A_818, %gather3A_819, %gather3A_820] : memref<4x56x64xf32, #tpu.memory_space<vmem>> -> memref<1x56x64xf32, #tpu.memory_space<vmem>>
        %gather3A_822 = tpu.memref_squeeze %gather3A_821 : memref<1x56x64xf32, #tpu.memory_space<vmem>> -> memref<56x64xf32, #tpu.memory_space<vmem>>
        %gather3A_823 = tpu.vector_load_idx %gather3A_822[%add3A_187, %add3A_798] : memref<56x64xf32, #tpu.memory_space<vmem>>[vector<16xi32>, vector<16xi32>], vector<16xf32>,
        %mul3A_824 = arith.mulf %gather3A_823, %gather3A_801 : vector<16xf32>
        %add3A_825 = arith.addf %add3A_788, %mul3A_824 : vector<16xf32>
        %gather3A_826 = arith.constant 0 : i32
        %gather3A_827 = arith.constant 0 : i32
        %gather3A_828 = arith.constant 0 : i32
        %gather3A_829 = tpu.memref_slice %arg10[%gather3A_826, %gather3A_827, %gather3A_828] : memref<4x56x64xf32, #tpu.memory_space<vmem>> -> memref<1x56x64xf32, #tpu.memory_space<vmem>>
        %gather3A_830 = tpu.memref_squeeze %gather3A_829 : memref<1x56x64xf32, #tpu.memory_space<vmem>> -> memref<56x64xf32, #tpu.memory_space<vmem>>
        %gather3A_831 = tpu.vector_load_idx %gather3A_830[%min3A_192, %add3A_798] : memref<56x64xf32, #tpu.memory_space<vmem>>[vector<16xi32>, vector<16xi32>], vector<16xf32>,
        %mul3A_832 = arith.mulf %gather3A_831, %gather3A_801 : vector<16xf32>
        %add3A_833 = arith.addf %add3A_796, %mul3A_832 : vector<16xf32>
        %add3A_834 = vector.broadcast %mul3A_464 : i32 to vector<16xi32>
        %add3A_835 = arith.addi %and3A_148, %add3A_834 : vector<16xi32>
        %broadcast_in_dim3A_836 = vector.shape_cast %and3A_148 : vector<16xi32> to vector<16x1xi32>
        %gather3A_837 = vector.shape_cast %broadcast_in_dim3A_836 : vector<16x1xi32> to vector<16xi32>
        %gather3A_838 = tpu.dynamic_gather %get3A_462[%gather3A_837] in [0] : vector<16xf32>, vector<16xi32> -> vector<16xf32>
        %gather3A_839 = arith.constant 0 : i32
        %gather3A_840 = arith.constant 0 : i32
        %gather3A_841 = arith.constant 0 : i32
        %gather3A_842 = tpu.memref_slice %arg10[%gather3A_839, %gather3A_840, %gather3A_841] : memref<4x56x64xf32, #tpu.memory_space<vmem>> -> memref<1x56x64xf32, #tpu.memory_space<vmem>>
        %gather3A_843 = tpu.memref_squeeze %gather3A_842 : memref<1x56x64xf32, #tpu.memory_space<vmem>> -> memref<56x64xf32, #tpu.memory_space<vmem>>
        %gather3A_844 = tpu.vector_load_idx %gather3A_843[%add3A_181, %add3A_835] : memref<56x64xf32, #tpu.memory_space<vmem>>[vector<16xi32>, vector<16xi32>], vector<16xf32>,
        %mul3A_845 = arith.mulf %gather3A_844, %gather3A_838 : vector<16xf32>
        %add3A_846 = arith.addf %add3A_809, %mul3A_845 : vector<16xf32>
        %gather3A_847 = arith.constant 0 : i32
        %gather3A_848 = arith.constant 0 : i32
        %gather3A_849 = arith.constant 0 : i32
        %gather3A_850 = tpu.memref_slice %arg10[%gather3A_847, %gather3A_848, %gather3A_849] : memref<4x56x64xf32, #tpu.memory_space<vmem>> -> memref<1x56x64xf32, #tpu.memory_space<vmem>>
        %gather3A_851 = tpu.memref_squeeze %gather3A_850 : memref<1x56x64xf32, #tpu.memory_space<vmem>> -> memref<56x64xf32, #tpu.memory_space<vmem>>
        %gather3A_852 = tpu.vector_load_idx %gather3A_851[%add3A_184, %add3A_835] : memref<56x64xf32, #tpu.memory_space<vmem>>[vector<16xi32>, vector<16xi32>], vector<16xf32>,
        %mul3A_853 = arith.mulf %gather3A_852, %gather3A_838 : vector<16xf32>
        %add3A_854 = arith.addf %add3A_817, %mul3A_853 : vector<16xf32>
        %gather3A_855 = arith.constant 0 : i32
        %gather3A_856 = arith.constant 0 : i32
        %gather3A_857 = arith.constant 0 : i32
        %gather3A_858 = tpu.memref_slice %arg10[%gather3A_855, %gather3A_856, %gather3A_857] : memref<4x56x64xf32, #tpu.memory_space<vmem>> -> memref<1x56x64xf32, #tpu.memory_space<vmem>>
        %gather3A_859 = tpu.memref_squeeze %gather3A_858 : memref<1x56x64xf32, #tpu.memory_space<vmem>> -> memref<56x64xf32, #tpu.memory_space<vmem>>
        %gather3A_860 = tpu.vector_load_idx %gather3A_859[%add3A_187, %add3A_835] : memref<56x64xf32, #tpu.memory_space<vmem>>[vector<16xi32>, vector<16xi32>], vector<16xf32>,
        %mul3A_861 = arith.mulf %gather3A_860, %gather3A_838 : vector<16xf32>
        %add3A_862 = arith.addf %add3A_825, %mul3A_861 : vector<16xf32>
        %gather3A_863 = arith.constant 0 : i32
        %gather3A_864 = arith.constant 0 : i32
        %gather3A_865 = arith.constant 0 : i32
        %gather3A_866 = tpu.memref_slice %arg10[%gather3A_863, %gather3A_864, %gather3A_865] : memref<4x56x64xf32, #tpu.memory_space<vmem>> -> memref<1x56x64xf32, #tpu.memory_space<vmem>>
        %gather3A_867 = tpu.memref_squeeze %gather3A_866 : memref<1x56x64xf32, #tpu.memory_space<vmem>> -> memref<56x64xf32, #tpu.memory_space<vmem>>
        %gather3A_868 = tpu.vector_load_idx %gather3A_867[%min3A_192, %add3A_835] : memref<56x64xf32, #tpu.memory_space<vmem>>[vector<16xi32>, vector<16xi32>], vector<16xf32>,
        %mul3A_869 = arith.mulf %gather3A_868, %gather3A_838 : vector<16xf32>
        %add3A_870 = arith.addf %add3A_833, %mul3A_869 : vector<16xf32>
        %add3A_871 = vector.broadcast %mul3A_464 : i32 to vector<16xi32>
        %add3A_872 = arith.addi %and3A_154, %add3A_871 : vector<16xi32>
        %broadcast_in_dim3A_873 = vector.shape_cast %and3A_154 : vector<16xi32> to vector<16x1xi32>
        %gather3A_874 = vector.shape_cast %broadcast_in_dim3A_873 : vector<16x1xi32> to vector<16xi32>
        %gather3A_875 = tpu.dynamic_gather %get3A_462[%gather3A_874] in [0] : vector<16xf32>, vector<16xi32> -> vector<16xf32>
        %gather3A_876 = arith.constant 0 : i32
        %gather3A_877 = arith.constant 0 : i32
        %gather3A_878 = arith.constant 0 : i32
        %gather3A_879 = tpu.memref_slice %arg10[%gather3A_876, %gather3A_877, %gather3A_878] : memref<4x56x64xf32, #tpu.memory_space<vmem>> -> memref<1x56x64xf32, #tpu.memory_space<vmem>>
        %gather3A_880 = tpu.memref_squeeze %gather3A_879 : memref<1x56x64xf32, #tpu.memory_space<vmem>> -> memref<56x64xf32, #tpu.memory_space<vmem>>
        %gather3A_881 = tpu.vector_load_idx %gather3A_880[%add3A_181, %add3A_872] : memref<56x64xf32, #tpu.memory_space<vmem>>[vector<16xi32>, vector<16xi32>], vector<16xf32>,
        %mul3A_882 = arith.mulf %gather3A_881, %gather3A_875 : vector<16xf32>
        %add3A_883 = arith.addf %add3A_846, %mul3A_882 : vector<16xf32>
        %gather3A_884 = arith.constant 0 : i32
        %gather3A_885 = arith.constant 0 : i32
        %gather3A_886 = arith.constant 0 : i32
        %gather3A_887 = tpu.memref_slice %arg10[%gather3A_884, %gather3A_885, %gather3A_886] : memref<4x56x64xf32, #tpu.memory_space<vmem>> -> memref<1x56x64xf32, #tpu.memory_space<vmem>>
        %gather3A_888 = tpu.memref_squeeze %gather3A_887 : memref<1x56x64xf32, #tpu.memory_space<vmem>> -> memref<56x64xf32, #tpu.memory_space<vmem>>
        %gather3A_889 = tpu.vector_load_idx %gather3A_888[%add3A_184, %add3A_872] : memref<56x64xf32, #tpu.memory_space<vmem>>[vector<16xi32>, vector<16xi32>], vector<16xf32>,
        %mul3A_890 = arith.mulf %gather3A_889, %gather3A_875 : vector<16xf32>
        %add3A_891 = arith.addf %add3A_854, %mul3A_890 : vector<16xf32>
        %gather3A_892 = arith.constant 0 : i32
        %gather3A_893 = arith.constant 0 : i32
        %gather3A_894 = arith.constant 0 : i32
        %gather3A_895 = tpu.memref_slice %arg10[%gather3A_892, %gather3A_893, %gather3A_894] : memref<4x56x64xf32, #tpu.memory_space<vmem>> -> memref<1x56x64xf32, #tpu.memory_space<vmem>>
        %gather3A_896 = tpu.memref_squeeze %gather3A_895 : memref<1x56x64xf32, #tpu.memory_space<vmem>> -> memref<56x64xf32, #tpu.memory_space<vmem>>
        %gather3A_897 = tpu.vector_load_idx %gather3A_896[%add3A_187, %add3A_872] : memref<56x64xf32, #tpu.memory_space<vmem>>[vector<16xi32>, vector<16xi32>], vector<16xf32>,
        %mul3A_898 = arith.mulf %gather3A_897, %gather3A_875 : vector<16xf32>
        %add3A_899 = arith.addf %add3A_862, %mul3A_898 : vector<16xf32>
        %gather3A_900 = arith.constant 0 : i32
        %gather3A_901 = arith.constant 0 : i32
        %gather3A_902 = arith.constant 0 : i32
        %gather3A_903 = tpu.memref_slice %arg10[%gather3A_900, %gather3A_901, %gather3A_902] : memref<4x56x64xf32, #tpu.memory_space<vmem>> -> memref<1x56x64xf32, #tpu.memory_space<vmem>>
        %gather3A_904 = tpu.memref_squeeze %gather3A_903 : memref<1x56x64xf32, #tpu.memory_space<vmem>> -> memref<56x64xf32, #tpu.memory_space<vmem>>
        %gather3A_905 = tpu.vector_load_idx %gather3A_904[%min3A_192, %add3A_872] : memref<56x64xf32, #tpu.memory_space<vmem>>[vector<16xi32>, vector<16xi32>], vector<16xf32>,
        %mul3A_906 = arith.mulf %gather3A_905, %gather3A_875 : vector<16xf32>
        %add3A_907 = arith.addf %add3A_870, %mul3A_906 : vector<16xf32>
        %add3A_908 = vector.broadcast %mul3A_464 : i32 to vector<16xi32>
        %add3A_909 = arith.addi %and3A_160, %add3A_908 : vector<16xi32>
        %broadcast_in_dim3A_910 = vector.shape_cast %and3A_160 : vector<16xi32> to vector<16x1xi32>
        %gather3A_911 = vector.shape_cast %broadcast_in_dim3A_910 : vector<16x1xi32> to vector<16xi32>
        %gather3A_912 = tpu.dynamic_gather %get3A_462[%gather3A_911] in [0] : vector<16xf32>, vector<16xi32> -> vector<16xf32>
        %gather3A_913 = arith.constant 0 : i32
        %gather3A_914 = arith.constant 0 : i32
        %gather3A_915 = arith.constant 0 : i32
        %gather3A_916 = tpu.memref_slice %arg10[%gather3A_913, %gather3A_914, %gather3A_915] : memref<4x56x64xf32, #tpu.memory_space<vmem>> -> memref<1x56x64xf32, #tpu.memory_space<vmem>>
        %gather3A_917 = tpu.memref_squeeze %gather3A_916 : memref<1x56x64xf32, #tpu.memory_space<vmem>> -> memref<56x64xf32, #tpu.memory_space<vmem>>
        %gather3A_918 = tpu.vector_load_idx %gather3A_917[%add3A_181, %add3A_909] : memref<56x64xf32, #tpu.memory_space<vmem>>[vector<16xi32>, vector<16xi32>], vector<16xf32>,
        %mul3A_919 = arith.mulf %gather3A_918, %gather3A_912 : vector<16xf32>
        %add3A_920 = arith.addf %add3A_883, %mul3A_919 : vector<16xf32>
        %gather3A_921 = arith.constant 0 : i32
        %gather3A_922 = arith.constant 0 : i32
        %gather3A_923 = arith.constant 0 : i32
        %gather3A_924 = tpu.memref_slice %arg10[%gather3A_921, %gather3A_922, %gather3A_923] : memref<4x56x64xf32, #tpu.memory_space<vmem>> -> memref<1x56x64xf32, #tpu.memory_space<vmem>>
        %gather3A_925 = tpu.memref_squeeze %gather3A_924 : memref<1x56x64xf32, #tpu.memory_space<vmem>> -> memref<56x64xf32, #tpu.memory_space<vmem>>
        %gather3A_926 = tpu.vector_load_idx %gather3A_925[%add3A_184, %add3A_909] : memref<56x64xf32, #tpu.memory_space<vmem>>[vector<16xi32>, vector<16xi32>], vector<16xf32>,
        %mul3A_927 = arith.mulf %gather3A_926, %gather3A_912 : vector<16xf32>
        %add3A_928 = arith.addf %add3A_891, %mul3A_927 : vector<16xf32>
        %gather3A_929 = arith.constant 0 : i32
        %gather3A_930 = arith.constant 0 : i32
        %gather3A_931 = arith.constant 0 : i32
        %gather3A_932 = tpu.memref_slice %arg10[%gather3A_929, %gather3A_930, %gather3A_931] : memref<4x56x64xf32, #tpu.memory_space<vmem>> -> memref<1x56x64xf32, #tpu.memory_space<vmem>>
        %gather3A_933 = tpu.memref_squeeze %gather3A_932 : memref<1x56x64xf32, #tpu.memory_space<vmem>> -> memref<56x64xf32, #tpu.memory_space<vmem>>
        %gather3A_934 = tpu.vector_load_idx %gather3A_933[%add3A_187, %add3A_909] : memref<56x64xf32, #tpu.memory_space<vmem>>[vector<16xi32>, vector<16xi32>], vector<16xf32>,
        %mul3A_935 = arith.mulf %gather3A_934, %gather3A_912 : vector<16xf32>
        %add3A_936 = arith.addf %add3A_899, %mul3A_935 : vector<16xf32>
        %gather3A_937 = arith.constant 0 : i32
        %gather3A_938 = arith.constant 0 : i32
        %gather3A_939 = arith.constant 0 : i32
        %gather3A_940 = tpu.memref_slice %arg10[%gather3A_937, %gather3A_938, %gather3A_939] : memref<4x56x64xf32, #tpu.memory_space<vmem>> -> memref<1x56x64xf32, #tpu.memory_space<vmem>>
        %gather3A_941 = tpu.memref_squeeze %gather3A_940 : memref<1x56x64xf32, #tpu.memory_space<vmem>> -> memref<56x64xf32, #tpu.memory_space<vmem>>
        %gather3A_942 = tpu.vector_load_idx %gather3A_941[%min3A_192, %add3A_909] : memref<56x64xf32, #tpu.memory_space<vmem>>[vector<16xi32>, vector<16xi32>], vector<16xf32>,
        %mul3A_943 = arith.mulf %gather3A_942, %gather3A_912 : vector<16xf32>
        %add3A_944 = arith.addf %add3A_907, %mul3A_943 : vector<16xf32>
        %add3A_945 = vector.broadcast %mul3A_464 : i32 to vector<16xi32>
        %add3A_946 = arith.addi %and3A_166, %add3A_945 : vector<16xi32>
        %broadcast_in_dim3A_947 = vector.shape_cast %and3A_166 : vector<16xi32> to vector<16x1xi32>
        %gather3A_948 = vector.shape_cast %broadcast_in_dim3A_947 : vector<16x1xi32> to vector<16xi32>
        %gather3A_949 = tpu.dynamic_gather %get3A_462[%gather3A_948] in [0] : vector<16xf32>, vector<16xi32> -> vector<16xf32>
        %gather3A_950 = arith.constant 0 : i32
        %gather3A_951 = arith.constant 0 : i32
        %gather3A_952 = arith.constant 0 : i32
        %gather3A_953 = tpu.memref_slice %arg10[%gather3A_950, %gather3A_951, %gather3A_952] : memref<4x56x64xf32, #tpu.memory_space<vmem>> -> memref<1x56x64xf32, #tpu.memory_space<vmem>>
        %gather3A_954 = tpu.memref_squeeze %gather3A_953 : memref<1x56x64xf32, #tpu.memory_space<vmem>> -> memref<56x64xf32, #tpu.memory_space<vmem>>
        %gather3A_955 = tpu.vector_load_idx %gather3A_954[%add3A_181, %add3A_946] : memref<56x64xf32, #tpu.memory_space<vmem>>[vector<16xi32>, vector<16xi32>], vector<16xf32>,
        %mul3A_956 = arith.mulf %gather3A_955, %gather3A_949 : vector<16xf32>
        %add3A_957 = arith.addf %add3A_920, %mul3A_956 : vector<16xf32>
        %gather3A_958 = arith.constant 0 : i32
        %gather3A_959 = arith.constant 0 : i32
        %gather3A_960 = arith.constant 0 : i32
        %gather3A_961 = tpu.memref_slice %arg10[%gather3A_958, %gather3A_959, %gather3A_960] : memref<4x56x64xf32, #tpu.memory_space<vmem>> -> memref<1x56x64xf32, #tpu.memory_space<vmem>>
        %gather3A_962 = tpu.memref_squeeze %gather3A_961 : memref<1x56x64xf32, #tpu.memory_space<vmem>> -> memref<56x64xf32, #tpu.memory_space<vmem>>
        %gather3A_963 = tpu.vector_load_idx %gather3A_962[%add3A_184, %add3A_946] : memref<56x64xf32, #tpu.memory_space<vmem>>[vector<16xi32>, vector<16xi32>], vector<16xf32>,
        %mul3A_964 = arith.mulf %gather3A_963, %gather3A_949 : vector<16xf32>
        %add3A_965 = arith.addf %add3A_928, %mul3A_964 : vector<16xf32>
        %gather3A_966 = arith.constant 0 : i32
        %gather3A_967 = arith.constant 0 : i32
        %gather3A_968 = arith.constant 0 : i32
        %gather3A_969 = tpu.memref_slice %arg10[%gather3A_966, %gather3A_967, %gather3A_968] : memref<4x56x64xf32, #tpu.memory_space<vmem>> -> memref<1x56x64xf32, #tpu.memory_space<vmem>>
        %gather3A_970 = tpu.memref_squeeze %gather3A_969 : memref<1x56x64xf32, #tpu.memory_space<vmem>> -> memref<56x64xf32, #tpu.memory_space<vmem>>
        %gather3A_971 = tpu.vector_load_idx %gather3A_970[%add3A_187, %add3A_946] : memref<56x64xf32, #tpu.memory_space<vmem>>[vector<16xi32>, vector<16xi32>], vector<16xf32>,
        %mul3A_972 = arith.mulf %gather3A_971, %gather3A_949 : vector<16xf32>
        %add3A_973 = arith.addf %add3A_936, %mul3A_972 : vector<16xf32>
        %gather3A_974 = arith.constant 0 : i32
        %gather3A_975 = arith.constant 0 : i32
        %gather3A_976 = arith.constant 0 : i32
        %gather3A_977 = tpu.memref_slice %arg10[%gather3A_974, %gather3A_975, %gather3A_976] : memref<4x56x64xf32, #tpu.memory_space<vmem>> -> memref<1x56x64xf32, #tpu.memory_space<vmem>>
        %gather3A_978 = tpu.memref_squeeze %gather3A_977 : memref<1x56x64xf32, #tpu.memory_space<vmem>> -> memref<56x64xf32, #tpu.memory_space<vmem>>
        %gather3A_979 = tpu.vector_load_idx %gather3A_978[%min3A_192, %add3A_946] : memref<56x64xf32, #tpu.memory_space<vmem>>[vector<16xi32>, vector<16xi32>], vector<16xf32>,
        %mul3A_980 = arith.mulf %gather3A_979, %gather3A_949 : vector<16xf32>
        %add3A_981 = arith.addf %add3A_944, %mul3A_980 : vector<16xf32>
        %add3A_982 = vector.broadcast %mul3A_464 : i32 to vector<16xi32>
        %add3A_983 = arith.addi %and3A_172, %add3A_982 : vector<16xi32>
        %broadcast_in_dim3A_984 = vector.shape_cast %and3A_172 : vector<16xi32> to vector<16x1xi32>
        %gather3A_985 = vector.shape_cast %broadcast_in_dim3A_984 : vector<16x1xi32> to vector<16xi32>
        %gather3A_986 = tpu.dynamic_gather %get3A_462[%gather3A_985] in [0] : vector<16xf32>, vector<16xi32> -> vector<16xf32>
        %gather3A_987 = arith.constant 0 : i32
        %gather3A_988 = arith.constant 0 : i32
        %gather3A_989 = arith.constant 0 : i32
        %gather3A_990 = tpu.memref_slice %arg10[%gather3A_987, %gather3A_988, %gather3A_989] : memref<4x56x64xf32, #tpu.memory_space<vmem>> -> memref<1x56x64xf32, #tpu.memory_space<vmem>>
        %gather3A_991 = tpu.memref_squeeze %gather3A_990 : memref<1x56x64xf32, #tpu.memory_space<vmem>> -> memref<56x64xf32, #tpu.memory_space<vmem>>
        %gather3A_992 = tpu.vector_load_idx %gather3A_991[%add3A_181, %add3A_983] : memref<56x64xf32, #tpu.memory_space<vmem>>[vector<16xi32>, vector<16xi32>], vector<16xf32>,
        %mul3A_993 = arith.mulf %gather3A_992, %gather3A_986 : vector<16xf32>
        %add3A_994 = arith.addf %add3A_957, %mul3A_993 : vector<16xf32>
        %gather3A_995 = arith.constant 0 : i32
        %gather3A_996 = arith.constant 0 : i32
        %gather3A_997 = arith.constant 0 : i32
        %gather3A_998 = tpu.memref_slice %arg10[%gather3A_995, %gather3A_996, %gather3A_997] : memref<4x56x64xf32, #tpu.memory_space<vmem>> -> memref<1x56x64xf32, #tpu.memory_space<vmem>>
        %gather3A_999 = tpu.memref_squeeze %gather3A_998 : memref<1x56x64xf32, #tpu.memory_space<vmem>> -> memref<56x64xf32, #tpu.memory_space<vmem>>
        %gather3A_1000 = tpu.vector_load_idx %gather3A_999[%add3A_184, %add3A_983] : memref<56x64xf32, #tpu.memory_space<vmem>>[vector<16xi32>, vector<16xi32>], vector<16xf32>,
        %mul3A_1001 = arith.mulf %gather3A_1000, %gather3A_986 : vector<16xf32>
        %add3A_1002 = arith.addf %add3A_965, %mul3A_1001 : vector<16xf32>
        %gather3A_1003 = arith.constant 0 : i32
        %gather3A_1004 = arith.constant 0 : i32
        %gather3A_1005 = arith.constant 0 : i32
        %gather3A_1006 = tpu.memref_slice %arg10[%gather3A_1003, %gather3A_1004, %gather3A_1005] : memref<4x56x64xf32, #tpu.memory_space<vmem>> -> memref<1x56x64xf32, #tpu.memory_space<vmem>>
        %gather3A_1007 = tpu.memref_squeeze %gather3A_1006 : memref<1x56x64xf32, #tpu.memory_space<vmem>> -> memref<56x64xf32, #tpu.memory_space<vmem>>
        %gather3A_1008 = tpu.vector_load_idx %gather3A_1007[%add3A_187, %add3A_983] : memref<56x64xf32, #tpu.memory_space<vmem>>[vector<16xi32>, vector<16xi32>], vector<16xf32>,
        %mul3A_1009 = arith.mulf %gather3A_1008, %gather3A_986 : vector<16xf32>
        %add3A_1010 = arith.addf %add3A_973, %mul3A_1009 : vector<16xf32>
        %gather3A_1011 = arith.constant 0 : i32
        %gather3A_1012 = arith.constant 0 : i32
        %gather3A_1013 = arith.constant 0 : i32
        %gather3A_1014 = tpu.memref_slice %arg10[%gather3A_1011, %gather3A_1012, %gather3A_1013] : memref<4x56x64xf32, #tpu.memory_space<vmem>> -> memref<1x56x64xf32, #tpu.memory_space<vmem>>
        %gather3A_1015 = tpu.memref_squeeze %gather3A_1014 : memref<1x56x64xf32, #tpu.memory_space<vmem>> -> memref<56x64xf32, #tpu.memory_space<vmem>>
        %gather3A_1016 = tpu.vector_load_idx %gather3A_1015[%min3A_192, %add3A_983] : memref<56x64xf32, #tpu.memory_space<vmem>>[vector<16xi32>, vector<16xi32>], vector<16xf32>,
        %mul3A_1017 = arith.mulf %gather3A_1016, %gather3A_986 : vector<16xf32>
        %add3A_1018 = arith.addf %add3A_981, %mul3A_1017 : vector<16xf32>
        %add3A_1019 = vector.broadcast %mul3A_464 : i32 to vector<16xi32>
        %add3A_1020 = arith.addi %and3A_178, %add3A_1019 : vector<16xi32>
        %broadcast_in_dim3A_1021 = vector.shape_cast %and3A_178 : vector<16xi32> to vector<16x1xi32>
        %gather3A_1022 = vector.shape_cast %broadcast_in_dim3A_1021 : vector<16x1xi32> to vector<16xi32>
        %gather3A_1023 = tpu.dynamic_gather %get3A_462[%gather3A_1022] in [0] : vector<16xf32>, vector<16xi32> -> vector<16xf32>
        %gather3A_1024 = arith.constant 0 : i32
        %gather3A_1025 = arith.constant 0 : i32
        %gather3A_1026 = arith.constant 0 : i32
        %gather3A_1027 = tpu.memref_slice %arg10[%gather3A_1024, %gather3A_1025, %gather3A_1026] : memref<4x56x64xf32, #tpu.memory_space<vmem>> -> memref<1x56x64xf32, #tpu.memory_space<vmem>>
        %gather3A_1028 = tpu.memref_squeeze %gather3A_1027 : memref<1x56x64xf32, #tpu.memory_space<vmem>> -> memref<56x64xf32, #tpu.memory_space<vmem>>
        %gather3A_1029 = tpu.vector_load_idx %gather3A_1028[%add3A_181, %add3A_1020] : memref<56x64xf32, #tpu.memory_space<vmem>>[vector<16xi32>, vector<16xi32>], vector<16xf32>,
        %mul3A_1030 = arith.mulf %gather3A_1029, %gather3A_1023 : vector<16xf32>
        %add3A_1031 = arith.addf %add3A_994, %mul3A_1030 : vector<16xf32>
        %gather3A_1032 = arith.constant 0 : i32
        %gather3A_1033 = arith.constant 0 : i32
        %gather3A_1034 = arith.constant 0 : i32
        %gather3A_1035 = tpu.memref_slice %arg10[%gather3A_1032, %gather3A_1033, %gather3A_1034] : memref<4x56x64xf32, #tpu.memory_space<vmem>> -> memref<1x56x64xf32, #tpu.memory_space<vmem>>
        %gather3A_1036 = tpu.memref_squeeze %gather3A_1035 : memref<1x56x64xf32, #tpu.memory_space<vmem>> -> memref<56x64xf32, #tpu.memory_space<vmem>>
        %gather3A_1037 = tpu.vector_load_idx %gather3A_1036[%add3A_184, %add3A_1020] : memref<56x64xf32, #tpu.memory_space<vmem>>[vector<16xi32>, vector<16xi32>], vector<16xf32>,
        %mul3A_1038 = arith.mulf %gather3A_1037, %gather3A_1023 : vector<16xf32>
        %add3A_1039 = arith.addf %add3A_1002, %mul3A_1038 : vector<16xf32>
        %gather3A_1040 = arith.constant 0 : i32
        %gather3A_1041 = arith.constant 0 : i32
        %gather3A_1042 = arith.constant 0 : i32
        %gather3A_1043 = tpu.memref_slice %arg10[%gather3A_1040, %gather3A_1041, %gather3A_1042] : memref<4x56x64xf32, #tpu.memory_space<vmem>> -> memref<1x56x64xf32, #tpu.memory_space<vmem>>
        %gather3A_1044 = tpu.memref_squeeze %gather3A_1043 : memref<1x56x64xf32, #tpu.memory_space<vmem>> -> memref<56x64xf32, #tpu.memory_space<vmem>>
        %gather3A_1045 = tpu.vector_load_idx %gather3A_1044[%add3A_187, %add3A_1020] : memref<56x64xf32, #tpu.memory_space<vmem>>[vector<16xi32>, vector<16xi32>], vector<16xf32>,
        %mul3A_1046 = arith.mulf %gather3A_1045, %gather3A_1023 : vector<16xf32>
        %add3A_1047 = arith.addf %add3A_1010, %mul3A_1046 : vector<16xf32>
        %gather3A_1048 = arith.constant 0 : i32
        %gather3A_1049 = arith.constant 0 : i32
        %gather3A_1050 = arith.constant 0 : i32
        %gather3A_1051 = tpu.memref_slice %arg10[%gather3A_1048, %gather3A_1049, %gather3A_1050] : memref<4x56x64xf32, #tpu.memory_space<vmem>> -> memref<1x56x64xf32, #tpu.memory_space<vmem>>
        %gather3A_1052 = tpu.memref_squeeze %gather3A_1051 : memref<1x56x64xf32, #tpu.memory_space<vmem>> -> memref<56x64xf32, #tpu.memory_space<vmem>>
        %gather3A_1053 = tpu.vector_load_idx %gather3A_1052[%min3A_192, %add3A_1020] : memref<56x64xf32, #tpu.memory_space<vmem>>[vector<16xi32>, vector<16xi32>], vector<16xf32>,
        %mul3A_1054 = arith.mulf %gather3A_1053, %gather3A_1023 : vector<16xf32>
        %add3A_1055 = arith.addf %add3A_1018, %mul3A_1054 : vector<16xf32>
        scf.yield %add3A_1031, %add3A_1039, %add3A_1047, %add3A_1055 : vector<16xf32>, vector<16xf32>, vector<16xf32>, vector<16xf32>
      }
      %scan3A_282 = arith.constant 4 : i32
      %broadcast_in_dim3A_283 = vector.broadcast %add3A_257 : i32 to vector<16xi32>
      %add3A_284 = arith.constant 0 : i32
      %add3A_285 = vector.broadcast %add3A_284 : i32 to vector<16xi32>
      %add3A_286 = arith.addi %add3A_285, %iota3A : vector<16xi32>
      tpu.vector_store_idx %arg11[%broadcast_in_dim3A_283, %broadcast_in_dim3A_1, %add3A_286], %scan3A_281#0 : memref<512x1x50xf32, #tpu.memory_space<vmem>>[vector<16xi32>, vector<16xi32>, vector<16xi32>], vector<16xf32>,
      %add3A_287 = arith.constant 16 : i32
      %add3A_288 = vector.broadcast %add3A_287 : i32 to vector<16xi32>
      %add3A_289 = arith.addi %add3A_288, %iota3A : vector<16xi32>
      tpu.vector_store_idx %arg11[%broadcast_in_dim3A_283, %broadcast_in_dim3A_1, %add3A_289], %scan3A_281#1 : memref<512x1x50xf32, #tpu.memory_space<vmem>>[vector<16xi32>, vector<16xi32>, vector<16xi32>], vector<16xf32>,
      %add3A_290 = arith.constant 32 : i32
      %add3A_291 = vector.broadcast %add3A_290 : i32 to vector<16xi32>
      %add3A_292 = arith.addi %add3A_291, %iota3A : vector<16xi32>
      tpu.vector_store_idx %arg11[%broadcast_in_dim3A_283, %broadcast_in_dim3A_1, %add3A_292], %scan3A_281#2 : memref<512x1x50xf32, #tpu.memory_space<vmem>>[vector<16xi32>, vector<16xi32>, vector<16xi32>], vector<16xf32>,
      %add3A_293 = arith.constant 48 : i32
      %add3A_294 = vector.broadcast %add3A_293 : i32 to vector<16xi32>
      %add3A_295 = arith.addi %add3A_294, %iota3A : vector<16xi32>
      %min3A_296 = arith.constant 49 : i32
      %min3A_297 = vector.broadcast %min3A_296 : i32 to vector<16xi32>
      %min3A_298 = arith.minsi %add3A_295, %min3A_297 : vector<16xi32>
      tpu.vector_store_idx %arg11[%broadcast_in_dim3A_283, %broadcast_in_dim3A_1, %min3A_298], %scan3A_281#3 masked %lt3A_197 : memref<512x1x50xf32, #tpu.memory_space<vmem>>[vector<16xi32>, vector<16xi32>, vector<16xi32>], vector<16xf32>, vector<16xi1>
      %add3A_299 = arith.constant 4 : i32
      %add3A_300 = arith.addi %add3A_257, %add3A_299 : i32
      %lt3A_301 = arith.constant 512 : i32
      %lt3A_302 = arith.cmpi slt, %add3A_300, %lt3A_301 : i32
      %convert_element_type3A = arith.extui %lt3A_302 : i1 to i32
      %cond3A = arith.constant 0 : i32
      %cond3A_303 = arith.cmpi ne, %convert_element_type3A, %cond3A : i32
      scf.if %cond3A_303 {
        %add3A_454 = arith.constant 4 : i32
        %add3A_455 = arith.addi %add3A_257, %add3A_454 : i32
        %dma_start3A_456 = arith.constant 0 : i32
        %dma_start3A_457 = arith.constant 0 : i32
        %dma_start3A_458 = arith.constant 0 : i32
        %dma_start3A_459 = tpu.memref_slice %arg10[%dma_start3A_456, %dma_start3A_457, %dma_start3A_458] : memref<4x56x64xf32, #tpu.memory_space<vmem>> -> memref<1x56x64xf32, #tpu.memory_space<vmem>>
        %dma_start3A_460 = tpu.memref_squeeze %dma_start3A_459 : memref<1x56x64xf32, #tpu.memory_space<vmem>> -> memref<56x64xf32, #tpu.memory_space<vmem>>
        %dma_start3A_461 = arith.constant 0 : i32
        %dma_start3A_462 = tpu.memref_slice %arg7[%add3A_455, %dma_start3A_461] : memref<512x56xi32, #tpu.memory_space<vmem>> -> memref<1x56xi32, #tpu.memory_space<vmem>>
        %dma_start3A_463 = tpu.memref_squeeze %dma_start3A_462 : memref<1x56xi32, #tpu.memory_space<vmem>> -> memref<56xi32, #tpu.memory_space<vmem>>
        %dma_start3A_464 = arith.constant 0 : i32
        %dma_start3A_465 = arith.constant 0 : i32
        %dma_start3A_466 = tpu.memref_slice %arg4[%dma_start3A_464, %dma_start3A_465] : memref<1000000x64xf32, #tpu.memory_space<hbm>> -> memref<1000000x64xf32, #tpu.memory_space<hbm>>
        tpu.enqueue_indirect_dma source(%dma_start3A_466 : memref<1000000x64xf32, #tpu.memory_space<hbm>>) target(%dma_start3A_460 : memref<56x64xf32, #tpu.memory_space<vmem>>) offsets(%dma_start3A_463 : memref<56xi32, #tpu.memory_space<vmem>>) semaphore(%arg13 : memref<!tpu.dma_semaphore, #tpu.memory_space<semaphore_mem>>)
      } else {
      }
      %add3A_304 = arith.constant 1 : i32
      %add3A_305 = arith.addi %mul3A_255, %add3A_304 : i32
      %dma_wait3A_306 = arith.constant 1 : i32
      %dma_wait3A_307 = arith.constant 0 : i32
      %dma_wait3A_308 = arith.constant 0 : i32
      %dma_wait3A_309 = tpu.memref_slice %arg10[%dma_wait3A_306, %dma_wait3A_307, %dma_wait3A_308] : memref<4x56x64xf32, #tpu.memory_space<vmem>> -> memref<1x56x64xf32, #tpu.memory_space<vmem>>
      %dma_wait3A_310 = tpu.memref_squeeze %dma_wait3A_309 : memref<1x56x64xf32, #tpu.memory_space<vmem>> -> memref<56x64xf32, #tpu.memory_space<vmem>>
      %dma_wait3A_311 = arith.constant 0 : i32
      %dma_wait3A_312 = tpu.memref_slice %arg7[%add3A_305, %dma_wait3A_311] : memref<512x56xi32, #tpu.memory_space<vmem>> -> memref<1x56xi32, #tpu.memory_space<vmem>>
      %dma_wait3A_313 = tpu.memref_squeeze %dma_wait3A_312 : memref<1x56xi32, #tpu.memory_space<vmem>> -> memref<56xi32, #tpu.memory_space<vmem>>
      %dma_wait3A_314 = arith.constant 0 : i32
      %dma_wait3A_315 = arith.constant 0 : i32
      %dma_wait3A_316 = tpu.memref_slice %arg4[%dma_wait3A_314, %dma_wait3A_315] : memref<1000000x64xf32, #tpu.memory_space<hbm>> -> memref<1000000x64xf32, #tpu.memory_space<hbm>>
      tpu.wait_indirect_dma semaphore(%arg14 : memref<!tpu.dma_semaphore, #tpu.memory_space<semaphore_mem>>) src(%dma_wait3A_316 : memref<1000000x64xf32, #tpu.memory_space<hbm>>) dst(%dma_wait3A_310 : memref<56x64xf32, #tpu.memory_space<vmem>>)
      %broadcast_in_dim3A_317 = arith.constant 0.000000e+00 : f32
      %broadcast_in_dim3A_318 = vector.broadcast %broadcast_in_dim3A_317 : f32 to vector<16xf32>
      %broadcast_in_dim3A_319 = arith.constant 0.000000e+00 : f32
      %broadcast_in_dim3A_320 = vector.broadcast %broadcast_in_dim3A_319 : f32 to vector<16xf32>
      %broadcast_in_dim3A_321 = arith.constant 0.000000e+00 : f32
      %broadcast_in_dim3A_322 = vector.broadcast %broadcast_in_dim3A_321 : f32 to vector<16xf32>
      %broadcast_in_dim3A_323 = arith.constant 0.000000e+00 : f32
      %broadcast_in_dim3A_324 = vector.broadcast %broadcast_in_dim3A_323 : f32 to vector<16xf32>
      %scan3A_325 = arith.constant 0 : i32
      %scan3A_326 = arith.constant 4 : i32
      %scan3A_327 = arith.addi %scan3A_325, %scan3A_326 : i32
      %scan3A_328 = arith.constant 1 : i32
      %scan3A_329:4 = scf.for %scan3A_454 = %scan3A_325 to %scan3A_327 step %scan3A_328 iter_args(%scan3A_455 = %broadcast_in_dim3A_318, %scan3A_456 = %broadcast_in_dim3A_320, %scan3A_457 = %broadcast_in_dim3A_322, %scan3A_458 = %broadcast_in_dim3A_324) -> (vector<16xf32>, vector<16xf32>, vector<16xf32>, vector<16xf32>)  : i32 {
        %mul3A_459 = arith.constant 16 : i32
        %mul3A_460 = arith.muli %scan3A_454, %mul3A_459 : i32
        %get3A = arith.index_cast %add3A_305 : i32 to index
        %get3A_461 = arith.index_cast %mul3A_460 : i32 to index
        %get3A_462 = tpu.vector_load %arg9[%get3A, %get3A_461] {strides = array<i32>} : memref<512x64xf32, #tpu.memory_space<vmem>>, vector<16xf32>,
        %mul3A_463 = arith.constant 16 : i32
        %mul3A_464 = arith.muli %scan3A_454, %mul3A_463 : i32
        %add3A_465 = vector.broadcast %mul3A_464 : i32 to vector<16xi32>
        %add3A_466 = arith.addi %and3A_88, %add3A_465 : vector<16xi32>
        %broadcast_in_dim3A_467 = vector.shape_cast %and3A_88 : vector<16xi32> to vector<16x1xi32>
        %gather3A = vector.shape_cast %broadcast_in_dim3A_467 : vector<16x1xi32> to vector<16xi32>
        %gather3A_468 = tpu.dynamic_gather %get3A_462[%gather3A] in [0] : vector<16xf32>, vector<16xi32> -> vector<16xf32>
        %gather3A_469 = arith.constant 1 : i32
        %gather3A_470 = arith.constant 0 : i32
        %gather3A_471 = arith.constant 0 : i32
        %gather3A_472 = tpu.memref_slice %arg10[%gather3A_469, %gather3A_470, %gather3A_471] : memref<4x56x64xf32, #tpu.memory_space<vmem>> -> memref<1x56x64xf32, #tpu.memory_space<vmem>>
        %gather3A_473 = tpu.memref_squeeze %gather3A_472 : memref<1x56x64xf32, #tpu.memory_space<vmem>> -> memref<56x64xf32, #tpu.memory_space<vmem>>
        %gather3A_474 = tpu.vector_load_idx %gather3A_473[%add3A_181, %add3A_466] : memref<56x64xf32, #tpu.memory_space<vmem>>[vector<16xi32>, vector<16xi32>], vector<16xf32>,
        %mul3A_475 = arith.mulf %gather3A_474, %gather3A_468 : vector<16xf32>
        %add3A_476 = arith.addf %scan3A_455, %mul3A_475 : vector<16xf32>
        %gather3A_477 = arith.constant 1 : i32
        %gather3A_478 = arith.constant 0 : i32
        %gather3A_479 = arith.constant 0 : i32
        %gather3A_480 = tpu.memref_slice %arg10[%gather3A_477, %gather3A_478, %gather3A_479] : memref<4x56x64xf32, #tpu.memory_space<vmem>> -> memref<1x56x64xf32, #tpu.memory_space<vmem>>
        %gather3A_481 = tpu.memref_squeeze %gather3A_480 : memref<1x56x64xf32, #tpu.memory_space<vmem>> -> memref<56x64xf32, #tpu.memory_space<vmem>>
        %gather3A_482 = tpu.vector_load_idx %gather3A_481[%add3A_184, %add3A_466] : memref<56x64xf32, #tpu.memory_space<vmem>>[vector<16xi32>, vector<16xi32>], vector<16xf32>,
        %mul3A_483 = arith.mulf %gather3A_482, %gather3A_468 : vector<16xf32>
        %add3A_484 = arith.addf %scan3A_456, %mul3A_483 : vector<16xf32>
        %gather3A_485 = arith.constant 1 : i32
        %gather3A_486 = arith.constant 0 : i32
        %gather3A_487 = arith.constant 0 : i32
        %gather3A_488 = tpu.memref_slice %arg10[%gather3A_485, %gather3A_486, %gather3A_487] : memref<4x56x64xf32, #tpu.memory_space<vmem>> -> memref<1x56x64xf32, #tpu.memory_space<vmem>>
        %gather3A_489 = tpu.memref_squeeze %gather3A_488 : memref<1x56x64xf32, #tpu.memory_space<vmem>> -> memref<56x64xf32, #tpu.memory_space<vmem>>
        %gather3A_490 = tpu.vector_load_idx %gather3A_489[%add3A_187, %add3A_466] : memref<56x64xf32, #tpu.memory_space<vmem>>[vector<16xi32>, vector<16xi32>], vector<16xf32>,
        %mul3A_491 = arith.mulf %gather3A_490, %gather3A_468 : vector<16xf32>
        %add3A_492 = arith.addf %scan3A_457, %mul3A_491 : vector<16xf32>
        %gather3A_493 = arith.constant 1 : i32
        %gather3A_494 = arith.constant 0 : i32
        %gather3A_495 = arith.constant 0 : i32
        %gather3A_496 = tpu.memref_slice %arg10[%gather3A_493, %gather3A_494, %gather3A_495] : memref<4x56x64xf32, #tpu.memory_space<vmem>> -> memref<1x56x64xf32, #tpu.memory_space<vmem>>
        %gather3A_497 = tpu.memref_squeeze %gather3A_496 : memref<1x56x64xf32, #tpu.memory_space<vmem>> -> memref<56x64xf32, #tpu.memory_space<vmem>>
        %gather3A_498 = tpu.vector_load_idx %gather3A_497[%min3A_192, %add3A_466] : memref<56x64xf32, #tpu.memory_space<vmem>>[vector<16xi32>, vector<16xi32>], vector<16xf32>,
        %mul3A_499 = arith.mulf %gather3A_498, %gather3A_468 : vector<16xf32>
        %add3A_500 = arith.addf %scan3A_458, %mul3A_499 : vector<16xf32>
        %add3A_501 = vector.broadcast %mul3A_464 : i32 to vector<16xi32>
        %add3A_502 = arith.addi %and3A_94, %add3A_501 : vector<16xi32>
        %broadcast_in_dim3A_503 = vector.shape_cast %and3A_94 : vector<16xi32> to vector<16x1xi32>
        %gather3A_504 = vector.shape_cast %broadcast_in_dim3A_503 : vector<16x1xi32> to vector<16xi32>
        %gather3A_505 = tpu.dynamic_gather %get3A_462[%gather3A_504] in [0] : vector<16xf32>, vector<16xi32> -> vector<16xf32>
        %gather3A_506 = arith.constant 1 : i32
        %gather3A_507 = arith.constant 0 : i32
        %gather3A_508 = arith.constant 0 : i32
        %gather3A_509 = tpu.memref_slice %arg10[%gather3A_506, %gather3A_507, %gather3A_508] : memref<4x56x64xf32, #tpu.memory_space<vmem>> -> memref<1x56x64xf32, #tpu.memory_space<vmem>>
        %gather3A_510 = tpu.memref_squeeze %gather3A_509 : memref<1x56x64xf32, #tpu.memory_space<vmem>> -> memref<56x64xf32, #tpu.memory_space<vmem>>
        %gather3A_511 = tpu.vector_load_idx %gather3A_510[%add3A_181, %add3A_502] : memref<56x64xf32, #tpu.memory_space<vmem>>[vector<16xi32>, vector<16xi32>], vector<16xf32>,
        %mul3A_512 = arith.mulf %gather3A_511, %gather3A_505 : vector<16xf32>
        %add3A_513 = arith.addf %add3A_476, %mul3A_512 : vector<16xf32>
        %gather3A_514 = arith.constant 1 : i32
        %gather3A_515 = arith.constant 0 : i32
        %gather3A_516 = arith.constant 0 : i32
        %gather3A_517 = tpu.memref_slice %arg10[%gather3A_514, %gather3A_515, %gather3A_516] : memref<4x56x64xf32, #tpu.memory_space<vmem>> -> memref<1x56x64xf32, #tpu.memory_space<vmem>>
        %gather3A_518 = tpu.memref_squeeze %gather3A_517 : memref<1x56x64xf32, #tpu.memory_space<vmem>> -> memref<56x64xf32, #tpu.memory_space<vmem>>
        %gather3A_519 = tpu.vector_load_idx %gather3A_518[%add3A_184, %add3A_502] : memref<56x64xf32, #tpu.memory_space<vmem>>[vector<16xi32>, vector<16xi32>], vector<16xf32>,
        %mul3A_520 = arith.mulf %gather3A_519, %gather3A_505 : vector<16xf32>
        %add3A_521 = arith.addf %add3A_484, %mul3A_520 : vector<16xf32>
        %gather3A_522 = arith.constant 1 : i32
        %gather3A_523 = arith.constant 0 : i32
        %gather3A_524 = arith.constant 0 : i32
        %gather3A_525 = tpu.memref_slice %arg10[%gather3A_522, %gather3A_523, %gather3A_524] : memref<4x56x64xf32, #tpu.memory_space<vmem>> -> memref<1x56x64xf32, #tpu.memory_space<vmem>>
        %gather3A_526 = tpu.memref_squeeze %gather3A_525 : memref<1x56x64xf32, #tpu.memory_space<vmem>> -> memref<56x64xf32, #tpu.memory_space<vmem>>
        %gather3A_527 = tpu.vector_load_idx %gather3A_526[%add3A_187, %add3A_502] : memref<56x64xf32, #tpu.memory_space<vmem>>[vector<16xi32>, vector<16xi32>], vector<16xf32>,
        %mul3A_528 = arith.mulf %gather3A_527, %gather3A_505 : vector<16xf32>
        %add3A_529 = arith.addf %add3A_492, %mul3A_528 : vector<16xf32>
        %gather3A_530 = arith.constant 1 : i32
        %gather3A_531 = arith.constant 0 : i32
        %gather3A_532 = arith.constant 0 : i32
        %gather3A_533 = tpu.memref_slice %arg10[%gather3A_530, %gather3A_531, %gather3A_532] : memref<4x56x64xf32, #tpu.memory_space<vmem>> -> memref<1x56x64xf32, #tpu.memory_space<vmem>>
        %gather3A_534 = tpu.memref_squeeze %gather3A_533 : memref<1x56x64xf32, #tpu.memory_space<vmem>> -> memref<56x64xf32, #tpu.memory_space<vmem>>
        %gather3A_535 = tpu.vector_load_idx %gather3A_534[%min3A_192, %add3A_502] : memref<56x64xf32, #tpu.memory_space<vmem>>[vector<16xi32>, vector<16xi32>], vector<16xf32>,
        %mul3A_536 = arith.mulf %gather3A_535, %gather3A_505 : vector<16xf32>
        %add3A_537 = arith.addf %add3A_500, %mul3A_536 : vector<16xf32>
        %add3A_538 = vector.broadcast %mul3A_464 : i32 to vector<16xi32>
        %add3A_539 = arith.addi %and3A_100, %add3A_538 : vector<16xi32>
        %broadcast_in_dim3A_540 = vector.shape_cast %and3A_100 : vector<16xi32> to vector<16x1xi32>
        %gather3A_541 = vector.shape_cast %broadcast_in_dim3A_540 : vector<16x1xi32> to vector<16xi32>
        %gather3A_542 = tpu.dynamic_gather %get3A_462[%gather3A_541] in [0] : vector<16xf32>, vector<16xi32> -> vector<16xf32>
        %gather3A_543 = arith.constant 1 : i32
        %gather3A_544 = arith.constant 0 : i32
        %gather3A_545 = arith.constant 0 : i32
        %gather3A_546 = tpu.memref_slice %arg10[%gather3A_543, %gather3A_544, %gather3A_545] : memref<4x56x64xf32, #tpu.memory_space<vmem>> -> memref<1x56x64xf32, #tpu.memory_space<vmem>>
        %gather3A_547 = tpu.memref_squeeze %gather3A_546 : memref<1x56x64xf32, #tpu.memory_space<vmem>> -> memref<56x64xf32, #tpu.memory_space<vmem>>
        %gather3A_548 = tpu.vector_load_idx %gather3A_547[%add3A_181, %add3A_539] : memref<56x64xf32, #tpu.memory_space<vmem>>[vector<16xi32>, vector<16xi32>], vector<16xf32>,
        %mul3A_549 = arith.mulf %gather3A_548, %gather3A_542 : vector<16xf32>
        %add3A_550 = arith.addf %add3A_513, %mul3A_549 : vector<16xf32>
        %gather3A_551 = arith.constant 1 : i32
        %gather3A_552 = arith.constant 0 : i32
        %gather3A_553 = arith.constant 0 : i32
        %gather3A_554 = tpu.memref_slice %arg10[%gather3A_551, %gather3A_552, %gather3A_553] : memref<4x56x64xf32, #tpu.memory_space<vmem>> -> memref<1x56x64xf32, #tpu.memory_space<vmem>>
        %gather3A_555 = tpu.memref_squeeze %gather3A_554 : memref<1x56x64xf32, #tpu.memory_space<vmem>> -> memref<56x64xf32, #tpu.memory_space<vmem>>
        %gather3A_556 = tpu.vector_load_idx %gather3A_555[%add3A_184, %add3A_539] : memref<56x64xf32, #tpu.memory_space<vmem>>[vector<16xi32>, vector<16xi32>], vector<16xf32>,
        %mul3A_557 = arith.mulf %gather3A_556, %gather3A_542 : vector<16xf32>
        %add3A_558 = arith.addf %add3A_521, %mul3A_557 : vector<16xf32>
        %gather3A_559 = arith.constant 1 : i32
        %gather3A_560 = arith.constant 0 : i32
        %gather3A_561 = arith.constant 0 : i32
        %gather3A_562 = tpu.memref_slice %arg10[%gather3A_559, %gather3A_560, %gather3A_561] : memref<4x56x64xf32, #tpu.memory_space<vmem>> -> memref<1x56x64xf32, #tpu.memory_space<vmem>>
        %gather3A_563 = tpu.memref_squeeze %gather3A_562 : memref<1x56x64xf32, #tpu.memory_space<vmem>> -> memref<56x64xf32, #tpu.memory_space<vmem>>
        %gather3A_564 = tpu.vector_load_idx %gather3A_563[%add3A_187, %add3A_539] : memref<56x64xf32, #tpu.memory_space<vmem>>[vector<16xi32>, vector<16xi32>], vector<16xf32>,
        %mul3A_565 = arith.mulf %gather3A_564, %gather3A_542 : vector<16xf32>
        %add3A_566 = arith.addf %add3A_529, %mul3A_565 : vector<16xf32>
        %gather3A_567 = arith.constant 1 : i32
        %gather3A_568 = arith.constant 0 : i32
        %gather3A_569 = arith.constant 0 : i32
        %gather3A_570 = tpu.memref_slice %arg10[%gather3A_567, %gather3A_568, %gather3A_569] : memref<4x56x64xf32, #tpu.memory_space<vmem>> -> memref<1x56x64xf32, #tpu.memory_space<vmem>>
        %gather3A_571 = tpu.memref_squeeze %gather3A_570 : memref<1x56x64xf32, #tpu.memory_space<vmem>> -> memref<56x64xf32, #tpu.memory_space<vmem>>
        %gather3A_572 = tpu.vector_load_idx %gather3A_571[%min3A_192, %add3A_539] : memref<56x64xf32, #tpu.memory_space<vmem>>[vector<16xi32>, vector<16xi32>], vector<16xf32>,
        %mul3A_573 = arith.mulf %gather3A_572, %gather3A_542 : vector<16xf32>
        %add3A_574 = arith.addf %add3A_537, %mul3A_573 : vector<16xf32>
        %add3A_575 = vector.broadcast %mul3A_464 : i32 to vector<16xi32>
        %add3A_576 = arith.addi %and3A_106, %add3A_575 : vector<16xi32>
        %broadcast_in_dim3A_577 = vector.shape_cast %and3A_106 : vector<16xi32> to vector<16x1xi32>
        %gather3A_578 = vector.shape_cast %broadcast_in_dim3A_577 : vector<16x1xi32> to vector<16xi32>
        %gather3A_579 = tpu.dynamic_gather %get3A_462[%gather3A_578] in [0] : vector<16xf32>, vector<16xi32> -> vector<16xf32>
        %gather3A_580 = arith.constant 1 : i32
        %gather3A_581 = arith.constant 0 : i32
        %gather3A_582 = arith.constant 0 : i32
        %gather3A_583 = tpu.memref_slice %arg10[%gather3A_580, %gather3A_581, %gather3A_582] : memref<4x56x64xf32, #tpu.memory_space<vmem>> -> memref<1x56x64xf32, #tpu.memory_space<vmem>>
        %gather3A_584 = tpu.memref_squeeze %gather3A_583 : memref<1x56x64xf32, #tpu.memory_space<vmem>> -> memref<56x64xf32, #tpu.memory_space<vmem>>
        %gather3A_585 = tpu.vector_load_idx %gather3A_584[%add3A_181, %add3A_576] : memref<56x64xf32, #tpu.memory_space<vmem>>[vector<16xi32>, vector<16xi32>], vector<16xf32>,
        %mul3A_586 = arith.mulf %gather3A_585, %gather3A_579 : vector<16xf32>
        %add3A_587 = arith.addf %add3A_550, %mul3A_586 : vector<16xf32>
        %gather3A_588 = arith.constant 1 : i32
        %gather3A_589 = arith.constant 0 : i32
        %gather3A_590 = arith.constant 0 : i32
        %gather3A_591 = tpu.memref_slice %arg10[%gather3A_588, %gather3A_589, %gather3A_590] : memref<4x56x64xf32, #tpu.memory_space<vmem>> -> memref<1x56x64xf32, #tpu.memory_space<vmem>>
        %gather3A_592 = tpu.memref_squeeze %gather3A_591 : memref<1x56x64xf32, #tpu.memory_space<vmem>> -> memref<56x64xf32, #tpu.memory_space<vmem>>
        %gather3A_593 = tpu.vector_load_idx %gather3A_592[%add3A_184, %add3A_576] : memref<56x64xf32, #tpu.memory_space<vmem>>[vector<16xi32>, vector<16xi32>], vector<16xf32>,
        %mul3A_594 = arith.mulf %gather3A_593, %gather3A_579 : vector<16xf32>
        %add3A_595 = arith.addf %add3A_558, %mul3A_594 : vector<16xf32>
        %gather3A_596 = arith.constant 1 : i32
        %gather3A_597 = arith.constant 0 : i32
        %gather3A_598 = arith.constant 0 : i32
        %gather3A_599 = tpu.memref_slice %arg10[%gather3A_596, %gather3A_597, %gather3A_598] : memref<4x56x64xf32, #tpu.memory_space<vmem>> -> memref<1x56x64xf32, #tpu.memory_space<vmem>>
        %gather3A_600 = tpu.memref_squeeze %gather3A_599 : memref<1x56x64xf32, #tpu.memory_space<vmem>> -> memref<56x64xf32, #tpu.memory_space<vmem>>
        %gather3A_601 = tpu.vector_load_idx %gather3A_600[%add3A_187, %add3A_576] : memref<56x64xf32, #tpu.memory_space<vmem>>[vector<16xi32>, vector<16xi32>], vector<16xf32>,
        %mul3A_602 = arith.mulf %gather3A_601, %gather3A_579 : vector<16xf32>
        %add3A_603 = arith.addf %add3A_566, %mul3A_602 : vector<16xf32>
        %gather3A_604 = arith.constant 1 : i32
        %gather3A_605 = arith.constant 0 : i32
        %gather3A_606 = arith.constant 0 : i32
        %gather3A_607 = tpu.memref_slice %arg10[%gather3A_604, %gather3A_605, %gather3A_606] : memref<4x56x64xf32, #tpu.memory_space<vmem>> -> memref<1x56x64xf32, #tpu.memory_space<vmem>>
        %gather3A_608 = tpu.memref_squeeze %gather3A_607 : memref<1x56x64xf32, #tpu.memory_space<vmem>> -> memref<56x64xf32, #tpu.memory_space<vmem>>
        %gather3A_609 = tpu.vector_load_idx %gather3A_608[%min3A_192, %add3A_576] : memref<56x64xf32, #tpu.memory_space<vmem>>[vector<16xi32>, vector<16xi32>], vector<16xf32>,
        %mul3A_610 = arith.mulf %gather3A_609, %gather3A_579 : vector<16xf32>
        %add3A_611 = arith.addf %add3A_574, %mul3A_610 : vector<16xf32>
        %add3A_612 = vector.broadcast %mul3A_464 : i32 to vector<16xi32>
        %add3A_613 = arith.addi %and3A_112, %add3A_612 : vector<16xi32>
        %broadcast_in_dim3A_614 = vector.shape_cast %and3A_112 : vector<16xi32> to vector<16x1xi32>
        %gather3A_615 = vector.shape_cast %broadcast_in_dim3A_614 : vector<16x1xi32> to vector<16xi32>
        %gather3A_616 = tpu.dynamic_gather %get3A_462[%gather3A_615] in [0] : vector<16xf32>, vector<16xi32> -> vector<16xf32>
        %gather3A_617 = arith.constant 1 : i32
        %gather3A_618 = arith.constant 0 : i32
        %gather3A_619 = arith.constant 0 : i32
        %gather3A_620 = tpu.memref_slice %arg10[%gather3A_617, %gather3A_618, %gather3A_619] : memref<4x56x64xf32, #tpu.memory_space<vmem>> -> memref<1x56x64xf32, #tpu.memory_space<vmem>>
        %gather3A_621 = tpu.memref_squeeze %gather3A_620 : memref<1x56x64xf32, #tpu.memory_space<vmem>> -> memref<56x64xf32, #tpu.memory_space<vmem>>
        %gather3A_622 = tpu.vector_load_idx %gather3A_621[%add3A_181, %add3A_613] : memref<56x64xf32, #tpu.memory_space<vmem>>[vector<16xi32>, vector<16xi32>], vector<16xf32>,
        %mul3A_623 = arith.mulf %gather3A_622, %gather3A_616 : vector<16xf32>
        %add3A_624 = arith.addf %add3A_587, %mul3A_623 : vector<16xf32>
        %gather3A_625 = arith.constant 1 : i32
        %gather3A_626 = arith.constant 0 : i32
        %gather3A_627 = arith.constant 0 : i32
        %gather3A_628 = tpu.memref_slice %arg10[%gather3A_625, %gather3A_626, %gather3A_627] : memref<4x56x64xf32, #tpu.memory_space<vmem>> -> memref<1x56x64xf32, #tpu.memory_space<vmem>>
        %gather3A_629 = tpu.memref_squeeze %gather3A_628 : memref<1x56x64xf32, #tpu.memory_space<vmem>> -> memref<56x64xf32, #tpu.memory_space<vmem>>
        %gather3A_630 = tpu.vector_load_idx %gather3A_629[%add3A_184, %add3A_613] : memref<56x64xf32, #tpu.memory_space<vmem>>[vector<16xi32>, vector<16xi32>], vector<16xf32>,
        %mul3A_631 = arith.mulf %gather3A_630, %gather3A_616 : vector<16xf32>
        %add3A_632 = arith.addf %add3A_595, %mul3A_631 : vector<16xf32>
        %gather3A_633 = arith.constant 1 : i32
        %gather3A_634 = arith.constant 0 : i32
        %gather3A_635 = arith.constant 0 : i32
        %gather3A_636 = tpu.memref_slice %arg10[%gather3A_633, %gather3A_634, %gather3A_635] : memref<4x56x64xf32, #tpu.memory_space<vmem>> -> memref<1x56x64xf32, #tpu.memory_space<vmem>>
        %gather3A_637 = tpu.memref_squeeze %gather3A_636 : memref<1x56x64xf32, #tpu.memory_space<vmem>> -> memref<56x64xf32, #tpu.memory_space<vmem>>
        %gather3A_638 = tpu.vector_load_idx %gather3A_637[%add3A_187, %add3A_613] : memref<56x64xf32, #tpu.memory_space<vmem>>[vector<16xi32>, vector<16xi32>], vector<16xf32>,
        %mul3A_639 = arith.mulf %gather3A_638, %gather3A_616 : vector<16xf32>
        %add3A_640 = arith.addf %add3A_603, %mul3A_639 : vector<16xf32>
        %gather3A_641 = arith.constant 1 : i32
        %gather3A_642 = arith.constant 0 : i32
        %gather3A_643 = arith.constant 0 : i32
        %gather3A_644 = tpu.memref_slice %arg10[%gather3A_641, %gather3A_642, %gather3A_643] : memref<4x56x64xf32, #tpu.memory_space<vmem>> -> memref<1x56x64xf32, #tpu.memory_space<vmem>>
        %gather3A_645 = tpu.memref_squeeze %gather3A_644 : memref<1x56x64xf32, #tpu.memory_space<vmem>> -> memref<56x64xf32, #tpu.memory_space<vmem>>
        %gather3A_646 = tpu.vector_load_idx %gather3A_645[%min3A_192, %add3A_613] : memref<56x64xf32, #tpu.memory_space<vmem>>[vector<16xi32>, vector<16xi32>], vector<16xf32>,
        %mul3A_647 = arith.mulf %gather3A_646, %gather3A_616 : vector<16xf32>
        %add3A_648 = arith.addf %add3A_611, %mul3A_647 : vector<16xf32>
        %add3A_649 = vector.broadcast %mul3A_464 : i32 to vector<16xi32>
        %add3A_650 = arith.addi %and3A_118, %add3A_649 : vector<16xi32>
        %broadcast_in_dim3A_651 = vector.shape_cast %and3A_118 : vector<16xi32> to vector<16x1xi32>
        %gather3A_652 = vector.shape_cast %broadcast_in_dim3A_651 : vector<16x1xi32> to vector<16xi32>
        %gather3A_653 = tpu.dynamic_gather %get3A_462[%gather3A_652] in [0] : vector<16xf32>, vector<16xi32> -> vector<16xf32>
        %gather3A_654 = arith.constant 1 : i32
        %gather3A_655 = arith.constant 0 : i32
        %gather3A_656 = arith.constant 0 : i32
        %gather3A_657 = tpu.memref_slice %arg10[%gather3A_654, %gather3A_655, %gather3A_656] : memref<4x56x64xf32, #tpu.memory_space<vmem>> -> memref<1x56x64xf32, #tpu.memory_space<vmem>>
        %gather3A_658 = tpu.memref_squeeze %gather3A_657 : memref<1x56x64xf32, #tpu.memory_space<vmem>> -> memref<56x64xf32, #tpu.memory_space<vmem>>
        %gather3A_659 = tpu.vector_load_idx %gather3A_658[%add3A_181, %add3A_650] : memref<56x64xf32, #tpu.memory_space<vmem>>[vector<16xi32>, vector<16xi32>], vector<16xf32>,
        %mul3A_660 = arith.mulf %gather3A_659, %gather3A_653 : vector<16xf32>
        %add3A_661 = arith.addf %add3A_624, %mul3A_660 : vector<16xf32>
        %gather3A_662 = arith.constant 1 : i32
        %gather3A_663 = arith.constant 0 : i32
        %gather3A_664 = arith.constant 0 : i32
        %gather3A_665 = tpu.memref_slice %arg10[%gather3A_662, %gather3A_663, %gather3A_664] : memref<4x56x64xf32, #tpu.memory_space<vmem>> -> memref<1x56x64xf32, #tpu.memory_space<vmem>>
        %gather3A_666 = tpu.memref_squeeze %gather3A_665 : memref<1x56x64xf32, #tpu.memory_space<vmem>> -> memref<56x64xf32, #tpu.memory_space<vmem>>
        %gather3A_667 = tpu.vector_load_idx %gather3A_666[%add3A_184, %add3A_650] : memref<56x64xf32, #tpu.memory_space<vmem>>[vector<16xi32>, vector<16xi32>], vector<16xf32>,
        %mul3A_668 = arith.mulf %gather3A_667, %gather3A_653 : vector<16xf32>
        %add3A_669 = arith.addf %add3A_632, %mul3A_668 : vector<16xf32>
        %gather3A_670 = arith.constant 1 : i32
        %gather3A_671 = arith.constant 0 : i32
        %gather3A_672 = arith.constant 0 : i32
        %gather3A_673 = tpu.memref_slice %arg10[%gather3A_670, %gather3A_671, %gather3A_672] : memref<4x56x64xf32, #tpu.memory_space<vmem>> -> memref<1x56x64xf32, #tpu.memory_space<vmem>>
        %gather3A_674 = tpu.memref_squeeze %gather3A_673 : memref<1x56x64xf32, #tpu.memory_space<vmem>> -> memref<56x64xf32, #tpu.memory_space<vmem>>
        %gather3A_675 = tpu.vector_load_idx %gather3A_674[%add3A_187, %add3A_650] : memref<56x64xf32, #tpu.memory_space<vmem>>[vector<16xi32>, vector<16xi32>], vector<16xf32>,
        %mul3A_676 = arith.mulf %gather3A_675, %gather3A_653 : vector<16xf32>
        %add3A_677 = arith.addf %add3A_640, %mul3A_676 : vector<16xf32>
        %gather3A_678 = arith.constant 1 : i32
        %gather3A_679 = arith.constant 0 : i32
        %gather3A_680 = arith.constant 0 : i32
        %gather3A_681 = tpu.memref_slice %arg10[%gather3A_678, %gather3A_679, %gather3A_680] : memref<4x56x64xf32, #tpu.memory_space<vmem>> -> memref<1x56x64xf32, #tpu.memory_space<vmem>>
        %gather3A_682 = tpu.memref_squeeze %gather3A_681 : memref<1x56x64xf32, #tpu.memory_space<vmem>> -> memref<56x64xf32, #tpu.memory_space<vmem>>
        %gather3A_683 = tpu.vector_load_idx %gather3A_682[%min3A_192, %add3A_650] : memref<56x64xf32, #tpu.memory_space<vmem>>[vector<16xi32>, vector<16xi32>], vector<16xf32>,
        %mul3A_684 = arith.mulf %gather3A_683, %gather3A_653 : vector<16xf32>
        %add3A_685 = arith.addf %add3A_648, %mul3A_684 : vector<16xf32>
        %add3A_686 = vector.broadcast %mul3A_464 : i32 to vector<16xi32>
        %add3A_687 = arith.addi %and3A_124, %add3A_686 : vector<16xi32>
        %broadcast_in_dim3A_688 = vector.shape_cast %and3A_124 : vector<16xi32> to vector<16x1xi32>
        %gather3A_689 = vector.shape_cast %broadcast_in_dim3A_688 : vector<16x1xi32> to vector<16xi32>
        %gather3A_690 = tpu.dynamic_gather %get3A_462[%gather3A_689] in [0] : vector<16xf32>, vector<16xi32> -> vector<16xf32>
        %gather3A_691 = arith.constant 1 : i32
        %gather3A_692 = arith.constant 0 : i32
        %gather3A_693 = arith.constant 0 : i32
        %gather3A_694 = tpu.memref_slice %arg10[%gather3A_691, %gather3A_692, %gather3A_693] : memref<4x56x64xf32, #tpu.memory_space<vmem>> -> memref<1x56x64xf32, #tpu.memory_space<vmem>>
        %gather3A_695 = tpu.memref_squeeze %gather3A_694 : memref<1x56x64xf32, #tpu.memory_space<vmem>> -> memref<56x64xf32, #tpu.memory_space<vmem>>
        %gather3A_696 = tpu.vector_load_idx %gather3A_695[%add3A_181, %add3A_687] : memref<56x64xf32, #tpu.memory_space<vmem>>[vector<16xi32>, vector<16xi32>], vector<16xf32>,
        %mul3A_697 = arith.mulf %gather3A_696, %gather3A_690 : vector<16xf32>
        %add3A_698 = arith.addf %add3A_661, %mul3A_697 : vector<16xf32>
        %gather3A_699 = arith.constant 1 : i32
        %gather3A_700 = arith.constant 0 : i32
        %gather3A_701 = arith.constant 0 : i32
        %gather3A_702 = tpu.memref_slice %arg10[%gather3A_699, %gather3A_700, %gather3A_701] : memref<4x56x64xf32, #tpu.memory_space<vmem>> -> memref<1x56x64xf32, #tpu.memory_space<vmem>>
        %gather3A_703 = tpu.memref_squeeze %gather3A_702 : memref<1x56x64xf32, #tpu.memory_space<vmem>> -> memref<56x64xf32, #tpu.memory_space<vmem>>
        %gather3A_704 = tpu.vector_load_idx %gather3A_703[%add3A_184, %add3A_687] : memref<56x64xf32, #tpu.memory_space<vmem>>[vector<16xi32>, vector<16xi32>], vector<16xf32>,
        %mul3A_705 = arith.mulf %gather3A_704, %gather3A_690 : vector<16xf32>
        %add3A_706 = arith.addf %add3A_669, %mul3A_705 : vector<16xf32>
        %gather3A_707 = arith.constant 1 : i32
        %gather3A_708 = arith.constant 0 : i32
        %gather3A_709 = arith.constant 0 : i32
        %gather3A_710 = tpu.memref_slice %arg10[%gather3A_707, %gather3A_708, %gather3A_709] : memref<4x56x64xf32, #tpu.memory_space<vmem>> -> memref<1x56x64xf32, #tpu.memory_space<vmem>>
        %gather3A_711 = tpu.memref_squeeze %gather3A_710 : memref<1x56x64xf32, #tpu.memory_space<vmem>> -> memref<56x64xf32, #tpu.memory_space<vmem>>
        %gather3A_712 = tpu.vector_load_idx %gather3A_711[%add3A_187, %add3A_687] : memref<56x64xf32, #tpu.memory_space<vmem>>[vector<16xi32>, vector<16xi32>], vector<16xf32>,
        %mul3A_713 = arith.mulf %gather3A_712, %gather3A_690 : vector<16xf32>
        %add3A_714 = arith.addf %add3A_677, %mul3A_713 : vector<16xf32>
        %gather3A_715 = arith.constant 1 : i32
        %gather3A_716 = arith.constant 0 : i32
        %gather3A_717 = arith.constant 0 : i32
        %gather3A_718 = tpu.memref_slice %arg10[%gather3A_715, %gather3A_716, %gather3A_717] : memref<4x56x64xf32, #tpu.memory_space<vmem>> -> memref<1x56x64xf32, #tpu.memory_space<vmem>>
        %gather3A_719 = tpu.memref_squeeze %gather3A_718 : memref<1x56x64xf32, #tpu.memory_space<vmem>> -> memref<56x64xf32, #tpu.memory_space<vmem>>
        %gather3A_720 = tpu.vector_load_idx %gather3A_719[%min3A_192, %add3A_687] : memref<56x64xf32, #tpu.memory_space<vmem>>[vector<16xi32>, vector<16xi32>], vector<16xf32>,
        %mul3A_721 = arith.mulf %gather3A_720, %gather3A_690 : vector<16xf32>
        %add3A_722 = arith.addf %add3A_685, %mul3A_721 : vector<16xf32>
        %add3A_723 = vector.broadcast %mul3A_464 : i32 to vector<16xi32>
        %add3A_724 = arith.addi %and3A_130, %add3A_723 : vector<16xi32>
        %broadcast_in_dim3A_725 = vector.shape_cast %and3A_130 : vector<16xi32> to vector<16x1xi32>
        %gather3A_726 = vector.shape_cast %broadcast_in_dim3A_725 : vector<16x1xi32> to vector<16xi32>
        %gather3A_727 = tpu.dynamic_gather %get3A_462[%gather3A_726] in [0] : vector<16xf32>, vector<16xi32> -> vector<16xf32>
        %gather3A_728 = arith.constant 1 : i32
        %gather3A_729 = arith.constant 0 : i32
        %gather3A_730 = arith.constant 0 : i32
        %gather3A_731 = tpu.memref_slice %arg10[%gather3A_728, %gather3A_729, %gather3A_730] : memref<4x56x64xf32, #tpu.memory_space<vmem>> -> memref<1x56x64xf32, #tpu.memory_space<vmem>>
        %gather3A_732 = tpu.memref_squeeze %gather3A_731 : memref<1x56x64xf32, #tpu.memory_space<vmem>> -> memref<56x64xf32, #tpu.memory_space<vmem>>
        %gather3A_733 = tpu.vector_load_idx %gather3A_732[%add3A_181, %add3A_724] : memref<56x64xf32, #tpu.memory_space<vmem>>[vector<16xi32>, vector<16xi32>], vector<16xf32>,
        %mul3A_734 = arith.mulf %gather3A_733, %gather3A_727 : vector<16xf32>
        %add3A_735 = arith.addf %add3A_698, %mul3A_734 : vector<16xf32>
        %gather3A_736 = arith.constant 1 : i32
        %gather3A_737 = arith.constant 0 : i32
        %gather3A_738 = arith.constant 0 : i32
        %gather3A_739 = tpu.memref_slice %arg10[%gather3A_736, %gather3A_737, %gather3A_738] : memref<4x56x64xf32, #tpu.memory_space<vmem>> -> memref<1x56x64xf32, #tpu.memory_space<vmem>>
        %gather3A_740 = tpu.memref_squeeze %gather3A_739 : memref<1x56x64xf32, #tpu.memory_space<vmem>> -> memref<56x64xf32, #tpu.memory_space<vmem>>
        %gather3A_741 = tpu.vector_load_idx %gather3A_740[%add3A_184, %add3A_724] : memref<56x64xf32, #tpu.memory_space<vmem>>[vector<16xi32>, vector<16xi32>], vector<16xf32>,
        %mul3A_742 = arith.mulf %gather3A_741, %gather3A_727 : vector<16xf32>
        %add3A_743 = arith.addf %add3A_706, %mul3A_742 : vector<16xf32>
        %gather3A_744 = arith.constant 1 : i32
        %gather3A_745 = arith.constant 0 : i32
        %gather3A_746 = arith.constant 0 : i32
        %gather3A_747 = tpu.memref_slice %arg10[%gather3A_744, %gather3A_745, %gather3A_746] : memref<4x56x64xf32, #tpu.memory_space<vmem>> -> memref<1x56x64xf32, #tpu.memory_space<vmem>>
        %gather3A_748 = tpu.memref_squeeze %gather3A_747 : memref<1x56x64xf32, #tpu.memory_space<vmem>> -> memref<56x64xf32, #tpu.memory_space<vmem>>
        %gather3A_749 = tpu.vector_load_idx %gather3A_748[%add3A_187, %add3A_724] : memref<56x64xf32, #tpu.memory_space<vmem>>[vector<16xi32>, vector<16xi32>], vector<16xf32>,
        %mul3A_750 = arith.mulf %gather3A_749, %gather3A_727 : vector<16xf32>
        %add3A_751 = arith.addf %add3A_714, %mul3A_750 : vector<16xf32>
        %gather3A_752 = arith.constant 1 : i32
        %gather3A_753 = arith.constant 0 : i32
        %gather3A_754 = arith.constant 0 : i32
        %gather3A_755 = tpu.memref_slice %arg10[%gather3A_752, %gather3A_753, %gather3A_754] : memref<4x56x64xf32, #tpu.memory_space<vmem>> -> memref<1x56x64xf32, #tpu.memory_space<vmem>>
        %gather3A_756 = tpu.memref_squeeze %gather3A_755 : memref<1x56x64xf32, #tpu.memory_space<vmem>> -> memref<56x64xf32, #tpu.memory_space<vmem>>
        %gather3A_757 = tpu.vector_load_idx %gather3A_756[%min3A_192, %add3A_724] : memref<56x64xf32, #tpu.memory_space<vmem>>[vector<16xi32>, vector<16xi32>], vector<16xf32>,
        %mul3A_758 = arith.mulf %gather3A_757, %gather3A_727 : vector<16xf32>
        %add3A_759 = arith.addf %add3A_722, %mul3A_758 : vector<16xf32>
        %add3A_760 = vector.broadcast %mul3A_464 : i32 to vector<16xi32>
        %add3A_761 = arith.addi %and3A_136, %add3A_760 : vector<16xi32>
        %broadcast_in_dim3A_762 = vector.shape_cast %and3A_136 : vector<16xi32> to vector<16x1xi32>
        %gather3A_763 = vector.shape_cast %broadcast_in_dim3A_762 : vector<16x1xi32> to vector<16xi32>
        %gather3A_764 = tpu.dynamic_gather %get3A_462[%gather3A_763] in [0] : vector<16xf32>, vector<16xi32> -> vector<16xf32>
        %gather3A_765 = arith.constant 1 : i32
        %gather3A_766 = arith.constant 0 : i32
        %gather3A_767 = arith.constant 0 : i32
        %gather3A_768 = tpu.memref_slice %arg10[%gather3A_765, %gather3A_766, %gather3A_767] : memref<4x56x64xf32, #tpu.memory_space<vmem>> -> memref<1x56x64xf32, #tpu.memory_space<vmem>>
        %gather3A_769 = tpu.memref_squeeze %gather3A_768 : memref<1x56x64xf32, #tpu.memory_space<vmem>> -> memref<56x64xf32, #tpu.memory_space<vmem>>
        %gather3A_770 = tpu.vector_load_idx %gather3A_769[%add3A_181, %add3A_761] : memref<56x64xf32, #tpu.memory_space<vmem>>[vector<16xi32>, vector<16xi32>], vector<16xf32>,
        %mul3A_771 = arith.mulf %gather3A_770, %gather3A_764 : vector<16xf32>
        %add3A_772 = arith.addf %add3A_735, %mul3A_771 : vector<16xf32>
        %gather3A_773 = arith.constant 1 : i32
        %gather3A_774 = arith.constant 0 : i32
        %gather3A_775 = arith.constant 0 : i32
        %gather3A_776 = tpu.memref_slice %arg10[%gather3A_773, %gather3A_774, %gather3A_775] : memref<4x56x64xf32, #tpu.memory_space<vmem>> -> memref<1x56x64xf32, #tpu.memory_space<vmem>>
        %gather3A_777 = tpu.memref_squeeze %gather3A_776 : memref<1x56x64xf32, #tpu.memory_space<vmem>> -> memref<56x64xf32, #tpu.memory_space<vmem>>
        %gather3A_778 = tpu.vector_load_idx %gather3A_777[%add3A_184, %add3A_761] : memref<56x64xf32, #tpu.memory_space<vmem>>[vector<16xi32>, vector<16xi32>], vector<16xf32>,
        %mul3A_779 = arith.mulf %gather3A_778, %gather3A_764 : vector<16xf32>
        %add3A_780 = arith.addf %add3A_743, %mul3A_779 : vector<16xf32>
        %gather3A_781 = arith.constant 1 : i32
        %gather3A_782 = arith.constant 0 : i32
        %gather3A_783 = arith.constant 0 : i32
        %gather3A_784 = tpu.memref_slice %arg10[%gather3A_781, %gather3A_782, %gather3A_783] : memref<4x56x64xf32, #tpu.memory_space<vmem>> -> memref<1x56x64xf32, #tpu.memory_space<vmem>>
        %gather3A_785 = tpu.memref_squeeze %gather3A_784 : memref<1x56x64xf32, #tpu.memory_space<vmem>> -> memref<56x64xf32, #tpu.memory_space<vmem>>
        %gather3A_786 = tpu.vector_load_idx %gather3A_785[%add3A_187, %add3A_761] : memref<56x64xf32, #tpu.memory_space<vmem>>[vector<16xi32>, vector<16xi32>], vector<16xf32>,
        %mul3A_787 = arith.mulf %gather3A_786, %gather3A_764 : vector<16xf32>
        %add3A_788 = arith.addf %add3A_751, %mul3A_787 : vector<16xf32>
        %gather3A_789 = arith.constant 1 : i32
        %gather3A_790 = arith.constant 0 : i32
        %gather3A_791 = arith.constant 0 : i32
        %gather3A_792 = tpu.memref_slice %arg10[%gather3A_789, %gather3A_790, %gather3A_791] : memref<4x56x64xf32, #tpu.memory_space<vmem>> -> memref<1x56x64xf32, #tpu.memory_space<vmem>>
        %gather3A_793 = tpu.memref_squeeze %gather3A_792 : memref<1x56x64xf32, #tpu.memory_space<vmem>> -> memref<56x64xf32, #tpu.memory_space<vmem>>
        %gather3A_794 = tpu.vector_load_idx %gather3A_793[%min3A_192, %add3A_761] : memref<56x64xf32, #tpu.memory_space<vmem>>[vector<16xi32>, vector<16xi32>], vector<16xf32>,
        %mul3A_795 = arith.mulf %gather3A_794, %gather3A_764 : vector<16xf32>
        %add3A_796 = arith.addf %add3A_759, %mul3A_795 : vector<16xf32>
        %add3A_797 = vector.broadcast %mul3A_464 : i32 to vector<16xi32>
        %add3A_798 = arith.addi %and3A_142, %add3A_797 : vector<16xi32>
        %broadcast_in_dim3A_799 = vector.shape_cast %and3A_142 : vector<16xi32> to vector<16x1xi32>
        %gather3A_800 = vector.shape_cast %broadcast_in_dim3A_799 : vector<16x1xi32> to vector<16xi32>
        %gather3A_801 = tpu.dynamic_gather %get3A_462[%gather3A_800] in [0] : vector<16xf32>, vector<16xi32> -> vector<16xf32>
        %gather3A_802 = arith.constant 1 : i32
        %gather3A_803 = arith.constant 0 : i32
        %gather3A_804 = arith.constant 0 : i32
        %gather3A_805 = tpu.memref_slice %arg10[%gather3A_802, %gather3A_803, %gather3A_804] : memref<4x56x64xf32, #tpu.memory_space<vmem>> -> memref<1x56x64xf32, #tpu.memory_space<vmem>>
        %gather3A_806 = tpu.memref_squeeze %gather3A_805 : memref<1x56x64xf32, #tpu.memory_space<vmem>> -> memref<56x64xf32, #tpu.memory_space<vmem>>
        %gather3A_807 = tpu.vector_load_idx %gather3A_806[%add3A_181, %add3A_798] : memref<56x64xf32, #tpu.memory_space<vmem>>[vector<16xi32>, vector<16xi32>], vector<16xf32>,
        %mul3A_808 = arith.mulf %gather3A_807, %gather3A_801 : vector<16xf32>
        %add3A_809 = arith.addf %add3A_772, %mul3A_808 : vector<16xf32>
        %gather3A_810 = arith.constant 1 : i32
        %gather3A_811 = arith.constant 0 : i32
        %gather3A_812 = arith.constant 0 : i32
        %gather3A_813 = tpu.memref_slice %arg10[%gather3A_810, %gather3A_811, %gather3A_812] : memref<4x56x64xf32, #tpu.memory_space<vmem>> -> memref<1x56x64xf32, #tpu.memory_space<vmem>>
        %gather3A_814 = tpu.memref_squeeze %gather3A_813 : memref<1x56x64xf32, #tpu.memory_space<vmem>> -> memref<56x64xf32, #tpu.memory_space<vmem>>
        %gather3A_815 = tpu.vector_load_idx %gather3A_814[%add3A_184, %add3A_798] : memref<56x64xf32, #tpu.memory_space<vmem>>[vector<16xi32>, vector<16xi32>], vector<16xf32>,
        %mul3A_816 = arith.mulf %gather3A_815, %gather3A_801 : vector<16xf32>
        %add3A_817 = arith.addf %add3A_780, %mul3A_816 : vector<16xf32>
        %gather3A_818 = arith.constant 1 : i32
        %gather3A_819 = arith.constant 0 : i32
        %gather3A_820 = arith.constant 0 : i32
        %gather3A_821 = tpu.memref_slice %arg10[%gather3A_818, %gather3A_819, %gather3A_820] : memref<4x56x64xf32, #tpu.memory_space<vmem>> -> memref<1x56x64xf32, #tpu.memory_space<vmem>>
        %gather3A_822 = tpu.memref_squeeze %gather3A_821 : memref<1x56x64xf32, #tpu.memory_space<vmem>> -> memref<56x64xf32, #tpu.memory_space<vmem>>
        %gather3A_823 = tpu.vector_load_idx %gather3A_822[%add3A_187, %add3A_798] : memref<56x64xf32, #tpu.memory_space<vmem>>[vector<16xi32>, vector<16xi32>], vector<16xf32>,
        %mul3A_824 = arith.mulf %gather3A_823, %gather3A_801 : vector<16xf32>
        %add3A_825 = arith.addf %add3A_788, %mul3A_824 : vector<16xf32>
        %gather3A_826 = arith.constant 1 : i32
        %gather3A_827 = arith.constant 0 : i32
        %gather3A_828 = arith.constant 0 : i32
        %gather3A_829 = tpu.memref_slice %arg10[%gather3A_826, %gather3A_827, %gather3A_828] : memref<4x56x64xf32, #tpu.memory_space<vmem>> -> memref<1x56x64xf32, #tpu.memory_space<vmem>>
        %gather3A_830 = tpu.memref_squeeze %gather3A_829 : memref<1x56x64xf32, #tpu.memory_space<vmem>> -> memref<56x64xf32, #tpu.memory_space<vmem>>
        %gather3A_831 = tpu.vector_load_idx %gather3A_830[%min3A_192, %add3A_798] : memref<56x64xf32, #tpu.memory_space<vmem>>[vector<16xi32>, vector<16xi32>], vector<16xf32>,
        %mul3A_832 = arith.mulf %gather3A_831, %gather3A_801 : vector<16xf32>
        %add3A_833 = arith.addf %add3A_796, %mul3A_832 : vector<16xf32>
        %add3A_834 = vector.broadcast %mul3A_464 : i32 to vector<16xi32>
        %add3A_835 = arith.addi %and3A_148, %add3A_834 : vector<16xi32>
        %broadcast_in_dim3A_836 = vector.shape_cast %and3A_148 : vector<16xi32> to vector<16x1xi32>
        %gather3A_837 = vector.shape_cast %broadcast_in_dim3A_836 : vector<16x1xi32> to vector<16xi32>
        %gather3A_838 = tpu.dynamic_gather %get3A_462[%gather3A_837] in [0] : vector<16xf32>, vector<16xi32> -> vector<16xf32>
        %gather3A_839 = arith.constant 1 : i32
        %gather3A_840 = arith.constant 0 : i32
        %gather3A_841 = arith.constant 0 : i32
        %gather3A_842 = tpu.memref_slice %arg10[%gather3A_839, %gather3A_840, %gather3A_841] : memref<4x56x64xf32, #tpu.memory_space<vmem>> -> memref<1x56x64xf32, #tpu.memory_space<vmem>>
        %gather3A_843 = tpu.memref_squeeze %gather3A_842 : memref<1x56x64xf32, #tpu.memory_space<vmem>> -> memref<56x64xf32, #tpu.memory_space<vmem>>
        %gather3A_844 = tpu.vector_load_idx %gather3A_843[%add3A_181, %add3A_835] : memref<56x64xf32, #tpu.memory_space<vmem>>[vector<16xi32>, vector<16xi32>], vector<16xf32>,
        %mul3A_845 = arith.mulf %gather3A_844, %gather3A_838 : vector<16xf32>
        %add3A_846 = arith.addf %add3A_809, %mul3A_845 : vector<16xf32>
        %gather3A_847 = arith.constant 1 : i32
        %gather3A_848 = arith.constant 0 : i32
        %gather3A_849 = arith.constant 0 : i32
        %gather3A_850 = tpu.memref_slice %arg10[%gather3A_847, %gather3A_848, %gather3A_849] : memref<4x56x64xf32, #tpu.memory_space<vmem>> -> memref<1x56x64xf32, #tpu.memory_space<vmem>>
        %gather3A_851 = tpu.memref_squeeze %gather3A_850 : memref<1x56x64xf32, #tpu.memory_space<vmem>> -> memref<56x64xf32, #tpu.memory_space<vmem>>
        %gather3A_852 = tpu.vector_load_idx %gather3A_851[%add3A_184, %add3A_835] : memref<56x64xf32, #tpu.memory_space<vmem>>[vector<16xi32>, vector<16xi32>], vector<16xf32>,
        %mul3A_853 = arith.mulf %gather3A_852, %gather3A_838 : vector<16xf32>
        %add3A_854 = arith.addf %add3A_817, %mul3A_853 : vector<16xf32>
        %gather3A_855 = arith.constant 1 : i32
        %gather3A_856 = arith.constant 0 : i32
        %gather3A_857 = arith.constant 0 : i32
        %gather3A_858 = tpu.memref_slice %arg10[%gather3A_855, %gather3A_856, %gather3A_857] : memref<4x56x64xf32, #tpu.memory_space<vmem>> -> memref<1x56x64xf32, #tpu.memory_space<vmem>>
        %gather3A_859 = tpu.memref_squeeze %gather3A_858 : memref<1x56x64xf32, #tpu.memory_space<vmem>> -> memref<56x64xf32, #tpu.memory_space<vmem>>
        %gather3A_860 = tpu.vector_load_idx %gather3A_859[%add3A_187, %add3A_835] : memref<56x64xf32, #tpu.memory_space<vmem>>[vector<16xi32>, vector<16xi32>], vector<16xf32>,
        %mul3A_861 = arith.mulf %gather3A_860, %gather3A_838 : vector<16xf32>
        %add3A_862 = arith.addf %add3A_825, %mul3A_861 : vector<16xf32>
        %gather3A_863 = arith.constant 1 : i32
        %gather3A_864 = arith.constant 0 : i32
        %gather3A_865 = arith.constant 0 : i32
        %gather3A_866 = tpu.memref_slice %arg10[%gather3A_863, %gather3A_864, %gather3A_865] : memref<4x56x64xf32, #tpu.memory_space<vmem>> -> memref<1x56x64xf32, #tpu.memory_space<vmem>>
        %gather3A_867 = tpu.memref_squeeze %gather3A_866 : memref<1x56x64xf32, #tpu.memory_space<vmem>> -> memref<56x64xf32, #tpu.memory_space<vmem>>
        %gather3A_868 = tpu.vector_load_idx %gather3A_867[%min3A_192, %add3A_835] : memref<56x64xf32, #tpu.memory_space<vmem>>[vector<16xi32>, vector<16xi32>], vector<16xf32>,
        %mul3A_869 = arith.mulf %gather3A_868, %gather3A_838 : vector<16xf32>
        %add3A_870 = arith.addf %add3A_833, %mul3A_869 : vector<16xf32>
        %add3A_871 = vector.broadcast %mul3A_464 : i32 to vector<16xi32>
        %add3A_872 = arith.addi %and3A_154, %add3A_871 : vector<16xi32>
        %broadcast_in_dim3A_873 = vector.shape_cast %and3A_154 : vector<16xi32> to vector<16x1xi32>
        %gather3A_874 = vector.shape_cast %broadcast_in_dim3A_873 : vector<16x1xi32> to vector<16xi32>
        %gather3A_875 = tpu.dynamic_gather %get3A_462[%gather3A_874] in [0] : vector<16xf32>, vector<16xi32> -> vector<16xf32>
        %gather3A_876 = arith.constant 1 : i32
        %gather3A_877 = arith.constant 0 : i32
        %gather3A_878 = arith.constant 0 : i32
        %gather3A_879 = tpu.memref_slice %arg10[%gather3A_876, %gather3A_877, %gather3A_878] : memref<4x56x64xf32, #tpu.memory_space<vmem>> -> memref<1x56x64xf32, #tpu.memory_space<vmem>>
        %gather3A_880 = tpu.memref_squeeze %gather3A_879 : memref<1x56x64xf32, #tpu.memory_space<vmem>> -> memref<56x64xf32, #tpu.memory_space<vmem>>
        %gather3A_881 = tpu.vector_load_idx %gather3A_880[%add3A_181, %add3A_872] : memref<56x64xf32, #tpu.memory_space<vmem>>[vector<16xi32>, vector<16xi32>], vector<16xf32>,
        %mul3A_882 = arith.mulf %gather3A_881, %gather3A_875 : vector<16xf32>
        %add3A_883 = arith.addf %add3A_846, %mul3A_882 : vector<16xf32>
        %gather3A_884 = arith.constant 1 : i32
        %gather3A_885 = arith.constant 0 : i32
        %gather3A_886 = arith.constant 0 : i32
        %gather3A_887 = tpu.memref_slice %arg10[%gather3A_884, %gather3A_885, %gather3A_886] : memref<4x56x64xf32, #tpu.memory_space<vmem>> -> memref<1x56x64xf32, #tpu.memory_space<vmem>>
        %gather3A_888 = tpu.memref_squeeze %gather3A_887 : memref<1x56x64xf32, #tpu.memory_space<vmem>> -> memref<56x64xf32, #tpu.memory_space<vmem>>
        %gather3A_889 = tpu.vector_load_idx %gather3A_888[%add3A_184, %add3A_872] : memref<56x64xf32, #tpu.memory_space<vmem>>[vector<16xi32>, vector<16xi32>], vector<16xf32>,
        %mul3A_890 = arith.mulf %gather3A_889, %gather3A_875 : vector<16xf32>
        %add3A_891 = arith.addf %add3A_854, %mul3A_890 : vector<16xf32>
        %gather3A_892 = arith.constant 1 : i32
        %gather3A_893 = arith.constant 0 : i32
        %gather3A_894 = arith.constant 0 : i32
        %gather3A_895 = tpu.memref_slice %arg10[%gather3A_892, %gather3A_893, %gather3A_894] : memref<4x56x64xf32, #tpu.memory_space<vmem>> -> memref<1x56x64xf32, #tpu.memory_space<vmem>>
        %gather3A_896 = tpu.memref_squeeze %gather3A_895 : memref<1x56x64xf32, #tpu.memory_space<vmem>> -> memref<56x64xf32, #tpu.memory_space<vmem>>
        %gather3A_897 = tpu.vector_load_idx %gather3A_896[%add3A_187, %add3A_872] : memref<56x64xf32, #tpu.memory_space<vmem>>[vector<16xi32>, vector<16xi32>], vector<16xf32>,
        %mul3A_898 = arith.mulf %gather3A_897, %gather3A_875 : vector<16xf32>
        %add3A_899 = arith.addf %add3A_862, %mul3A_898 : vector<16xf32>
        %gather3A_900 = arith.constant 1 : i32
        %gather3A_901 = arith.constant 0 : i32
        %gather3A_902 = arith.constant 0 : i32
        %gather3A_903 = tpu.memref_slice %arg10[%gather3A_900, %gather3A_901, %gather3A_902] : memref<4x56x64xf32, #tpu.memory_space<vmem>> -> memref<1x56x64xf32, #tpu.memory_space<vmem>>
        %gather3A_904 = tpu.memref_squeeze %gather3A_903 : memref<1x56x64xf32, #tpu.memory_space<vmem>> -> memref<56x64xf32, #tpu.memory_space<vmem>>
        %gather3A_905 = tpu.vector_load_idx %gather3A_904[%min3A_192, %add3A_872] : memref<56x64xf32, #tpu.memory_space<vmem>>[vector<16xi32>, vector<16xi32>], vector<16xf32>,
        %mul3A_906 = arith.mulf %gather3A_905, %gather3A_875 : vector<16xf32>
        %add3A_907 = arith.addf %add3A_870, %mul3A_906 : vector<16xf32>
        %add3A_908 = vector.broadcast %mul3A_464 : i32 to vector<16xi32>
        %add3A_909 = arith.addi %and3A_160, %add3A_908 : vector<16xi32>
        %broadcast_in_dim3A_910 = vector.shape_cast %and3A_160 : vector<16xi32> to vector<16x1xi32>
        %gather3A_911 = vector.shape_cast %broadcast_in_dim3A_910 : vector<16x1xi32> to vector<16xi32>
        %gather3A_912 = tpu.dynamic_gather %get3A_462[%gather3A_911] in [0] : vector<16xf32>, vector<16xi32> -> vector<16xf32>
        %gather3A_913 = arith.constant 1 : i32
        %gather3A_914 = arith.constant 0 : i32
        %gather3A_915 = arith.constant 0 : i32
        %gather3A_916 = tpu.memref_slice %arg10[%gather3A_913, %gather3A_914, %gather3A_915] : memref<4x56x64xf32, #tpu.memory_space<vmem>> -> memref<1x56x64xf32, #tpu.memory_space<vmem>>
        %gather3A_917 = tpu.memref_squeeze %gather3A_916 : memref<1x56x64xf32, #tpu.memory_space<vmem>> -> memref<56x64xf32, #tpu.memory_space<vmem>>
        %gather3A_918 = tpu.vector_load_idx %gather3A_917[%add3A_181, %add3A_909] : memref<56x64xf32, #tpu.memory_space<vmem>>[vector<16xi32>, vector<16xi32>], vector<16xf32>,
        %mul3A_919 = arith.mulf %gather3A_918, %gather3A_912 : vector<16xf32>
        %add3A_920 = arith.addf %add3A_883, %mul3A_919 : vector<16xf32>
        %gather3A_921 = arith.constant 1 : i32
        %gather3A_922 = arith.constant 0 : i32
        %gather3A_923 = arith.constant 0 : i32
        %gather3A_924 = tpu.memref_slice %arg10[%gather3A_921, %gather3A_922, %gather3A_923] : memref<4x56x64xf32, #tpu.memory_space<vmem>> -> memref<1x56x64xf32, #tpu.memory_space<vmem>>
        %gather3A_925 = tpu.memref_squeeze %gather3A_924 : memref<1x56x64xf32, #tpu.memory_space<vmem>> -> memref<56x64xf32, #tpu.memory_space<vmem>>
        %gather3A_926 = tpu.vector_load_idx %gather3A_925[%add3A_184, %add3A_909] : memref<56x64xf32, #tpu.memory_space<vmem>>[vector<16xi32>, vector<16xi32>], vector<16xf32>,
        %mul3A_927 = arith.mulf %gather3A_926, %gather3A_912 : vector<16xf32>
        %add3A_928 = arith.addf %add3A_891, %mul3A_927 : vector<16xf32>
        %gather3A_929 = arith.constant 1 : i32
        %gather3A_930 = arith.constant 0 : i32
        %gather3A_931 = arith.constant 0 : i32
        %gather3A_932 = tpu.memref_slice %arg10[%gather3A_929, %gather3A_930, %gather3A_931] : memref<4x56x64xf32, #tpu.memory_space<vmem>> -> memref<1x56x64xf32, #tpu.memory_space<vmem>>
        %gather3A_933 = tpu.memref_squeeze %gather3A_932 : memref<1x56x64xf32, #tpu.memory_space<vmem>> -> memref<56x64xf32, #tpu.memory_space<vmem>>
        %gather3A_934 = tpu.vector_load_idx %gather3A_933[%add3A_187, %add3A_909] : memref<56x64xf32, #tpu.memory_space<vmem>>[vector<16xi32>, vector<16xi32>], vector<16xf32>,
        %mul3A_935 = arith.mulf %gather3A_934, %gather3A_912 : vector<16xf32>
        %add3A_936 = arith.addf %add3A_899, %mul3A_935 : vector<16xf32>
        %gather3A_937 = arith.constant 1 : i32
        %gather3A_938 = arith.constant 0 : i32
        %gather3A_939 = arith.constant 0 : i32
        %gather3A_940 = tpu.memref_slice %arg10[%gather3A_937, %gather3A_938, %gather3A_939] : memref<4x56x64xf32, #tpu.memory_space<vmem>> -> memref<1x56x64xf32, #tpu.memory_space<vmem>>
        %gather3A_941 = tpu.memref_squeeze %gather3A_940 : memref<1x56x64xf32, #tpu.memory_space<vmem>> -> memref<56x64xf32, #tpu.memory_space<vmem>>
        %gather3A_942 = tpu.vector_load_idx %gather3A_941[%min3A_192, %add3A_909] : memref<56x64xf32, #tpu.memory_space<vmem>>[vector<16xi32>, vector<16xi32>], vector<16xf32>,
        %mul3A_943 = arith.mulf %gather3A_942, %gather3A_912 : vector<16xf32>
        %add3A_944 = arith.addf %add3A_907, %mul3A_943 : vector<16xf32>
        %add3A_945 = vector.broadcast %mul3A_464 : i32 to vector<16xi32>
        %add3A_946 = arith.addi %and3A_166, %add3A_945 : vector<16xi32>
        %broadcast_in_dim3A_947 = vector.shape_cast %and3A_166 : vector<16xi32> to vector<16x1xi32>
        %gather3A_948 = vector.shape_cast %broadcast_in_dim3A_947 : vector<16x1xi32> to vector<16xi32>
        %gather3A_949 = tpu.dynamic_gather %get3A_462[%gather3A_948] in [0] : vector<16xf32>, vector<16xi32> -> vector<16xf32>
        %gather3A_950 = arith.constant 1 : i32
        %gather3A_951 = arith.constant 0 : i32
        %gather3A_952 = arith.constant 0 : i32
        %gather3A_953 = tpu.memref_slice %arg10[%gather3A_950, %gather3A_951, %gather3A_952] : memref<4x56x64xf32, #tpu.memory_space<vmem>> -> memref<1x56x64xf32, #tpu.memory_space<vmem>>
        %gather3A_954 = tpu.memref_squeeze %gather3A_953 : memref<1x56x64xf32, #tpu.memory_space<vmem>> -> memref<56x64xf32, #tpu.memory_space<vmem>>
        %gather3A_955 = tpu.vector_load_idx %gather3A_954[%add3A_181, %add3A_946] : memref<56x64xf32, #tpu.memory_space<vmem>>[vector<16xi32>, vector<16xi32>], vector<16xf32>,
        %mul3A_956 = arith.mulf %gather3A_955, %gather3A_949 : vector<16xf32>
        %add3A_957 = arith.addf %add3A_920, %mul3A_956 : vector<16xf32>
        %gather3A_958 = arith.constant 1 : i32
        %gather3A_959 = arith.constant 0 : i32
        %gather3A_960 = arith.constant 0 : i32
        %gather3A_961 = tpu.memref_slice %arg10[%gather3A_958, %gather3A_959, %gather3A_960] : memref<4x56x64xf32, #tpu.memory_space<vmem>> -> memref<1x56x64xf32, #tpu.memory_space<vmem>>
        %gather3A_962 = tpu.memref_squeeze %gather3A_961 : memref<1x56x64xf32, #tpu.memory_space<vmem>> -> memref<56x64xf32, #tpu.memory_space<vmem>>
        %gather3A_963 = tpu.vector_load_idx %gather3A_962[%add3A_184, %add3A_946] : memref<56x64xf32, #tpu.memory_space<vmem>>[vector<16xi32>, vector<16xi32>], vector<16xf32>,
        %mul3A_964 = arith.mulf %gather3A_963, %gather3A_949 : vector<16xf32>
        %add3A_965 = arith.addf %add3A_928, %mul3A_964 : vector<16xf32>
        %gather3A_966 = arith.constant 1 : i32
        %gather3A_967 = arith.constant 0 : i32
        %gather3A_968 = arith.constant 0 : i32
        %gather3A_969 = tpu.memref_slice %arg10[%gather3A_966, %gather3A_967, %gather3A_968] : memref<4x56x64xf32, #tpu.memory_space<vmem>> -> memref<1x56x64xf32, #tpu.memory_space<vmem>>
        %gather3A_970 = tpu.memref_squeeze %gather3A_969 : memref<1x56x64xf32, #tpu.memory_space<vmem>> -> memref<56x64xf32, #tpu.memory_space<vmem>>
        %gather3A_971 = tpu.vector_load_idx %gather3A_970[%add3A_187, %add3A_946] : memref<56x64xf32, #tpu.memory_space<vmem>>[vector<16xi32>, vector<16xi32>], vector<16xf32>,
        %mul3A_972 = arith.mulf %gather3A_971, %gather3A_949 : vector<16xf32>
        %add3A_973 = arith.addf %add3A_936, %mul3A_972 : vector<16xf32>
        %gather3A_974 = arith.constant 1 : i32
        %gather3A_975 = arith.constant 0 : i32
        %gather3A_976 = arith.constant 0 : i32
        %gather3A_977 = tpu.memref_slice %arg10[%gather3A_974, %gather3A_975, %gather3A_976] : memref<4x56x64xf32, #tpu.memory_space<vmem>> -> memref<1x56x64xf32, #tpu.memory_space<vmem>>
        %gather3A_978 = tpu.memref_squeeze %gather3A_977 : memref<1x56x64xf32, #tpu.memory_space<vmem>> -> memref<56x64xf32, #tpu.memory_space<vmem>>
        %gather3A_979 = tpu.vector_load_idx %gather3A_978[%min3A_192, %add3A_946] : memref<56x64xf32, #tpu.memory_space<vmem>>[vector<16xi32>, vector<16xi32>], vector<16xf32>,
        %mul3A_980 = arith.mulf %gather3A_979, %gather3A_949 : vector<16xf32>
        %add3A_981 = arith.addf %add3A_944, %mul3A_980 : vector<16xf32>
        %add3A_982 = vector.broadcast %mul3A_464 : i32 to vector<16xi32>
        %add3A_983 = arith.addi %and3A_172, %add3A_982 : vector<16xi32>
        %broadcast_in_dim3A_984 = vector.shape_cast %and3A_172 : vector<16xi32> to vector<16x1xi32>
        %gather3A_985 = vector.shape_cast %broadcast_in_dim3A_984 : vector<16x1xi32> to vector<16xi32>
        %gather3A_986 = tpu.dynamic_gather %get3A_462[%gather3A_985] in [0] : vector<16xf32>, vector<16xi32> -> vector<16xf32>
        %gather3A_987 = arith.constant 1 : i32
        %gather3A_988 = arith.constant 0 : i32
        %gather3A_989 = arith.constant 0 : i32
        %gather3A_990 = tpu.memref_slice %arg10[%gather3A_987, %gather3A_988, %gather3A_989] : memref<4x56x64xf32, #tpu.memory_space<vmem>> -> memref<1x56x64xf32, #tpu.memory_space<vmem>>
        %gather3A_991 = tpu.memref_squeeze %gather3A_990 : memref<1x56x64xf32, #tpu.memory_space<vmem>> -> memref<56x64xf32, #tpu.memory_space<vmem>>
        %gather3A_992 = tpu.vector_load_idx %gather3A_991[%add3A_181, %add3A_983] : memref<56x64xf32, #tpu.memory_space<vmem>>[vector<16xi32>, vector<16xi32>], vector<16xf32>,
        %mul3A_993 = arith.mulf %gather3A_992, %gather3A_986 : vector<16xf32>
        %add3A_994 = arith.addf %add3A_957, %mul3A_993 : vector<16xf32>
        %gather3A_995 = arith.constant 1 : i32
        %gather3A_996 = arith.constant 0 : i32
        %gather3A_997 = arith.constant 0 : i32
        %gather3A_998 = tpu.memref_slice %arg10[%gather3A_995, %gather3A_996, %gather3A_997] : memref<4x56x64xf32, #tpu.memory_space<vmem>> -> memref<1x56x64xf32, #tpu.memory_space<vmem>>
        %gather3A_999 = tpu.memref_squeeze %gather3A_998 : memref<1x56x64xf32, #tpu.memory_space<vmem>> -> memref<56x64xf32, #tpu.memory_space<vmem>>
        %gather3A_1000 = tpu.vector_load_idx %gather3A_999[%add3A_184, %add3A_983] : memref<56x64xf32, #tpu.memory_space<vmem>>[vector<16xi32>, vector<16xi32>], vector<16xf32>,
        %mul3A_1001 = arith.mulf %gather3A_1000, %gather3A_986 : vector<16xf32>
        %add3A_1002 = arith.addf %add3A_965, %mul3A_1001 : vector<16xf32>
        %gather3A_1003 = arith.constant 1 : i32
        %gather3A_1004 = arith.constant 0 : i32
        %gather3A_1005 = arith.constant 0 : i32
        %gather3A_1006 = tpu.memref_slice %arg10[%gather3A_1003, %gather3A_1004, %gather3A_1005] : memref<4x56x64xf32, #tpu.memory_space<vmem>> -> memref<1x56x64xf32, #tpu.memory_space<vmem>>
        %gather3A_1007 = tpu.memref_squeeze %gather3A_1006 : memref<1x56x64xf32, #tpu.memory_space<vmem>> -> memref<56x64xf32, #tpu.memory_space<vmem>>
        %gather3A_1008 = tpu.vector_load_idx %gather3A_1007[%add3A_187, %add3A_983] : memref<56x64xf32, #tpu.memory_space<vmem>>[vector<16xi32>, vector<16xi32>], vector<16xf32>,
        %mul3A_1009 = arith.mulf %gather3A_1008, %gather3A_986 : vector<16xf32>
        %add3A_1010 = arith.addf %add3A_973, %mul3A_1009 : vector<16xf32>
        %gather3A_1011 = arith.constant 1 : i32
        %gather3A_1012 = arith.constant 0 : i32
        %gather3A_1013 = arith.constant 0 : i32
        %gather3A_1014 = tpu.memref_slice %arg10[%gather3A_1011, %gather3A_1012, %gather3A_1013] : memref<4x56x64xf32, #tpu.memory_space<vmem>> -> memref<1x56x64xf32, #tpu.memory_space<vmem>>
        %gather3A_1015 = tpu.memref_squeeze %gather3A_1014 : memref<1x56x64xf32, #tpu.memory_space<vmem>> -> memref<56x64xf32, #tpu.memory_space<vmem>>
        %gather3A_1016 = tpu.vector_load_idx %gather3A_1015[%min3A_192, %add3A_983] : memref<56x64xf32, #tpu.memory_space<vmem>>[vector<16xi32>, vector<16xi32>], vector<16xf32>,
        %mul3A_1017 = arith.mulf %gather3A_1016, %gather3A_986 : vector<16xf32>
        %add3A_1018 = arith.addf %add3A_981, %mul3A_1017 : vector<16xf32>
        %add3A_1019 = vector.broadcast %mul3A_464 : i32 to vector<16xi32>
        %add3A_1020 = arith.addi %and3A_178, %add3A_1019 : vector<16xi32>
        %broadcast_in_dim3A_1021 = vector.shape_cast %and3A_178 : vector<16xi32> to vector<16x1xi32>
        %gather3A_1022 = vector.shape_cast %broadcast_in_dim3A_1021 : vector<16x1xi32> to vector<16xi32>
        %gather3A_1023 = tpu.dynamic_gather %get3A_462[%gather3A_1022] in [0] : vector<16xf32>, vector<16xi32> -> vector<16xf32>
        %gather3A_1024 = arith.constant 1 : i32
        %gather3A_1025 = arith.constant 0 : i32
        %gather3A_1026 = arith.constant 0 : i32
        %gather3A_1027 = tpu.memref_slice %arg10[%gather3A_1024, %gather3A_1025, %gather3A_1026] : memref<4x56x64xf32, #tpu.memory_space<vmem>> -> memref<1x56x64xf32, #tpu.memory_space<vmem>>
        %gather3A_1028 = tpu.memref_squeeze %gather3A_1027 : memref<1x56x64xf32, #tpu.memory_space<vmem>> -> memref<56x64xf32, #tpu.memory_space<vmem>>
        %gather3A_1029 = tpu.vector_load_idx %gather3A_1028[%add3A_181, %add3A_1020] : memref<56x64xf32, #tpu.memory_space<vmem>>[vector<16xi32>, vector<16xi32>], vector<16xf32>,
        %mul3A_1030 = arith.mulf %gather3A_1029, %gather3A_1023 : vector<16xf32>
        %add3A_1031 = arith.addf %add3A_994, %mul3A_1030 : vector<16xf32>
        %gather3A_1032 = arith.constant 1 : i32
        %gather3A_1033 = arith.constant 0 : i32
        %gather3A_1034 = arith.constant 0 : i32
        %gather3A_1035 = tpu.memref_slice %arg10[%gather3A_1032, %gather3A_1033, %gather3A_1034] : memref<4x56x64xf32, #tpu.memory_space<vmem>> -> memref<1x56x64xf32, #tpu.memory_space<vmem>>
        %gather3A_1036 = tpu.memref_squeeze %gather3A_1035 : memref<1x56x64xf32, #tpu.memory_space<vmem>> -> memref<56x64xf32, #tpu.memory_space<vmem>>
        %gather3A_1037 = tpu.vector_load_idx %gather3A_1036[%add3A_184, %add3A_1020] : memref<56x64xf32, #tpu.memory_space<vmem>>[vector<16xi32>, vector<16xi32>], vector<16xf32>,
        %mul3A_1038 = arith.mulf %gather3A_1037, %gather3A_1023 : vector<16xf32>
        %add3A_1039 = arith.addf %add3A_1002, %mul3A_1038 : vector<16xf32>
        %gather3A_1040 = arith.constant 1 : i32
        %gather3A_1041 = arith.constant 0 : i32
        %gather3A_1042 = arith.constant 0 : i32
        %gather3A_1043 = tpu.memref_slice %arg10[%gather3A_1040, %gather3A_1041, %gather3A_1042] : memref<4x56x64xf32, #tpu.memory_space<vmem>> -> memref<1x56x64xf32, #tpu.memory_space<vmem>>
        %gather3A_1044 = tpu.memref_squeeze %gather3A_1043 : memref<1x56x64xf32, #tpu.memory_space<vmem>> -> memref<56x64xf32, #tpu.memory_space<vmem>>
        %gather3A_1045 = tpu.vector_load_idx %gather3A_1044[%add3A_187, %add3A_1020] : memref<56x64xf32, #tpu.memory_space<vmem>>[vector<16xi32>, vector<16xi32>], vector<16xf32>,
        %mul3A_1046 = arith.mulf %gather3A_1045, %gather3A_1023 : vector<16xf32>
        %add3A_1047 = arith.addf %add3A_1010, %mul3A_1046 : vector<16xf32>
        %gather3A_1048 = arith.constant 1 : i32
        %gather3A_1049 = arith.constant 0 : i32
        %gather3A_1050 = arith.constant 0 : i32
        %gather3A_1051 = tpu.memref_slice %arg10[%gather3A_1048, %gather3A_1049, %gather3A_1050] : memref<4x56x64xf32, #tpu.memory_space<vmem>> -> memref<1x56x64xf32, #tpu.memory_space<vmem>>
        %gather3A_1052 = tpu.memref_squeeze %gather3A_1051 : memref<1x56x64xf32, #tpu.memory_space<vmem>> -> memref<56x64xf32, #tpu.memory_space<vmem>>
        %gather3A_1053 = tpu.vector_load_idx %gather3A_1052[%min3A_192, %add3A_1020] : memref<56x64xf32, #tpu.memory_space<vmem>>[vector<16xi32>, vector<16xi32>], vector<16xf32>,
        %mul3A_1054 = arith.mulf %gather3A_1053, %gather3A_1023 : vector<16xf32>
        %add3A_1055 = arith.addf %add3A_1018, %mul3A_1054 : vector<16xf32>
        scf.yield %add3A_1031, %add3A_1039, %add3A_1047, %add3A_1055 : vector<16xf32>, vector<16xf32>, vector<16xf32>, vector<16xf32>
      }
      %scan3A_330 = arith.constant 4 : i32
      %broadcast_in_dim3A_331 = vector.broadcast %add3A_305 : i32 to vector<16xi32>
      %add3A_332 = arith.constant 0 : i32
      %add3A_333 = vector.broadcast %add3A_332 : i32 to vector<16xi32>
      %add3A_334 = arith.addi %add3A_333, %iota3A : vector<16xi32>
      tpu.vector_store_idx %arg11[%broadcast_in_dim3A_331, %broadcast_in_dim3A_1, %add3A_334], %scan3A_329#0 : memref<512x1x50xf32, #tpu.memory_space<vmem>>[vector<16xi32>, vector<16xi32>, vector<16xi32>], vector<16xf32>,
      %add3A_335 = arith.constant 16 : i32
      %add3A_336 = vector.broadcast %add3A_335 : i32 to vector<16xi32>
      %add3A_337 = arith.addi %add3A_336, %iota3A : vector<16xi32>
      tpu.vector_store_idx %arg11[%broadcast_in_dim3A_331, %broadcast_in_dim3A_1, %add3A_337], %scan3A_329#1 : memref<512x1x50xf32, #tpu.memory_space<vmem>>[vector<16xi32>, vector<16xi32>, vector<16xi32>], vector<16xf32>,
      %add3A_338 = arith.constant 32 : i32
      %add3A_339 = vector.broadcast %add3A_338 : i32 to vector<16xi32>
      %add3A_340 = arith.addi %add3A_339, %iota3A : vector<16xi32>
      tpu.vector_store_idx %arg11[%broadcast_in_dim3A_331, %broadcast_in_dim3A_1, %add3A_340], %scan3A_329#2 : memref<512x1x50xf32, #tpu.memory_space<vmem>>[vector<16xi32>, vector<16xi32>, vector<16xi32>], vector<16xf32>,
      %add3A_341 = arith.constant 48 : i32
      %add3A_342 = vector.broadcast %add3A_341 : i32 to vector<16xi32>
      %add3A_343 = arith.addi %add3A_342, %iota3A : vector<16xi32>
      %min3A_344 = arith.constant 49 : i32
      %min3A_345 = vector.broadcast %min3A_344 : i32 to vector<16xi32>
      %min3A_346 = arith.minsi %add3A_343, %min3A_345 : vector<16xi32>
      tpu.vector_store_idx %arg11[%broadcast_in_dim3A_331, %broadcast_in_dim3A_1, %min3A_346], %scan3A_329#3 masked %lt3A_197 : memref<512x1x50xf32, #tpu.memory_space<vmem>>[vector<16xi32>, vector<16xi32>, vector<16xi32>], vector<16xf32>, vector<16xi1>
      %add3A_347 = arith.constant 4 : i32
      %add3A_348 = arith.addi %add3A_305, %add3A_347 : i32
      %lt3A_349 = arith.constant 512 : i32
      %lt3A_350 = arith.cmpi slt, %add3A_348, %lt3A_349 : i32
      %convert_element_type3A_351 = arith.extui %lt3A_350 : i1 to i32
      %cond3A_352 = arith.constant 0 : i32
      %cond3A_353 = arith.cmpi ne, %convert_element_type3A_351, %cond3A_352 : i32
      scf.if %cond3A_353 {
        %add3A_454 = arith.constant 4 : i32
        %add3A_455 = arith.addi %add3A_305, %add3A_454 : i32
        %dma_start3A_456 = arith.constant 1 : i32
        %dma_start3A_457 = arith.constant 0 : i32
        %dma_start3A_458 = arith.constant 0 : i32
        %dma_start3A_459 = tpu.memref_slice %arg10[%dma_start3A_456, %dma_start3A_457, %dma_start3A_458] : memref<4x56x64xf32, #tpu.memory_space<vmem>> -> memref<1x56x64xf32, #tpu.memory_space<vmem>>
        %dma_start3A_460 = tpu.memref_squeeze %dma_start3A_459 : memref<1x56x64xf32, #tpu.memory_space<vmem>> -> memref<56x64xf32, #tpu.memory_space<vmem>>
        %dma_start3A_461 = arith.constant 0 : i32
        %dma_start3A_462 = tpu.memref_slice %arg7[%add3A_455, %dma_start3A_461] : memref<512x56xi32, #tpu.memory_space<vmem>> -> memref<1x56xi32, #tpu.memory_space<vmem>>
        %dma_start3A_463 = tpu.memref_squeeze %dma_start3A_462 : memref<1x56xi32, #tpu.memory_space<vmem>> -> memref<56xi32, #tpu.memory_space<vmem>>
        %dma_start3A_464 = arith.constant 0 : i32
        %dma_start3A_465 = arith.constant 0 : i32
        %dma_start3A_466 = tpu.memref_slice %arg4[%dma_start3A_464, %dma_start3A_465] : memref<1000000x64xf32, #tpu.memory_space<hbm>> -> memref<1000000x64xf32, #tpu.memory_space<hbm>>
        tpu.enqueue_indirect_dma source(%dma_start3A_466 : memref<1000000x64xf32, #tpu.memory_space<hbm>>) target(%dma_start3A_460 : memref<56x64xf32, #tpu.memory_space<vmem>>) offsets(%dma_start3A_463 : memref<56xi32, #tpu.memory_space<vmem>>) semaphore(%arg14 : memref<!tpu.dma_semaphore, #tpu.memory_space<semaphore_mem>>)
      } else {
      }
      %add3A_354 = arith.constant 2 : i32
      %add3A_355 = arith.addi %mul3A_255, %add3A_354 : i32
      %dma_wait3A_356 = arith.constant 2 : i32
      %dma_wait3A_357 = arith.constant 0 : i32
      %dma_wait3A_358 = arith.constant 0 : i32
      %dma_wait3A_359 = tpu.memref_slice %arg10[%dma_wait3A_356, %dma_wait3A_357, %dma_wait3A_358] : memref<4x56x64xf32, #tpu.memory_space<vmem>> -> memref<1x56x64xf32, #tpu.memory_space<vmem>>
      %dma_wait3A_360 = tpu.memref_squeeze %dma_wait3A_359 : memref<1x56x64xf32, #tpu.memory_space<vmem>> -> memref<56x64xf32, #tpu.memory_space<vmem>>
      %dma_wait3A_361 = arith.constant 0 : i32
      %dma_wait3A_362 = tpu.memref_slice %arg7[%add3A_355, %dma_wait3A_361] : memref<512x56xi32, #tpu.memory_space<vmem>> -> memref<1x56xi32, #tpu.memory_space<vmem>>
      %dma_wait3A_363 = tpu.memref_squeeze %dma_wait3A_362 : memref<1x56xi32, #tpu.memory_space<vmem>> -> memref<56xi32, #tpu.memory_space<vmem>>
      %dma_wait3A_364 = arith.constant 0 : i32
      %dma_wait3A_365 = arith.constant 0 : i32
      %dma_wait3A_366 = tpu.memref_slice %arg4[%dma_wait3A_364, %dma_wait3A_365] : memref<1000000x64xf32, #tpu.memory_space<hbm>> -> memref<1000000x64xf32, #tpu.memory_space<hbm>>
      tpu.wait_indirect_dma semaphore(%arg15 : memref<!tpu.dma_semaphore, #tpu.memory_space<semaphore_mem>>) src(%dma_wait3A_366 : memref<1000000x64xf32, #tpu.memory_space<hbm>>) dst(%dma_wait3A_360 : memref<56x64xf32, #tpu.memory_space<vmem>>)
      %broadcast_in_dim3A_367 = arith.constant 0.000000e+00 : f32
      %broadcast_in_dim3A_368 = vector.broadcast %broadcast_in_dim3A_367 : f32 to vector<16xf32>
      %broadcast_in_dim3A_369 = arith.constant 0.000000e+00 : f32
      %broadcast_in_dim3A_370 = vector.broadcast %broadcast_in_dim3A_369 : f32 to vector<16xf32>
      %broadcast_in_dim3A_371 = arith.constant 0.000000e+00 : f32
      %broadcast_in_dim3A_372 = vector.broadcast %broadcast_in_dim3A_371 : f32 to vector<16xf32>
      %broadcast_in_dim3A_373 = arith.constant 0.000000e+00 : f32
      %broadcast_in_dim3A_374 = vector.broadcast %broadcast_in_dim3A_373 : f32 to vector<16xf32>
      %scan3A_375 = arith.constant 0 : i32
      %scan3A_376 = arith.constant 4 : i32
      %scan3A_377 = arith.addi %scan3A_375, %scan3A_376 : i32
      %scan3A_378 = arith.constant 1 : i32
      %scan3A_379:4 = scf.for %scan3A_454 = %scan3A_375 to %scan3A_377 step %scan3A_378 iter_args(%scan3A_455 = %broadcast_in_dim3A_368, %scan3A_456 = %broadcast_in_dim3A_370, %scan3A_457 = %broadcast_in_dim3A_372, %scan3A_458 = %broadcast_in_dim3A_374) -> (vector<16xf32>, vector<16xf32>, vector<16xf32>, vector<16xf32>)  : i32 {
        %mul3A_459 = arith.constant 16 : i32
        %mul3A_460 = arith.muli %scan3A_454, %mul3A_459 : i32
        %get3A = arith.index_cast %add3A_355 : i32 to index
        %get3A_461 = arith.index_cast %mul3A_460 : i32 to index
        %get3A_462 = tpu.vector_load %arg9[%get3A, %get3A_461] {strides = array<i32>} : memref<512x64xf32, #tpu.memory_space<vmem>>, vector<16xf32>,
        %mul3A_463 = arith.constant 16 : i32
        %mul3A_464 = arith.muli %scan3A_454, %mul3A_463 : i32
        %add3A_465 = vector.broadcast %mul3A_464 : i32 to vector<16xi32>
        %add3A_466 = arith.addi %and3A_88, %add3A_465 : vector<16xi32>
        %broadcast_in_dim3A_467 = vector.shape_cast %and3A_88 : vector<16xi32> to vector<16x1xi32>
        %gather3A = vector.shape_cast %broadcast_in_dim3A_467 : vector<16x1xi32> to vector<16xi32>
        %gather3A_468 = tpu.dynamic_gather %get3A_462[%gather3A] in [0] : vector<16xf32>, vector<16xi32> -> vector<16xf32>
        %gather3A_469 = arith.constant 2 : i32
        %gather3A_470 = arith.constant 0 : i32
        %gather3A_471 = arith.constant 0 : i32
        %gather3A_472 = tpu.memref_slice %arg10[%gather3A_469, %gather3A_470, %gather3A_471] : memref<4x56x64xf32, #tpu.memory_space<vmem>> -> memref<1x56x64xf32, #tpu.memory_space<vmem>>
        %gather3A_473 = tpu.memref_squeeze %gather3A_472 : memref<1x56x64xf32, #tpu.memory_space<vmem>> -> memref<56x64xf32, #tpu.memory_space<vmem>>
        %gather3A_474 = tpu.vector_load_idx %gather3A_473[%add3A_181, %add3A_466] : memref<56x64xf32, #tpu.memory_space<vmem>>[vector<16xi32>, vector<16xi32>], vector<16xf32>,
        %mul3A_475 = arith.mulf %gather3A_474, %gather3A_468 : vector<16xf32>
        %add3A_476 = arith.addf %scan3A_455, %mul3A_475 : vector<16xf32>
        %gather3A_477 = arith.constant 2 : i32
        %gather3A_478 = arith.constant 0 : i32
        %gather3A_479 = arith.constant 0 : i32
        %gather3A_480 = tpu.memref_slice %arg10[%gather3A_477, %gather3A_478, %gather3A_479] : memref<4x56x64xf32, #tpu.memory_space<vmem>> -> memref<1x56x64xf32, #tpu.memory_space<vmem>>
        %gather3A_481 = tpu.memref_squeeze %gather3A_480 : memref<1x56x64xf32, #tpu.memory_space<vmem>> -> memref<56x64xf32, #tpu.memory_space<vmem>>
        %gather3A_482 = tpu.vector_load_idx %gather3A_481[%add3A_184, %add3A_466] : memref<56x64xf32, #tpu.memory_space<vmem>>[vector<16xi32>, vector<16xi32>], vector<16xf32>,
        %mul3A_483 = arith.mulf %gather3A_482, %gather3A_468 : vector<16xf32>
        %add3A_484 = arith.addf %scan3A_456, %mul3A_483 : vector<16xf32>
        %gather3A_485 = arith.constant 2 : i32
        %gather3A_486 = arith.constant 0 : i32
        %gather3A_487 = arith.constant 0 : i32
        %gather3A_488 = tpu.memref_slice %arg10[%gather3A_485, %gather3A_486, %gather3A_487] : memref<4x56x64xf32, #tpu.memory_space<vmem>> -> memref<1x56x64xf32, #tpu.memory_space<vmem>>
        %gather3A_489 = tpu.memref_squeeze %gather3A_488 : memref<1x56x64xf32, #tpu.memory_space<vmem>> -> memref<56x64xf32, #tpu.memory_space<vmem>>
        %gather3A_490 = tpu.vector_load_idx %gather3A_489[%add3A_187, %add3A_466] : memref<56x64xf32, #tpu.memory_space<vmem>>[vector<16xi32>, vector<16xi32>], vector<16xf32>,
        %mul3A_491 = arith.mulf %gather3A_490, %gather3A_468 : vector<16xf32>
        %add3A_492 = arith.addf %scan3A_457, %mul3A_491 : vector<16xf32>
        %gather3A_493 = arith.constant 2 : i32
        %gather3A_494 = arith.constant 0 : i32
        %gather3A_495 = arith.constant 0 : i32
        %gather3A_496 = tpu.memref_slice %arg10[%gather3A_493, %gather3A_494, %gather3A_495] : memref<4x56x64xf32, #tpu.memory_space<vmem>> -> memref<1x56x64xf32, #tpu.memory_space<vmem>>
        %gather3A_497 = tpu.memref_squeeze %gather3A_496 : memref<1x56x64xf32, #tpu.memory_space<vmem>> -> memref<56x64xf32, #tpu.memory_space<vmem>>
        %gather3A_498 = tpu.vector_load_idx %gather3A_497[%min3A_192, %add3A_466] : memref<56x64xf32, #tpu.memory_space<vmem>>[vector<16xi32>, vector<16xi32>], vector<16xf32>,
        %mul3A_499 = arith.mulf %gather3A_498, %gather3A_468 : vector<16xf32>
        %add3A_500 = arith.addf %scan3A_458, %mul3A_499 : vector<16xf32>
        %add3A_501 = vector.broadcast %mul3A_464 : i32 to vector<16xi32>
        %add3A_502 = arith.addi %and3A_94, %add3A_501 : vector<16xi32>
        %broadcast_in_dim3A_503 = vector.shape_cast %and3A_94 : vector<16xi32> to vector<16x1xi32>
        %gather3A_504 = vector.shape_cast %broadcast_in_dim3A_503 : vector<16x1xi32> to vector<16xi32>
        %gather3A_505 = tpu.dynamic_gather %get3A_462[%gather3A_504] in [0] : vector<16xf32>, vector<16xi32> -> vector<16xf32>
        %gather3A_506 = arith.constant 2 : i32
        %gather3A_507 = arith.constant 0 : i32
        %gather3A_508 = arith.constant 0 : i32
        %gather3A_509 = tpu.memref_slice %arg10[%gather3A_506, %gather3A_507, %gather3A_508] : memref<4x56x64xf32, #tpu.memory_space<vmem>> -> memref<1x56x64xf32, #tpu.memory_space<vmem>>
        %gather3A_510 = tpu.memref_squeeze %gather3A_509 : memref<1x56x64xf32, #tpu.memory_space<vmem>> -> memref<56x64xf32, #tpu.memory_space<vmem>>
        %gather3A_511 = tpu.vector_load_idx %gather3A_510[%add3A_181, %add3A_502] : memref<56x64xf32, #tpu.memory_space<vmem>>[vector<16xi32>, vector<16xi32>], vector<16xf32>,
        %mul3A_512 = arith.mulf %gather3A_511, %gather3A_505 : vector<16xf32>
        %add3A_513 = arith.addf %add3A_476, %mul3A_512 : vector<16xf32>
        %gather3A_514 = arith.constant 2 : i32
        %gather3A_515 = arith.constant 0 : i32
        %gather3A_516 = arith.constant 0 : i32
        %gather3A_517 = tpu.memref_slice %arg10[%gather3A_514, %gather3A_515, %gather3A_516] : memref<4x56x64xf32, #tpu.memory_space<vmem>> -> memref<1x56x64xf32, #tpu.memory_space<vmem>>
        %gather3A_518 = tpu.memref_squeeze %gather3A_517 : memref<1x56x64xf32, #tpu.memory_space<vmem>> -> memref<56x64xf32, #tpu.memory_space<vmem>>
        %gather3A_519 = tpu.vector_load_idx %gather3A_518[%add3A_184, %add3A_502] : memref<56x64xf32, #tpu.memory_space<vmem>>[vector<16xi32>, vector<16xi32>], vector<16xf32>,
        %mul3A_520 = arith.mulf %gather3A_519, %gather3A_505 : vector<16xf32>
        %add3A_521 = arith.addf %add3A_484, %mul3A_520 : vector<16xf32>
        %gather3A_522 = arith.constant 2 : i32
        %gather3A_523 = arith.constant 0 : i32
        %gather3A_524 = arith.constant 0 : i32
        %gather3A_525 = tpu.memref_slice %arg10[%gather3A_522, %gather3A_523, %gather3A_524] : memref<4x56x64xf32, #tpu.memory_space<vmem>> -> memref<1x56x64xf32, #tpu.memory_space<vmem>>
        %gather3A_526 = tpu.memref_squeeze %gather3A_525 : memref<1x56x64xf32, #tpu.memory_space<vmem>> -> memref<56x64xf32, #tpu.memory_space<vmem>>
        %gather3A_527 = tpu.vector_load_idx %gather3A_526[%add3A_187, %add3A_502] : memref<56x64xf32, #tpu.memory_space<vmem>>[vector<16xi32>, vector<16xi32>], vector<16xf32>,
        %mul3A_528 = arith.mulf %gather3A_527, %gather3A_505 : vector<16xf32>
        %add3A_529 = arith.addf %add3A_492, %mul3A_528 : vector<16xf32>
        %gather3A_530 = arith.constant 2 : i32
        %gather3A_531 = arith.constant 0 : i32
        %gather3A_532 = arith.constant 0 : i32
        %gather3A_533 = tpu.memref_slice %arg10[%gather3A_530, %gather3A_531, %gather3A_532] : memref<4x56x64xf32, #tpu.memory_space<vmem>> -> memref<1x56x64xf32, #tpu.memory_space<vmem>>
        %gather3A_534 = tpu.memref_squeeze %gather3A_533 : memref<1x56x64xf32, #tpu.memory_space<vmem>> -> memref<56x64xf32, #tpu.memory_space<vmem>>
        %gather3A_535 = tpu.vector_load_idx %gather3A_534[%min3A_192, %add3A_502] : memref<56x64xf32, #tpu.memory_space<vmem>>[vector<16xi32>, vector<16xi32>], vector<16xf32>,
        %mul3A_536 = arith.mulf %gather3A_535, %gather3A_505 : vector<16xf32>
        %add3A_537 = arith.addf %add3A_500, %mul3A_536 : vector<16xf32>
        %add3A_538 = vector.broadcast %mul3A_464 : i32 to vector<16xi32>
        %add3A_539 = arith.addi %and3A_100, %add3A_538 : vector<16xi32>
        %broadcast_in_dim3A_540 = vector.shape_cast %and3A_100 : vector<16xi32> to vector<16x1xi32>
        %gather3A_541 = vector.shape_cast %broadcast_in_dim3A_540 : vector<16x1xi32> to vector<16xi32>
        %gather3A_542 = tpu.dynamic_gather %get3A_462[%gather3A_541] in [0] : vector<16xf32>, vector<16xi32> -> vector<16xf32>
        %gather3A_543 = arith.constant 2 : i32
        %gather3A_544 = arith.constant 0 : i32
        %gather3A_545 = arith.constant 0 : i32
        %gather3A_546 = tpu.memref_slice %arg10[%gather3A_543, %gather3A_544, %gather3A_545] : memref<4x56x64xf32, #tpu.memory_space<vmem>> -> memref<1x56x64xf32, #tpu.memory_space<vmem>>
        %gather3A_547 = tpu.memref_squeeze %gather3A_546 : memref<1x56x64xf32, #tpu.memory_space<vmem>> -> memref<56x64xf32, #tpu.memory_space<vmem>>
        %gather3A_548 = tpu.vector_load_idx %gather3A_547[%add3A_181, %add3A_539] : memref<56x64xf32, #tpu.memory_space<vmem>>[vector<16xi32>, vector<16xi32>], vector<16xf32>,
        %mul3A_549 = arith.mulf %gather3A_548, %gather3A_542 : vector<16xf32>
        %add3A_550 = arith.addf %add3A_513, %mul3A_549 : vector<16xf32>
        %gather3A_551 = arith.constant 2 : i32
        %gather3A_552 = arith.constant 0 : i32
        %gather3A_553 = arith.constant 0 : i32
        %gather3A_554 = tpu.memref_slice %arg10[%gather3A_551, %gather3A_552, %gather3A_553] : memref<4x56x64xf32, #tpu.memory_space<vmem>> -> memref<1x56x64xf32, #tpu.memory_space<vmem>>
        %gather3A_555 = tpu.memref_squeeze %gather3A_554 : memref<1x56x64xf32, #tpu.memory_space<vmem>> -> memref<56x64xf32, #tpu.memory_space<vmem>>
        %gather3A_556 = tpu.vector_load_idx %gather3A_555[%add3A_184, %add3A_539] : memref<56x64xf32, #tpu.memory_space<vmem>>[vector<16xi32>, vector<16xi32>], vector<16xf32>,
        %mul3A_557 = arith.mulf %gather3A_556, %gather3A_542 : vector<16xf32>
        %add3A_558 = arith.addf %add3A_521, %mul3A_557 : vector<16xf32>
        %gather3A_559 = arith.constant 2 : i32
        %gather3A_560 = arith.constant 0 : i32
        %gather3A_561 = arith.constant 0 : i32
        %gather3A_562 = tpu.memref_slice %arg10[%gather3A_559, %gather3A_560, %gather3A_561] : memref<4x56x64xf32, #tpu.memory_space<vmem>> -> memref<1x56x64xf32, #tpu.memory_space<vmem>>
        %gather3A_563 = tpu.memref_squeeze %gather3A_562 : memref<1x56x64xf32, #tpu.memory_space<vmem>> -> memref<56x64xf32, #tpu.memory_space<vmem>>
        %gather3A_564 = tpu.vector_load_idx %gather3A_563[%add3A_187, %add3A_539] : memref<56x64xf32, #tpu.memory_space<vmem>>[vector<16xi32>, vector<16xi32>], vector<16xf32>,
        %mul3A_565 = arith.mulf %gather3A_564, %gather3A_542 : vector<16xf32>
        %add3A_566 = arith.addf %add3A_529, %mul3A_565 : vector<16xf32>
        %gather3A_567 = arith.constant 2 : i32
        %gather3A_568 = arith.constant 0 : i32
        %gather3A_569 = arith.constant 0 : i32
        %gather3A_570 = tpu.memref_slice %arg10[%gather3A_567, %gather3A_568, %gather3A_569] : memref<4x56x64xf32, #tpu.memory_space<vmem>> -> memref<1x56x64xf32, #tpu.memory_space<vmem>>
        %gather3A_571 = tpu.memref_squeeze %gather3A_570 : memref<1x56x64xf32, #tpu.memory_space<vmem>> -> memref<56x64xf32, #tpu.memory_space<vmem>>
        %gather3A_572 = tpu.vector_load_idx %gather3A_571[%min3A_192, %add3A_539] : memref<56x64xf32, #tpu.memory_space<vmem>>[vector<16xi32>, vector<16xi32>], vector<16xf32>,
        %mul3A_573 = arith.mulf %gather3A_572, %gather3A_542 : vector<16xf32>
        %add3A_574 = arith.addf %add3A_537, %mul3A_573 : vector<16xf32>
        %add3A_575 = vector.broadcast %mul3A_464 : i32 to vector<16xi32>
        %add3A_576 = arith.addi %and3A_106, %add3A_575 : vector<16xi32>
        %broadcast_in_dim3A_577 = vector.shape_cast %and3A_106 : vector<16xi32> to vector<16x1xi32>
        %gather3A_578 = vector.shape_cast %broadcast_in_dim3A_577 : vector<16x1xi32> to vector<16xi32>
        %gather3A_579 = tpu.dynamic_gather %get3A_462[%gather3A_578] in [0] : vector<16xf32>, vector<16xi32> -> vector<16xf32>
        %gather3A_580 = arith.constant 2 : i32
        %gather3A_581 = arith.constant 0 : i32
        %gather3A_582 = arith.constant 0 : i32
        %gather3A_583 = tpu.memref_slice %arg10[%gather3A_580, %gather3A_581, %gather3A_582] : memref<4x56x64xf32, #tpu.memory_space<vmem>> -> memref<1x56x64xf32, #tpu.memory_space<vmem>>
        %gather3A_584 = tpu.memref_squeeze %gather3A_583 : memref<1x56x64xf32, #tpu.memory_space<vmem>> -> memref<56x64xf32, #tpu.memory_space<vmem>>
        %gather3A_585 = tpu.vector_load_idx %gather3A_584[%add3A_181, %add3A_576] : memref<56x64xf32, #tpu.memory_space<vmem>>[vector<16xi32>, vector<16xi32>], vector<16xf32>,
        %mul3A_586 = arith.mulf %gather3A_585, %gather3A_579 : vector<16xf32>
        %add3A_587 = arith.addf %add3A_550, %mul3A_586 : vector<16xf32>
        %gather3A_588 = arith.constant 2 : i32
        %gather3A_589 = arith.constant 0 : i32
        %gather3A_590 = arith.constant 0 : i32
        %gather3A_591 = tpu.memref_slice %arg10[%gather3A_588, %gather3A_589, %gather3A_590] : memref<4x56x64xf32, #tpu.memory_space<vmem>> -> memref<1x56x64xf32, #tpu.memory_space<vmem>>
        %gather3A_592 = tpu.memref_squeeze %gather3A_591 : memref<1x56x64xf32, #tpu.memory_space<vmem>> -> memref<56x64xf32, #tpu.memory_space<vmem>>
        %gather3A_593 = tpu.vector_load_idx %gather3A_592[%add3A_184, %add3A_576] : memref<56x64xf32, #tpu.memory_space<vmem>>[vector<16xi32>, vector<16xi32>], vector<16xf32>,
        %mul3A_594 = arith.mulf %gather3A_593, %gather3A_579 : vector<16xf32>
        %add3A_595 = arith.addf %add3A_558, %mul3A_594 : vector<16xf32>
        %gather3A_596 = arith.constant 2 : i32
        %gather3A_597 = arith.constant 0 : i32
        %gather3A_598 = arith.constant 0 : i32
        %gather3A_599 = tpu.memref_slice %arg10[%gather3A_596, %gather3A_597, %gather3A_598] : memref<4x56x64xf32, #tpu.memory_space<vmem>> -> memref<1x56x64xf32, #tpu.memory_space<vmem>>
        %gather3A_600 = tpu.memref_squeeze %gather3A_599 : memref<1x56x64xf32, #tpu.memory_space<vmem>> -> memref<56x64xf32, #tpu.memory_space<vmem>>
        %gather3A_601 = tpu.vector_load_idx %gather3A_600[%add3A_187, %add3A_576] : memref<56x64xf32, #tpu.memory_space<vmem>>[vector<16xi32>, vector<16xi32>], vector<16xf32>,
        %mul3A_602 = arith.mulf %gather3A_601, %gather3A_579 : vector<16xf32>
        %add3A_603 = arith.addf %add3A_566, %mul3A_602 : vector<16xf32>
        %gather3A_604 = arith.constant 2 : i32
        %gather3A_605 = arith.constant 0 : i32
        %gather3A_606 = arith.constant 0 : i32
        %gather3A_607 = tpu.memref_slice %arg10[%gather3A_604, %gather3A_605, %gather3A_606] : memref<4x56x64xf32, #tpu.memory_space<vmem>> -> memref<1x56x64xf32, #tpu.memory_space<vmem>>
        %gather3A_608 = tpu.memref_squeeze %gather3A_607 : memref<1x56x64xf32, #tpu.memory_space<vmem>> -> memref<56x64xf32, #tpu.memory_space<vmem>>
        %gather3A_609 = tpu.vector_load_idx %gather3A_608[%min3A_192, %add3A_576] : memref<56x64xf32, #tpu.memory_space<vmem>>[vector<16xi32>, vector<16xi32>], vector<16xf32>,
        %mul3A_610 = arith.mulf %gather3A_609, %gather3A_579 : vector<16xf32>
        %add3A_611 = arith.addf %add3A_574, %mul3A_610 : vector<16xf32>
        %add3A_612 = vector.broadcast %mul3A_464 : i32 to vector<16xi32>
        %add3A_613 = arith.addi %and3A_112, %add3A_612 : vector<16xi32>
        %broadcast_in_dim3A_614 = vector.shape_cast %and3A_112 : vector<16xi32> to vector<16x1xi32>
        %gather3A_615 = vector.shape_cast %broadcast_in_dim3A_614 : vector<16x1xi32> to vector<16xi32>
        %gather3A_616 = tpu.dynamic_gather %get3A_462[%gather3A_615] in [0] : vector<16xf32>, vector<16xi32> -> vector<16xf32>
        %gather3A_617 = arith.constant 2 : i32
        %gather3A_618 = arith.constant 0 : i32
        %gather3A_619 = arith.constant 0 : i32
        %gather3A_620 = tpu.memref_slice %arg10[%gather3A_617, %gather3A_618, %gather3A_619] : memref<4x56x64xf32, #tpu.memory_space<vmem>> -> memref<1x56x64xf32, #tpu.memory_space<vmem>>
        %gather3A_621 = tpu.memref_squeeze %gather3A_620 : memref<1x56x64xf32, #tpu.memory_space<vmem>> -> memref<56x64xf32, #tpu.memory_space<vmem>>
        %gather3A_622 = tpu.vector_load_idx %gather3A_621[%add3A_181, %add3A_613] : memref<56x64xf32, #tpu.memory_space<vmem>>[vector<16xi32>, vector<16xi32>], vector<16xf32>,
        %mul3A_623 = arith.mulf %gather3A_622, %gather3A_616 : vector<16xf32>
        %add3A_624 = arith.addf %add3A_587, %mul3A_623 : vector<16xf32>
        %gather3A_625 = arith.constant 2 : i32
        %gather3A_626 = arith.constant 0 : i32
        %gather3A_627 = arith.constant 0 : i32
        %gather3A_628 = tpu.memref_slice %arg10[%gather3A_625, %gather3A_626, %gather3A_627] : memref<4x56x64xf32, #tpu.memory_space<vmem>> -> memref<1x56x64xf32, #tpu.memory_space<vmem>>
        %gather3A_629 = tpu.memref_squeeze %gather3A_628 : memref<1x56x64xf32, #tpu.memory_space<vmem>> -> memref<56x64xf32, #tpu.memory_space<vmem>>
        %gather3A_630 = tpu.vector_load_idx %gather3A_629[%add3A_184, %add3A_613] : memref<56x64xf32, #tpu.memory_space<vmem>>[vector<16xi32>, vector<16xi32>], vector<16xf32>,
        %mul3A_631 = arith.mulf %gather3A_630, %gather3A_616 : vector<16xf32>
        %add3A_632 = arith.addf %add3A_595, %mul3A_631 : vector<16xf32>
        %gather3A_633 = arith.constant 2 : i32
        %gather3A_634 = arith.constant 0 : i32
        %gather3A_635 = arith.constant 0 : i32
        %gather3A_636 = tpu.memref_slice %arg10[%gather3A_633, %gather3A_634, %gather3A_635] : memref<4x56x64xf32, #tpu.memory_space<vmem>> -> memref<1x56x64xf32, #tpu.memory_space<vmem>>
        %gather3A_637 = tpu.memref_squeeze %gather3A_636 : memref<1x56x64xf32, #tpu.memory_space<vmem>> -> memref<56x64xf32, #tpu.memory_space<vmem>>
        %gather3A_638 = tpu.vector_load_idx %gather3A_637[%add3A_187, %add3A_613] : memref<56x64xf32, #tpu.memory_space<vmem>>[vector<16xi32>, vector<16xi32>], vector<16xf32>,
        %mul3A_639 = arith.mulf %gather3A_638, %gather3A_616 : vector<16xf32>
        %add3A_640 = arith.addf %add3A_603, %mul3A_639 : vector<16xf32>
        %gather3A_641 = arith.constant 2 : i32
        %gather3A_642 = arith.constant 0 : i32
        %gather3A_643 = arith.constant 0 : i32
        %gather3A_644 = tpu.memref_slice %arg10[%gather3A_641, %gather3A_642, %gather3A_643] : memref<4x56x64xf32, #tpu.memory_space<vmem>> -> memref<1x56x64xf32, #tpu.memory_space<vmem>>
        %gather3A_645 = tpu.memref_squeeze %gather3A_644 : memref<1x56x64xf32, #tpu.memory_space<vmem>> -> memref<56x64xf32, #tpu.memory_space<vmem>>
        %gather3A_646 = tpu.vector_load_idx %gather3A_645[%min3A_192, %add3A_613] : memref<56x64xf32, #tpu.memory_space<vmem>>[vector<16xi32>, vector<16xi32>], vector<16xf32>,
        %mul3A_647 = arith.mulf %gather3A_646, %gather3A_616 : vector<16xf32>
        %add3A_648 = arith.addf %add3A_611, %mul3A_647 : vector<16xf32>
        %add3A_649 = vector.broadcast %mul3A_464 : i32 to vector<16xi32>
        %add3A_650 = arith.addi %and3A_118, %add3A_649 : vector<16xi32>
        %broadcast_in_dim3A_651 = vector.shape_cast %and3A_118 : vector<16xi32> to vector<16x1xi32>
        %gather3A_652 = vector.shape_cast %broadcast_in_dim3A_651 : vector<16x1xi32> to vector<16xi32>
        %gather3A_653 = tpu.dynamic_gather %get3A_462[%gather3A_652] in [0] : vector<16xf32>, vector<16xi32> -> vector<16xf32>
        %gather3A_654 = arith.constant 2 : i32
        %gather3A_655 = arith.constant 0 : i32
        %gather3A_656 = arith.constant 0 : i32
        %gather3A_657 = tpu.memref_slice %arg10[%gather3A_654, %gather3A_655, %gather3A_656] : memref<4x56x64xf32, #tpu.memory_space<vmem>> -> memref<1x56x64xf32, #tpu.memory_space<vmem>>
        %gather3A_658 = tpu.memref_squeeze %gather3A_657 : memref<1x56x64xf32, #tpu.memory_space<vmem>> -> memref<56x64xf32, #tpu.memory_space<vmem>>
        %gather3A_659 = tpu.vector_load_idx %gather3A_658[%add3A_181, %add3A_650] : memref<56x64xf32, #tpu.memory_space<vmem>>[vector<16xi32>, vector<16xi32>], vector<16xf32>,
        %mul3A_660 = arith.mulf %gather3A_659, %gather3A_653 : vector<16xf32>
        %add3A_661 = arith.addf %add3A_624, %mul3A_660 : vector<16xf32>
        %gather3A_662 = arith.constant 2 : i32
        %gather3A_663 = arith.constant 0 : i32
        %gather3A_664 = arith.constant 0 : i32
        %gather3A_665 = tpu.memref_slice %arg10[%gather3A_662, %gather3A_663, %gather3A_664] : memref<4x56x64xf32, #tpu.memory_space<vmem>> -> memref<1x56x64xf32, #tpu.memory_space<vmem>>
        %gather3A_666 = tpu.memref_squeeze %gather3A_665 : memref<1x56x64xf32, #tpu.memory_space<vmem>> -> memref<56x64xf32, #tpu.memory_space<vmem>>
        %gather3A_667 = tpu.vector_load_idx %gather3A_666[%add3A_184, %add3A_650] : memref<56x64xf32, #tpu.memory_space<vmem>>[vector<16xi32>, vector<16xi32>], vector<16xf32>,
        %mul3A_668 = arith.mulf %gather3A_667, %gather3A_653 : vector<16xf32>
        %add3A_669 = arith.addf %add3A_632, %mul3A_668 : vector<16xf32>
        %gather3A_670 = arith.constant 2 : i32
        %gather3A_671 = arith.constant 0 : i32
        %gather3A_672 = arith.constant 0 : i32
        %gather3A_673 = tpu.memref_slice %arg10[%gather3A_670, %gather3A_671, %gather3A_672] : memref<4x56x64xf32, #tpu.memory_space<vmem>> -> memref<1x56x64xf32, #tpu.memory_space<vmem>>
        %gather3A_674 = tpu.memref_squeeze %gather3A_673 : memref<1x56x64xf32, #tpu.memory_space<vmem>> -> memref<56x64xf32, #tpu.memory_space<vmem>>
        %gather3A_675 = tpu.vector_load_idx %gather3A_674[%add3A_187, %add3A_650] : memref<56x64xf32, #tpu.memory_space<vmem>>[vector<16xi32>, vector<16xi32>], vector<16xf32>,
        %mul3A_676 = arith.mulf %gather3A_675, %gather3A_653 : vector<16xf32>
        %add3A_677 = arith.addf %add3A_640, %mul3A_676 : vector<16xf32>
        %gather3A_678 = arith.constant 2 : i32
        %gather3A_679 = arith.constant 0 : i32
        %gather3A_680 = arith.constant 0 : i32
        %gather3A_681 = tpu.memref_slice %arg10[%gather3A_678, %gather3A_679, %gather3A_680] : memref<4x56x64xf32, #tpu.memory_space<vmem>> -> memref<1x56x64xf32, #tpu.memory_space<vmem>>
        %gather3A_682 = tpu.memref_squeeze %gather3A_681 : memref<1x56x64xf32, #tpu.memory_space<vmem>> -> memref<56x64xf32, #tpu.memory_space<vmem>>
        %gather3A_683 = tpu.vector_load_idx %gather3A_682[%min3A_192, %add3A_650] : memref<56x64xf32, #tpu.memory_space<vmem>>[vector<16xi32>, vector<16xi32>], vector<16xf32>,
        %mul3A_684 = arith.mulf %gather3A_683, %gather3A_653 : vector<16xf32>
        %add3A_685 = arith.addf %add3A_648, %mul3A_684 : vector<16xf32>
        %add3A_686 = vector.broadcast %mul3A_464 : i32 to vector<16xi32>
        %add3A_687 = arith.addi %and3A_124, %add3A_686 : vector<16xi32>
        %broadcast_in_dim3A_688 = vector.shape_cast %and3A_124 : vector<16xi32> to vector<16x1xi32>
        %gather3A_689 = vector.shape_cast %broadcast_in_dim3A_688 : vector<16x1xi32> to vector<16xi32>
        %gather3A_690 = tpu.dynamic_gather %get3A_462[%gather3A_689] in [0] : vector<16xf32>, vector<16xi32> -> vector<16xf32>
        %gather3A_691 = arith.constant 2 : i32
        %gather3A_692 = arith.constant 0 : i32
        %gather3A_693 = arith.constant 0 : i32
        %gather3A_694 = tpu.memref_slice %arg10[%gather3A_691, %gather3A_692, %gather3A_693] : memref<4x56x64xf32, #tpu.memory_space<vmem>> -> memref<1x56x64xf32, #tpu.memory_space<vmem>>
        %gather3A_695 = tpu.memref_squeeze %gather3A_694 : memref<1x56x64xf32, #tpu.memory_space<vmem>> -> memref<56x64xf32, #tpu.memory_space<vmem>>
        %gather3A_696 = tpu.vector_load_idx %gather3A_695[%add3A_181, %add3A_687] : memref<56x64xf32, #tpu.memory_space<vmem>>[vector<16xi32>, vector<16xi32>], vector<16xf32>,
        %mul3A_697 = arith.mulf %gather3A_696, %gather3A_690 : vector<16xf32>
        %add3A_698 = arith.addf %add3A_661, %mul3A_697 : vector<16xf32>
        %gather3A_699 = arith.constant 2 : i32
        %gather3A_700 = arith.constant 0 : i32
        %gather3A_701 = arith.constant 0 : i32
        %gather3A_702 = tpu.memref_slice %arg10[%gather3A_699, %gather3A_700, %gather3A_701] : memref<4x56x64xf32, #tpu.memory_space<vmem>> -> memref<1x56x64xf32, #tpu.memory_space<vmem>>
        %gather3A_703 = tpu.memref_squeeze %gather3A_702 : memref<1x56x64xf32, #tpu.memory_space<vmem>> -> memref<56x64xf32, #tpu.memory_space<vmem>>
        %gather3A_704 = tpu.vector_load_idx %gather3A_703[%add3A_184, %add3A_687] : memref<56x64xf32, #tpu.memory_space<vmem>>[vector<16xi32>, vector<16xi32>], vector<16xf32>,
        %mul3A_705 = arith.mulf %gather3A_704, %gather3A_690 : vector<16xf32>
        %add3A_706 = arith.addf %add3A_669, %mul3A_705 : vector<16xf32>
        %gather3A_707 = arith.constant 2 : i32
        %gather3A_708 = arith.constant 0 : i32
        %gather3A_709 = arith.constant 0 : i32
        %gather3A_710 = tpu.memref_slice %arg10[%gather3A_707, %gather3A_708, %gather3A_709] : memref<4x56x64xf32, #tpu.memory_space<vmem>> -> memref<1x56x64xf32, #tpu.memory_space<vmem>>
        %gather3A_711 = tpu.memref_squeeze %gather3A_710 : memref<1x56x64xf32, #tpu.memory_space<vmem>> -> memref<56x64xf32, #tpu.memory_space<vmem>>
        %gather3A_712 = tpu.vector_load_idx %gather3A_711[%add3A_187, %add3A_687] : memref<56x64xf32, #tpu.memory_space<vmem>>[vector<16xi32>, vector<16xi32>], vector<16xf32>,
        %mul3A_713 = arith.mulf %gather3A_712, %gather3A_690 : vector<16xf32>
        %add3A_714 = arith.addf %add3A_677, %mul3A_713 : vector<16xf32>
        %gather3A_715 = arith.constant 2 : i32
        %gather3A_716 = arith.constant 0 : i32
        %gather3A_717 = arith.constant 0 : i32
        %gather3A_718 = tpu.memref_slice %arg10[%gather3A_715, %gather3A_716, %gather3A_717] : memref<4x56x64xf32, #tpu.memory_space<vmem>> -> memref<1x56x64xf32, #tpu.memory_space<vmem>>
        %gather3A_719 = tpu.memref_squeeze %gather3A_718 : memref<1x56x64xf32, #tpu.memory_space<vmem>> -> memref<56x64xf32, #tpu.memory_space<vmem>>
        %gather3A_720 = tpu.vector_load_idx %gather3A_719[%min3A_192, %add3A_687] : memref<56x64xf32, #tpu.memory_space<vmem>>[vector<16xi32>, vector<16xi32>], vector<16xf32>,
        %mul3A_721 = arith.mulf %gather3A_720, %gather3A_690 : vector<16xf32>
        %add3A_722 = arith.addf %add3A_685, %mul3A_721 : vector<16xf32>
        %add3A_723 = vector.broadcast %mul3A_464 : i32 to vector<16xi32>
        %add3A_724 = arith.addi %and3A_130, %add3A_723 : vector<16xi32>
        %broadcast_in_dim3A_725 = vector.shape_cast %and3A_130 : vector<16xi32> to vector<16x1xi32>
        %gather3A_726 = vector.shape_cast %broadcast_in_dim3A_725 : vector<16x1xi32> to vector<16xi32>
        %gather3A_727 = tpu.dynamic_gather %get3A_462[%gather3A_726] in [0] : vector<16xf32>, vector<16xi32> -> vector<16xf32>
        %gather3A_728 = arith.constant 2 : i32
        %gather3A_729 = arith.constant 0 : i32
        %gather3A_730 = arith.constant 0 : i32
        %gather3A_731 = tpu.memref_slice %arg10[%gather3A_728, %gather3A_729, %gather3A_730] : memref<4x56x64xf32, #tpu.memory_space<vmem>> -> memref<1x56x64xf32, #tpu.memory_space<vmem>>
        %gather3A_732 = tpu.memref_squeeze %gather3A_731 : memref<1x56x64xf32, #tpu.memory_space<vmem>> -> memref<56x64xf32, #tpu.memory_space<vmem>>
        %gather3A_733 = tpu.vector_load_idx %gather3A_732[%add3A_181, %add3A_724] : memref<56x64xf32, #tpu.memory_space<vmem>>[vector<16xi32>, vector<16xi32>], vector<16xf32>,
        %mul3A_734 = arith.mulf %gather3A_733, %gather3A_727 : vector<16xf32>
        %add3A_735 = arith.addf %add3A_698, %mul3A_734 : vector<16xf32>
        %gather3A_736 = arith.constant 2 : i32
        %gather3A_737 = arith.constant 0 : i32
        %gather3A_738 = arith.constant 0 : i32
        %gather3A_739 = tpu.memref_slice %arg10[%gather3A_736, %gather3A_737, %gather3A_738] : memref<4x56x64xf32, #tpu.memory_space<vmem>> -> memref<1x56x64xf32, #tpu.memory_space<vmem>>
        %gather3A_740 = tpu.memref_squeeze %gather3A_739 : memref<1x56x64xf32, #tpu.memory_space<vmem>> -> memref<56x64xf32, #tpu.memory_space<vmem>>
        %gather3A_741 = tpu.vector_load_idx %gather3A_740[%add3A_184, %add3A_724] : memref<56x64xf32, #tpu.memory_space<vmem>>[vector<16xi32>, vector<16xi32>], vector<16xf32>,
        %mul3A_742 = arith.mulf %gather3A_741, %gather3A_727 : vector<16xf32>
        %add3A_743 = arith.addf %add3A_706, %mul3A_742 : vector<16xf32>
        %gather3A_744 = arith.constant 2 : i32
        %gather3A_745 = arith.constant 0 : i32
        %gather3A_746 = arith.constant 0 : i32
        %gather3A_747 = tpu.memref_slice %arg10[%gather3A_744, %gather3A_745, %gather3A_746] : memref<4x56x64xf32, #tpu.memory_space<vmem>> -> memref<1x56x64xf32, #tpu.memory_space<vmem>>
        %gather3A_748 = tpu.memref_squeeze %gather3A_747 : memref<1x56x64xf32, #tpu.memory_space<vmem>> -> memref<56x64xf32, #tpu.memory_space<vmem>>
        %gather3A_749 = tpu.vector_load_idx %gather3A_748[%add3A_187, %add3A_724] : memref<56x64xf32, #tpu.memory_space<vmem>>[vector<16xi32>, vector<16xi32>], vector<16xf32>,
        %mul3A_750 = arith.mulf %gather3A_749, %gather3A_727 : vector<16xf32>
        %add3A_751 = arith.addf %add3A_714, %mul3A_750 : vector<16xf32>
        %gather3A_752 = arith.constant 2 : i32
        %gather3A_753 = arith.constant 0 : i32
        %gather3A_754 = arith.constant 0 : i32
        %gather3A_755 = tpu.memref_slice %arg10[%gather3A_752, %gather3A_753, %gather3A_754] : memref<4x56x64xf32, #tpu.memory_space<vmem>> -> memref<1x56x64xf32, #tpu.memory_space<vmem>>
        %gather3A_756 = tpu.memref_squeeze %gather3A_755 : memref<1x56x64xf32, #tpu.memory_space<vmem>> -> memref<56x64xf32, #tpu.memory_space<vmem>>
        %gather3A_757 = tpu.vector_load_idx %gather3A_756[%min3A_192, %add3A_724] : memref<56x64xf32, #tpu.memory_space<vmem>>[vector<16xi32>, vector<16xi32>], vector<16xf32>,
        %mul3A_758 = arith.mulf %gather3A_757, %gather3A_727 : vector<16xf32>
        %add3A_759 = arith.addf %add3A_722, %mul3A_758 : vector<16xf32>
        %add3A_760 = vector.broadcast %mul3A_464 : i32 to vector<16xi32>
        %add3A_761 = arith.addi %and3A_136, %add3A_760 : vector<16xi32>
        %broadcast_in_dim3A_762 = vector.shape_cast %and3A_136 : vector<16xi32> to vector<16x1xi32>
        %gather3A_763 = vector.shape_cast %broadcast_in_dim3A_762 : vector<16x1xi32> to vector<16xi32>
        %gather3A_764 = tpu.dynamic_gather %get3A_462[%gather3A_763] in [0] : vector<16xf32>, vector<16xi32> -> vector<16xf32>
        %gather3A_765 = arith.constant 2 : i32
        %gather3A_766 = arith.constant 0 : i32
        %gather3A_767 = arith.constant 0 : i32
        %gather3A_768 = tpu.memref_slice %arg10[%gather3A_765, %gather3A_766, %gather3A_767] : memref<4x56x64xf32, #tpu.memory_space<vmem>> -> memref<1x56x64xf32, #tpu.memory_space<vmem>>
        %gather3A_769 = tpu.memref_squeeze %gather3A_768 : memref<1x56x64xf32, #tpu.memory_space<vmem>> -> memref<56x64xf32, #tpu.memory_space<vmem>>
        %gather3A_770 = tpu.vector_load_idx %gather3A_769[%add3A_181, %add3A_761] : memref<56x64xf32, #tpu.memory_space<vmem>>[vector<16xi32>, vector<16xi32>], vector<16xf32>,
        %mul3A_771 = arith.mulf %gather3A_770, %gather3A_764 : vector<16xf32>
        %add3A_772 = arith.addf %add3A_735, %mul3A_771 : vector<16xf32>
        %gather3A_773 = arith.constant 2 : i32
        %gather3A_774 = arith.constant 0 : i32
        %gather3A_775 = arith.constant 0 : i32
        %gather3A_776 = tpu.memref_slice %arg10[%gather3A_773, %gather3A_774, %gather3A_775] : memref<4x56x64xf32, #tpu.memory_space<vmem>> -> memref<1x56x64xf32, #tpu.memory_space<vmem>>
        %gather3A_777 = tpu.memref_squeeze %gather3A_776 : memref<1x56x64xf32, #tpu.memory_space<vmem>> -> memref<56x64xf32, #tpu.memory_space<vmem>>
        %gather3A_778 = tpu.vector_load_idx %gather3A_777[%add3A_184, %add3A_761] : memref<56x64xf32, #tpu.memory_space<vmem>>[vector<16xi32>, vector<16xi32>], vector<16xf32>,
        %mul3A_779 = arith.mulf %gather3A_778, %gather3A_764 : vector<16xf32>
        %add3A_780 = arith.addf %add3A_743, %mul3A_779 : vector<16xf32>
        %gather3A_781 = arith.constant 2 : i32
        %gather3A_782 = arith.constant 0 : i32
        %gather3A_783 = arith.constant 0 : i32
        %gather3A_784 = tpu.memref_slice %arg10[%gather3A_781, %gather3A_782, %gather3A_783] : memref<4x56x64xf32, #tpu.memory_space<vmem>> -> memref<1x56x64xf32, #tpu.memory_space<vmem>>
        %gather3A_785 = tpu.memref_squeeze %gather3A_784 : memref<1x56x64xf32, #tpu.memory_space<vmem>> -> memref<56x64xf32, #tpu.memory_space<vmem>>
        %gather3A_786 = tpu.vector_load_idx %gather3A_785[%add3A_187, %add3A_761] : memref<56x64xf32, #tpu.memory_space<vmem>>[vector<16xi32>, vector<16xi32>], vector<16xf32>,
        %mul3A_787 = arith.mulf %gather3A_786, %gather3A_764 : vector<16xf32>
        %add3A_788 = arith.addf %add3A_751, %mul3A_787 : vector<16xf32>
        %gather3A_789 = arith.constant 2 : i32
        %gather3A_790 = arith.constant 0 : i32
        %gather3A_791 = arith.constant 0 : i32
        %gather3A_792 = tpu.memref_slice %arg10[%gather3A_789, %gather3A_790, %gather3A_791] : memref<4x56x64xf32, #tpu.memory_space<vmem>> -> memref<1x56x64xf32, #tpu.memory_space<vmem>>
        %gather3A_793 = tpu.memref_squeeze %gather3A_792 : memref<1x56x64xf32, #tpu.memory_space<vmem>> -> memref<56x64xf32, #tpu.memory_space<vmem>>
        %gather3A_794 = tpu.vector_load_idx %gather3A_793[%min3A_192, %add3A_761] : memref<56x64xf32, #tpu.memory_space<vmem>>[vector<16xi32>, vector<16xi32>], vector<16xf32>,
        %mul3A_795 = arith.mulf %gather3A_794, %gather3A_764 : vector<16xf32>
        %add3A_796 = arith.addf %add3A_759, %mul3A_795 : vector<16xf32>
        %add3A_797 = vector.broadcast %mul3A_464 : i32 to vector<16xi32>
        %add3A_798 = arith.addi %and3A_142, %add3A_797 : vector<16xi32>
        %broadcast_in_dim3A_799 = vector.shape_cast %and3A_142 : vector<16xi32> to vector<16x1xi32>
        %gather3A_800 = vector.shape_cast %broadcast_in_dim3A_799 : vector<16x1xi32> to vector<16xi32>
        %gather3A_801 = tpu.dynamic_gather %get3A_462[%gather3A_800] in [0] : vector<16xf32>, vector<16xi32> -> vector<16xf32>
        %gather3A_802 = arith.constant 2 : i32
        %gather3A_803 = arith.constant 0 : i32
        %gather3A_804 = arith.constant 0 : i32
        %gather3A_805 = tpu.memref_slice %arg10[%gather3A_802, %gather3A_803, %gather3A_804] : memref<4x56x64xf32, #tpu.memory_space<vmem>> -> memref<1x56x64xf32, #tpu.memory_space<vmem>>
        %gather3A_806 = tpu.memref_squeeze %gather3A_805 : memref<1x56x64xf32, #tpu.memory_space<vmem>> -> memref<56x64xf32, #tpu.memory_space<vmem>>
        %gather3A_807 = tpu.vector_load_idx %gather3A_806[%add3A_181, %add3A_798] : memref<56x64xf32, #tpu.memory_space<vmem>>[vector<16xi32>, vector<16xi32>], vector<16xf32>,
        %mul3A_808 = arith.mulf %gather3A_807, %gather3A_801 : vector<16xf32>
        %add3A_809 = arith.addf %add3A_772, %mul3A_808 : vector<16xf32>
        %gather3A_810 = arith.constant 2 : i32
        %gather3A_811 = arith.constant 0 : i32
        %gather3A_812 = arith.constant 0 : i32
        %gather3A_813 = tpu.memref_slice %arg10[%gather3A_810, %gather3A_811, %gather3A_812] : memref<4x56x64xf32, #tpu.memory_space<vmem>> -> memref<1x56x64xf32, #tpu.memory_space<vmem>>
        %gather3A_814 = tpu.memref_squeeze %gather3A_813 : memref<1x56x64xf32, #tpu.memory_space<vmem>> -> memref<56x64xf32, #tpu.memory_space<vmem>>
        %gather3A_815 = tpu.vector_load_idx %gather3A_814[%add3A_184, %add3A_798] : memref<56x64xf32, #tpu.memory_space<vmem>>[vector<16xi32>, vector<16xi32>], vector<16xf32>,
        %mul3A_816 = arith.mulf %gather3A_815, %gather3A_801 : vector<16xf32>
        %add3A_817 = arith.addf %add3A_780, %mul3A_816 : vector<16xf32>
        %gather3A_818 = arith.constant 2 : i32
        %gather3A_819 = arith.constant 0 : i32
        %gather3A_820 = arith.constant 0 : i32
        %gather3A_821 = tpu.memref_slice %arg10[%gather3A_818, %gather3A_819, %gather3A_820] : memref<4x56x64xf32, #tpu.memory_space<vmem>> -> memref<1x56x64xf32, #tpu.memory_space<vmem>>
        %gather3A_822 = tpu.memref_squeeze %gather3A_821 : memref<1x56x64xf32, #tpu.memory_space<vmem>> -> memref<56x64xf32, #tpu.memory_space<vmem>>
        %gather3A_823 = tpu.vector_load_idx %gather3A_822[%add3A_187, %add3A_798] : memref<56x64xf32, #tpu.memory_space<vmem>>[vector<16xi32>, vector<16xi32>], vector<16xf32>,
        %mul3A_824 = arith.mulf %gather3A_823, %gather3A_801 : vector<16xf32>
        %add3A_825 = arith.addf %add3A_788, %mul3A_824 : vector<16xf32>
        %gather3A_826 = arith.constant 2 : i32
        %gather3A_827 = arith.constant 0 : i32
        %gather3A_828 = arith.constant 0 : i32
        %gather3A_829 = tpu.memref_slice %arg10[%gather3A_826, %gather3A_827, %gather3A_828] : memref<4x56x64xf32, #tpu.memory_space<vmem>> -> memref<1x56x64xf32, #tpu.memory_space<vmem>>
        %gather3A_830 = tpu.memref_squeeze %gather3A_829 : memref<1x56x64xf32, #tpu.memory_space<vmem>> -> memref<56x64xf32, #tpu.memory_space<vmem>>
        %gather3A_831 = tpu.vector_load_idx %gather3A_830[%min3A_192, %add3A_798] : memref<56x64xf32, #tpu.memory_space<vmem>>[vector<16xi32>, vector<16xi32>], vector<16xf32>,
        %mul3A_832 = arith.mulf %gather3A_831, %gather3A_801 : vector<16xf32>
        %add3A_833 = arith.addf %add3A_796, %mul3A_832 : vector<16xf32>
        %add3A_834 = vector.broadcast %mul3A_464 : i32 to vector<16xi32>
        %add3A_835 = arith.addi %and3A_148, %add3A_834 : vector<16xi32>
        %broadcast_in_dim3A_836 = vector.shape_cast %and3A_148 : vector<16xi32> to vector<16x1xi32>
        %gather3A_837 = vector.shape_cast %broadcast_in_dim3A_836 : vector<16x1xi32> to vector<16xi32>
        %gather3A_838 = tpu.dynamic_gather %get3A_462[%gather3A_837] in [0] : vector<16xf32>, vector<16xi32> -> vector<16xf32>
        %gather3A_839 = arith.constant 2 : i32
        %gather3A_840 = arith.constant 0 : i32
        %gather3A_841 = arith.constant 0 : i32
        %gather3A_842 = tpu.memref_slice %arg10[%gather3A_839, %gather3A_840, %gather3A_841] : memref<4x56x64xf32, #tpu.memory_space<vmem>> -> memref<1x56x64xf32, #tpu.memory_space<vmem>>
        %gather3A_843 = tpu.memref_squeeze %gather3A_842 : memref<1x56x64xf32, #tpu.memory_space<vmem>> -> memref<56x64xf32, #tpu.memory_space<vmem>>
        %gather3A_844 = tpu.vector_load_idx %gather3A_843[%add3A_181, %add3A_835] : memref<56x64xf32, #tpu.memory_space<vmem>>[vector<16xi32>, vector<16xi32>], vector<16xf32>,
        %mul3A_845 = arith.mulf %gather3A_844, %gather3A_838 : vector<16xf32>
        %add3A_846 = arith.addf %add3A_809, %mul3A_845 : vector<16xf32>
        %gather3A_847 = arith.constant 2 : i32
        %gather3A_848 = arith.constant 0 : i32
        %gather3A_849 = arith.constant 0 : i32
        %gather3A_850 = tpu.memref_slice %arg10[%gather3A_847, %gather3A_848, %gather3A_849] : memref<4x56x64xf32, #tpu.memory_space<vmem>> -> memref<1x56x64xf32, #tpu.memory_space<vmem>>
        %gather3A_851 = tpu.memref_squeeze %gather3A_850 : memref<1x56x64xf32, #tpu.memory_space<vmem>> -> memref<56x64xf32, #tpu.memory_space<vmem>>
        %gather3A_852 = tpu.vector_load_idx %gather3A_851[%add3A_184, %add3A_835] : memref<56x64xf32, #tpu.memory_space<vmem>>[vector<16xi32>, vector<16xi32>], vector<16xf32>,
        %mul3A_853 = arith.mulf %gather3A_852, %gather3A_838 : vector<16xf32>
        %add3A_854 = arith.addf %add3A_817, %mul3A_853 : vector<16xf32>
        %gather3A_855 = arith.constant 2 : i32
        %gather3A_856 = arith.constant 0 : i32
        %gather3A_857 = arith.constant 0 : i32
        %gather3A_858 = tpu.memref_slice %arg10[%gather3A_855, %gather3A_856, %gather3A_857] : memref<4x56x64xf32, #tpu.memory_space<vmem>> -> memref<1x56x64xf32, #tpu.memory_space<vmem>>
        %gather3A_859 = tpu.memref_squeeze %gather3A_858 : memref<1x56x64xf32, #tpu.memory_space<vmem>> -> memref<56x64xf32, #tpu.memory_space<vmem>>
        %gather3A_860 = tpu.vector_load_idx %gather3A_859[%add3A_187, %add3A_835] : memref<56x64xf32, #tpu.memory_space<vmem>>[vector<16xi32>, vector<16xi32>], vector<16xf32>,
        %mul3A_861 = arith.mulf %gather3A_860, %gather3A_838 : vector<16xf32>
        %add3A_862 = arith.addf %add3A_825, %mul3A_861 : vector<16xf32>
        %gather3A_863 = arith.constant 2 : i32
        %gather3A_864 = arith.constant 0 : i32
        %gather3A_865 = arith.constant 0 : i32
        %gather3A_866 = tpu.memref_slice %arg10[%gather3A_863, %gather3A_864, %gather3A_865] : memref<4x56x64xf32, #tpu.memory_space<vmem>> -> memref<1x56x64xf32, #tpu.memory_space<vmem>>
        %gather3A_867 = tpu.memref_squeeze %gather3A_866 : memref<1x56x64xf32, #tpu.memory_space<vmem>> -> memref<56x64xf32, #tpu.memory_space<vmem>>
        %gather3A_868 = tpu.vector_load_idx %gather3A_867[%min3A_192, %add3A_835] : memref<56x64xf32, #tpu.memory_space<vmem>>[vector<16xi32>, vector<16xi32>], vector<16xf32>,
        %mul3A_869 = arith.mulf %gather3A_868, %gather3A_838 : vector<16xf32>
        %add3A_870 = arith.addf %add3A_833, %mul3A_869 : vector<16xf32>
        %add3A_871 = vector.broadcast %mul3A_464 : i32 to vector<16xi32>
        %add3A_872 = arith.addi %and3A_154, %add3A_871 : vector<16xi32>
        %broadcast_in_dim3A_873 = vector.shape_cast %and3A_154 : vector<16xi32> to vector<16x1xi32>
        %gather3A_874 = vector.shape_cast %broadcast_in_dim3A_873 : vector<16x1xi32> to vector<16xi32>
        %gather3A_875 = tpu.dynamic_gather %get3A_462[%gather3A_874] in [0] : vector<16xf32>, vector<16xi32> -> vector<16xf32>
        %gather3A_876 = arith.constant 2 : i32
        %gather3A_877 = arith.constant 0 : i32
        %gather3A_878 = arith.constant 0 : i32
        %gather3A_879 = tpu.memref_slice %arg10[%gather3A_876, %gather3A_877, %gather3A_878] : memref<4x56x64xf32, #tpu.memory_space<vmem>> -> memref<1x56x64xf32, #tpu.memory_space<vmem>>
        %gather3A_880 = tpu.memref_squeeze %gather3A_879 : memref<1x56x64xf32, #tpu.memory_space<vmem>> -> memref<56x64xf32, #tpu.memory_space<vmem>>
        %gather3A_881 = tpu.vector_load_idx %gather3A_880[%add3A_181, %add3A_872] : memref<56x64xf32, #tpu.memory_space<vmem>>[vector<16xi32>, vector<16xi32>], vector<16xf32>,
        %mul3A_882 = arith.mulf %gather3A_881, %gather3A_875 : vector<16xf32>
        %add3A_883 = arith.addf %add3A_846, %mul3A_882 : vector<16xf32>
        %gather3A_884 = arith.constant 2 : i32
        %gather3A_885 = arith.constant 0 : i32
        %gather3A_886 = arith.constant 0 : i32
        %gather3A_887 = tpu.memref_slice %arg10[%gather3A_884, %gather3A_885, %gather3A_886] : memref<4x56x64xf32, #tpu.memory_space<vmem>> -> memref<1x56x64xf32, #tpu.memory_space<vmem>>
        %gather3A_888 = tpu.memref_squeeze %gather3A_887 : memref<1x56x64xf32, #tpu.memory_space<vmem>> -> memref<56x64xf32, #tpu.memory_space<vmem>>
        %gather3A_889 = tpu.vector_load_idx %gather3A_888[%add3A_184, %add3A_872] : memref<56x64xf32, #tpu.memory_space<vmem>>[vector<16xi32>, vector<16xi32>], vector<16xf32>,
        %mul3A_890 = arith.mulf %gather3A_889, %gather3A_875 : vector<16xf32>
        %add3A_891 = arith.addf %add3A_854, %mul3A_890 : vector<16xf32>
        %gather3A_892 = arith.constant 2 : i32
        %gather3A_893 = arith.constant 0 : i32
        %gather3A_894 = arith.constant 0 : i32
        %gather3A_895 = tpu.memref_slice %arg10[%gather3A_892, %gather3A_893, %gather3A_894] : memref<4x56x64xf32, #tpu.memory_space<vmem>> -> memref<1x56x64xf32, #tpu.memory_space<vmem>>
        %gather3A_896 = tpu.memref_squeeze %gather3A_895 : memref<1x56x64xf32, #tpu.memory_space<vmem>> -> memref<56x64xf32, #tpu.memory_space<vmem>>
        %gather3A_897 = tpu.vector_load_idx %gather3A_896[%add3A_187, %add3A_872] : memref<56x64xf32, #tpu.memory_space<vmem>>[vector<16xi32>, vector<16xi32>], vector<16xf32>,
        %mul3A_898 = arith.mulf %gather3A_897, %gather3A_875 : vector<16xf32>
        %add3A_899 = arith.addf %add3A_862, %mul3A_898 : vector<16xf32>
        %gather3A_900 = arith.constant 2 : i32
        %gather3A_901 = arith.constant 0 : i32
        %gather3A_902 = arith.constant 0 : i32
        %gather3A_903 = tpu.memref_slice %arg10[%gather3A_900, %gather3A_901, %gather3A_902] : memref<4x56x64xf32, #tpu.memory_space<vmem>> -> memref<1x56x64xf32, #tpu.memory_space<vmem>>
        %gather3A_904 = tpu.memref_squeeze %gather3A_903 : memref<1x56x64xf32, #tpu.memory_space<vmem>> -> memref<56x64xf32, #tpu.memory_space<vmem>>
        %gather3A_905 = tpu.vector_load_idx %gather3A_904[%min3A_192, %add3A_872] : memref<56x64xf32, #tpu.memory_space<vmem>>[vector<16xi32>, vector<16xi32>], vector<16xf32>,
        %mul3A_906 = arith.mulf %gather3A_905, %gather3A_875 : vector<16xf32>
        %add3A_907 = arith.addf %add3A_870, %mul3A_906 : vector<16xf32>
        %add3A_908 = vector.broadcast %mul3A_464 : i32 to vector<16xi32>
        %add3A_909 = arith.addi %and3A_160, %add3A_908 : vector<16xi32>
        %broadcast_in_dim3A_910 = vector.shape_cast %and3A_160 : vector<16xi32> to vector<16x1xi32>
        %gather3A_911 = vector.shape_cast %broadcast_in_dim3A_910 : vector<16x1xi32> to vector<16xi32>
        %gather3A_912 = tpu.dynamic_gather %get3A_462[%gather3A_911] in [0] : vector<16xf32>, vector<16xi32> -> vector<16xf32>
        %gather3A_913 = arith.constant 2 : i32
        %gather3A_914 = arith.constant 0 : i32
        %gather3A_915 = arith.constant 0 : i32
        %gather3A_916 = tpu.memref_slice %arg10[%gather3A_913, %gather3A_914, %gather3A_915] : memref<4x56x64xf32, #tpu.memory_space<vmem>> -> memref<1x56x64xf32, #tpu.memory_space<vmem>>
        %gather3A_917 = tpu.memref_squeeze %gather3A_916 : memref<1x56x64xf32, #tpu.memory_space<vmem>> -> memref<56x64xf32, #tpu.memory_space<vmem>>
        %gather3A_918 = tpu.vector_load_idx %gather3A_917[%add3A_181, %add3A_909] : memref<56x64xf32, #tpu.memory_space<vmem>>[vector<16xi32>, vector<16xi32>], vector<16xf32>,
        %mul3A_919 = arith.mulf %gather3A_918, %gather3A_912 : vector<16xf32>
        %add3A_920 = arith.addf %add3A_883, %mul3A_919 : vector<16xf32>
        %gather3A_921 = arith.constant 2 : i32
        %gather3A_922 = arith.constant 0 : i32
        %gather3A_923 = arith.constant 0 : i32
        %gather3A_924 = tpu.memref_slice %arg10[%gather3A_921, %gather3A_922, %gather3A_923] : memref<4x56x64xf32, #tpu.memory_space<vmem>> -> memref<1x56x64xf32, #tpu.memory_space<vmem>>
        %gather3A_925 = tpu.memref_squeeze %gather3A_924 : memref<1x56x64xf32, #tpu.memory_space<vmem>> -> memref<56x64xf32, #tpu.memory_space<vmem>>
        %gather3A_926 = tpu.vector_load_idx %gather3A_925[%add3A_184, %add3A_909] : memref<56x64xf32, #tpu.memory_space<vmem>>[vector<16xi32>, vector<16xi32>], vector<16xf32>,
        %mul3A_927 = arith.mulf %gather3A_926, %gather3A_912 : vector<16xf32>
        %add3A_928 = arith.addf %add3A_891, %mul3A_927 : vector<16xf32>
        %gather3A_929 = arith.constant 2 : i32
        %gather3A_930 = arith.constant 0 : i32
        %gather3A_931 = arith.constant 0 : i32
        %gather3A_932 = tpu.memref_slice %arg10[%gather3A_929, %gather3A_930, %gather3A_931] : memref<4x56x64xf32, #tpu.memory_space<vmem>> -> memref<1x56x64xf32, #tpu.memory_space<vmem>>
        %gather3A_933 = tpu.memref_squeeze %gather3A_932 : memref<1x56x64xf32, #tpu.memory_space<vmem>> -> memref<56x64xf32, #tpu.memory_space<vmem>>
        %gather3A_934 = tpu.vector_load_idx %gather3A_933[%add3A_187, %add3A_909] : memref<56x64xf32, #tpu.memory_space<vmem>>[vector<16xi32>, vector<16xi32>], vector<16xf32>,
        %mul3A_935 = arith.mulf %gather3A_934, %gather3A_912 : vector<16xf32>
        %add3A_936 = arith.addf %add3A_899, %mul3A_935 : vector<16xf32>
        %gather3A_937 = arith.constant 2 : i32
        %gather3A_938 = arith.constant 0 : i32
        %gather3A_939 = arith.constant 0 : i32
        %gather3A_940 = tpu.memref_slice %arg10[%gather3A_937, %gather3A_938, %gather3A_939] : memref<4x56x64xf32, #tpu.memory_space<vmem>> -> memref<1x56x64xf32, #tpu.memory_space<vmem>>
        %gather3A_941 = tpu.memref_squeeze %gather3A_940 : memref<1x56x64xf32, #tpu.memory_space<vmem>> -> memref<56x64xf32, #tpu.memory_space<vmem>>
        %gather3A_942 = tpu.vector_load_idx %gather3A_941[%min3A_192, %add3A_909] : memref<56x64xf32, #tpu.memory_space<vmem>>[vector<16xi32>, vector<16xi32>], vector<16xf32>,
        %mul3A_943 = arith.mulf %gather3A_942, %gather3A_912 : vector<16xf32>
        %add3A_944 = arith.addf %add3A_907, %mul3A_943 : vector<16xf32>
        %add3A_945 = vector.broadcast %mul3A_464 : i32 to vector<16xi32>
        %add3A_946 = arith.addi %and3A_166, %add3A_945 : vector<16xi32>
        %broadcast_in_dim3A_947 = vector.shape_cast %and3A_166 : vector<16xi32> to vector<16x1xi32>
        %gather3A_948 = vector.shape_cast %broadcast_in_dim3A_947 : vector<16x1xi32> to vector<16xi32>
        %gather3A_949 = tpu.dynamic_gather %get3A_462[%gather3A_948] in [0] : vector<16xf32>, vector<16xi32> -> vector<16xf32>
        %gather3A_950 = arith.constant 2 : i32
        %gather3A_951 = arith.constant 0 : i32
        %gather3A_952 = arith.constant 0 : i32
        %gather3A_953 = tpu.memref_slice %arg10[%gather3A_950, %gather3A_951, %gather3A_952] : memref<4x56x64xf32, #tpu.memory_space<vmem>> -> memref<1x56x64xf32, #tpu.memory_space<vmem>>
        %gather3A_954 = tpu.memref_squeeze %gather3A_953 : memref<1x56x64xf32, #tpu.memory_space<vmem>> -> memref<56x64xf32, #tpu.memory_space<vmem>>
        %gather3A_955 = tpu.vector_load_idx %gather3A_954[%add3A_181, %add3A_946] : memref<56x64xf32, #tpu.memory_space<vmem>>[vector<16xi32>, vector<16xi32>], vector<16xf32>,
        %mul3A_956 = arith.mulf %gather3A_955, %gather3A_949 : vector<16xf32>
        %add3A_957 = arith.addf %add3A_920, %mul3A_956 : vector<16xf32>
        %gather3A_958 = arith.constant 2 : i32
        %gather3A_959 = arith.constant 0 : i32
        %gather3A_960 = arith.constant 0 : i32
        %gather3A_961 = tpu.memref_slice %arg10[%gather3A_958, %gather3A_959, %gather3A_960] : memref<4x56x64xf32, #tpu.memory_space<vmem>> -> memref<1x56x64xf32, #tpu.memory_space<vmem>>
        %gather3A_962 = tpu.memref_squeeze %gather3A_961 : memref<1x56x64xf32, #tpu.memory_space<vmem>> -> memref<56x64xf32, #tpu.memory_space<vmem>>
        %gather3A_963 = tpu.vector_load_idx %gather3A_962[%add3A_184, %add3A_946] : memref<56x64xf32, #tpu.memory_space<vmem>>[vector<16xi32>, vector<16xi32>], vector<16xf32>,
        %mul3A_964 = arith.mulf %gather3A_963, %gather3A_949 : vector<16xf32>
        %add3A_965 = arith.addf %add3A_928, %mul3A_964 : vector<16xf32>
        %gather3A_966 = arith.constant 2 : i32
        %gather3A_967 = arith.constant 0 : i32
        %gather3A_968 = arith.constant 0 : i32
        %gather3A_969 = tpu.memref_slice %arg10[%gather3A_966, %gather3A_967, %gather3A_968] : memref<4x56x64xf32, #tpu.memory_space<vmem>> -> memref<1x56x64xf32, #tpu.memory_space<vmem>>
        %gather3A_970 = tpu.memref_squeeze %gather3A_969 : memref<1x56x64xf32, #tpu.memory_space<vmem>> -> memref<56x64xf32, #tpu.memory_space<vmem>>
        %gather3A_971 = tpu.vector_load_idx %gather3A_970[%add3A_187, %add3A_946] : memref<56x64xf32, #tpu.memory_space<vmem>>[vector<16xi32>, vector<16xi32>], vector<16xf32>,
        %mul3A_972 = arith.mulf %gather3A_971, %gather3A_949 : vector<16xf32>
        %add3A_973 = arith.addf %add3A_936, %mul3A_972 : vector<16xf32>
        %gather3A_974 = arith.constant 2 : i32
        %gather3A_975 = arith.constant 0 : i32
        %gather3A_976 = arith.constant 0 : i32
        %gather3A_977 = tpu.memref_slice %arg10[%gather3A_974, %gather3A_975, %gather3A_976] : memref<4x56x64xf32, #tpu.memory_space<vmem>> -> memref<1x56x64xf32, #tpu.memory_space<vmem>>
        %gather3A_978 = tpu.memref_squeeze %gather3A_977 : memref<1x56x64xf32, #tpu.memory_space<vmem>> -> memref<56x64xf32, #tpu.memory_space<vmem>>
        %gather3A_979 = tpu.vector_load_idx %gather3A_978[%min3A_192, %add3A_946] : memref<56x64xf32, #tpu.memory_space<vmem>>[vector<16xi32>, vector<16xi32>], vector<16xf32>,
        %mul3A_980 = arith.mulf %gather3A_979, %gather3A_949 : vector<16xf32>
        %add3A_981 = arith.addf %add3A_944, %mul3A_980 : vector<16xf32>
        %add3A_982 = vector.broadcast %mul3A_464 : i32 to vector<16xi32>
        %add3A_983 = arith.addi %and3A_172, %add3A_982 : vector<16xi32>
        %broadcast_in_dim3A_984 = vector.shape_cast %and3A_172 : vector<16xi32> to vector<16x1xi32>
        %gather3A_985 = vector.shape_cast %broadcast_in_dim3A_984 : vector<16x1xi32> to vector<16xi32>
        %gather3A_986 = tpu.dynamic_gather %get3A_462[%gather3A_985] in [0] : vector<16xf32>, vector<16xi32> -> vector<16xf32>
        %gather3A_987 = arith.constant 2 : i32
        %gather3A_988 = arith.constant 0 : i32
        %gather3A_989 = arith.constant 0 : i32
        %gather3A_990 = tpu.memref_slice %arg10[%gather3A_987, %gather3A_988, %gather3A_989] : memref<4x56x64xf32, #tpu.memory_space<vmem>> -> memref<1x56x64xf32, #tpu.memory_space<vmem>>
        %gather3A_991 = tpu.memref_squeeze %gather3A_990 : memref<1x56x64xf32, #tpu.memory_space<vmem>> -> memref<56x64xf32, #tpu.memory_space<vmem>>
        %gather3A_992 = tpu.vector_load_idx %gather3A_991[%add3A_181, %add3A_983] : memref<56x64xf32, #tpu.memory_space<vmem>>[vector<16xi32>, vector<16xi32>], vector<16xf32>,
        %mul3A_993 = arith.mulf %gather3A_992, %gather3A_986 : vector<16xf32>
        %add3A_994 = arith.addf %add3A_957, %mul3A_993 : vector<16xf32>
        %gather3A_995 = arith.constant 2 : i32
        %gather3A_996 = arith.constant 0 : i32
        %gather3A_997 = arith.constant 0 : i32
        %gather3A_998 = tpu.memref_slice %arg10[%gather3A_995, %gather3A_996, %gather3A_997] : memref<4x56x64xf32, #tpu.memory_space<vmem>> -> memref<1x56x64xf32, #tpu.memory_space<vmem>>
        %gather3A_999 = tpu.memref_squeeze %gather3A_998 : memref<1x56x64xf32, #tpu.memory_space<vmem>> -> memref<56x64xf32, #tpu.memory_space<vmem>>
        %gather3A_1000 = tpu.vector_load_idx %gather3A_999[%add3A_184, %add3A_983] : memref<56x64xf32, #tpu.memory_space<vmem>>[vector<16xi32>, vector<16xi32>], vector<16xf32>,
        %mul3A_1001 = arith.mulf %gather3A_1000, %gather3A_986 : vector<16xf32>
        %add3A_1002 = arith.addf %add3A_965, %mul3A_1001 : vector<16xf32>
        %gather3A_1003 = arith.constant 2 : i32
        %gather3A_1004 = arith.constant 0 : i32
        %gather3A_1005 = arith.constant 0 : i32
        %gather3A_1006 = tpu.memref_slice %arg10[%gather3A_1003, %gather3A_1004, %gather3A_1005] : memref<4x56x64xf32, #tpu.memory_space<vmem>> -> memref<1x56x64xf32, #tpu.memory_space<vmem>>
        %gather3A_1007 = tpu.memref_squeeze %gather3A_1006 : memref<1x56x64xf32, #tpu.memory_space<vmem>> -> memref<56x64xf32, #tpu.memory_space<vmem>>
        %gather3A_1008 = tpu.vector_load_idx %gather3A_1007[%add3A_187, %add3A_983] : memref<56x64xf32, #tpu.memory_space<vmem>>[vector<16xi32>, vector<16xi32>], vector<16xf32>,
        %mul3A_1009 = arith.mulf %gather3A_1008, %gather3A_986 : vector<16xf32>
        %add3A_1010 = arith.addf %add3A_973, %mul3A_1009 : vector<16xf32>
        %gather3A_1011 = arith.constant 2 : i32
        %gather3A_1012 = arith.constant 0 : i32
        %gather3A_1013 = arith.constant 0 : i32
        %gather3A_1014 = tpu.memref_slice %arg10[%gather3A_1011, %gather3A_1012, %gather3A_1013] : memref<4x56x64xf32, #tpu.memory_space<vmem>> -> memref<1x56x64xf32, #tpu.memory_space<vmem>>
        %gather3A_1015 = tpu.memref_squeeze %gather3A_1014 : memref<1x56x64xf32, #tpu.memory_space<vmem>> -> memref<56x64xf32, #tpu.memory_space<vmem>>
        %gather3A_1016 = tpu.vector_load_idx %gather3A_1015[%min3A_192, %add3A_983] : memref<56x64xf32, #tpu.memory_space<vmem>>[vector<16xi32>, vector<16xi32>], vector<16xf32>,
        %mul3A_1017 = arith.mulf %gather3A_1016, %gather3A_986 : vector<16xf32>
        %add3A_1018 = arith.addf %add3A_981, %mul3A_1017 : vector<16xf32>
        %add3A_1019 = vector.broadcast %mul3A_464 : i32 to vector<16xi32>
        %add3A_1020 = arith.addi %and3A_178, %add3A_1019 : vector<16xi32>
        %broadcast_in_dim3A_1021 = vector.shape_cast %and3A_178 : vector<16xi32> to vector<16x1xi32>
        %gather3A_1022 = vector.shape_cast %broadcast_in_dim3A_1021 : vector<16x1xi32> to vector<16xi32>
        %gather3A_1023 = tpu.dynamic_gather %get3A_462[%gather3A_1022] in [0] : vector<16xf32>, vector<16xi32> -> vector<16xf32>
        %gather3A_1024 = arith.constant 2 : i32
        %gather3A_1025 = arith.constant 0 : i32
        %gather3A_1026 = arith.constant 0 : i32
        %gather3A_1027 = tpu.memref_slice %arg10[%gather3A_1024, %gather3A_1025, %gather3A_1026] : memref<4x56x64xf32, #tpu.memory_space<vmem>> -> memref<1x56x64xf32, #tpu.memory_space<vmem>>
        %gather3A_1028 = tpu.memref_squeeze %gather3A_1027 : memref<1x56x64xf32, #tpu.memory_space<vmem>> -> memref<56x64xf32, #tpu.memory_space<vmem>>
        %gather3A_1029 = tpu.vector_load_idx %gather3A_1028[%add3A_181, %add3A_1020] : memref<56x64xf32, #tpu.memory_space<vmem>>[vector<16xi32>, vector<16xi32>], vector<16xf32>,
        %mul3A_1030 = arith.mulf %gather3A_1029, %gather3A_1023 : vector<16xf32>
        %add3A_1031 = arith.addf %add3A_994, %mul3A_1030 : vector<16xf32>
        %gather3A_1032 = arith.constant 2 : i32
        %gather3A_1033 = arith.constant 0 : i32
        %gather3A_1034 = arith.constant 0 : i32
        %gather3A_1035 = tpu.memref_slice %arg10[%gather3A_1032, %gather3A_1033, %gather3A_1034] : memref<4x56x64xf32, #tpu.memory_space<vmem>> -> memref<1x56x64xf32, #tpu.memory_space<vmem>>
        %gather3A_1036 = tpu.memref_squeeze %gather3A_1035 : memref<1x56x64xf32, #tpu.memory_space<vmem>> -> memref<56x64xf32, #tpu.memory_space<vmem>>
        %gather3A_1037 = tpu.vector_load_idx %gather3A_1036[%add3A_184, %add3A_1020] : memref<56x64xf32, #tpu.memory_space<vmem>>[vector<16xi32>, vector<16xi32>], vector<16xf32>,
        %mul3A_1038 = arith.mulf %gather3A_1037, %gather3A_1023 : vector<16xf32>
        %add3A_1039 = arith.addf %add3A_1002, %mul3A_1038 : vector<16xf32>
        %gather3A_1040 = arith.constant 2 : i32
        %gather3A_1041 = arith.constant 0 : i32
        %gather3A_1042 = arith.constant 0 : i32
        %gather3A_1043 = tpu.memref_slice %arg10[%gather3A_1040, %gather3A_1041, %gather3A_1042] : memref<4x56x64xf32, #tpu.memory_space<vmem>> -> memref<1x56x64xf32, #tpu.memory_space<vmem>>
        %gather3A_1044 = tpu.memref_squeeze %gather3A_1043 : memref<1x56x64xf32, #tpu.memory_space<vmem>> -> memref<56x64xf32, #tpu.memory_space<vmem>>
        %gather3A_1045 = tpu.vector_load_idx %gather3A_1044[%add3A_187, %add3A_1020] : memref<56x64xf32, #tpu.memory_space<vmem>>[vector<16xi32>, vector<16xi32>], vector<16xf32>,
        %mul3A_1046 = arith.mulf %gather3A_1045, %gather3A_1023 : vector<16xf32>
        %add3A_1047 = arith.addf %add3A_1010, %mul3A_1046 : vector<16xf32>
        %gather3A_1048 = arith.constant 2 : i32
        %gather3A_1049 = arith.constant 0 : i32
        %gather3A_1050 = arith.constant 0 : i32
        %gather3A_1051 = tpu.memref_slice %arg10[%gather3A_1048, %gather3A_1049, %gather3A_1050] : memref<4x56x64xf32, #tpu.memory_space<vmem>> -> memref<1x56x64xf32, #tpu.memory_space<vmem>>
        %gather3A_1052 = tpu.memref_squeeze %gather3A_1051 : memref<1x56x64xf32, #tpu.memory_space<vmem>> -> memref<56x64xf32, #tpu.memory_space<vmem>>
        %gather3A_1053 = tpu.vector_load_idx %gather3A_1052[%min3A_192, %add3A_1020] : memref<56x64xf32, #tpu.memory_space<vmem>>[vector<16xi32>, vector<16xi32>], vector<16xf32>,
        %mul3A_1054 = arith.mulf %gather3A_1053, %gather3A_1023 : vector<16xf32>
        %add3A_1055 = arith.addf %add3A_1018, %mul3A_1054 : vector<16xf32>
        scf.yield %add3A_1031, %add3A_1039, %add3A_1047, %add3A_1055 : vector<16xf32>, vector<16xf32>, vector<16xf32>, vector<16xf32>
      }
      %scan3A_380 = arith.constant 4 : i32
      %broadcast_in_dim3A_381 = vector.broadcast %add3A_355 : i32 to vector<16xi32>
      %add3A_382 = arith.constant 0 : i32
      %add3A_383 = vector.broadcast %add3A_382 : i32 to vector<16xi32>
      %add3A_384 = arith.addi %add3A_383, %iota3A : vector<16xi32>
      tpu.vector_store_idx %arg11[%broadcast_in_dim3A_381, %broadcast_in_dim3A_1, %add3A_384], %scan3A_379#0 : memref<512x1x50xf32, #tpu.memory_space<vmem>>[vector<16xi32>, vector<16xi32>, vector<16xi32>], vector<16xf32>,
      %add3A_385 = arith.constant 16 : i32
      %add3A_386 = vector.broadcast %add3A_385 : i32 to vector<16xi32>
      %add3A_387 = arith.addi %add3A_386, %iota3A : vector<16xi32>
      tpu.vector_store_idx %arg11[%broadcast_in_dim3A_381, %broadcast_in_dim3A_1, %add3A_387], %scan3A_379#1 : memref<512x1x50xf32, #tpu.memory_space<vmem>>[vector<16xi32>, vector<16xi32>, vector<16xi32>], vector<16xf32>,
      %add3A_388 = arith.constant 32 : i32
      %add3A_389 = vector.broadcast %add3A_388 : i32 to vector<16xi32>
      %add3A_390 = arith.addi %add3A_389, %iota3A : vector<16xi32>
      tpu.vector_store_idx %arg11[%broadcast_in_dim3A_381, %broadcast_in_dim3A_1, %add3A_390], %scan3A_379#2 : memref<512x1x50xf32, #tpu.memory_space<vmem>>[vector<16xi32>, vector<16xi32>, vector<16xi32>], vector<16xf32>,
      %add3A_391 = arith.constant 48 : i32
      %add3A_392 = vector.broadcast %add3A_391 : i32 to vector<16xi32>
      %add3A_393 = arith.addi %add3A_392, %iota3A : vector<16xi32>
      %min3A_394 = arith.constant 49 : i32
      %min3A_395 = vector.broadcast %min3A_394 : i32 to vector<16xi32>
      %min3A_396 = arith.minsi %add3A_393, %min3A_395 : vector<16xi32>
      tpu.vector_store_idx %arg11[%broadcast_in_dim3A_381, %broadcast_in_dim3A_1, %min3A_396], %scan3A_379#3 masked %lt3A_197 : memref<512x1x50xf32, #tpu.memory_space<vmem>>[vector<16xi32>, vector<16xi32>, vector<16xi32>], vector<16xf32>, vector<16xi1>
      %add3A_397 = arith.constant 4 : i32
      %add3A_398 = arith.addi %add3A_355, %add3A_397 : i32
      %lt3A_399 = arith.constant 512 : i32
      %lt3A_400 = arith.cmpi slt, %add3A_398, %lt3A_399 : i32
      %convert_element_type3A_401 = arith.extui %lt3A_400 : i1 to i32
      %cond3A_402 = arith.constant 0 : i32
      %cond3A_403 = arith.cmpi ne, %convert_element_type3A_401, %cond3A_402 : i32
      scf.if %cond3A_403 {
        %add3A_454 = arith.constant 4 : i32
        %add3A_455 = arith.addi %add3A_355, %add3A_454 : i32
        %dma_start3A_456 = arith.constant 2 : i32
        %dma_start3A_457 = arith.constant 0 : i32
        %dma_start3A_458 = arith.constant 0 : i32
        %dma_start3A_459 = tpu.memref_slice %arg10[%dma_start3A_456, %dma_start3A_457, %dma_start3A_458] : memref<4x56x64xf32, #tpu.memory_space<vmem>> -> memref<1x56x64xf32, #tpu.memory_space<vmem>>
        %dma_start3A_460 = tpu.memref_squeeze %dma_start3A_459 : memref<1x56x64xf32, #tpu.memory_space<vmem>> -> memref<56x64xf32, #tpu.memory_space<vmem>>
        %dma_start3A_461 = arith.constant 0 : i32
        %dma_start3A_462 = tpu.memref_slice %arg7[%add3A_455, %dma_start3A_461] : memref<512x56xi32, #tpu.memory_space<vmem>> -> memref<1x56xi32, #tpu.memory_space<vmem>>
        %dma_start3A_463 = tpu.memref_squeeze %dma_start3A_462 : memref<1x56xi32, #tpu.memory_space<vmem>> -> memref<56xi32, #tpu.memory_space<vmem>>
        %dma_start3A_464 = arith.constant 0 : i32
        %dma_start3A_465 = arith.constant 0 : i32
        %dma_start3A_466 = tpu.memref_slice %arg4[%dma_start3A_464, %dma_start3A_465] : memref<1000000x64xf32, #tpu.memory_space<hbm>> -> memref<1000000x64xf32, #tpu.memory_space<hbm>>
        tpu.enqueue_indirect_dma source(%dma_start3A_466 : memref<1000000x64xf32, #tpu.memory_space<hbm>>) target(%dma_start3A_460 : memref<56x64xf32, #tpu.memory_space<vmem>>) offsets(%dma_start3A_463 : memref<56xi32, #tpu.memory_space<vmem>>) semaphore(%arg15 : memref<!tpu.dma_semaphore, #tpu.memory_space<semaphore_mem>>)
      } else {
      }
      %add3A_404 = arith.constant 3 : i32
      %add3A_405 = arith.addi %mul3A_255, %add3A_404 : i32
      %dma_wait3A_406 = arith.constant 3 : i32
      %dma_wait3A_407 = arith.constant 0 : i32
      %dma_wait3A_408 = arith.constant 0 : i32
      %dma_wait3A_409 = tpu.memref_slice %arg10[%dma_wait3A_406, %dma_wait3A_407, %dma_wait3A_408] : memref<4x56x64xf32, #tpu.memory_space<vmem>> -> memref<1x56x64xf32, #tpu.memory_space<vmem>>
      %dma_wait3A_410 = tpu.memref_squeeze %dma_wait3A_409 : memref<1x56x64xf32, #tpu.memory_space<vmem>> -> memref<56x64xf32, #tpu.memory_space<vmem>>
      %dma_wait3A_411 = arith.constant 0 : i32
      %dma_wait3A_412 = tpu.memref_slice %arg7[%add3A_405, %dma_wait3A_411] : memref<512x56xi32, #tpu.memory_space<vmem>> -> memref<1x56xi32, #tpu.memory_space<vmem>>
      %dma_wait3A_413 = tpu.memref_squeeze %dma_wait3A_412 : memref<1x56xi32, #tpu.memory_space<vmem>> -> memref<56xi32, #tpu.memory_space<vmem>>
      %dma_wait3A_414 = arith.constant 0 : i32
      %dma_wait3A_415 = arith.constant 0 : i32
      %dma_wait3A_416 = tpu.memref_slice %arg4[%dma_wait3A_414, %dma_wait3A_415] : memref<1000000x64xf32, #tpu.memory_space<hbm>> -> memref<1000000x64xf32, #tpu.memory_space<hbm>>
      tpu.wait_indirect_dma semaphore(%arg16 : memref<!tpu.dma_semaphore, #tpu.memory_space<semaphore_mem>>) src(%dma_wait3A_416 : memref<1000000x64xf32, #tpu.memory_space<hbm>>) dst(%dma_wait3A_410 : memref<56x64xf32, #tpu.memory_space<vmem>>)
      %broadcast_in_dim3A_417 = arith.constant 0.000000e+00 : f32
      %broadcast_in_dim3A_418 = vector.broadcast %broadcast_in_dim3A_417 : f32 to vector<16xf32>
      %broadcast_in_dim3A_419 = arith.constant 0.000000e+00 : f32
      %broadcast_in_dim3A_420 = vector.broadcast %broadcast_in_dim3A_419 : f32 to vector<16xf32>
      %broadcast_in_dim3A_421 = arith.constant 0.000000e+00 : f32
      %broadcast_in_dim3A_422 = vector.broadcast %broadcast_in_dim3A_421 : f32 to vector<16xf32>
      %broadcast_in_dim3A_423 = arith.constant 0.000000e+00 : f32
      %broadcast_in_dim3A_424 = vector.broadcast %broadcast_in_dim3A_423 : f32 to vector<16xf32>
      %scan3A_425 = arith.constant 0 : i32
      %scan3A_426 = arith.constant 4 : i32
      %scan3A_427 = arith.addi %scan3A_425, %scan3A_426 : i32
      %scan3A_428 = arith.constant 1 : i32
      %scan3A_429:4 = scf.for %scan3A_454 = %scan3A_425 to %scan3A_427 step %scan3A_428 iter_args(%scan3A_455 = %broadcast_in_dim3A_418, %scan3A_456 = %broadcast_in_dim3A_420, %scan3A_457 = %broadcast_in_dim3A_422, %scan3A_458 = %broadcast_in_dim3A_424) -> (vector<16xf32>, vector<16xf32>, vector<16xf32>, vector<16xf32>)  : i32 {
        %mul3A_459 = arith.constant 16 : i32
        %mul3A_460 = arith.muli %scan3A_454, %mul3A_459 : i32
        %get3A = arith.index_cast %add3A_405 : i32 to index
        %get3A_461 = arith.index_cast %mul3A_460 : i32 to index
        %get3A_462 = tpu.vector_load %arg9[%get3A, %get3A_461] {strides = array<i32>} : memref<512x64xf32, #tpu.memory_space<vmem>>, vector<16xf32>,
        %mul3A_463 = arith.constant 16 : i32
        %mul3A_464 = arith.muli %scan3A_454, %mul3A_463 : i32
        %add3A_465 = vector.broadcast %mul3A_464 : i32 to vector<16xi32>
        %add3A_466 = arith.addi %and3A_88, %add3A_465 : vector<16xi32>
        %broadcast_in_dim3A_467 = vector.shape_cast %and3A_88 : vector<16xi32> to vector<16x1xi32>
        %gather3A = vector.shape_cast %broadcast_in_dim3A_467 : vector<16x1xi32> to vector<16xi32>
        %gather3A_468 = tpu.dynamic_gather %get3A_462[%gather3A] in [0] : vector<16xf32>, vector<16xi32> -> vector<16xf32>
        %gather3A_469 = arith.constant 3 : i32
        %gather3A_470 = arith.constant 0 : i32
        %gather3A_471 = arith.constant 0 : i32
        %gather3A_472 = tpu.memref_slice %arg10[%gather3A_469, %gather3A_470, %gather3A_471] : memref<4x56x64xf32, #tpu.memory_space<vmem>> -> memref<1x56x64xf32, #tpu.memory_space<vmem>>
        %gather3A_473 = tpu.memref_squeeze %gather3A_472 : memref<1x56x64xf32, #tpu.memory_space<vmem>> -> memref<56x64xf32, #tpu.memory_space<vmem>>
        %gather3A_474 = tpu.vector_load_idx %gather3A_473[%add3A_181, %add3A_466] : memref<56x64xf32, #tpu.memory_space<vmem>>[vector<16xi32>, vector<16xi32>], vector<16xf32>,
        %mul3A_475 = arith.mulf %gather3A_474, %gather3A_468 : vector<16xf32>
        %add3A_476 = arith.addf %scan3A_455, %mul3A_475 : vector<16xf32>
        %gather3A_477 = arith.constant 3 : i32
        %gather3A_478 = arith.constant 0 : i32
        %gather3A_479 = arith.constant 0 : i32
        %gather3A_480 = tpu.memref_slice %arg10[%gather3A_477, %gather3A_478, %gather3A_479] : memref<4x56x64xf32, #tpu.memory_space<vmem>> -> memref<1x56x64xf32, #tpu.memory_space<vmem>>
        %gather3A_481 = tpu.memref_squeeze %gather3A_480 : memref<1x56x64xf32, #tpu.memory_space<vmem>> -> memref<56x64xf32, #tpu.memory_space<vmem>>
        %gather3A_482 = tpu.vector_load_idx %gather3A_481[%add3A_184, %add3A_466] : memref<56x64xf32, #tpu.memory_space<vmem>>[vector<16xi32>, vector<16xi32>], vector<16xf32>,
        %mul3A_483 = arith.mulf %gather3A_482, %gather3A_468 : vector<16xf32>
        %add3A_484 = arith.addf %scan3A_456, %mul3A_483 : vector<16xf32>
        %gather3A_485 = arith.constant 3 : i32
        %gather3A_486 = arith.constant 0 : i32
        %gather3A_487 = arith.constant 0 : i32
        %gather3A_488 = tpu.memref_slice %arg10[%gather3A_485, %gather3A_486, %gather3A_487] : memref<4x56x64xf32, #tpu.memory_space<vmem>> -> memref<1x56x64xf32, #tpu.memory_space<vmem>>
        %gather3A_489 = tpu.memref_squeeze %gather3A_488 : memref<1x56x64xf32, #tpu.memory_space<vmem>> -> memref<56x64xf32, #tpu.memory_space<vmem>>
        %gather3A_490 = tpu.vector_load_idx %gather3A_489[%add3A_187, %add3A_466] : memref<56x64xf32, #tpu.memory_space<vmem>>[vector<16xi32>, vector<16xi32>], vector<16xf32>,
        %mul3A_491 = arith.mulf %gather3A_490, %gather3A_468 : vector<16xf32>
        %add3A_492 = arith.addf %scan3A_457, %mul3A_491 : vector<16xf32>
        %gather3A_493 = arith.constant 3 : i32
        %gather3A_494 = arith.constant 0 : i32
        %gather3A_495 = arith.constant 0 : i32
        %gather3A_496 = tpu.memref_slice %arg10[%gather3A_493, %gather3A_494, %gather3A_495] : memref<4x56x64xf32, #tpu.memory_space<vmem>> -> memref<1x56x64xf32, #tpu.memory_space<vmem>>
        %gather3A_497 = tpu.memref_squeeze %gather3A_496 : memref<1x56x64xf32, #tpu.memory_space<vmem>> -> memref<56x64xf32, #tpu.memory_space<vmem>>
        %gather3A_498 = tpu.vector_load_idx %gather3A_497[%min3A_192, %add3A_466] : memref<56x64xf32, #tpu.memory_space<vmem>>[vector<16xi32>, vector<16xi32>], vector<16xf32>,
        %mul3A_499 = arith.mulf %gather3A_498, %gather3A_468 : vector<16xf32>
        %add3A_500 = arith.addf %scan3A_458, %mul3A_499 : vector<16xf32>
        %add3A_501 = vector.broadcast %mul3A_464 : i32 to vector<16xi32>
        %add3A_502 = arith.addi %and3A_94, %add3A_501 : vector<16xi32>
        %broadcast_in_dim3A_503 = vector.shape_cast %and3A_94 : vector<16xi32> to vector<16x1xi32>
        %gather3A_504 = vector.shape_cast %broadcast_in_dim3A_503 : vector<16x1xi32> to vector<16xi32>
        %gather3A_505 = tpu.dynamic_gather %get3A_462[%gather3A_504] in [0] : vector<16xf32>, vector<16xi32> -> vector<16xf32>
        %gather3A_506 = arith.constant 3 : i32
        %gather3A_507 = arith.constant 0 : i32
        %gather3A_508 = arith.constant 0 : i32
        %gather3A_509 = tpu.memref_slice %arg10[%gather3A_506, %gather3A_507, %gather3A_508] : memref<4x56x64xf32, #tpu.memory_space<vmem>> -> memref<1x56x64xf32, #tpu.memory_space<vmem>>
        %gather3A_510 = tpu.memref_squeeze %gather3A_509 : memref<1x56x64xf32, #tpu.memory_space<vmem>> -> memref<56x64xf32, #tpu.memory_space<vmem>>
        %gather3A_511 = tpu.vector_load_idx %gather3A_510[%add3A_181, %add3A_502] : memref<56x64xf32, #tpu.memory_space<vmem>>[vector<16xi32>, vector<16xi32>], vector<16xf32>,
        %mul3A_512 = arith.mulf %gather3A_511, %gather3A_505 : vector<16xf32>
        %add3A_513 = arith.addf %add3A_476, %mul3A_512 : vector<16xf32>
        %gather3A_514 = arith.constant 3 : i32
        %gather3A_515 = arith.constant 0 : i32
        %gather3A_516 = arith.constant 0 : i32
        %gather3A_517 = tpu.memref_slice %arg10[%gather3A_514, %gather3A_515, %gather3A_516] : memref<4x56x64xf32, #tpu.memory_space<vmem>> -> memref<1x56x64xf32, #tpu.memory_space<vmem>>
        %gather3A_518 = tpu.memref_squeeze %gather3A_517 : memref<1x56x64xf32, #tpu.memory_space<vmem>> -> memref<56x64xf32, #tpu.memory_space<vmem>>
        %gather3A_519 = tpu.vector_load_idx %gather3A_518[%add3A_184, %add3A_502] : memref<56x64xf32, #tpu.memory_space<vmem>>[vector<16xi32>, vector<16xi32>], vector<16xf32>,
        %mul3A_520 = arith.mulf %gather3A_519, %gather3A_505 : vector<16xf32>
        %add3A_521 = arith.addf %add3A_484, %mul3A_520 : vector<16xf32>
        %gather3A_522 = arith.constant 3 : i32
        %gather3A_523 = arith.constant 0 : i32
        %gather3A_524 = arith.constant 0 : i32
        %gather3A_525 = tpu.memref_slice %arg10[%gather3A_522, %gather3A_523, %gather3A_524] : memref<4x56x64xf32, #tpu.memory_space<vmem>> -> memref<1x56x64xf32, #tpu.memory_space<vmem>>
        %gather3A_526 = tpu.memref_squeeze %gather3A_525 : memref<1x56x64xf32, #tpu.memory_space<vmem>> -> memref<56x64xf32, #tpu.memory_space<vmem>>
        %gather3A_527 = tpu.vector_load_idx %gather3A_526[%add3A_187, %add3A_502] : memref<56x64xf32, #tpu.memory_space<vmem>>[vector<16xi32>, vector<16xi32>], vector<16xf32>,
        %mul3A_528 = arith.mulf %gather3A_527, %gather3A_505 : vector<16xf32>
        %add3A_529 = arith.addf %add3A_492, %mul3A_528 : vector<16xf32>
        %gather3A_530 = arith.constant 3 : i32
        %gather3A_531 = arith.constant 0 : i32
        %gather3A_532 = arith.constant 0 : i32
        %gather3A_533 = tpu.memref_slice %arg10[%gather3A_530, %gather3A_531, %gather3A_532] : memref<4x56x64xf32, #tpu.memory_space<vmem>> -> memref<1x56x64xf32, #tpu.memory_space<vmem>>
        %gather3A_534 = tpu.memref_squeeze %gather3A_533 : memref<1x56x64xf32, #tpu.memory_space<vmem>> -> memref<56x64xf32, #tpu.memory_space<vmem>>
        %gather3A_535 = tpu.vector_load_idx %gather3A_534[%min3A_192, %add3A_502] : memref<56x64xf32, #tpu.memory_space<vmem>>[vector<16xi32>, vector<16xi32>], vector<16xf32>,
        %mul3A_536 = arith.mulf %gather3A_535, %gather3A_505 : vector<16xf32>
        %add3A_537 = arith.addf %add3A_500, %mul3A_536 : vector<16xf32>
        %add3A_538 = vector.broadcast %mul3A_464 : i32 to vector<16xi32>
        %add3A_539 = arith.addi %and3A_100, %add3A_538 : vector<16xi32>
        %broadcast_in_dim3A_540 = vector.shape_cast %and3A_100 : vector<16xi32> to vector<16x1xi32>
        %gather3A_541 = vector.shape_cast %broadcast_in_dim3A_540 : vector<16x1xi32> to vector<16xi32>
        %gather3A_542 = tpu.dynamic_gather %get3A_462[%gather3A_541] in [0] : vector<16xf32>, vector<16xi32> -> vector<16xf32>
        %gather3A_543 = arith.constant 3 : i32
        %gather3A_544 = arith.constant 0 : i32
        %gather3A_545 = arith.constant 0 : i32
        %gather3A_546 = tpu.memref_slice %arg10[%gather3A_543, %gather3A_544, %gather3A_545] : memref<4x56x64xf32, #tpu.memory_space<vmem>> -> memref<1x56x64xf32, #tpu.memory_space<vmem>>
        %gather3A_547 = tpu.memref_squeeze %gather3A_546 : memref<1x56x64xf32, #tpu.memory_space<vmem>> -> memref<56x64xf32, #tpu.memory_space<vmem>>
        %gather3A_548 = tpu.vector_load_idx %gather3A_547[%add3A_181, %add3A_539] : memref<56x64xf32, #tpu.memory_space<vmem>>[vector<16xi32>, vector<16xi32>], vector<16xf32>,
        %mul3A_549 = arith.mulf %gather3A_548, %gather3A_542 : vector<16xf32>
        %add3A_550 = arith.addf %add3A_513, %mul3A_549 : vector<16xf32>
        %gather3A_551 = arith.constant 3 : i32
        %gather3A_552 = arith.constant 0 : i32
        %gather3A_553 = arith.constant 0 : i32
        %gather3A_554 = tpu.memref_slice %arg10[%gather3A_551, %gather3A_552, %gather3A_553] : memref<4x56x64xf32, #tpu.memory_space<vmem>> -> memref<1x56x64xf32, #tpu.memory_space<vmem>>
        %gather3A_555 = tpu.memref_squeeze %gather3A_554 : memref<1x56x64xf32, #tpu.memory_space<vmem>> -> memref<56x64xf32, #tpu.memory_space<vmem>>
        %gather3A_556 = tpu.vector_load_idx %gather3A_555[%add3A_184, %add3A_539] : memref<56x64xf32, #tpu.memory_space<vmem>>[vector<16xi32>, vector<16xi32>], vector<16xf32>,
        %mul3A_557 = arith.mulf %gather3A_556, %gather3A_542 : vector<16xf32>
        %add3A_558 = arith.addf %add3A_521, %mul3A_557 : vector<16xf32>
        %gather3A_559 = arith.constant 3 : i32
        %gather3A_560 = arith.constant 0 : i32
        %gather3A_561 = arith.constant 0 : i32
        %gather3A_562 = tpu.memref_slice %arg10[%gather3A_559, %gather3A_560, %gather3A_561] : memref<4x56x64xf32, #tpu.memory_space<vmem>> -> memref<1x56x64xf32, #tpu.memory_space<vmem>>
        %gather3A_563 = tpu.memref_squeeze %gather3A_562 : memref<1x56x64xf32, #tpu.memory_space<vmem>> -> memref<56x64xf32, #tpu.memory_space<vmem>>
        %gather3A_564 = tpu.vector_load_idx %gather3A_563[%add3A_187, %add3A_539] : memref<56x64xf32, #tpu.memory_space<vmem>>[vector<16xi32>, vector<16xi32>], vector<16xf32>,
        %mul3A_565 = arith.mulf %gather3A_564, %gather3A_542 : vector<16xf32>
        %add3A_566 = arith.addf %add3A_529, %mul3A_565 : vector<16xf32>
        %gather3A_567 = arith.constant 3 : i32
        %gather3A_568 = arith.constant 0 : i32
        %gather3A_569 = arith.constant 0 : i32
        %gather3A_570 = tpu.memref_slice %arg10[%gather3A_567, %gather3A_568, %gather3A_569] : memref<4x56x64xf32, #tpu.memory_space<vmem>> -> memref<1x56x64xf32, #tpu.memory_space<vmem>>
        %gather3A_571 = tpu.memref_squeeze %gather3A_570 : memref<1x56x64xf32, #tpu.memory_space<vmem>> -> memref<56x64xf32, #tpu.memory_space<vmem>>
        %gather3A_572 = tpu.vector_load_idx %gather3A_571[%min3A_192, %add3A_539] : memref<56x64xf32, #tpu.memory_space<vmem>>[vector<16xi32>, vector<16xi32>], vector<16xf32>,
        %mul3A_573 = arith.mulf %gather3A_572, %gather3A_542 : vector<16xf32>
        %add3A_574 = arith.addf %add3A_537, %mul3A_573 : vector<16xf32>
        %add3A_575 = vector.broadcast %mul3A_464 : i32 to vector<16xi32>
        %add3A_576 = arith.addi %and3A_106, %add3A_575 : vector<16xi32>
        %broadcast_in_dim3A_577 = vector.shape_cast %and3A_106 : vector<16xi32> to vector<16x1xi32>
        %gather3A_578 = vector.shape_cast %broadcast_in_dim3A_577 : vector<16x1xi32> to vector<16xi32>
        %gather3A_579 = tpu.dynamic_gather %get3A_462[%gather3A_578] in [0] : vector<16xf32>, vector<16xi32> -> vector<16xf32>
        %gather3A_580 = arith.constant 3 : i32
        %gather3A_581 = arith.constant 0 : i32
        %gather3A_582 = arith.constant 0 : i32
        %gather3A_583 = tpu.memref_slice %arg10[%gather3A_580, %gather3A_581, %gather3A_582] : memref<4x56x64xf32, #tpu.memory_space<vmem>> -> memref<1x56x64xf32, #tpu.memory_space<vmem>>
        %gather3A_584 = tpu.memref_squeeze %gather3A_583 : memref<1x56x64xf32, #tpu.memory_space<vmem>> -> memref<56x64xf32, #tpu.memory_space<vmem>>
        %gather3A_585 = tpu.vector_load_idx %gather3A_584[%add3A_181, %add3A_576] : memref<56x64xf32, #tpu.memory_space<vmem>>[vector<16xi32>, vector<16xi32>], vector<16xf32>,
        %mul3A_586 = arith.mulf %gather3A_585, %gather3A_579 : vector<16xf32>
        %add3A_587 = arith.addf %add3A_550, %mul3A_586 : vector<16xf32>
        %gather3A_588 = arith.constant 3 : i32
        %gather3A_589 = arith.constant 0 : i32
        %gather3A_590 = arith.constant 0 : i32
        %gather3A_591 = tpu.memref_slice %arg10[%gather3A_588, %gather3A_589, %gather3A_590] : memref<4x56x64xf32, #tpu.memory_space<vmem>> -> memref<1x56x64xf32, #tpu.memory_space<vmem>>
        %gather3A_592 = tpu.memref_squeeze %gather3A_591 : memref<1x56x64xf32, #tpu.memory_space<vmem>> -> memref<56x64xf32, #tpu.memory_space<vmem>>
        %gather3A_593 = tpu.vector_load_idx %gather3A_592[%add3A_184, %add3A_576] : memref<56x64xf32, #tpu.memory_space<vmem>>[vector<16xi32>, vector<16xi32>], vector<16xf32>,
        %mul3A_594 = arith.mulf %gather3A_593, %gather3A_579 : vector<16xf32>
        %add3A_595 = arith.addf %add3A_558, %mul3A_594 : vector<16xf32>
        %gather3A_596 = arith.constant 3 : i32
        %gather3A_597 = arith.constant 0 : i32
        %gather3A_598 = arith.constant 0 : i32
        %gather3A_599 = tpu.memref_slice %arg10[%gather3A_596, %gather3A_597, %gather3A_598] : memref<4x56x64xf32, #tpu.memory_space<vmem>> -> memref<1x56x64xf32, #tpu.memory_space<vmem>>
        %gather3A_600 = tpu.memref_squeeze %gather3A_599 : memref<1x56x64xf32, #tpu.memory_space<vmem>> -> memref<56x64xf32, #tpu.memory_space<vmem>>
        %gather3A_601 = tpu.vector_load_idx %gather3A_600[%add3A_187, %add3A_576] : memref<56x64xf32, #tpu.memory_space<vmem>>[vector<16xi32>, vector<16xi32>], vector<16xf32>,
        %mul3A_602 = arith.mulf %gather3A_601, %gather3A_579 : vector<16xf32>
        %add3A_603 = arith.addf %add3A_566, %mul3A_602 : vector<16xf32>
        %gather3A_604 = arith.constant 3 : i32
        %gather3A_605 = arith.constant 0 : i32
        %gather3A_606 = arith.constant 0 : i32
        %gather3A_607 = tpu.memref_slice %arg10[%gather3A_604, %gather3A_605, %gather3A_606] : memref<4x56x64xf32, #tpu.memory_space<vmem>> -> memref<1x56x64xf32, #tpu.memory_space<vmem>>
        %gather3A_608 = tpu.memref_squeeze %gather3A_607 : memref<1x56x64xf32, #tpu.memory_space<vmem>> -> memref<56x64xf32, #tpu.memory_space<vmem>>
        %gather3A_609 = tpu.vector_load_idx %gather3A_608[%min3A_192, %add3A_576] : memref<56x64xf32, #tpu.memory_space<vmem>>[vector<16xi32>, vector<16xi32>], vector<16xf32>,
        %mul3A_610 = arith.mulf %gather3A_609, %gather3A_579 : vector<16xf32>
        %add3A_611 = arith.addf %add3A_574, %mul3A_610 : vector<16xf32>
        %add3A_612 = vector.broadcast %mul3A_464 : i32 to vector<16xi32>
        %add3A_613 = arith.addi %and3A_112, %add3A_612 : vector<16xi32>
        %broadcast_in_dim3A_614 = vector.shape_cast %and3A_112 : vector<16xi32> to vector<16x1xi32>
        %gather3A_615 = vector.shape_cast %broadcast_in_dim3A_614 : vector<16x1xi32> to vector<16xi32>
        %gather3A_616 = tpu.dynamic_gather %get3A_462[%gather3A_615] in [0] : vector<16xf32>, vector<16xi32> -> vector<16xf32>
        %gather3A_617 = arith.constant 3 : i32
        %gather3A_618 = arith.constant 0 : i32
        %gather3A_619 = arith.constant 0 : i32
        %gather3A_620 = tpu.memref_slice %arg10[%gather3A_617, %gather3A_618, %gather3A_619] : memref<4x56x64xf32, #tpu.memory_space<vmem>> -> memref<1x56x64xf32, #tpu.memory_space<vmem>>
        %gather3A_621 = tpu.memref_squeeze %gather3A_620 : memref<1x56x64xf32, #tpu.memory_space<vmem>> -> memref<56x64xf32, #tpu.memory_space<vmem>>
        %gather3A_622 = tpu.vector_load_idx %gather3A_621[%add3A_181, %add3A_613] : memref<56x64xf32, #tpu.memory_space<vmem>>[vector<16xi32>, vector<16xi32>], vector<16xf32>,
        %mul3A_623 = arith.mulf %gather3A_622, %gather3A_616 : vector<16xf32>
        %add3A_624 = arith.addf %add3A_587, %mul3A_623 : vector<16xf32>
        %gather3A_625 = arith.constant 3 : i32
        %gather3A_626 = arith.constant 0 : i32
        %gather3A_627 = arith.constant 0 : i32
        %gather3A_628 = tpu.memref_slice %arg10[%gather3A_625, %gather3A_626, %gather3A_627] : memref<4x56x64xf32, #tpu.memory_space<vmem>> -> memref<1x56x64xf32, #tpu.memory_space<vmem>>
        %gather3A_629 = tpu.memref_squeeze %gather3A_628 : memref<1x56x64xf32, #tpu.memory_space<vmem>> -> memref<56x64xf32, #tpu.memory_space<vmem>>
        %gather3A_630 = tpu.vector_load_idx %gather3A_629[%add3A_184, %add3A_613] : memref<56x64xf32, #tpu.memory_space<vmem>>[vector<16xi32>, vector<16xi32>], vector<16xf32>,
        %mul3A_631 = arith.mulf %gather3A_630, %gather3A_616 : vector<16xf32>
        %add3A_632 = arith.addf %add3A_595, %mul3A_631 : vector<16xf32>
        %gather3A_633 = arith.constant 3 : i32
        %gather3A_634 = arith.constant 0 : i32
        %gather3A_635 = arith.constant 0 : i32
        %gather3A_636 = tpu.memref_slice %arg10[%gather3A_633, %gather3A_634, %gather3A_635] : memref<4x56x64xf32, #tpu.memory_space<vmem>> -> memref<1x56x64xf32, #tpu.memory_space<vmem>>
        %gather3A_637 = tpu.memref_squeeze %gather3A_636 : memref<1x56x64xf32, #tpu.memory_space<vmem>> -> memref<56x64xf32, #tpu.memory_space<vmem>>
        %gather3A_638 = tpu.vector_load_idx %gather3A_637[%add3A_187, %add3A_613] : memref<56x64xf32, #tpu.memory_space<vmem>>[vector<16xi32>, vector<16xi32>], vector<16xf32>,
        %mul3A_639 = arith.mulf %gather3A_638, %gather3A_616 : vector<16xf32>
        %add3A_640 = arith.addf %add3A_603, %mul3A_639 : vector<16xf32>
        %gather3A_641 = arith.constant 3 : i32
        %gather3A_642 = arith.constant 0 : i32
        %gather3A_643 = arith.constant 0 : i32
        %gather3A_644 = tpu.memref_slice %arg10[%gather3A_641, %gather3A_642, %gather3A_643] : memref<4x56x64xf32, #tpu.memory_space<vmem>> -> memref<1x56x64xf32, #tpu.memory_space<vmem>>
        %gather3A_645 = tpu.memref_squeeze %gather3A_644 : memref<1x56x64xf32, #tpu.memory_space<vmem>> -> memref<56x64xf32, #tpu.memory_space<vmem>>
        %gather3A_646 = tpu.vector_load_idx %gather3A_645[%min3A_192, %add3A_613] : memref<56x64xf32, #tpu.memory_space<vmem>>[vector<16xi32>, vector<16xi32>], vector<16xf32>,
        %mul3A_647 = arith.mulf %gather3A_646, %gather3A_616 : vector<16xf32>
        %add3A_648 = arith.addf %add3A_611, %mul3A_647 : vector<16xf32>
        %add3A_649 = vector.broadcast %mul3A_464 : i32 to vector<16xi32>
        %add3A_650 = arith.addi %and3A_118, %add3A_649 : vector<16xi32>
        %broadcast_in_dim3A_651 = vector.shape_cast %and3A_118 : vector<16xi32> to vector<16x1xi32>
        %gather3A_652 = vector.shape_cast %broadcast_in_dim3A_651 : vector<16x1xi32> to vector<16xi32>
        %gather3A_653 = tpu.dynamic_gather %get3A_462[%gather3A_652] in [0] : vector<16xf32>, vector<16xi32> -> vector<16xf32>
        %gather3A_654 = arith.constant 3 : i32
        %gather3A_655 = arith.constant 0 : i32
        %gather3A_656 = arith.constant 0 : i32
        %gather3A_657 = tpu.memref_slice %arg10[%gather3A_654, %gather3A_655, %gather3A_656] : memref<4x56x64xf32, #tpu.memory_space<vmem>> -> memref<1x56x64xf32, #tpu.memory_space<vmem>>
        %gather3A_658 = tpu.memref_squeeze %gather3A_657 : memref<1x56x64xf32, #tpu.memory_space<vmem>> -> memref<56x64xf32, #tpu.memory_space<vmem>>
        %gather3A_659 = tpu.vector_load_idx %gather3A_658[%add3A_181, %add3A_650] : memref<56x64xf32, #tpu.memory_space<vmem>>[vector<16xi32>, vector<16xi32>], vector<16xf32>,
        %mul3A_660 = arith.mulf %gather3A_659, %gather3A_653 : vector<16xf32>
        %add3A_661 = arith.addf %add3A_624, %mul3A_660 : vector<16xf32>
        %gather3A_662 = arith.constant 3 : i32
        %gather3A_663 = arith.constant 0 : i32
        %gather3A_664 = arith.constant 0 : i32
        %gather3A_665 = tpu.memref_slice %arg10[%gather3A_662, %gather3A_663, %gather3A_664] : memref<4x56x64xf32, #tpu.memory_space<vmem>> -> memref<1x56x64xf32, #tpu.memory_space<vmem>>
        %gather3A_666 = tpu.memref_squeeze %gather3A_665 : memref<1x56x64xf32, #tpu.memory_space<vmem>> -> memref<56x64xf32, #tpu.memory_space<vmem>>
        %gather3A_667 = tpu.vector_load_idx %gather3A_666[%add3A_184, %add3A_650] : memref<56x64xf32, #tpu.memory_space<vmem>>[vector<16xi32>, vector<16xi32>], vector<16xf32>,
        %mul3A_668 = arith.mulf %gather3A_667, %gather3A_653 : vector<16xf32>
        %add3A_669 = arith.addf %add3A_632, %mul3A_668 : vector<16xf32>
        %gather3A_670 = arith.constant 3 : i32
        %gather3A_671 = arith.constant 0 : i32
        %gather3A_672 = arith.constant 0 : i32
        %gather3A_673 = tpu.memref_slice %arg10[%gather3A_670, %gather3A_671, %gather3A_672] : memref<4x56x64xf32, #tpu.memory_space<vmem>> -> memref<1x56x64xf32, #tpu.memory_space<vmem>>
        %gather3A_674 = tpu.memref_squeeze %gather3A_673 : memref<1x56x64xf32, #tpu.memory_space<vmem>> -> memref<56x64xf32, #tpu.memory_space<vmem>>
        %gather3A_675 = tpu.vector_load_idx %gather3A_674[%add3A_187, %add3A_650] : memref<56x64xf32, #tpu.memory_space<vmem>>[vector<16xi32>, vector<16xi32>], vector<16xf32>,
        %mul3A_676 = arith.mulf %gather3A_675, %gather3A_653 : vector<16xf32>
        %add3A_677 = arith.addf %add3A_640, %mul3A_676 : vector<16xf32>
        %gather3A_678 = arith.constant 3 : i32
        %gather3A_679 = arith.constant 0 : i32
        %gather3A_680 = arith.constant 0 : i32
        %gather3A_681 = tpu.memref_slice %arg10[%gather3A_678, %gather3A_679, %gather3A_680] : memref<4x56x64xf32, #tpu.memory_space<vmem>> -> memref<1x56x64xf32, #tpu.memory_space<vmem>>
        %gather3A_682 = tpu.memref_squeeze %gather3A_681 : memref<1x56x64xf32, #tpu.memory_space<vmem>> -> memref<56x64xf32, #tpu.memory_space<vmem>>
        %gather3A_683 = tpu.vector_load_idx %gather3A_682[%min3A_192, %add3A_650] : memref<56x64xf32, #tpu.memory_space<vmem>>[vector<16xi32>, vector<16xi32>], vector<16xf32>,
        %mul3A_684 = arith.mulf %gather3A_683, %gather3A_653 : vector<16xf32>
        %add3A_685 = arith.addf %add3A_648, %mul3A_684 : vector<16xf32>
        %add3A_686 = vector.broadcast %mul3A_464 : i32 to vector<16xi32>
        %add3A_687 = arith.addi %and3A_124, %add3A_686 : vector<16xi32>
        %broadcast_in_dim3A_688 = vector.shape_cast %and3A_124 : vector<16xi32> to vector<16x1xi32>
        %gather3A_689 = vector.shape_cast %broadcast_in_dim3A_688 : vector<16x1xi32> to vector<16xi32>
        %gather3A_690 = tpu.dynamic_gather %get3A_462[%gather3A_689] in [0] : vector<16xf32>, vector<16xi32> -> vector<16xf32>
        %gather3A_691 = arith.constant 3 : i32
        %gather3A_692 = arith.constant 0 : i32
        %gather3A_693 = arith.constant 0 : i32
        %gather3A_694 = tpu.memref_slice %arg10[%gather3A_691, %gather3A_692, %gather3A_693] : memref<4x56x64xf32, #tpu.memory_space<vmem>> -> memref<1x56x64xf32, #tpu.memory_space<vmem>>
        %gather3A_695 = tpu.memref_squeeze %gather3A_694 : memref<1x56x64xf32, #tpu.memory_space<vmem>> -> memref<56x64xf32, #tpu.memory_space<vmem>>
        %gather3A_696 = tpu.vector_load_idx %gather3A_695[%add3A_181, %add3A_687] : memref<56x64xf32, #tpu.memory_space<vmem>>[vector<16xi32>, vector<16xi32>], vector<16xf32>,
        %mul3A_697 = arith.mulf %gather3A_696, %gather3A_690 : vector<16xf32>
        %add3A_698 = arith.addf %add3A_661, %mul3A_697 : vector<16xf32>
        %gather3A_699 = arith.constant 3 : i32
        %gather3A_700 = arith.constant 0 : i32
        %gather3A_701 = arith.constant 0 : i32
        %gather3A_702 = tpu.memref_slice %arg10[%gather3A_699, %gather3A_700, %gather3A_701] : memref<4x56x64xf32, #tpu.memory_space<vmem>> -> memref<1x56x64xf32, #tpu.memory_space<vmem>>
        %gather3A_703 = tpu.memref_squeeze %gather3A_702 : memref<1x56x64xf32, #tpu.memory_space<vmem>> -> memref<56x64xf32, #tpu.memory_space<vmem>>
        %gather3A_704 = tpu.vector_load_idx %gather3A_703[%add3A_184, %add3A_687] : memref<56x64xf32, #tpu.memory_space<vmem>>[vector<16xi32>, vector<16xi32>], vector<16xf32>,
        %mul3A_705 = arith.mulf %gather3A_704, %gather3A_690 : vector<16xf32>
        %add3A_706 = arith.addf %add3A_669, %mul3A_705 : vector<16xf32>
        %gather3A_707 = arith.constant 3 : i32
        %gather3A_708 = arith.constant 0 : i32
        %gather3A_709 = arith.constant 0 : i32
        %gather3A_710 = tpu.memref_slice %arg10[%gather3A_707, %gather3A_708, %gather3A_709] : memref<4x56x64xf32, #tpu.memory_space<vmem>> -> memref<1x56x64xf32, #tpu.memory_space<vmem>>
        %gather3A_711 = tpu.memref_squeeze %gather3A_710 : memref<1x56x64xf32, #tpu.memory_space<vmem>> -> memref<56x64xf32, #tpu.memory_space<vmem>>
        %gather3A_712 = tpu.vector_load_idx %gather3A_711[%add3A_187, %add3A_687] : memref<56x64xf32, #tpu.memory_space<vmem>>[vector<16xi32>, vector<16xi32>], vector<16xf32>,
        %mul3A_713 = arith.mulf %gather3A_712, %gather3A_690 : vector<16xf32>
        %add3A_714 = arith.addf %add3A_677, %mul3A_713 : vector<16xf32>
        %gather3A_715 = arith.constant 3 : i32
        %gather3A_716 = arith.constant 0 : i32
        %gather3A_717 = arith.constant 0 : i32
        %gather3A_718 = tpu.memref_slice %arg10[%gather3A_715, %gather3A_716, %gather3A_717] : memref<4x56x64xf32, #tpu.memory_space<vmem>> -> memref<1x56x64xf32, #tpu.memory_space<vmem>>
        %gather3A_719 = tpu.memref_squeeze %gather3A_718 : memref<1x56x64xf32, #tpu.memory_space<vmem>> -> memref<56x64xf32, #tpu.memory_space<vmem>>
        %gather3A_720 = tpu.vector_load_idx %gather3A_719[%min3A_192, %add3A_687] : memref<56x64xf32, #tpu.memory_space<vmem>>[vector<16xi32>, vector<16xi32>], vector<16xf32>,
        %mul3A_721 = arith.mulf %gather3A_720, %gather3A_690 : vector<16xf32>
        %add3A_722 = arith.addf %add3A_685, %mul3A_721 : vector<16xf32>
        %add3A_723 = vector.broadcast %mul3A_464 : i32 to vector<16xi32>
        %add3A_724 = arith.addi %and3A_130, %add3A_723 : vector<16xi32>
        %broadcast_in_dim3A_725 = vector.shape_cast %and3A_130 : vector<16xi32> to vector<16x1xi32>
        %gather3A_726 = vector.shape_cast %broadcast_in_dim3A_725 : vector<16x1xi32> to vector<16xi32>
        %gather3A_727 = tpu.dynamic_gather %get3A_462[%gather3A_726] in [0] : vector<16xf32>, vector<16xi32> -> vector<16xf32>
        %gather3A_728 = arith.constant 3 : i32
        %gather3A_729 = arith.constant 0 : i32
        %gather3A_730 = arith.constant 0 : i32
        %gather3A_731 = tpu.memref_slice %arg10[%gather3A_728, %gather3A_729, %gather3A_730] : memref<4x56x64xf32, #tpu.memory_space<vmem>> -> memref<1x56x64xf32, #tpu.memory_space<vmem>>
        %gather3A_732 = tpu.memref_squeeze %gather3A_731 : memref<1x56x64xf32, #tpu.memory_space<vmem>> -> memref<56x64xf32, #tpu.memory_space<vmem>>
        %gather3A_733 = tpu.vector_load_idx %gather3A_732[%add3A_181, %add3A_724] : memref<56x64xf32, #tpu.memory_space<vmem>>[vector<16xi32>, vector<16xi32>], vector<16xf32>,
        %mul3A_734 = arith.mulf %gather3A_733, %gather3A_727 : vector<16xf32>
        %add3A_735 = arith.addf %add3A_698, %mul3A_734 : vector<16xf32>
        %gather3A_736 = arith.constant 3 : i32
        %gather3A_737 = arith.constant 0 : i32
        %gather3A_738 = arith.constant 0 : i32
        %gather3A_739 = tpu.memref_slice %arg10[%gather3A_736, %gather3A_737, %gather3A_738] : memref<4x56x64xf32, #tpu.memory_space<vmem>> -> memref<1x56x64xf32, #tpu.memory_space<vmem>>
        %gather3A_740 = tpu.memref_squeeze %gather3A_739 : memref<1x56x64xf32, #tpu.memory_space<vmem>> -> memref<56x64xf32, #tpu.memory_space<vmem>>
        %gather3A_741 = tpu.vector_load_idx %gather3A_740[%add3A_184, %add3A_724] : memref<56x64xf32, #tpu.memory_space<vmem>>[vector<16xi32>, vector<16xi32>], vector<16xf32>,
        %mul3A_742 = arith.mulf %gather3A_741, %gather3A_727 : vector<16xf32>
        %add3A_743 = arith.addf %add3A_706, %mul3A_742 : vector<16xf32>
        %gather3A_744 = arith.constant 3 : i32
        %gather3A_745 = arith.constant 0 : i32
        %gather3A_746 = arith.constant 0 : i32
        %gather3A_747 = tpu.memref_slice %arg10[%gather3A_744, %gather3A_745, %gather3A_746] : memref<4x56x64xf32, #tpu.memory_space<vmem>> -> memref<1x56x64xf32, #tpu.memory_space<vmem>>
        %gather3A_748 = tpu.memref_squeeze %gather3A_747 : memref<1x56x64xf32, #tpu.memory_space<vmem>> -> memref<56x64xf32, #tpu.memory_space<vmem>>
        %gather3A_749 = tpu.vector_load_idx %gather3A_748[%add3A_187, %add3A_724] : memref<56x64xf32, #tpu.memory_space<vmem>>[vector<16xi32>, vector<16xi32>], vector<16xf32>,
        %mul3A_750 = arith.mulf %gather3A_749, %gather3A_727 : vector<16xf32>
        %add3A_751 = arith.addf %add3A_714, %mul3A_750 : vector<16xf32>
        %gather3A_752 = arith.constant 3 : i32
        %gather3A_753 = arith.constant 0 : i32
        %gather3A_754 = arith.constant 0 : i32
        %gather3A_755 = tpu.memref_slice %arg10[%gather3A_752, %gather3A_753, %gather3A_754] : memref<4x56x64xf32, #tpu.memory_space<vmem>> -> memref<1x56x64xf32, #tpu.memory_space<vmem>>
        %gather3A_756 = tpu.memref_squeeze %gather3A_755 : memref<1x56x64xf32, #tpu.memory_space<vmem>> -> memref<56x64xf32, #tpu.memory_space<vmem>>
        %gather3A_757 = tpu.vector_load_idx %gather3A_756[%min3A_192, %add3A_724] : memref<56x64xf32, #tpu.memory_space<vmem>>[vector<16xi32>, vector<16xi32>], vector<16xf32>,
        %mul3A_758 = arith.mulf %gather3A_757, %gather3A_727 : vector<16xf32>
        %add3A_759 = arith.addf %add3A_722, %mul3A_758 : vector<16xf32>
        %add3A_760 = vector.broadcast %mul3A_464 : i32 to vector<16xi32>
        %add3A_761 = arith.addi %and3A_136, %add3A_760 : vector<16xi32>
        %broadcast_in_dim3A_762 = vector.shape_cast %and3A_136 : vector<16xi32> to vector<16x1xi32>
        %gather3A_763 = vector.shape_cast %broadcast_in_dim3A_762 : vector<16x1xi32> to vector<16xi32>
        %gather3A_764 = tpu.dynamic_gather %get3A_462[%gather3A_763] in [0] : vector<16xf32>, vector<16xi32> -> vector<16xf32>
        %gather3A_765 = arith.constant 3 : i32
        %gather3A_766 = arith.constant 0 : i32
        %gather3A_767 = arith.constant 0 : i32
        %gather3A_768 = tpu.memref_slice %arg10[%gather3A_765, %gather3A_766, %gather3A_767] : memref<4x56x64xf32, #tpu.memory_space<vmem>> -> memref<1x56x64xf32, #tpu.memory_space<vmem>>
        %gather3A_769 = tpu.memref_squeeze %gather3A_768 : memref<1x56x64xf32, #tpu.memory_space<vmem>> -> memref<56x64xf32, #tpu.memory_space<vmem>>
        %gather3A_770 = tpu.vector_load_idx %gather3A_769[%add3A_181, %add3A_761] : memref<56x64xf32, #tpu.memory_space<vmem>>[vector<16xi32>, vector<16xi32>], vector<16xf32>,
        %mul3A_771 = arith.mulf %gather3A_770, %gather3A_764 : vector<16xf32>
        %add3A_772 = arith.addf %add3A_735, %mul3A_771 : vector<16xf32>
        %gather3A_773 = arith.constant 3 : i32
        %gather3A_774 = arith.constant 0 : i32
        %gather3A_775 = arith.constant 0 : i32
        %gather3A_776 = tpu.memref_slice %arg10[%gather3A_773, %gather3A_774, %gather3A_775] : memref<4x56x64xf32, #tpu.memory_space<vmem>> -> memref<1x56x64xf32, #tpu.memory_space<vmem>>
        %gather3A_777 = tpu.memref_squeeze %gather3A_776 : memref<1x56x64xf32, #tpu.memory_space<vmem>> -> memref<56x64xf32, #tpu.memory_space<vmem>>
        %gather3A_778 = tpu.vector_load_idx %gather3A_777[%add3A_184, %add3A_761] : memref<56x64xf32, #tpu.memory_space<vmem>>[vector<16xi32>, vector<16xi32>], vector<16xf32>,
        %mul3A_779 = arith.mulf %gather3A_778, %gather3A_764 : vector<16xf32>
        %add3A_780 = arith.addf %add3A_743, %mul3A_779 : vector<16xf32>
        %gather3A_781 = arith.constant 3 : i32
        %gather3A_782 = arith.constant 0 : i32
        %gather3A_783 = arith.constant 0 : i32
        %gather3A_784 = tpu.memref_slice %arg10[%gather3A_781, %gather3A_782, %gather3A_783] : memref<4x56x64xf32, #tpu.memory_space<vmem>> -> memref<1x56x64xf32, #tpu.memory_space<vmem>>
        %gather3A_785 = tpu.memref_squeeze %gather3A_784 : memref<1x56x64xf32, #tpu.memory_space<vmem>> -> memref<56x64xf32, #tpu.memory_space<vmem>>
        %gather3A_786 = tpu.vector_load_idx %gather3A_785[%add3A_187, %add3A_761] : memref<56x64xf32, #tpu.memory_space<vmem>>[vector<16xi32>, vector<16xi32>], vector<16xf32>,
        %mul3A_787 = arith.mulf %gather3A_786, %gather3A_764 : vector<16xf32>
        %add3A_788 = arith.addf %add3A_751, %mul3A_787 : vector<16xf32>
        %gather3A_789 = arith.constant 3 : i32
        %gather3A_790 = arith.constant 0 : i32
        %gather3A_791 = arith.constant 0 : i32
        %gather3A_792 = tpu.memref_slice %arg10[%gather3A_789, %gather3A_790, %gather3A_791] : memref<4x56x64xf32, #tpu.memory_space<vmem>> -> memref<1x56x64xf32, #tpu.memory_space<vmem>>
        %gather3A_793 = tpu.memref_squeeze %gather3A_792 : memref<1x56x64xf32, #tpu.memory_space<vmem>> -> memref<56x64xf32, #tpu.memory_space<vmem>>
        %gather3A_794 = tpu.vector_load_idx %gather3A_793[%min3A_192, %add3A_761] : memref<56x64xf32, #tpu.memory_space<vmem>>[vector<16xi32>, vector<16xi32>], vector<16xf32>,
        %mul3A_795 = arith.mulf %gather3A_794, %gather3A_764 : vector<16xf32>
        %add3A_796 = arith.addf %add3A_759, %mul3A_795 : vector<16xf32>
        %add3A_797 = vector.broadcast %mul3A_464 : i32 to vector<16xi32>
        %add3A_798 = arith.addi %and3A_142, %add3A_797 : vector<16xi32>
        %broadcast_in_dim3A_799 = vector.shape_cast %and3A_142 : vector<16xi32> to vector<16x1xi32>
        %gather3A_800 = vector.shape_cast %broadcast_in_dim3A_799 : vector<16x1xi32> to vector<16xi32>
        %gather3A_801 = tpu.dynamic_gather %get3A_462[%gather3A_800] in [0] : vector<16xf32>, vector<16xi32> -> vector<16xf32>
        %gather3A_802 = arith.constant 3 : i32
        %gather3A_803 = arith.constant 0 : i32
        %gather3A_804 = arith.constant 0 : i32
        %gather3A_805 = tpu.memref_slice %arg10[%gather3A_802, %gather3A_803, %gather3A_804] : memref<4x56x64xf32, #tpu.memory_space<vmem>> -> memref<1x56x64xf32, #tpu.memory_space<vmem>>
        %gather3A_806 = tpu.memref_squeeze %gather3A_805 : memref<1x56x64xf32, #tpu.memory_space<vmem>> -> memref<56x64xf32, #tpu.memory_space<vmem>>
        %gather3A_807 = tpu.vector_load_idx %gather3A_806[%add3A_181, %add3A_798] : memref<56x64xf32, #tpu.memory_space<vmem>>[vector<16xi32>, vector<16xi32>], vector<16xf32>,
        %mul3A_808 = arith.mulf %gather3A_807, %gather3A_801 : vector<16xf32>
        %add3A_809 = arith.addf %add3A_772, %mul3A_808 : vector<16xf32>
        %gather3A_810 = arith.constant 3 : i32
        %gather3A_811 = arith.constant 0 : i32
        %gather3A_812 = arith.constant 0 : i32
        %gather3A_813 = tpu.memref_slice %arg10[%gather3A_810, %gather3A_811, %gather3A_812] : memref<4x56x64xf32, #tpu.memory_space<vmem>> -> memref<1x56x64xf32, #tpu.memory_space<vmem>>
        %gather3A_814 = tpu.memref_squeeze %gather3A_813 : memref<1x56x64xf32, #tpu.memory_space<vmem>> -> memref<56x64xf32, #tpu.memory_space<vmem>>
        %gather3A_815 = tpu.vector_load_idx %gather3A_814[%add3A_184, %add3A_798] : memref<56x64xf32, #tpu.memory_space<vmem>>[vector<16xi32>, vector<16xi32>], vector<16xf32>,
        %mul3A_816 = arith.mulf %gather3A_815, %gather3A_801 : vector<16xf32>
        %add3A_817 = arith.addf %add3A_780, %mul3A_816 : vector<16xf32>
        %gather3A_818 = arith.constant 3 : i32
        %gather3A_819 = arith.constant 0 : i32
        %gather3A_820 = arith.constant 0 : i32
        %gather3A_821 = tpu.memref_slice %arg10[%gather3A_818, %gather3A_819, %gather3A_820] : memref<4x56x64xf32, #tpu.memory_space<vmem>> -> memref<1x56x64xf32, #tpu.memory_space<vmem>>
        %gather3A_822 = tpu.memref_squeeze %gather3A_821 : memref<1x56x64xf32, #tpu.memory_space<vmem>> -> memref<56x64xf32, #tpu.memory_space<vmem>>
        %gather3A_823 = tpu.vector_load_idx %gather3A_822[%add3A_187, %add3A_798] : memref<56x64xf32, #tpu.memory_space<vmem>>[vector<16xi32>, vector<16xi32>], vector<16xf32>,
        %mul3A_824 = arith.mulf %gather3A_823, %gather3A_801 : vector<16xf32>
        %add3A_825 = arith.addf %add3A_788, %mul3A_824 : vector<16xf32>
        %gather3A_826 = arith.constant 3 : i32
        %gather3A_827 = arith.constant 0 : i32
        %gather3A_828 = arith.constant 0 : i32
        %gather3A_829 = tpu.memref_slice %arg10[%gather3A_826, %gather3A_827, %gather3A_828] : memref<4x56x64xf32, #tpu.memory_space<vmem>> -> memref<1x56x64xf32, #tpu.memory_space<vmem>>
        %gather3A_830 = tpu.memref_squeeze %gather3A_829 : memref<1x56x64xf32, #tpu.memory_space<vmem>> -> memref<56x64xf32, #tpu.memory_space<vmem>>
        %gather3A_831 = tpu.vector_load_idx %gather3A_830[%min3A_192, %add3A_798] : memref<56x64xf32, #tpu.memory_space<vmem>>[vector<16xi32>, vector<16xi32>], vector<16xf32>,
        %mul3A_832 = arith.mulf %gather3A_831, %gather3A_801 : vector<16xf32>
        %add3A_833 = arith.addf %add3A_796, %mul3A_832 : vector<16xf32>
        %add3A_834 = vector.broadcast %mul3A_464 : i32 to vector<16xi32>
        %add3A_835 = arith.addi %and3A_148, %add3A_834 : vector<16xi32>
        %broadcast_in_dim3A_836 = vector.shape_cast %and3A_148 : vector<16xi32> to vector<16x1xi32>
        %gather3A_837 = vector.shape_cast %broadcast_in_dim3A_836 : vector<16x1xi32> to vector<16xi32>
        %gather3A_838 = tpu.dynamic_gather %get3A_462[%gather3A_837] in [0] : vector<16xf32>, vector<16xi32> -> vector<16xf32>
        %gather3A_839 = arith.constant 3 : i32
        %gather3A_840 = arith.constant 0 : i32
        %gather3A_841 = arith.constant 0 : i32
        %gather3A_842 = tpu.memref_slice %arg10[%gather3A_839, %gather3A_840, %gather3A_841] : memref<4x56x64xf32, #tpu.memory_space<vmem>> -> memref<1x56x64xf32, #tpu.memory_space<vmem>>
        %gather3A_843 = tpu.memref_squeeze %gather3A_842 : memref<1x56x64xf32, #tpu.memory_space<vmem>> -> memref<56x64xf32, #tpu.memory_space<vmem>>
        %gather3A_844 = tpu.vector_load_idx %gather3A_843[%add3A_181, %add3A_835] : memref<56x64xf32, #tpu.memory_space<vmem>>[vector<16xi32>, vector<16xi32>], vector<16xf32>,
        %mul3A_845 = arith.mulf %gather3A_844, %gather3A_838 : vector<16xf32>
        %add3A_846 = arith.addf %add3A_809, %mul3A_845 : vector<16xf32>
        %gather3A_847 = arith.constant 3 : i32
        %gather3A_848 = arith.constant 0 : i32
        %gather3A_849 = arith.constant 0 : i32
        %gather3A_850 = tpu.memref_slice %arg10[%gather3A_847, %gather3A_848, %gather3A_849] : memref<4x56x64xf32, #tpu.memory_space<vmem>> -> memref<1x56x64xf32, #tpu.memory_space<vmem>>
        %gather3A_851 = tpu.memref_squeeze %gather3A_850 : memref<1x56x64xf32, #tpu.memory_space<vmem>> -> memref<56x64xf32, #tpu.memory_space<vmem>>
        %gather3A_852 = tpu.vector_load_idx %gather3A_851[%add3A_184, %add3A_835] : memref<56x64xf32, #tpu.memory_space<vmem>>[vector<16xi32>, vector<16xi32>], vector<16xf32>,
        %mul3A_853 = arith.mulf %gather3A_852, %gather3A_838 : vector<16xf32>
        %add3A_854 = arith.addf %add3A_817, %mul3A_853 : vector<16xf32>
        %gather3A_855 = arith.constant 3 : i32
        %gather3A_856 = arith.constant 0 : i32
        %gather3A_857 = arith.constant 0 : i32
        %gather3A_858 = tpu.memref_slice %arg10[%gather3A_855, %gather3A_856, %gather3A_857] : memref<4x56x64xf32, #tpu.memory_space<vmem>> -> memref<1x56x64xf32, #tpu.memory_space<vmem>>
        %gather3A_859 = tpu.memref_squeeze %gather3A_858 : memref<1x56x64xf32, #tpu.memory_space<vmem>> -> memref<56x64xf32, #tpu.memory_space<vmem>>
        %gather3A_860 = tpu.vector_load_idx %gather3A_859[%add3A_187, %add3A_835] : memref<56x64xf32, #tpu.memory_space<vmem>>[vector<16xi32>, vector<16xi32>], vector<16xf32>,
        %mul3A_861 = arith.mulf %gather3A_860, %gather3A_838 : vector<16xf32>
        %add3A_862 = arith.addf %add3A_825, %mul3A_861 : vector<16xf32>
        %gather3A_863 = arith.constant 3 : i32
        %gather3A_864 = arith.constant 0 : i32
        %gather3A_865 = arith.constant 0 : i32
        %gather3A_866 = tpu.memref_slice %arg10[%gather3A_863, %gather3A_864, %gather3A_865] : memref<4x56x64xf32, #tpu.memory_space<vmem>> -> memref<1x56x64xf32, #tpu.memory_space<vmem>>
        %gather3A_867 = tpu.memref_squeeze %gather3A_866 : memref<1x56x64xf32, #tpu.memory_space<vmem>> -> memref<56x64xf32, #tpu.memory_space<vmem>>
        %gather3A_868 = tpu.vector_load_idx %gather3A_867[%min3A_192, %add3A_835] : memref<56x64xf32, #tpu.memory_space<vmem>>[vector<16xi32>, vector<16xi32>], vector<16xf32>,
        %mul3A_869 = arith.mulf %gather3A_868, %gather3A_838 : vector<16xf32>
        %add3A_870 = arith.addf %add3A_833, %mul3A_869 : vector<16xf32>
        %add3A_871 = vector.broadcast %mul3A_464 : i32 to vector<16xi32>
        %add3A_872 = arith.addi %and3A_154, %add3A_871 : vector<16xi32>
        %broadcast_in_dim3A_873 = vector.shape_cast %and3A_154 : vector<16xi32> to vector<16x1xi32>
        %gather3A_874 = vector.shape_cast %broadcast_in_dim3A_873 : vector<16x1xi32> to vector<16xi32>
        %gather3A_875 = tpu.dynamic_gather %get3A_462[%gather3A_874] in [0] : vector<16xf32>, vector<16xi32> -> vector<16xf32>
        %gather3A_876 = arith.constant 3 : i32
        %gather3A_877 = arith.constant 0 : i32
        %gather3A_878 = arith.constant 0 : i32
        %gather3A_879 = tpu.memref_slice %arg10[%gather3A_876, %gather3A_877, %gather3A_878] : memref<4x56x64xf32, #tpu.memory_space<vmem>> -> memref<1x56x64xf32, #tpu.memory_space<vmem>>
        %gather3A_880 = tpu.memref_squeeze %gather3A_879 : memref<1x56x64xf32, #tpu.memory_space<vmem>> -> memref<56x64xf32, #tpu.memory_space<vmem>>
        %gather3A_881 = tpu.vector_load_idx %gather3A_880[%add3A_181, %add3A_872] : memref<56x64xf32, #tpu.memory_space<vmem>>[vector<16xi32>, vector<16xi32>], vector<16xf32>,
        %mul3A_882 = arith.mulf %gather3A_881, %gather3A_875 : vector<16xf32>
        %add3A_883 = arith.addf %add3A_846, %mul3A_882 : vector<16xf32>
        %gather3A_884 = arith.constant 3 : i32
        %gather3A_885 = arith.constant 0 : i32
        %gather3A_886 = arith.constant 0 : i32
        %gather3A_887 = tpu.memref_slice %arg10[%gather3A_884, %gather3A_885, %gather3A_886] : memref<4x56x64xf32, #tpu.memory_space<vmem>> -> memref<1x56x64xf32, #tpu.memory_space<vmem>>
        %gather3A_888 = tpu.memref_squeeze %gather3A_887 : memref<1x56x64xf32, #tpu.memory_space<vmem>> -> memref<56x64xf32, #tpu.memory_space<vmem>>
        %gather3A_889 = tpu.vector_load_idx %gather3A_888[%add3A_184, %add3A_872] : memref<56x64xf32, #tpu.memory_space<vmem>>[vector<16xi32>, vector<16xi32>], vector<16xf32>,
        %mul3A_890 = arith.mulf %gather3A_889, %gather3A_875 : vector<16xf32>
        %add3A_891 = arith.addf %add3A_854, %mul3A_890 : vector<16xf32>
        %gather3A_892 = arith.constant 3 : i32
        %gather3A_893 = arith.constant 0 : i32
        %gather3A_894 = arith.constant 0 : i32
        %gather3A_895 = tpu.memref_slice %arg10[%gather3A_892, %gather3A_893, %gather3A_894] : memref<4x56x64xf32, #tpu.memory_space<vmem>> -> memref<1x56x64xf32, #tpu.memory_space<vmem>>
        %gather3A_896 = tpu.memref_squeeze %gather3A_895 : memref<1x56x64xf32, #tpu.memory_space<vmem>> -> memref<56x64xf32, #tpu.memory_space<vmem>>
        %gather3A_897 = tpu.vector_load_idx %gather3A_896[%add3A_187, %add3A_872] : memref<56x64xf32, #tpu.memory_space<vmem>>[vector<16xi32>, vector<16xi32>], vector<16xf32>,
        %mul3A_898 = arith.mulf %gather3A_897, %gather3A_875 : vector<16xf32>
        %add3A_899 = arith.addf %add3A_862, %mul3A_898 : vector<16xf32>
        %gather3A_900 = arith.constant 3 : i32
        %gather3A_901 = arith.constant 0 : i32
        %gather3A_902 = arith.constant 0 : i32
        %gather3A_903 = tpu.memref_slice %arg10[%gather3A_900, %gather3A_901, %gather3A_902] : memref<4x56x64xf32, #tpu.memory_space<vmem>> -> memref<1x56x64xf32, #tpu.memory_space<vmem>>
        %gather3A_904 = tpu.memref_squeeze %gather3A_903 : memref<1x56x64xf32, #tpu.memory_space<vmem>> -> memref<56x64xf32, #tpu.memory_space<vmem>>
        %gather3A_905 = tpu.vector_load_idx %gather3A_904[%min3A_192, %add3A_872] : memref<56x64xf32, #tpu.memory_space<vmem>>[vector<16xi32>, vector<16xi32>], vector<16xf32>,
        %mul3A_906 = arith.mulf %gather3A_905, %gather3A_875 : vector<16xf32>
        %add3A_907 = arith.addf %add3A_870, %mul3A_906 : vector<16xf32>
        %add3A_908 = vector.broadcast %mul3A_464 : i32 to vector<16xi32>
        %add3A_909 = arith.addi %and3A_160, %add3A_908 : vector<16xi32>
        %broadcast_in_dim3A_910 = vector.shape_cast %and3A_160 : vector<16xi32> to vector<16x1xi32>
        %gather3A_911 = vector.shape_cast %broadcast_in_dim3A_910 : vector<16x1xi32> to vector<16xi32>
        %gather3A_912 = tpu.dynamic_gather %get3A_462[%gather3A_911] in [0] : vector<16xf32>, vector<16xi32> -> vector<16xf32>
        %gather3A_913 = arith.constant 3 : i32
        %gather3A_914 = arith.constant 0 : i32
        %gather3A_915 = arith.constant 0 : i32
        %gather3A_916 = tpu.memref_slice %arg10[%gather3A_913, %gather3A_914, %gather3A_915] : memref<4x56x64xf32, #tpu.memory_space<vmem>> -> memref<1x56x64xf32, #tpu.memory_space<vmem>>
        %gather3A_917 = tpu.memref_squeeze %gather3A_916 : memref<1x56x64xf32, #tpu.memory_space<vmem>> -> memref<56x64xf32, #tpu.memory_space<vmem>>
        %gather3A_918 = tpu.vector_load_idx %gather3A_917[%add3A_181, %add3A_909] : memref<56x64xf32, #tpu.memory_space<vmem>>[vector<16xi32>, vector<16xi32>], vector<16xf32>,
        %mul3A_919 = arith.mulf %gather3A_918, %gather3A_912 : vector<16xf32>
        %add3A_920 = arith.addf %add3A_883, %mul3A_919 : vector<16xf32>
        %gather3A_921 = arith.constant 3 : i32
        %gather3A_922 = arith.constant 0 : i32
        %gather3A_923 = arith.constant 0 : i32
        %gather3A_924 = tpu.memref_slice %arg10[%gather3A_921, %gather3A_922, %gather3A_923] : memref<4x56x64xf32, #tpu.memory_space<vmem>> -> memref<1x56x64xf32, #tpu.memory_space<vmem>>
        %gather3A_925 = tpu.memref_squeeze %gather3A_924 : memref<1x56x64xf32, #tpu.memory_space<vmem>> -> memref<56x64xf32, #tpu.memory_space<vmem>>
        %gather3A_926 = tpu.vector_load_idx %gather3A_925[%add3A_184, %add3A_909] : memref<56x64xf32, #tpu.memory_space<vmem>>[vector<16xi32>, vector<16xi32>], vector<16xf32>,
        %mul3A_927 = arith.mulf %gather3A_926, %gather3A_912 : vector<16xf32>
        %add3A_928 = arith.addf %add3A_891, %mul3A_927 : vector<16xf32>
        %gather3A_929 = arith.constant 3 : i32
        %gather3A_930 = arith.constant 0 : i32
        %gather3A_931 = arith.constant 0 : i32
        %gather3A_932 = tpu.memref_slice %arg10[%gather3A_929, %gather3A_930, %gather3A_931] : memref<4x56x64xf32, #tpu.memory_space<vmem>> -> memref<1x56x64xf32, #tpu.memory_space<vmem>>
        %gather3A_933 = tpu.memref_squeeze %gather3A_932 : memref<1x56x64xf32, #tpu.memory_space<vmem>> -> memref<56x64xf32, #tpu.memory_space<vmem>>
        %gather3A_934 = tpu.vector_load_idx %gather3A_933[%add3A_187, %add3A_909] : memref<56x64xf32, #tpu.memory_space<vmem>>[vector<16xi32>, vector<16xi32>], vector<16xf32>,
        %mul3A_935 = arith.mulf %gather3A_934, %gather3A_912 : vector<16xf32>
        %add3A_936 = arith.addf %add3A_899, %mul3A_935 : vector<16xf32>
        %gather3A_937 = arith.constant 3 : i32
        %gather3A_938 = arith.constant 0 : i32
        %gather3A_939 = arith.constant 0 : i32
        %gather3A_940 = tpu.memref_slice %arg10[%gather3A_937, %gather3A_938, %gather3A_939] : memref<4x56x64xf32, #tpu.memory_space<vmem>> -> memref<1x56x64xf32, #tpu.memory_space<vmem>>
        %gather3A_941 = tpu.memref_squeeze %gather3A_940 : memref<1x56x64xf32, #tpu.memory_space<vmem>> -> memref<56x64xf32, #tpu.memory_space<vmem>>
        %gather3A_942 = tpu.vector_load_idx %gather3A_941[%min3A_192, %add3A_909] : memref<56x64xf32, #tpu.memory_space<vmem>>[vector<16xi32>, vector<16xi32>], vector<16xf32>,
        %mul3A_943 = arith.mulf %gather3A_942, %gather3A_912 : vector<16xf32>
        %add3A_944 = arith.addf %add3A_907, %mul3A_943 : vector<16xf32>
        %add3A_945 = vector.broadcast %mul3A_464 : i32 to vector<16xi32>
        %add3A_946 = arith.addi %and3A_166, %add3A_945 : vector<16xi32>
        %broadcast_in_dim3A_947 = vector.shape_cast %and3A_166 : vector<16xi32> to vector<16x1xi32>
        %gather3A_948 = vector.shape_cast %broadcast_in_dim3A_947 : vector<16x1xi32> to vector<16xi32>
        %gather3A_949 = tpu.dynamic_gather %get3A_462[%gather3A_948] in [0] : vector<16xf32>, vector<16xi32> -> vector<16xf32>
        %gather3A_950 = arith.constant 3 : i32
        %gather3A_951 = arith.constant 0 : i32
        %gather3A_952 = arith.constant 0 : i32
        %gather3A_953 = tpu.memref_slice %arg10[%gather3A_950, %gather3A_951, %gather3A_952] : memref<4x56x64xf32, #tpu.memory_space<vmem>> -> memref<1x56x64xf32, #tpu.memory_space<vmem>>
        %gather3A_954 = tpu.memref_squeeze %gather3A_953 : memref<1x56x64xf32, #tpu.memory_space<vmem>> -> memref<56x64xf32, #tpu.memory_space<vmem>>
        %gather3A_955 = tpu.vector_load_idx %gather3A_954[%add3A_181, %add3A_946] : memref<56x64xf32, #tpu.memory_space<vmem>>[vector<16xi32>, vector<16xi32>], vector<16xf32>,
        %mul3A_956 = arith.mulf %gather3A_955, %gather3A_949 : vector<16xf32>
        %add3A_957 = arith.addf %add3A_920, %mul3A_956 : vector<16xf32>
        %gather3A_958 = arith.constant 3 : i32
        %gather3A_959 = arith.constant 0 : i32
        %gather3A_960 = arith.constant 0 : i32
        %gather3A_961 = tpu.memref_slice %arg10[%gather3A_958, %gather3A_959, %gather3A_960] : memref<4x56x64xf32, #tpu.memory_space<vmem>> -> memref<1x56x64xf32, #tpu.memory_space<vmem>>
        %gather3A_962 = tpu.memref_squeeze %gather3A_961 : memref<1x56x64xf32, #tpu.memory_space<vmem>> -> memref<56x64xf32, #tpu.memory_space<vmem>>
        %gather3A_963 = tpu.vector_load_idx %gather3A_962[%add3A_184, %add3A_946] : memref<56x64xf32, #tpu.memory_space<vmem>>[vector<16xi32>, vector<16xi32>], vector<16xf32>,
        %mul3A_964 = arith.mulf %gather3A_963, %gather3A_949 : vector<16xf32>
        %add3A_965 = arith.addf %add3A_928, %mul3A_964 : vector<16xf32>
        %gather3A_966 = arith.constant 3 : i32
        %gather3A_967 = arith.constant 0 : i32
        %gather3A_968 = arith.constant 0 : i32
        %gather3A_969 = tpu.memref_slice %arg10[%gather3A_966, %gather3A_967, %gather3A_968] : memref<4x56x64xf32, #tpu.memory_space<vmem>> -> memref<1x56x64xf32, #tpu.memory_space<vmem>>
        %gather3A_970 = tpu.memref_squeeze %gather3A_969 : memref<1x56x64xf32, #tpu.memory_space<vmem>> -> memref<56x64xf32, #tpu.memory_space<vmem>>
        %gather3A_971 = tpu.vector_load_idx %gather3A_970[%add3A_187, %add3A_946] : memref<56x64xf32, #tpu.memory_space<vmem>>[vector<16xi32>, vector<16xi32>], vector<16xf32>,
        %mul3A_972 = arith.mulf %gather3A_971, %gather3A_949 : vector<16xf32>
        %add3A_973 = arith.addf %add3A_936, %mul3A_972 : vector<16xf32>
        %gather3A_974 = arith.constant 3 : i32
        %gather3A_975 = arith.constant 0 : i32
        %gather3A_976 = arith.constant 0 : i32
        %gather3A_977 = tpu.memref_slice %arg10[%gather3A_974, %gather3A_975, %gather3A_976] : memref<4x56x64xf32, #tpu.memory_space<vmem>> -> memref<1x56x64xf32, #tpu.memory_space<vmem>>
        %gather3A_978 = tpu.memref_squeeze %gather3A_977 : memref<1x56x64xf32, #tpu.memory_space<vmem>> -> memref<56x64xf32, #tpu.memory_space<vmem>>
        %gather3A_979 = tpu.vector_load_idx %gather3A_978[%min3A_192, %add3A_946] : memref<56x64xf32, #tpu.memory_space<vmem>>[vector<16xi32>, vector<16xi32>], vector<16xf32>,
        %mul3A_980 = arith.mulf %gather3A_979, %gather3A_949 : vector<16xf32>
        %add3A_981 = arith.addf %add3A_944, %mul3A_980 : vector<16xf32>
        %add3A_982 = vector.broadcast %mul3A_464 : i32 to vector<16xi32>
        %add3A_983 = arith.addi %and3A_172, %add3A_982 : vector<16xi32>
        %broadcast_in_dim3A_984 = vector.shape_cast %and3A_172 : vector<16xi32> to vector<16x1xi32>
        %gather3A_985 = vector.shape_cast %broadcast_in_dim3A_984 : vector<16x1xi32> to vector<16xi32>
        %gather3A_986 = tpu.dynamic_gather %get3A_462[%gather3A_985] in [0] : vector<16xf32>, vector<16xi32> -> vector<16xf32>
        %gather3A_987 = arith.constant 3 : i32
        %gather3A_988 = arith.constant 0 : i32
        %gather3A_989 = arith.constant 0 : i32
        %gather3A_990 = tpu.memref_slice %arg10[%gather3A_987, %gather3A_988, %gather3A_989] : memref<4x56x64xf32, #tpu.memory_space<vmem>> -> memref<1x56x64xf32, #tpu.memory_space<vmem>>
        %gather3A_991 = tpu.memref_squeeze %gather3A_990 : memref<1x56x64xf32, #tpu.memory_space<vmem>> -> memref<56x64xf32, #tpu.memory_space<vmem>>
        %gather3A_992 = tpu.vector_load_idx %gather3A_991[%add3A_181, %add3A_983] : memref<56x64xf32, #tpu.memory_space<vmem>>[vector<16xi32>, vector<16xi32>], vector<16xf32>,
        %mul3A_993 = arith.mulf %gather3A_992, %gather3A_986 : vector<16xf32>
        %add3A_994 = arith.addf %add3A_957, %mul3A_993 : vector<16xf32>
        %gather3A_995 = arith.constant 3 : i32
        %gather3A_996 = arith.constant 0 : i32
        %gather3A_997 = arith.constant 0 : i32
        %gather3A_998 = tpu.memref_slice %arg10[%gather3A_995, %gather3A_996, %gather3A_997] : memref<4x56x64xf32, #tpu.memory_space<vmem>> -> memref<1x56x64xf32, #tpu.memory_space<vmem>>
        %gather3A_999 = tpu.memref_squeeze %gather3A_998 : memref<1x56x64xf32, #tpu.memory_space<vmem>> -> memref<56x64xf32, #tpu.memory_space<vmem>>
        %gather3A_1000 = tpu.vector_load_idx %gather3A_999[%add3A_184, %add3A_983] : memref<56x64xf32, #tpu.memory_space<vmem>>[vector<16xi32>, vector<16xi32>], vector<16xf32>,
        %mul3A_1001 = arith.mulf %gather3A_1000, %gather3A_986 : vector<16xf32>
        %add3A_1002 = arith.addf %add3A_965, %mul3A_1001 : vector<16xf32>
        %gather3A_1003 = arith.constant 3 : i32
        %gather3A_1004 = arith.constant 0 : i32
        %gather3A_1005 = arith.constant 0 : i32
        %gather3A_1006 = tpu.memref_slice %arg10[%gather3A_1003, %gather3A_1004, %gather3A_1005] : memref<4x56x64xf32, #tpu.memory_space<vmem>> -> memref<1x56x64xf32, #tpu.memory_space<vmem>>
        %gather3A_1007 = tpu.memref_squeeze %gather3A_1006 : memref<1x56x64xf32, #tpu.memory_space<vmem>> -> memref<56x64xf32, #tpu.memory_space<vmem>>
        %gather3A_1008 = tpu.vector_load_idx %gather3A_1007[%add3A_187, %add3A_983] : memref<56x64xf32, #tpu.memory_space<vmem>>[vector<16xi32>, vector<16xi32>], vector<16xf32>,
        %mul3A_1009 = arith.mulf %gather3A_1008, %gather3A_986 : vector<16xf32>
        %add3A_1010 = arith.addf %add3A_973, %mul3A_1009 : vector<16xf32>
        %gather3A_1011 = arith.constant 3 : i32
        %gather3A_1012 = arith.constant 0 : i32
        %gather3A_1013 = arith.constant 0 : i32
        %gather3A_1014 = tpu.memref_slice %arg10[%gather3A_1011, %gather3A_1012, %gather3A_1013] : memref<4x56x64xf32, #tpu.memory_space<vmem>> -> memref<1x56x64xf32, #tpu.memory_space<vmem>>
        %gather3A_1015 = tpu.memref_squeeze %gather3A_1014 : memref<1x56x64xf32, #tpu.memory_space<vmem>> -> memref<56x64xf32, #tpu.memory_space<vmem>>
        %gather3A_1016 = tpu.vector_load_idx %gather3A_1015[%min3A_192, %add3A_983] : memref<56x64xf32, #tpu.memory_space<vmem>>[vector<16xi32>, vector<16xi32>], vector<16xf32>,
        %mul3A_1017 = arith.mulf %gather3A_1016, %gather3A_986 : vector<16xf32>
        %add3A_1018 = arith.addf %add3A_981, %mul3A_1017 : vector<16xf32>
        %add3A_1019 = vector.broadcast %mul3A_464 : i32 to vector<16xi32>
        %add3A_1020 = arith.addi %and3A_178, %add3A_1019 : vector<16xi32>
        %broadcast_in_dim3A_1021 = vector.shape_cast %and3A_178 : vector<16xi32> to vector<16x1xi32>
        %gather3A_1022 = vector.shape_cast %broadcast_in_dim3A_1021 : vector<16x1xi32> to vector<16xi32>
        %gather3A_1023 = tpu.dynamic_gather %get3A_462[%gather3A_1022] in [0] : vector<16xf32>, vector<16xi32> -> vector<16xf32>
        %gather3A_1024 = arith.constant 3 : i32
        %gather3A_1025 = arith.constant 0 : i32
        %gather3A_1026 = arith.constant 0 : i32
        %gather3A_1027 = tpu.memref_slice %arg10[%gather3A_1024, %gather3A_1025, %gather3A_1026] : memref<4x56x64xf32, #tpu.memory_space<vmem>> -> memref<1x56x64xf32, #tpu.memory_space<vmem>>
        %gather3A_1028 = tpu.memref_squeeze %gather3A_1027 : memref<1x56x64xf32, #tpu.memory_space<vmem>> -> memref<56x64xf32, #tpu.memory_space<vmem>>
        %gather3A_1029 = tpu.vector_load_idx %gather3A_1028[%add3A_181, %add3A_1020] : memref<56x64xf32, #tpu.memory_space<vmem>>[vector<16xi32>, vector<16xi32>], vector<16xf32>,
        %mul3A_1030 = arith.mulf %gather3A_1029, %gather3A_1023 : vector<16xf32>
        %add3A_1031 = arith.addf %add3A_994, %mul3A_1030 : vector<16xf32>
        %gather3A_1032 = arith.constant 3 : i32
        %gather3A_1033 = arith.constant 0 : i32
        %gather3A_1034 = arith.constant 0 : i32
        %gather3A_1035 = tpu.memref_slice %arg10[%gather3A_1032, %gather3A_1033, %gather3A_1034] : memref<4x56x64xf32, #tpu.memory_space<vmem>> -> memref<1x56x64xf32, #tpu.memory_space<vmem>>
        %gather3A_1036 = tpu.memref_squeeze %gather3A_1035 : memref<1x56x64xf32, #tpu.memory_space<vmem>> -> memref<56x64xf32, #tpu.memory_space<vmem>>
        %gather3A_1037 = tpu.vector_load_idx %gather3A_1036[%add3A_184, %add3A_1020] : memref<56x64xf32, #tpu.memory_space<vmem>>[vector<16xi32>, vector<16xi32>], vector<16xf32>,
        %mul3A_1038 = arith.mulf %gather3A_1037, %gather3A_1023 : vector<16xf32>
        %add3A_1039 = arith.addf %add3A_1002, %mul3A_1038 : vector<16xf32>
        %gather3A_1040 = arith.constant 3 : i32
        %gather3A_1041 = arith.constant 0 : i32
        %gather3A_1042 = arith.constant 0 : i32
        %gather3A_1043 = tpu.memref_slice %arg10[%gather3A_1040, %gather3A_1041, %gather3A_1042] : memref<4x56x64xf32, #tpu.memory_space<vmem>> -> memref<1x56x64xf32, #tpu.memory_space<vmem>>
        %gather3A_1044 = tpu.memref_squeeze %gather3A_1043 : memref<1x56x64xf32, #tpu.memory_space<vmem>> -> memref<56x64xf32, #tpu.memory_space<vmem>>
        %gather3A_1045 = tpu.vector_load_idx %gather3A_1044[%add3A_187, %add3A_1020] : memref<56x64xf32, #tpu.memory_space<vmem>>[vector<16xi32>, vector<16xi32>], vector<16xf32>,
        %mul3A_1046 = arith.mulf %gather3A_1045, %gather3A_1023 : vector<16xf32>
        %add3A_1047 = arith.addf %add3A_1010, %mul3A_1046 : vector<16xf32>
        %gather3A_1048 = arith.constant 3 : i32
        %gather3A_1049 = arith.constant 0 : i32
        %gather3A_1050 = arith.constant 0 : i32
        %gather3A_1051 = tpu.memref_slice %arg10[%gather3A_1048, %gather3A_1049, %gather3A_1050] : memref<4x56x64xf32, #tpu.memory_space<vmem>> -> memref<1x56x64xf32, #tpu.memory_space<vmem>>
        %gather3A_1052 = tpu.memref_squeeze %gather3A_1051 : memref<1x56x64xf32, #tpu.memory_space<vmem>> -> memref<56x64xf32, #tpu.memory_space<vmem>>
        %gather3A_1053 = tpu.vector_load_idx %gather3A_1052[%min3A_192, %add3A_1020] : memref<56x64xf32, #tpu.memory_space<vmem>>[vector<16xi32>, vector<16xi32>], vector<16xf32>,
        %mul3A_1054 = arith.mulf %gather3A_1053, %gather3A_1023 : vector<16xf32>
        %add3A_1055 = arith.addf %add3A_1018, %mul3A_1054 : vector<16xf32>
        scf.yield %add3A_1031, %add3A_1039, %add3A_1047, %add3A_1055 : vector<16xf32>, vector<16xf32>, vector<16xf32>, vector<16xf32>
      }
      %scan3A_430 = arith.constant 4 : i32
      %broadcast_in_dim3A_431 = vector.broadcast %add3A_405 : i32 to vector<16xi32>
      %add3A_432 = arith.constant 0 : i32
      %add3A_433 = vector.broadcast %add3A_432 : i32 to vector<16xi32>
      %add3A_434 = arith.addi %add3A_433, %iota3A : vector<16xi32>
      tpu.vector_store_idx %arg11[%broadcast_in_dim3A_431, %broadcast_in_dim3A_1, %add3A_434], %scan3A_429#0 : memref<512x1x50xf32, #tpu.memory_space<vmem>>[vector<16xi32>, vector<16xi32>, vector<16xi32>], vector<16xf32>,
      %add3A_435 = arith.constant 16 : i32
      %add3A_436 = vector.broadcast %add3A_435 : i32 to vector<16xi32>
      %add3A_437 = arith.addi %add3A_436, %iota3A : vector<16xi32>
      tpu.vector_store_idx %arg11[%broadcast_in_dim3A_431, %broadcast_in_dim3A_1, %add3A_437], %scan3A_429#1 : memref<512x1x50xf32, #tpu.memory_space<vmem>>[vector<16xi32>, vector<16xi32>, vector<16xi32>], vector<16xf32>,
      %add3A_438 = arith.constant 32 : i32
      %add3A_439 = vector.broadcast %add3A_438 : i32 to vector<16xi32>
      %add3A_440 = arith.addi %add3A_439, %iota3A : vector<16xi32>
      tpu.vector_store_idx %arg11[%broadcast_in_dim3A_431, %broadcast_in_dim3A_1, %add3A_440], %scan3A_429#2 : memref<512x1x50xf32, #tpu.memory_space<vmem>>[vector<16xi32>, vector<16xi32>, vector<16xi32>], vector<16xf32>,
      %add3A_441 = arith.constant 48 : i32
      %add3A_442 = vector.broadcast %add3A_441 : i32 to vector<16xi32>
      %add3A_443 = arith.addi %add3A_442, %iota3A : vector<16xi32>
      %min3A_444 = arith.constant 49 : i32
      %min3A_445 = vector.broadcast %min3A_444 : i32 to vector<16xi32>
      %min3A_446 = arith.minsi %add3A_443, %min3A_445 : vector<16xi32>
      tpu.vector_store_idx %arg11[%broadcast_in_dim3A_431, %broadcast_in_dim3A_1, %min3A_446], %scan3A_429#3 masked %lt3A_197 : memref<512x1x50xf32, #tpu.memory_space<vmem>>[vector<16xi32>, vector<16xi32>, vector<16xi32>], vector<16xf32>, vector<16xi1>
      %add3A_447 = arith.constant 4 : i32
      %add3A_448 = arith.addi %add3A_405, %add3A_447 : i32
      %lt3A_449 = arith.constant 512 : i32
      %lt3A_450 = arith.cmpi slt, %add3A_448, %lt3A_449 : i32
      %convert_element_type3A_451 = arith.extui %lt3A_450 : i1 to i32
      %cond3A_452 = arith.constant 0 : i32
      %cond3A_453 = arith.cmpi ne, %convert_element_type3A_451, %cond3A_452 : i32
      scf.if %cond3A_453 {
        %add3A_454 = arith.constant 4 : i32
        %add3A_455 = arith.addi %add3A_405, %add3A_454 : i32
        %dma_start3A_456 = arith.constant 3 : i32
        %dma_start3A_457 = arith.constant 0 : i32
        %dma_start3A_458 = arith.constant 0 : i32
        %dma_start3A_459 = tpu.memref_slice %arg10[%dma_start3A_456, %dma_start3A_457, %dma_start3A_458] : memref<4x56x64xf32, #tpu.memory_space<vmem>> -> memref<1x56x64xf32, #tpu.memory_space<vmem>>
        %dma_start3A_460 = tpu.memref_squeeze %dma_start3A_459 : memref<1x56x64xf32, #tpu.memory_space<vmem>> -> memref<56x64xf32, #tpu.memory_space<vmem>>
        %dma_start3A_461 = arith.constant 0 : i32
        %dma_start3A_462 = tpu.memref_slice %arg7[%add3A_455, %dma_start3A_461] : memref<512x56xi32, #tpu.memory_space<vmem>> -> memref<1x56xi32, #tpu.memory_space<vmem>>
        %dma_start3A_463 = tpu.memref_squeeze %dma_start3A_462 : memref<1x56xi32, #tpu.memory_space<vmem>> -> memref<56xi32, #tpu.memory_space<vmem>>
        %dma_start3A_464 = arith.constant 0 : i32
        %dma_start3A_465 = arith.constant 0 : i32
        %dma_start3A_466 = tpu.memref_slice %arg4[%dma_start3A_464, %dma_start3A_465] : memref<1000000x64xf32, #tpu.memory_space<hbm>> -> memref<1000000x64xf32, #tpu.memory_space<hbm>>
        tpu.enqueue_indirect_dma source(%dma_start3A_466 : memref<1000000x64xf32, #tpu.memory_space<hbm>>) target(%dma_start3A_460 : memref<56x64xf32, #tpu.memory_space<vmem>>) offsets(%dma_start3A_463 : memref<56xi32, #tpu.memory_space<vmem>>) semaphore(%arg16 : memref<!tpu.dma_semaphore, #tpu.memory_space<semaphore_mem>>)
      } else {
      }
    }
    %scan3A_250 = arith.constant 128 : i32
    %mul3A_251 = arith.constant 512 : i32
    %mul3A_252 = arith.muli %add3A, %mul3A_251 : i32
    "tpu.region"() ({
      %run_scoped3A = tpu.sem_alloc : memref<!tpu.dma_semaphore, #tpu.memory_space<semaphore_mem>>
      %dma_start3A_253 = arith.constant 0 : i32
      %dma_start3A_254 = arith.constant 0 : i32
      %dma_start3A_255 = tpu.memref_slice %arg6[%mul3A_252, %dma_start3A_253, %dma_start3A_254] : memref<16384x1x50xf32, #tpu.memory_space<hbm>> -> memref<512x1x50xf32, #tpu.memory_space<hbm>>
      %dma_start3A_256 = arith.constant 0 : i32
      %dma_start3A_257 = arith.constant 0 : i32
      %dma_start3A_258 = tpu.memref_slice %arg6[%mul3A_252, %dma_start3A_256, %dma_start3A_257] : memref<16384x1x50xf32, #tpu.memory_space<hbm>> -> memref<512x1x50xf32, #tpu.memory_space<hbm>>
      tpu.enqueue_dma source(%arg11 : memref<512x1x50xf32, #tpu.memory_space<vmem>>) target(%dma_start3A_258 : memref<512x1x50xf32, #tpu.memory_space<hbm>>) target_semaphore(%run_scoped3A : memref<!tpu.dma_semaphore, #tpu.memory_space<semaphore_mem>>)
      %dma_wait3A_259 = arith.constant 0 : i32
      %dma_wait3A_260 = arith.constant 0 : i32
      %dma_wait3A_261 = tpu.memref_slice %arg6[%mul3A_252, %dma_wait3A_259, %dma_wait3A_260] : memref<16384x1x50xf32, #tpu.memory_space<hbm>> -> memref<512x1x50xf32, #tpu.memory_space<hbm>>
      %dma_wait3A_262 = arith.constant 0 : i32
      %dma_wait3A_263 = arith.constant 0 : i32
      %dma_wait3A_264 = tpu.memref_slice %arg6[%mul3A_252, %dma_wait3A_262, %dma_wait3A_263] : memref<16384x1x50xf32, #tpu.memory_space<hbm>> -> memref<512x1x50xf32, #tpu.memory_space<hbm>>
      tpu.wait_dma2 semaphore(%run_scoped3A : memref<!tpu.dma_semaphore, #tpu.memory_space<semaphore_mem>>) src(%arg11 : memref<512x1x50xf32, #tpu.memory_space<vmem>>) dst(%dma_wait3A_264 : memref<512x1x50xf32, #tpu.memory_space<hbm>>)
      tpu.yield
    }) : () -> ()
    return
  }
}

</mosaic_0001>

<sc_bundles>
// kernel: kernel.3.cloned.1.call-start
scs
__scs_entry_jumppad:
0x0: {  	(pc) =	sbr.rel $0x88, $3  }
0x1: {  	(tag) =	ssettag $0x0;
	lr =	simm.s32 $0x1  }
0x2: {  	[smem:$0x3F9D] =	sst lr;
	_ =	strace $0xD0000000  }
0x3: {  	_ = 	snop  }
0x4: {  	_ = 	snop  }
0x5: {  	_ = 	snop  }
0x6: {  	_ = 	snop  }
0x7: {  	_ = 	snop  }
__scs_overlays_trampoline_lowered:
0x8: {  	[smem:$0x3FAC] =	sst s0  }
0x9: {  	[smem:$0x3FAD] =	sst s1  }
0xa: {  	[smem:$0x3FAE] =	sst s2  }
0xb: {  	[smem:$0x3FAF] =	sst s3  }
0xc: {  	[smem:$0x3FB0] =	sst s4  }
0xd: {  	[smem:$0x3FB1] =	sst s5  }
0xe: {  	[smem:$0x3FB2] =	sst s6  }
0xf: {  	[smem:$0x3FB3] =	sst s7  }
0x10: {  	[smem:$0x3FB4] =	sst s8  }
0x11: {  	[smem:$0x3FB5] =	sst s9;
	s0 =	simm.s32 @!p0 $0x0  }
0x12: {  	s1 =	sld [smem:$0x3F9B];
	s0 =	simm.s32 @p0 $0x1  }
0x13: {  	[smem:$0x3FB6] =	sst s0;
	s0 =	simm.s32 @!p1 $0x0  }
0x14: {  	s2 =	sld [smem:$0x3F9A];
	s0 =	simm.s32 @p1 $0x1  }
0x15: {  	[smem:$0x3FB7] =	sst s0;
	s0 =	simm.s32 @!p2 $0x0  }
0x16: {  	s3 =	sld [smem:$0x3FDB];
	s0 =	simm.s32 @p2 $0x1  }
0x17: {  	s4 =	simm.s32 $0x1BF5;
	[smem:$0x3FB9] =	sst s0  }
0x18: {  	s0 =	sld [smem:$0x3F9C];
	_ =	swait.ge [sflag:s4], $0x0  }
0x19: {  	s7 =	sld [smem:$0x3F9D]  }
0x1a: {  	s8 =	sadd.s32 $0xFFFFE003, lr  }
0x1b: {  	s9 =	sadd.s32 $0xFFFFFEF7, lr;
	s5 =	simm.s32 $0xFFFFFFFF;
	p2 =	slt.u32 s8, $0xFFFFF086  }
0x1c: {  	p1 =	slt.u32 s9, $0xF7A;
	s5 =	simm.s32 @!p2 $0x0  }
0x1d: {  	s5 =	simm.s32 @p1 $0x1;
	p0 =	seq.s32 s7, s2  }
0x1e: {  	s7 =	smul.u32 @!p0 $0xF7A, s2;
	p2 =	seq.s32 @!p0 s5, $0x0  }
0x1f: {  	s9 =	smul.u32 $0xF7A, s1;
	s8 =	simm.s32 @!p0 $0x1BF5;
	p2 =	por !p2, p0  }
0x20: {  	[sflag:s8] =	ssyncset.s32 @!p0 $0xFFFFF086;
	s6 =	sadd.s32 @!p0 s3, s7;
	s7 =	simm.s32 @!p0 $0x108  }
0x21: {  	s3 =	sadd.s32 s3, s9;
	s6 =	sadd.s32 @!p0 $0x88, s6;
	s7 =	simm.s32 @p2 $0x1082  }
0x22: {  	[simem:s7], [sflag:s8] =	dma.local @!p0 [hbm:s6], $0xF7A  }
0x23: {  	s9 =	sor.u32 $0xD0000000, s2;
	s6 =	simm.s32 $0x108;
	_ =	swait.ge @!p0 [sflag:s8], $0x0  }
0x24: {  	s3 =	sadd.s32 $0x88, s3;
	s6 =	simm.s32 @!p1 $0x1082;
	[sflag:s4] =	ssyncset.s32 $0xFFFFF086  }
0x25: {  	[simem:s6], [sflag:s4] =	dma.local [hbm:s3], $0xF7A  }
0x26: {  	[smem:$0x3F9D] =	sst s1;
	(tag) =	ssettag s2;
	_ =	strace s9  }
0x27: {  	s1 =	sld [smem:$0x3FAD]  }
0x28: {  	s2 =	sld [smem:$0x3FAE]  }
0x29: {  	s4 =	sld [smem:$0x3FB0]  }
0x2a: {  	p0 =	seq.s32 s5, $0x0;
	s5 =	sld [smem:$0x3FB1]  }
0x2b: {  	s6 =	sld [smem:$0x3FB2]  }
0x2c: {  	s7 =	sld [smem:$0x3FB3]  }
0x2d: {  	s3 =	simm.s32 $0x108;
	s8 =	sld [smem:$0x3FB4]  }
0x2e: {  	s3 =	simm.s32 @!p0 $0x1082;
	s9 =	sld [smem:$0x3FB5]  }
0x2f: {  	lr =	sadd.s32 s0, s3;
	s0 =	sld [smem:$0x3FAC]  }
0x30: {  	s3 =	sld [smem:$0x3FAF]  }
0x31: {  	[smem:$0x3FB8] =	sst s10  }
0x32: {  	s10 =	sld [smem:$0x3FB6];
	_ =	sdelay $0x3  }
0x33: {  	p0 =	seq.s32 s10, $0x1;
	s10 =	sld [smem:$0x3FB8];
	_ =	sdelay $0x3  }
0x34: {  	[smem:$0x3FB8] =	sst s10  }
0x35: {  	s10 =	sld [smem:$0x3FB7];
	_ =	sdelay $0x3  }
0x36: {  	p1 =	seq.s32 s10, $0x1;
	s10 =	sld [smem:$0x3FB8];
	_ =	sdelay $0x3  }
0x37: {  	[smem:$0x3FB8] =	sst s10  }
0x38: {  	s10 =	sld [smem:$0x3FB9]  }
0x39: {  	_ = 	snop;
	(pc) =	sbr.ind lr, $3  }
0x3a: {  	_ = 	snop  }
0x3b: {  	_ = 	snop  }
0x3c: {  	p2 =	seq.s32 s10, $0x1;
	s10 =	sld [smem:$0x3FB8]  }
0x3d: {  	_ =	shalt  }
0x3e: {  	_ =	shalt  }
0x3f: {  	_ =	shalt  }
0x40: {  	_ =	shalt  }
0x41: {  	_ =	shalt  }
0x42: {  	_ =	shalt  }
0x43: {  	_ =	shalt  }
0x44: {  	_ =	shalt  }
0x45: {  	_ =	shalt  }
0x46: {  	_ =	shalt  }
0x47: {  	_ =	shalt  }
0x48: {  	_ =	shalt  }
0x49: {  	_ =	shalt  }
0x4a: {  	_ =	shalt  }
0x4b: {  	_ =	shalt  }
0x4c: {  	_ =	shalt  }
0x4d: {  	_ =	shalt  }
0x4e: {  	_ =	shalt  }
0x4f: {  	_ =	shalt  }
0x50: {  	_ =	shalt  }
0x51: {  	_ =	shalt  }
0x52: {  	_ =	shalt  }
0x53: {  	_ =	shalt  }
0x54: {  	_ =	shalt  }
0x55: {  	_ =	shalt  }
0x56: {  	_ =	shalt  }
0x57: {  	_ =	shalt  }
0x58: {  	_ =	shalt  }
0x59: {  	_ =	shalt  }
0x5a: {  	_ =	shalt  }
0x5b: {  	_ =	shalt  }
0x5c: {  	_ =	shalt  }
0x5d: {  	_ =	shalt  }
0x5e: {  	_ =	shalt  }
0x5f: {  	_ =	shalt  }
0x60: {  	_ =	shalt  }
0x61: {  	_ =	shalt  }
0x62: {  	_ =	shalt  }
0x63: {  	_ =	shalt  }
0x64: {  	_ =	shalt  }
0x65: {  	_ =	shalt  }
0x66: {  	_ =	shalt  }
0x67: {  	_ =	shalt  }
0x68: {  	_ =	shalt  }
0x69: {  	_ =	shalt  }
0x6a: {  	_ =	shalt  }
0x6b: {  	_ =	shalt  }
0x6c: {  	_ =	shalt  }
0x6d: {  	_ =	shalt  }
0x6e: {  	_ =	shalt  }
0x6f: {  	_ =	shalt  }
0x70: {  	_ =	shalt  }
0x71: {  	_ =	shalt  }
0x72: {  	_ =	shalt  }
0x73: {  	_ =	shalt  }
0x74: {  	_ =	shalt  }
0x75: {  	_ =	shalt  }
0x76: {  	_ =	shalt  }
0x77: {  	_ =	shalt  }
0x78: {  	_ =	shalt  }
0x79: {  	_ =	shalt  }
0x7a: {  	_ =	shalt  }
0x7b: {  	_ =	shalt  }
0x7c: {  	_ =	shalt  }
0x7d: {  	_ =	shalt  }
0x7e: {  	_ =	shalt  }
0x7f: {  	_ =	shalt  }
0x80: {  	_ =	shalt  }
0x81: {  	_ =	shalt  }
0x82: {  	_ =	shalt  }
0x83: {  	_ =	shalt  }
0x84: {  	_ =	shalt  }
0x85: {  	_ =	shalt  }
0x86: {  	_ =	shalt  }
0x87: {  	_ =	shalt  }
.Lfunc_end0:
.L_simem_size_0:
called_computation_lowered:
.L_overlay_start_0:
0x88: {  	s2 =	sld [smem:$0x3FD9]  }
0x89: {  	s3 =	sld [smem:$0x3FFE];
	_ =	sdelay $0x1  }
0x8a: {  	s1 =	srdreg.scid  }
0x8b: {  	s0 =	sand.u32 $0x1, s1  }
0x8c: {  	s17 =	sshll.u32 s0, $0xA;
	s2 =	sadd.s32 s3, s2  }
0x8d: {  	s2 =	sadd.s32 s2, s17  }
0x8e: {  	[smem:$0x3FC4] =	sst s2  }
0x8f: {  	_ = 	snop  }
0x90: {  	s2 =	sld [smem:$0x3FC9];
	(tm) =	ssettm $0x1  }
0x91: {  	s18 =	sld [smem:$0x3FFB];
	_ =	sdelay $0x3  }
0x92: {  	_ =	strace s18  }
0x93: {  	s3 =	sld [smem:$0x3FFC];
	_ =	sdelay $0x3  }
0x94: {  	_ =	strace s3  }
0x95: {  	s3 =	sld [smem:$0x3FFD];
	_ =	sdelay $0x3  }
0x96: {  	_ =	strace s3  }
0x97: {  	_ =	strace $0x8FFFFFFF  }
0x98: {  	s19 =	sld [smem:$0x3FDB];
	_ =	sdelay $0x1  }
0x99: {  	s4 =	simm.s32 $_scs_section_size  }
0x9a: {  	s5 =	simm.s32 $_size__tile_overlayer_lowered;
	s6 =	simm.s32 $_tile_overlayer_lowered  }
0x9b: {  	s22 =	simm.s32 $0x1BFF;
	s21 =	sshll.u32 s6, $0x1;
	s3 =	sadd.s32 s4, s19  }
0x9c: {  	s7 =	simm.s32 $0x0;
	s20 =	sshll.u32 s5, $0x1;
	s5 =	sadd.s32 s21, s3  }
0x9d: {  	[timem:s7], [sflag:s22] =	dma.local [hbm:s5], s20  }
0x9e: {  	_ =	swait.ge [sflag:s22], s20  }
0x9f: {  	s4 =	ssub.s32 $0x0, s20;
	[sflag:s22] =	ssyncset.done $0x0  }
0xa0: {  	[sflag:s22] =	ssyncadd.s32 s4;
	_ =	sdelay $0x1  }
0xa1: {  	s23 =	simm.s32 $0x1B8B  }
0xa2: {  	_ =	swait.ge [sflag:s23], $0x1  }
0xa3: {  	[sflag:s23] =	ssyncset.done $0x0  }
0xa4: {  	s25 =	simm.s32 $0x1B8E;
	s24 =	sld [smem:$0x3FFE];
	[sflag:s23] =	ssyncadd.s32 $0xFFFFFFFF  }
0xa5: {  	s26 =	simm.s32 $execute0_lowered;
	[smem:$0x3FD2] =	sst s25  }
0xa6: {  	s5 =	sshll.u32 s26, $0x1;
	_ =	strace $0x80000046;
	[dreg:$0x1] =	wrdreg $0xFFFFFFFF  }
0xa7: {  	s28 =	simm.s32 $_size_execute0_lowered;
	s3 =	sadd.s32 s3, s5;
	[dreg:$0x0] =	wrdreg $0x0  }
0xa8: {  	s5 =	sshll.u32 s28, $0x1;
	[dreg:$0x2] =	wrdreg s3  }
0xa9: {  	[dreg:$0x3] =	wrdreg s5  }
0xaa: {  	[dreg:$0x4] =	wrdreg $0xC0  }
0xab: {  	_ =	task [dreg:s7], $0x5FFFF  }
0xac: {  	[dreg:$0x1] =	wrdreg $0xFFFFFFFF  }
0xad: {  	[dreg:$0x0] =	wrdreg $0x60  }
0xae: {  	[dreg:$0x2] =	wrdreg s24  }
0xaf: {  	[dreg:$0x3] =	wrdreg s2  }
0xb0: {  	[dreg:$0x4] =	wrdreg $0x9  }
0xb1: {  	_ =	task.clear_ibuf [dreg:s7], $0x5FFFF;
	_ =	strace $0x90000046  }
0xb2: {  	s29 =	simm.s32 $0x9;
	_ =	strace $0x80000048  }
0xb3: {  	_ =	swait.ge [sflag:s29], $0x1  }
0xb4: {  	[sflag:s29] =	ssyncadd.s32 $0xFFFFFFFF  }
0xb5: {  	_ =	strace $0x90000048  }
0xb6: {  	_ =	sfence  }
0xb7: {  	s30 =	sld [smem:$0x0];
	_ =	sdelay $0x2  }
0xb8: {  	s31 =	sshll.u32 s1, $0xD;
	s1 =	sshrl.u32 s1, $0x2  }
0xb9: {  	s3 =	sand.u32 $0x4000, s31;
	s1 =	sadd.s32 s1, s30  }
0xba: {  	s0 =	sor.u32 s3, s0;
	s1 =	sshll.u32 s1, $0x11  }
0xbb: {  	s0 =	sor.u32 s1, s0  }
0xbc: {  	s0 =	sadd.s32 $0x8F2B, s0  }
0xbd: {  	[sflag:s0] =	ssyncadd.remote.s32 $0x1  }
0xbe: {  	_ =	sfence.sel $0xFFFF  }
0xbf: {  	[dreg:$0x0] =	wrdreg $0xFFFFFFFF;
	(pc) =	sbr.abs _section_cstart, $3  }
0xc0: {  	[dreg:$0x1] =	wrdreg $0xFFFFFFFF  }
0xc1: {  	_ =	task.clear_ibuf [dreg:s7], $0x2FFFF;
	_ =	strace $0x9FFFFFFF  }
0xc2: {  	(tm) =	ssettm $0x7FFFFFFF  }
0xc3: {  	_ =	shalt  }
tec
execute0_lowered:
.L_overlay_start_1:
0x0: {  	(tag) =	ssettag $0x1  }
0x1: {  	vm0 =	vcmask $0x300;
	v0 =	vimm.s32 $0xC4F  }
0x2: {  	vm14 =	vcmask $0x704;
	v0 =	vsel vm0, $0xC00, v0  }
0x3: {  	vm13 =	vcmask $0xB08;
	v0 =	vsel vm14, $0xC41, v0  }
0x4: {  	vm12 =	vcmask $0xF0C;
	v0 =	vsel vm13, $0xC42, v0  }
0x5: {  	vm11 =	vcmask $0x1310;
	v0 =	vsel vm12, $0xC43, v0  }
0x6: {  	vm10 =	vcmask $0x1714;
	v0 =	vsel vm11, $0xC44, v0  }
0x7: {  	vm9 =	vcmask $0x1B18;
	v0 =	vsel vm10, $0xC45, v0  }
0x8: {  	vm8 =	vcmask $0x1F1C;
	v0 =	vsel vm9, $0xC46, v0  }
0x9: {  	vm7 =	vcmask $0x2320;
	v1 =	vimm.s32 $0xC4834201;
	v0 =	vsel vm8, $0xC47, v0  }
0xa: {  	vm6 =	vcmask $0x2724;
	v1 =	vunpack.c.0.s8.s32 v1;
	v0 =	vsel vm7, $0xC48, v0  }
0xb: {  	vm5 =	vcmask $0x2B28;
	vm4 =	vcmask $0x2F2C;
	v0 =	vsel vm6, $0xC49, v0  }
0xc: {  	vm15 =	vcmask $0xF00;
	v1 =	vand.u32 $0xFF, v1;
	v0 =	vsel vm5, $0xC4A, v0  }
0xd: {  	vm3 =	vcmask $0x3330;
	v1 =	vnsel vm15, $0x3C0, v1;
	v0 =	vsel vm4, $0xC4B, v0  }
0xe: {  	vm2 =	vcmask $0x3734;
	v1 =	vsel vm11, $0x105, v1;
	v0 =	vsel vm3, $0xC4C, v0  }
0xf: {  	v2 =	vsel vm2, $0xC4D, v0;
	v0 =	vsel vm10, $0x146, v1  }
0x10: {  	vm1 =	vcmask $0x3B38;
	v3 =	vimm.s32 $0x7C0;
	v0 =	vsel vm9, $0x187, v0  }
0x11: {  	v4 =	vimm.s32 $0x87654321;
	v3 =	vsel vm0, $0x401, v3;
	v0 =	vsel vm8, $0x1C8, v0  }
0x12: {  	v4 =	vunpack.c.l.s4.s8 v4;
	v1 =	vimm.s32 $0xFEDCBA9;
	v0 =	vsel vm7, $0x209, v0  }
0x13: {  	v3 =	vsel vm14, $0x442, v3;
	v1 =	vunpack.c.l.s4.s8 v1;
	v5 =	vsel vm6, $0x24A, v0  }
0x14: {  	v3 =	vsel vm13, $0x483, v3;
	v2 =	vsel vm1, $0xC4E, v2;
	v5 =	vsel vm5, $0x28B, v5  }
0x15: {  	v0 =	vunpack.c.0.s8.s32 v1;
	v1 =	vunpack.c.0.s8.s32 v4;
	v4 =	vsel vm4, $0x2CC, v5  }
0x16: {  	v3 =	vsel vm12, $0x4C4, v3;
	[tilespmem:$0x1FB40] =	vst v2;
	v2 =	vsel vm3, $0x30D, v4  }
0x17: {  	v3 =	vsel vm11, $0x505, v3;
	v2 =	vsel vm2, $0x34E, v2  }
0x18: {  	v3 =	vsel vm10, $0x546, v3;
	v2 =	vsel vm1, $0x38F, v2  }
0x19: {  	v4 =	vcombine.low v1, v0;
	[tilespmem:$0x1FB60] =	vst v2;
	v2 =	vsel vm9, $0x587, v3;
	v3 =	vimm.s32 $0xBC0  }
0x1a: {  	v7 =	vimm.s32 $0x76543210;
	v13 =	vimm.s32 $0xCB8A4908;
	v3 =	vsel vm0, $0x801, v3  }
0x1b: {  	[tilespmem:$0x1FAA0] =	vst v4;
	v4 =	vimm.s32 $0xC40;
	v2 =	vsel vm8, $0x5C8, v2;
	v3 =	vsel vm14, $0x842, v3  }
0x1c: {  	v4 =	vsel vm0, $0xC01, v4;
	v2 =	vsel vm7, $0x609, v2;
	v3 =	vsel vm13, $0x883, v3  }
0x1d: {  	v4 =	vsel vm14, $0xC42, v4;
	v2 =	vsel vm6, $0x64A, v2;
	v3 =	vsel vm12, $0x8C4, v3  }
0x1e: {  	v4 =	vsel vm13, $0xC43, v4;
	v2 =	vsel vm5, $0x68B, v2;
	v3 =	vsel vm11, $0x905, v3  }
0x1f: {  	v4 =	vsel vm12, $0xC44, v4;
	v2 =	vsel vm4, $0x6CC, v2;
	v3 =	vsel vm10, $0x946, v3  }
0x20: {  	v4 =	vsel vm11, $0xC45, v4;
	v2 =	vsel vm3, $0x70D, v2;
	v3 =	vsel vm9, $0x987, v3  }
0x21: {  	v4 =	vsel vm10, $0xC46, v4;
	v2 =	vsel vm2, $0x74E, v2;
	v3 =	vsel vm8, $0x9C8, v3  }
0x22: {  	v4 =	vsel vm9, $0xC47, v4;
	v2 =	vsel vm1, $0x78F, v2;
	v3 =	vsel vm7, $0xA09, v3  }
0x23: {  	v5 =	vimm.s32 $0xC5844302;
	v4 =	vsel vm8, $0xC48, v4;
	[tilespmem:$0x1FAB0] =	vst v2;
	v2 =	vsel vm6, $0xA4A, v3  }
0x24: {  	v5 =	vunpack.c.0.s8.s32 v5;
	v3 =	vsel vm7, $0xC49, v4;
	v2 =	vsel vm5, $0xA8B, v2  }
0x25: {  	v21 =	vimm.s32 $0xC49;
	v3 =	vsel vm6, $0xC4A, v3;
	v2 =	vsel vm4, $0xACC, v2  }
0x26: {  	v4 =	vand.u32 $0xFF, v5;
	v3 =	vsel vm5, $0xC4B, v3;
	v2 =	vsel vm3, $0xB0D, v2  }
0x27: {  	v4 =	vnsel vm15, $0x3C1, v4;
	v3 =	vsel vm4, $0xC4C, v3;
	v2 =	vsel vm2, $0xB4E, v2  }
0x28: {  	v4 =	vsel vm11, $0x106, v4;
	v3 =	vsel vm3, $0xC4D, v3;
	v2 =	vsel vm1, $0xB8F, v2  }
0x29: {  	v25 =	vimm.s32 $0xC08F4E0D;
	v4 =	vsel vm10, $0x147, v4;
	[tilespmem:$0x1FB30] =	vst v2;
	v2 =	vsel vm2, $0xC4E, v3  }
0x2a: {  	v29 =	vimm.s32 $0xC4B;
	v3 =	vsel vm9, $0x188, v4;
	v2 =	vsel vm1, $0xC4F, v2  }
0x2b: {  	v5 =	vimm.s32 $0x98765432;
	[tilespmem:$0x1FB50] =	vst v2;
	v2 =	vsel vm8, $0x1C9, v3;
	v3 =	vimm.s32 $0x7C1  }
0x2c: {  	v4 =	vimm.s32 $0x10FEDCBA;
	v2 =	vsel vm7, $0x20A, v2;
	v3 =	vsel vm0, $0x402, v3  }
0x2d: {  	v4 =	vunpack.c.l.s4.s8 v4;
	v2 =	vsel vm6, $0x24B, v2;
	v3 =	vsel vm14, $0x443, v3  }
0x2e: {  	v5 =	vunpack.c.l.s4.s8 v5;
	v2 =	vsel vm5, $0x28C, v2;
	v3 =	vsel vm13, $0x484, v3  }
0x2f: {  	v4 =	vunpack.c.0.s8.s32 v4;
	v2 =	vsel vm4, $0x2CD, v2;
	v3 =	vsel vm12, $0x4C5, v3  }
0x30: {  	v32 =	vimm.s32 $0xBCC;
	v2 =	vsel vm3, $0x30E, v2;
	v3 =	vsel vm11, $0x506, v3  }
0x31: {  	[tilespmem:$0x1FBD0] =	vst v4;
	v4 =	vunpack.c.0.s8.s32 v5;
	v2 =	vsel vm2, $0x34F, v2;
	v3 =	vsel vm10, $0x547, v3  }
0x32: {  	v63 =	vsel vm1, $0x380, v2;
	v2 =	vsel vm9, $0x588, v3;
	v3 =	vimm.s32 $0xBC1  }
0x33: {  	v33 =	vimm.s32 $0xC4C;
	v35 =	vimm.s32 $0xC281400F;
	v3 =	vsel vm0, $0x802, v3  }
0x34: {  	[tilespmem:$0x1FBE0] =	vst v4;
	v4 =	vimm.s32 $0xC41;
	v2 =	vsel vm8, $0x5C9, v2;
	v3 =	vsel vm14, $0x843, v3  }
0x35: {  	v4 =	vsel vm0, $0xC02, v4;
	v2 =	vsel vm7, $0x60A, v2;
	v3 =	vsel vm13, $0x884, v3  }
0x36: {  	v4 =	vsel vm14, $0xC43, v4;
	v2 =	vsel vm6, $0x64B, v2;
	v3 =	vsel vm12, $0x8C5, v3  }
0x37: {  	v4 =	vsel vm13, $0xC44, v4;
	v2 =	vsel vm5, $0x68C, v2;
	v3 =	vsel vm11, $0x906, v3  }
0x38: {  	v4 =	vsel vm12, $0xC45, v4;
	v2 =	vsel vm4, $0x6CD, v2;
	v3 =	vsel vm10, $0x947, v3  }
0x39: {  	v4 =	vsel vm11, $0xC46, v4;
	v2 =	vsel vm3, $0x70E, v2;
	v3 =	vsel vm9, $0x988, v3  }
0x3a: {  	v4 =	vsel vm10, $0xC47, v4;
	v2 =	vsel vm2, $0x74F, v2;
	v3 =	vsel vm8, $0x9C9, v3  }
0x3b: {  	v4 =	vsel vm9, $0xC48, v4;
	v2 =	vsel vm1, $0x780, v2;
	v3 =	vsel vm7, $0xA0A, v3  }
0x3c: {  	v5 =	vimm.s32 $0xC6854403;
	v4 =	vsel vm8, $0xC49, v4;
	[tilespmem:$0x1FB10] =	vst v2;
	v2 =	vsel vm6, $0xA4B, v3  }
0x3d: {  	v5 =	vunpack.c.0.s8.s32 v5;
	v3 =	vsel vm7, $0xC4A, v4;
	v2 =	vsel vm5, $0xA8C, v2  }
0x3e: {  	v36 =	vimm.s32 $0xBCD;
	v3 =	vsel vm6, $0xC4B, v3;
	v2 =	vsel vm4, $0xACD, v2  }
0x3f: {  	v4 =	vand.u32 $0xFF, v5;
	v3 =	vsel vm5, $0xC4C, v3;
	v2 =	vsel vm3, $0xB0E, v2  }
0x40: {  	v4 =	vnsel vm15, $0x3C2, v4;
	v3 =	vsel vm4, $0xC4D, v3;
	v2 =	vsel vm2, $0xB4F, v2  }
0x41: {  	v4 =	vsel vm11, $0x107, v4;
	v3 =	vsel vm3, $0xC4E, v3;
	v2 =	vsel vm1, $0xB80, v2  }
0x42: {  	v59 =	vimm.s32 $0xC4D;
	v4 =	vsel vm10, $0x148, v4;
	[tilespmem:$0x1FAC0] =	vst v2;
	v2 =	vsel vm2, $0xC4F, v3  }
0x43: {  	v60 =	vimm.s32 $0x7CE;
	v3 =	vsel vm9, $0x189, v4;
	v2 =	vsel vm1, $0xC40, v2  }
0x44: {  	v39 =	vimm.s32 $0xBCE;
	v40 =	vimm.s32 $0xC4E;
	[tilespmem:$0x1FAD0] =	vst v2;
	v2 =	vsel vm8, $0x1CA, v3  }
0x45: {  	v41 =	vimm.s32 $0x543210FE;
	v3 =	vimm.s32 $0x7C2;
	v2 =	vsel vm7, $0x20B, v2  }
0x46: {  	v4 =	vimm.s32 $0x210FEDCB;
	v3 =	vsel vm0, $0x403, v3;
	v2 =	vsel vm6, $0x24C, v2  }
0x47: {  	v4 =	vunpack.c.l.s4.s8 v4;
	v3 =	vsel vm14, $0x444, v3;
	v2 =	vsel vm5, $0x28D, v2  }
0x48: {  	v5 =	vimm.s32 $0xA9876543;
	v3 =	vsel vm13, $0x485, v3;
	v2 =	vsel vm4, $0x2CE, v2  }
0x49: {  	v4 =	vunpack.c.0.s8.s32 v4;
	v3 =	vsel vm12, $0x4C6, v3;
	v2 =	vsel vm3, $0x30F, v2  }
0x4a: {  	v5 =	vunpack.c.l.s4.s8 v5;
	v3 =	vsel vm11, $0x507, v3;
	v2 =	vsel vm2, $0x340, v2  }
0x4b: {  	v42 =	vimm.s32 $0xDCBA9876;
	[tilespmem:$0x1FC00] =	vst v4;
	v3 =	vsel vm10, $0x548, v3;
	v2 =	vsel vm1, $0x381, v2  }
0x4c: {  	v4 =	vunpack.c.0.s8.s32 v5;
	[tilespmem:$0x1FB20] =	vst v2;
	v2 =	vsel vm9, $0x589, v3;
	v3 =	vimm.s32 $0xBC2  }
0x4d: {  	v13 =	vunpack.c.0.s8.s32 v13;
	v25 =	vunpack.c.0.s8.s32 v25;
	v3 =	vsel vm0, $0x803, v3  }
0x4e: {  	v55 =	vsel vm0, $0xC0D, v33;
	[tilespmem:$0x1FC10] =	vst v4;
	v4 =	vimm.s32 $0xC42;
	v3 =	vsel vm14, $0x844, v3  }
0x4f: {  	v4 =	vsel vm0, $0xC03, v4;
	v2 =	vsel vm8, $0x5CA, v2;
	v3 =	vsel vm13, $0x885, v3  }
0x50: {  	v4 =	vsel vm14, $0xC44, v4;
	v2 =	vsel vm7, $0x60B, v2;
	v3 =	vsel vm12, $0x8C6, v3  }
0x51: {  	v4 =	vsel vm13, $0xC45, v4;
	v2 =	vsel vm6, $0x64C, v2;
	v3 =	vsel vm11, $0x907, v3  }
0x52: {  	v4 =	vsel vm12, $0xC46, v4;
	v2 =	vsel vm5, $0x68D, v2;
	v3 =	vsel vm10, $0x948, v3  }
0x53: {  	v4 =	vsel vm11, $0xC47, v4;
	v2 =	vsel vm4, $0x6CE, v2;
	v3 =	vsel vm9, $0x989, v3  }
0x54: {  	v4 =	vsel vm10, $0xC48, v4;
	v2 =	vsel vm3, $0x70F, v2;
	v3 =	vsel vm8, $0x9CA, v3  }
0x55: {  	v4 =	vsel vm9, $0xC49, v4;
	v2 =	vsel vm2, $0x740, v2;
	v3 =	vsel vm7, $0xA0B, v3  }
0x56: {  	v4 =	vsel vm8, $0xC4A, v4;
	v61 =	vsel vm1, $0x781, v2;
	v2 =	vsel vm6, $0xA4C, v3  }
0x57: {  	v5 =	vimm.s32 $0xC7864504;
	v3 =	vsel vm7, $0xC4B, v4;
	v2 =	vsel vm5, $0xA8D, v2  }
0x58: {  	v5 =	vunpack.c.0.s8.s32 v5;
	v3 =	vsel vm6, $0xC4C, v3;
	v2 =	vsel vm4, $0xACE, v2  }
0x59: {  	v35 =	vunpack.c.0.s8.s32 v35;
	v3 =	vsel vm5, $0xC4D, v3;
	v2 =	vsel vm3, $0xB0F, v2  }
0x5a: {  	v4 =	vand.u32 $0xFF, v5;
	v3 =	vsel vm4, $0xC4E, v3;
	v2 =	vsel vm2, $0xB40, v2  }
0x5b: {  	v4 =	vnsel vm15, $0x3C3, v4;
	v3 =	vsel vm3, $0xC4F, v3;
	v2 =	vsel vm1, $0xB81, v2  }
0x5c: {  	v39 =	vsel vm0, $0x80F, v39;
	v4 =	vsel vm11, $0x108, v4;
	[tilespmem:$0x1FAE0] =	vst v2;
	v2 =	vsel vm2, $0xC40, v3  }
0x5d: {  	v40 =	vsel vm0, $0xC0F, v40;
	v4 =	vsel vm10, $0x149, v4;
	v2 =	vsel vm1, $0xC41, v2  }
0x5e: {  	v41 =	vunpack.c.l.s4.s8 v41;
	v3 =	vsel vm9, $0x18A, v4;
	[tilespmem:$0x1FAF0] =	vst v2;
	v2 =	vimm.s32 $0x3210FEDC  }
0x5f: {  	v39 =	vsel vm14, $0x840, v39;
	v3 =	vsel vm8, $0x1CB, v3;
	v2 =	vunpack.c.l.s4.s8 v2  }
0x60: {  	v40 =	vsel vm14, $0xC40, v40;
	v5 =	vimm.s32 $0xBA987654;
	v3 =	vsel vm7, $0x20C, v3  }
0x61: {  	v4 =	vimm.s32 $0x7C3;
	v3 =	vsel vm6, $0x24D, v3;
	v2 =	vunpack.c.0.s8.s32 v2  }
0x62: {  	v5 =	vunpack.c.l.s4.s8 v5;
	v4 =	vsel vm0, $0x404, v4;
	v3 =	vsel vm5, $0x28E, v3  }
0x63: {  	v35 =	vand.u32 $0xFF, v35;
	v4 =	vsel vm14, $0x445, v4;
	[tilespmem:$0x1FC40] =	vst v2;
	v2 =	vsel vm4, $0x2CF, v3  }
0x64: {  	v3 =	vsel vm13, $0x486, v4;
	v4 =	vunpack.c.0.s8.s32 v5;
	v2 =	vsel vm3, $0x300, v2  }
0x65: {  	v39 =	vsel vm13, $0x881, v39;
	v3 =	vsel vm12, $0x4C7, v3;
	v2 =	vsel vm2, $0x341, v2  }
0x66: {  	[tilespmem:$0x1FC50] =	vst v4;
	v3 =	vsel vm11, $0x508, v3;
	v4 =	vimm.s32 $0xBC3;
	v2 =	vsel vm1, $0x382, v2  }
0x67: {  	v40 =	vsel vm13, $0xC41, v40;
	[tilespmem:$0x1FD30] =	vst v2;
	v2 =	vsel vm10, $0x549, v3;
	v3 =	vsel vm0, $0x804, v4  }
0x68: {  	v39 =	vsel vm12, $0x8C2, v39;
	v5 =	vimm.s32 $0xC8874605;
	v3 =	vsel vm14, $0x845, v3  }
0x69: {  	v4 =	vimm.s32 $0xC43;
	v2 =	vsel vm9, $0x58A, v2;
	v3 =	vsel vm13, $0x886, v3  }
0x6a: {  	v4 =	vsel vm0, $0xC04, v4;
	v2 =	vsel vm8, $0x5CB, v2;
	v3 =	vsel vm12, $0x8C7, v3  }
0x6b: {  	v4 =	vsel vm14, $0xC45, v4;
	v2 =	vsel vm7, $0x60C, v2;
	v3 =	vsel vm11, $0x908, v3  }
0x6c: {  	v4 =	vsel vm13, $0xC46, v4;
	v2 =	vsel vm6, $0x64D, v2;
	v3 =	vsel vm10, $0x949, v3  }
0x6d: {  	v4 =	vsel vm12, $0xC47, v4;
	v2 =	vsel vm5, $0x68E, v2;
	v3 =	vsel vm9, $0x98A, v3  }
0x6e: {  	v4 =	vsel vm11, $0xC48, v4;
	v2 =	vsel vm4, $0x6CF, v2;
	v3 =	vsel vm8, $0x9CB, v3  }
0x6f: {  	v4 =	vsel vm10, $0xC49, v4;
	v2 =	vsel vm3, $0x700, v2;
	v3 =	vsel vm7, $0xA0C, v3  }
0x70: {  	v4 =	vsel vm9, $0xC4A, v4;
	v2 =	vsel vm2, $0x741, v2;
	v3 =	vsel vm6, $0xA4D, v3  }
0x71: {  	v4 =	vsel vm8, $0xC4B, v4;
	v2 =	vsel vm1, $0x782, v2;
	v3 =	vsel vm5, $0xA8E, v3  }
0x72: {  	v5 =	vunpack.c.0.s8.s32 v5;
	v4 =	vsel vm7, $0xC4C, v4;
	[tilespmem:$0x1FD20] =	vst v2;
	v2 =	vsel vm4, $0xACF, v3  }
0x73: {  	v40 =	vsel vm12, $0xC42, v40;
	v3 =	vsel vm6, $0xC4D, v4;
	v2 =	vsel vm3, $0xB00, v2  }
0x74: {  	v4 =	vand.u32 $0xFF, v5;
	v3 =	vsel vm5, $0xC4E, v3;
	v2 =	vsel vm2, $0xB41, v2  }
0x75: {  	v4 =	vnsel vm15, $0x3C4, v4;
	v3 =	vsel vm4, $0xC4F, v3;
	v2 =	vsel vm1, $0xB82, v2  }
0x76: {  	v0 =	vcombine.low v0, v1;
	[tilespmem:$0x1FB00] =	vst v2;
	v2 =	vsel vm3, $0xC40, v3;
	v3 =	vsel vm11, $0x109, v4  }
0x77: {  	v5 =	vimm.s32 $0xCBA98765;
	v2 =	vsel vm2, $0xC41, v2;
	v3 =	vsel vm10, $0x14A, v3  }
0x78: {  	v4 =	vimm.s32 $0x7C4;
	v62 =	vsel vm1, $0xC42, v2;
	v2 =	vsel vm9, $0x18B, v3  }
0x79: {  	v3 =	vsel vm0, $0x405, v4;
	v4 =	vimm.s32 $0x43210FED;
	v2 =	vsel vm8, $0x1CC, v2  }
0x7a: {  	v3 =	vsel vm14, $0x446, v3;
	v4 =	vunpack.c.l.s4.s8 v4;
	v2 =	vsel vm7, $0x20D, v2  }
0x7b: {  	v5 =	vunpack.c.l.s4.s8 v5;
	v3 =	vsel vm13, $0x487, v3;
	v2 =	vsel vm6, $0x24E, v2  }
0x7c: {  	v3 =	vsel vm12, $0x4C8, v3;
	v4 =	vunpack.c.0.s8.s32 v4;
	v2 =	vsel vm5, $0x28F, v2  }
0x7d: {  	v1 =	vimm.s32 $0x7C8;
	v3 =	vsel vm11, $0x509, v3;
	v2 =	vsel vm4, $0x2C0, v2  }
0x7e: {  	[tilespmem:$0x1FC70] =	vst v4;
	v3 =	vsel vm10, $0x54A, v3;
	v4 =	vunpack.c.0.s8.s32 v5;
	v2 =	vsel vm3, $0x301, v2  }
0x7f: {  	v1 =	vsel vm0, $0x409, v1;
	v3 =	vsel vm9, $0x58B, v3;
	v2 =	vsel vm2, $0x342, v2  }
0x80: {  	[tilespmem:$0x1FC80] =	vst v4;
	v3 =	vsel vm8, $0x5CC, v3;
	v4 =	vimm.s32 $0xBC4;
	v2 =	vsel vm1, $0x383, v2  }
0x81: {  	v18 =	vsel vm14, $0x44A, v1;
	[tilespmem:$0x1FBB0] =	vst v2;
	v2 =	vsel vm7, $0x60D, v3;
	v3 =	vsel vm0, $0x805, v4  }
0x82: {  	v18 =	vsel vm13, $0x48B, v18;
	v5 =	vimm.s32 $0xC9884706;
	v3 =	vsel vm14, $0x846, v3  }
0x83: {  	v5 =	vunpack.c.0.s8.s32 v5;
	v4 =	vimm.s32 $0xC44;
	v3 =	vsel vm13, $0x887, v3  }
0x84: {  	v2 =	vsel vm6, $0x64E, v2;
	v4 =	vsel vm0, $0xC05, v4;
	v3 =	vsel vm12, $0x8C8, v3  }
0x85: {  	v2 =	vsel vm5, $0x68F, v2;
	v4 =	vsel vm14, $0xC46, v4;
	v3 =	vsel vm11, $0x909, v3  }
0x86: {  	v2 =	vsel vm4, $0x6C0, v2;
	v4 =	vsel vm13, $0xC47, v4;
	v3 =	vsel vm10, $0x94A, v3  }
0x87: {  	v2 =	vsel vm3, $0x701, v2;
	v4 =	vsel vm12, $0xC48, v4;
	v3 =	vsel vm9, $0x98B, v3  }
0x88: {  	v2 =	vsel vm2, $0x742, v2;
	v4 =	vsel vm11, $0xC49, v4;
	v3 =	vsel vm8, $0x9CC, v3  }
0x89: {  	v4 =	vsel vm10, $0xC4A, v4;
	v58 =	vsel vm1, $0x783, v2;
	v2 =	vsel vm7, $0xA0D, v3  }
0x8a: {  	v3 =	vsel vm9, $0xC4B, v4;
	v4 =	vand.u32 $0xFF, v5;
	v2 =	vsel vm6, $0xA4E, v2  }
0x8b: {  	v5 =	vimm.s32 $0xC45;
	v3 =	vsel vm8, $0xC4C, v3;
	v2 =	vsel vm5, $0xA8F, v2  }
0x8c: {  	v4 =	vnsel vm15, $0x3C5, v4;
	v3 =	vsel vm7, $0xC4D, v3;
	v2 =	vsel vm4, $0xAC0, v2  }
0x8d: {  	v4 =	vsel vm11, $0x10A, v4;
	v3 =	vsel vm6, $0xC4E, v3;
	v2 =	vsel vm3, $0xB01, v2  }
0x8e: {  	v4 =	vsel vm10, $0x14B, v4;
	v3 =	vsel vm5, $0xC4F, v3;
	v2 =	vsel vm2, $0xB42, v2  }
0x8f: {  	v4 =	vsel vm9, $0x18C, v4;
	v3 =	vsel vm4, $0xC40, v3;
	v57 =	vsel vm1, $0xB83, v2  }
0x90: {  	v2 =	vsel vm3, $0xC41, v3;
	v3 =	vsel vm8, $0x1CD, v4;
	v4 =	vimm.s32 $0xCA894807  }
0x91: {  	v6 =	vsel vm2, $0xC42, v2;
	v8 =	vsel vm7, $0x20E, v3;
	v2 =	vimm.s32 $0x7C5  }
0x92: {  	v3 =	vimm.s32 $0xBC5;
	v4 =	vunpack.c.0.s8.s32 v4;
	v2 =	vsel vm0, $0x406, v2  }
0x93: {  	v3 =	vsel vm0, $0x806, v3;
	v8 =	vsel vm6, $0x24F, v8;
	v9 =	vsel vm14, $0x447, v2  }
0x94: {  	v10 =	vsel vm14, $0x847, v3;
	v2 =	vsel vm0, $0xC06, v5;
	v3 =	vimm.s32 $0x7C6  }
0x95: {  	v5 =	vimm.s32 $0xBC6;
	v8 =	vsel vm5, $0x280, v8;
	v11 =	vsel vm14, $0xC47, v2  }
0x96: {  	v2 =	vand.u32 $0xFF, v4;
	v3 =	vsel vm0, $0x407, v3;
	v4 =	vimm.s32 $0xFEDCBA98  }
0x97: {  	v9 =	vsel vm13, $0x488, v9;
	v10 =	vsel vm13, $0x888, v10;
	v8 =	vsel vm4, $0x2C1, v8  }
0x98: {  	v44 =	vnsel vm15, $0x3C6, v2;
	v4 =	vunpack.c.l.s4.s8 v4;
	v12 =	vsel vm14, $0x448, v3  }
0x99: {  	v3 =	vsel vm0, $0x807, v5;
	v5 =	vunpack.c.l.s4.s8 v7;
	v7 =	vimm.s32 $0xC46  }
0x9a: {  	v11 =	vsel vm13, $0xC48, v11;
	v9 =	vsel vm12, $0x4C9, v9;
	v7 =	vsel vm0, $0xC07, v7  }
0x9b: {  	v14 =	vsel vm14, $0x848, v3;
	v12 =	vsel vm13, $0x489, v12;
	v4 =	vunpack.c.0.s8.s32 v4  }
0x9c: {  	v44 =	vsel vm11, $0x10B, v44;
	v5 =	vunpack.c.0.s8.s32 v5;
	v15 =	vsel vm14, $0xC48, v7  }
0x9d: {  	v7 =	vimm.s32 $0xBC7;
	v14 =	vsel vm13, $0x889, v14;
	v3 =	vand.u32 $0xF, v4  }
0x9e: {  	v15 =	vsel vm13, $0xC49, v15;
	v4 =	vimm.s32 $0x7C7;
	v2 =	vcombine.low v3, v5  }
0x9f: {  	v3 =	vand.u32 $0xFF, v13;
	v4 =	vsel vm0, $0x408, v4;
	v5 =	vimm.s32 $0xCC8B4A09  }
0xa0: {  	v13 =	vimm.s32 $0xC47;
	v48 =	vnsel vm15, $0x3C7, v3;
	v5 =	vunpack.c.0.s8.s32 v5  }
0xa1: {  	v16 =	vsel vm14, $0x449, v4;
	v4 =	vsel vm0, $0x808, v7;
	v7 =	vsel vm0, $0xC08, v13  }
0xa2: {  	v13 =	vsel vm14, $0x849, v4;
	v17 =	vsel vm14, $0xC49, v7;
	v7 =	vimm.s32 $0xC48  }
0xa3: {  	[tilespmem:$0x1FB90] =	vst v2;
	v16 =	vsel vm13, $0x48A, v16;
	v2 =	vsel vm1, $0xC43, v6;
	v6 =	vunpack.c.l.s4.s8 v42  }
0xa4: {  	v48 =	vsel vm11, $0x10C, v48;
	v4 =	vand.u32 $0xFF, v5;
	v5 =	vimm.s32 $0xCD8C4B0A  }
0xa5: {  	v1 =	vsel vm0, $0xC09, v7;
	v7 =	vimm.s32 $0xBC9;
	v13 =	vsel vm13, $0x88A, v13  }
0xa6: {  	[tilespmem:$0x1FB70] =	vst v0;
	v17 =	vsel vm13, $0xC4A, v17;
	v0 =	vnsel vm15, $0x3C8, v4;
	v4 =	vimm.s32 $0xBC8  }
0xa7: {  	v5 =	vunpack.c.0.s8.s32 v5;
	v20 =	vsel vm14, $0xC4A, v1;
	v4 =	vsel vm0, $0x809, v4  }
0xa8: {  	v20 =	vsel vm13, $0xC4B, v20;
	v52 =	vsel vm11, $0x10D, v0;
	v0 =	vsel vm11, $0xC43, v40  }
0xa9: {  	v19 =	vsel vm14, $0x84A, v4;
	v1 =	vand.u32 $0xFF, v5;
	v4 =	vimm.s32 $0x7C9  }
0xaa: {  	v5 =	vimm.s32 $0xCE8D4C0B;
	v0 =	vsel vm10, $0xC44, v0;
	v1 =	vnsel vm15, $0x3C9, v1  }
0xab: {  	v4 =	vsel vm0, $0x40A, v4;
	v5 =	vunpack.c.0.s8.s32 v5;
	v19 =	vsel vm13, $0x88B, v19  }
0xac: {  	v0 =	vsel vm9, $0xC45, v0;
	v22 =	vsel vm14, $0x44B, v4;
	v4 =	vsel vm0, $0x80A, v7  }
0xad: {  	v7 =	vsel vm0, $0xC0A, v21;
	v21 =	vimm.s32 $0xBCA;
	v0 =	vsel vm8, $0xC46, v0  }
0xae: {  	v23 =	vsel vm14, $0x84B, v4;
	v24 =	vsel vm14, $0xC4B, v7;
	v4 =	vand.u32 $0xFF, v5  }
0xaf: {  	v5 =	vimm.s32 $0x7CA;
	v7 =	vimm.s32 $0xCF8E4D0C;
	v22 =	vsel vm13, $0x48C, v22  }
0xb0: {  	v0 =	vsel vm7, $0xC47, v0;
	v4 =	vnsel vm15, $0x3CA, v4;
	v5 =	vsel vm0, $0x40B, v5  }
0xb1: {  	v7 =	vunpack.c.0.s8.s32 v7;
	v23 =	vsel vm13, $0x88C, v23;
	v24 =	vsel vm13, $0xC4C, v24  }
0xb2: {  	v0 =	vsel vm6, $0xC48, v0;
	v26 =	vsel vm14, $0x44C, v5;
	v5 =	vsel vm0, $0x80B, v21  }
0xb3: {  	v21 =	vimm.s32 $0xC4A;
	v0 =	vsel vm5, $0xC49, v0;
	v27 =	vsel vm14, $0x84C, v5  }
0xb4: {  	v5 =	vsel vm0, $0xC0B, v21;
	v7 =	vand.u32 $0xFF, v7;
	v21 =	vimm.s32 $0xBCB  }
0xb5: {  	v26 =	vsel vm13, $0x48D, v26;
	v0 =	vsel vm4, $0xC4A, v0;
	v28 =	vsel vm14, $0xC4C, v5  }
0xb6: {  	v5 =	vnsel vm15, $0x3CB, v7;
	v7 =	vimm.s32 $0x7CB;
	v21 =	vsel vm0, $0x80C, v21  }
0xb7: {  	v27 =	vsel vm13, $0x88D, v27;
	v26 =	vsel vm12, $0x4CE, v26;
	v0 =	vsel vm3, $0xC4B, v0  }
0xb8: {  	v7 =	vsel vm0, $0x40C, v7;
	v31 =	vsel vm14, $0x84D, v21;
	v21 =	vimm.s32 $0x7CC  }
0xb9: {  	v28 =	vsel vm13, $0xC4D, v28;
	v27 =	vsel vm12, $0x8CE, v27;
	v0 =	vsel vm2, $0xC4C, v0  }
0xba: {  	v30 =	vsel vm14, $0x44D, v7;
	v7 =	vsel vm0, $0xC0C, v29;
	v21 =	vsel vm0, $0x40D, v21  }
0xbb: {  	v31 =	vsel vm13, $0x88E, v31;
	v28 =	vsel vm12, $0xC4E, v28;
	v29 =	vsel vm14, $0xC4D, v7  }
0xbc: {  	v7 =	vand.u32 $0xFF, v25;
	v25 =	vimm.s32 $0xC1804F0E;
	v34 =	vsel vm14, $0x44E, v21  }
0xbd: {  	v21 =	vsel vm0, $0x80D, v32;
	v32 =	vsel vm14, $0xC4E, v55;
	v30 =	vsel vm13, $0x48E, v30  }
0xbe: {  	v31 =	vsel vm12, $0x8CF, v31;
	v7 =	vnsel vm15, $0x3CC, v7;
	v25 =	vunpack.c.0.s8.s32 v25  }
0xbf: {  	v56 =	vsel vm14, $0x84E, v21;
	v29 =	vsel vm13, $0xC4E, v29;
	v34 =	vsel vm13, $0x48F, v34  }
0xc0: {  	v32 =	vsel vm13, $0xC4F, v32;
	v30 =	vsel vm12, $0x4CF, v30;
	v33 =	vsel vm13, $0x88F, v56  }
0xc1: {  	v29 =	vsel vm12, $0xC4F, v29;
	v21 =	vand.u32 $0xFF, v25;
	v25 =	vimm.s32 $0x7CD  }
0xc2: {  	v34 =	vsel vm12, $0x4C0, v34;
	v32 =	vsel vm12, $0xC40, v32;
	v25 =	vsel vm0, $0x40E, v25  }
0xc3: {  	v33 =	vsel vm12, $0x8C0, v33;
	v37 =	vsel vm14, $0x44F, v25;
	v25 =	vsel vm0, $0x80E, v36  }
0xc4: {  	v21 =	vnsel vm15, $0x3CD, v21;
	v38 =	vsel vm14, $0x84F, v25;
	v25 =	vsel vm0, $0xC0E, v59  }
0xc5: {  	v37 =	vsel vm13, $0x480, v37;
	v59 =	vunpack.c.0.s8.s32 v6;
	v6 =	vsel vm3, $0x302, v8  }
0xc6: {  	v8 =	vsel vm11, $0x50A, v9;
	v9 =	vsel vm12, $0x8C9, v10;
	v10 =	vsel vm12, $0xC4A, v15  }
0xc7: {  	v15 =	vsel vm12, $0x8CC, v19;
	v19 =	vsel vm12, $0xC4D, v24;
	v24 =	vsel vm11, $0x10E, v1  }
0xc8: {  	v1 =	vsel vm11, $0x903, v39;
	v36 =	vsel vm14, $0xC4F, v25;
	v25 =	vnsel vm15, $0x3CE, v35  }
0xc9: {  	v35 =	vsel vm0, $0x40F, v60;
	v38 =	vsel vm13, $0x880, v38;
	v60 =	vunpack.c.0.s8.s32 v41  }
0xca: {  	v6 =	vsel vm2, $0x343, v6;
	v8 =	vsel vm10, $0x54B, v8;
	v37 =	vsel vm12, $0x4C1, v37  }
0xcb: {  	v47 =	vsel vm11, $0xC4B, v10;
	v54 =	vsel vm11, $0x90D, v15;
	v15 =	vsel vm11, $0x100, v5  }
0xcc: {  	v10 =	vsel vm11, $0x501, v34;
	v24 =	vsel vm10, $0x14F, v24;
	v1 =	vsel vm10, $0x944, v1  }
0xcd: {  	v35 =	vsel vm14, $0x440, v35;
	v36 =	vsel vm13, $0xC40, v36;
	v56 =	vsel vm1, $0x384, v6  }
0xce: {  	v6 =	vsel vm9, $0x58C, v8;
	v8 =	vsel vm11, $0x90A, v9;
	v9 =	vsel vm12, $0xC49, v11  }
0xcf: {  	v11 =	vsel vm12, $0x4CB, v16;
	v16 =	vsel vm12, $0xC4C, v20;
	v38 =	vsel vm12, $0x8C1, v38  }
0xd0: {  	v20 =	vimm.s32 $0x6543210F;
	v15 =	vsel vm10, $0x141, v15;
	v10 =	vsel vm10, $0x542, v10  }
0xd1: {  	v1 =	vsel vm9, $0x985, v1;
	v35 =	vsel vm13, $0x481, v35;
	v6 =	vsel vm8, $0x5CD, v6  }
0xd2: {  	v8 =	vsel vm10, $0x94B, v8;
	v9 =	vsel vm11, $0xC4A, v9;
	v36 =	vsel vm12, $0xC41, v36  }
0xd3: {  	v43 =	vunpack.c.l.s4.s8 v20;
	v49 =	vsel vm11, $0x50C, v11;
	v55 =	vsel vm11, $0xC4D, v16  }
0xd4: {  	v20 =	vsel vm11, $0xC4E, v19;
	v19 =	vsel vm11, $0x10F, v4;
	v16 =	vsel vm11, $0xC4F, v28  }
0xd5: {  	v11 =	vsel vm11, $0x101, v7;
	v7 =	vsel vm11, $0x102, v21;
	v5 =	vsel vm11, $0x902, v38  }
0xd6: {  	v21 =	vimm.s32 $0xEDCBA987;
	v15 =	vsel vm9, $0x182, v15;
	v10 =	vsel vm9, $0x583, v10  }
0xd7: {  	v1 =	vsel vm8, $0x9C6, v1;
	v6 =	vsel vm7, $0x60E, v6;
	v8 =	vsel vm9, $0x98C, v8  }
0xd8: {  	v9 =	vsel vm10, $0xC4B, v9;
	v35 =	vsel vm12, $0x4C2, v35;
	v4 =	vsel vm11, $0xC42, v36  }
0xd9: {  	v21 =	vunpack.c.l.s4.s8 v21;
	v20 =	vsel vm10, $0xC4F, v20;
	v19 =	vsel vm10, $0x140, v19  }
0xda: {  	v16 =	vsel vm10, $0xC40, v16;
	v15 =	vsel vm8, $0x1C3, v15;
	v11 =	vsel vm10, $0x142, v11  }
0xdb: {  	v10 =	vsel vm8, $0x5C4, v10;
	v7 =	vsel vm10, $0x143, v7;
	v5 =	vsel vm10, $0x943, v5  }
0xdc: {  	v1 =	vsel vm7, $0xA07, v1;
	v6 =	vsel vm6, $0x64F, v6;
	v8 =	vsel vm8, $0x9CD, v8  }
0xdd: {  	v9 =	vsel vm9, $0xC4C, v9;
	v34 =	vsel vm11, $0x503, v35;
	v20 =	vsel vm9, $0xC40, v20  }
0xde: {  	v19 =	vsel vm9, $0x181, v19;
	v16 =	vsel vm9, $0xC41, v16;
	v15 =	vsel vm7, $0x204, v15  }
0xdf: {  	v11 =	vsel vm9, $0x183, v11;
	v10 =	vsel vm7, $0x605, v10;
	v7 =	vsel vm9, $0x184, v7  }
0xe0: {  	v5 =	vsel vm9, $0x984, v5;
	v4 =	vsel vm10, $0xC43, v4;
	v1 =	vsel vm6, $0xA48, v1  }
0xe1: {  	v6 =	vsel vm5, $0x680, v6;
	v8 =	vsel vm7, $0xA0E, v8;
	v9 =	vsel vm8, $0xC4D, v9  }
0xe2: {  	v35 =	vunpack.c.0.s8.s32 v21;
	v20 =	vsel vm8, $0xC41, v20;
	v19 =	vsel vm8, $0x1C2, v19  }
0xe3: {  	v16 =	vsel vm8, $0xC42, v16;
	v15 =	vsel vm6, $0x245, v15;
	v11 =	vsel vm8, $0x1C4, v11  }
0xe4: {  	v10 =	vsel vm6, $0x646, v10;
	v7 =	vsel vm8, $0x1C5, v7;
	v5 =	vsel vm8, $0x9C5, v5  }
0xe5: {  	v4 =	vsel vm9, $0xC44, v4;
	v1 =	vsel vm5, $0xA89, v1;
	v6 =	vsel vm4, $0x6C1, v6  }
0xe6: {  	v8 =	vsel vm6, $0xA4F, v8;
	v9 =	vsel vm7, $0xC4E, v9;
	v20 =	vsel vm7, $0xC42, v20  }
0xe7: {  	v19 =	vsel vm7, $0x203, v19;
	v16 =	vsel vm7, $0xC43, v16;
	v15 =	vsel vm5, $0x286, v15  }
0xe8: {  	v11 =	vsel vm7, $0x205, v11;
	v10 =	vsel vm5, $0x687, v10;
	v7 =	vsel vm7, $0x206, v7  }
0xe9: {  	v5 =	vsel vm7, $0xA06, v5;
	v4 =	vsel vm8, $0xC45, v4;
	v1 =	vsel vm4, $0xACA, v1  }
0xea: {  	v6 =	vsel vm3, $0x702, v6;
	v8 =	vsel vm5, $0xA80, v8;
	v9 =	vsel vm6, $0xC4F, v9  }
0xeb: {  	v20 =	vsel vm6, $0xC43, v20;
	v19 =	vsel vm6, $0x244, v19;
	v16 =	vsel vm6, $0xC44, v16  }
0xec: {  	v15 =	vsel vm4, $0x2C7, v15;
	v11 =	vsel vm6, $0x246, v11;
	v10 =	vsel vm4, $0x6C8, v10  }
0xed: {  	v7 =	vsel vm6, $0x247, v7;
	v5 =	vsel vm6, $0xA47, v5;
	v4 =	vsel vm7, $0xC46, v4  }
0xee: {  	v6 =	vsel vm2, $0x743, v6;
	v8 =	vsel vm4, $0xAC1, v8;
	v20 =	vsel vm5, $0xC44, v20  }
0xef: {  	v19 =	vsel vm5, $0x285, v19;
	v16 =	vsel vm5, $0xC45, v16;
	v15 =	vsel vm3, $0x308, v15  }
0xf0: {  	v11 =	vsel vm5, $0x287, v11;
	v10 =	vsel vm3, $0x709, v10;
	v7 =	vsel vm5, $0x288, v7  }
0xf1: {  	v5 =	vsel vm5, $0xA88, v5;
	v4 =	vsel vm6, $0xC47, v4;
	v3 =	vsel vm1, $0x784, v6  }
0xf2: {  	v6 =	vsel vm3, $0xB02, v8;
	v8 =	vsel vm5, $0xC40, v9;
	v9 =	vsel vm12, $0x8CA, v14  }
0xf3: {  	v14 =	vsel vm12, $0x4CC, v18;
	v18 =	vsel vm12, $0x8CD, v23;
	v20 =	vsel vm4, $0xC45, v20  }
0xf4: {  	v19 =	vsel vm4, $0x2C6, v19;
	v16 =	vsel vm4, $0xC46, v16;
	v15 =	vsel vm2, $0x349, v15  }
0xf5: {  	v11 =	vsel vm4, $0x2C8, v11;
	v10 =	vsel vm2, $0x74A, v10;
	v7 =	vsel vm4, $0x2C9, v7  }
0xf6: {  	v5 =	vsel vm4, $0xAC9, v5;
	v4 =	vsel vm5, $0xC48, v4;
	v41 =	vsel vm2, $0xB43, v6  }
0xf7: {  	v6 =	vsel vm4, $0xC41, v8;
	v8 =	vsel vm12, $0x4CA, v12;
	v12 =	vsel vm12, $0x8CB, v13  }
0xf8: {  	v13 =	vsel vm12, $0xC4B, v17;
	v17 =	vsel vm12, $0x4CD, v22;
	v46 =	vsel vm11, $0x90B, v9  }
0xf9: {  	v53 =	vsel vm11, $0x50D, v14;
	v22 =	vsel vm11, $0x90E, v18;
	v18 =	vsel vm11, $0x50F, v26  }
0xfa: {  	v14 =	vsel vm11, $0x500, v30;
	v9 =	vsel vm11, $0x901, v33;
	v20 =	vsel vm3, $0xC46, v20  }
0xfb: {  	v19 =	vsel vm3, $0x307, v19;
	v16 =	vsel vm3, $0xC47, v16;
	v15 =	vsel vm1, $0x38A, v15  }
0xfc: {  	v11 =	vsel vm3, $0x309, v11;
	v10 =	vsel vm1, $0x78B, v10;
	v7 =	vsel vm3, $0x30A, v7  }
0xfd: {  	v5 =	vsel vm3, $0xB0A, v5;
	v4 =	vsel vm4, $0xC49, v4;
	v42 =	vsel vm3, $0xC42, v6  }
0xfe: {  	v45 =	vsel vm11, $0x50B, v8;
	v50 =	vsel vm11, $0x90C, v12;
	v51 =	vsel vm11, $0xC4C, v13  }
0xff: {  	v23 =	vsel vm11, $0x50E, v17;
	v17 =	vsel vm11, $0x90F, v27;
	v13 =	vsel vm11, $0x900, v31  }
0x100: {  	v12 =	vsel vm11, $0xC40, v29;
	v8 =	vsel vm11, $0xC41, v32;
	v6 =	vsel vm11, $0x502, v37  }
0x101: {  	v29 =	vmovc v3;
	v3 =	vsel vm11, $0x103, v25;
	v40 =	vsel vm1, $0xB84, v41;
	v26 =	vsel vm10, $0x94C, v46  }
0x102: {  	v22 =	vsel vm10, $0x94F, v22;
	v18 =	vsel vm10, $0x540, v18;
	v20 =	vsel vm2, $0xC47, v20  }
0x103: {  	v19 =	vsel vm2, $0x348, v19;
	v16 =	vsel vm2, $0xC48, v16;
	v14 =	vsel vm10, $0x541, v14  }
0x104: {  	v9 =	vsel vm10, $0x942, v9;
	v11 =	vsel vm2, $0x34A, v11;
	v7 =	vsel vm2, $0x34B, v7  }
0x105: {  	v25 =	vsel vm2, $0xC43, v42;
	v26 =	vsel vm9, $0x98D, v26;
	v13 =	vsel vm10, $0x941, v13  }
0x106: {  	v38 =	vsel vm1, $0xC44, v25;
	v25 =	vsel vm10, $0x14C, v44;
	v26 =	vsel vm8, $0x9CE, v26  }
0x107: {  	v13 =	vsel vm9, $0x982, v13;
	v21 =	vsel vm9, $0x18D, v25;
	v25 =	vsel vm10, $0x54C, v45  }
0x108: {  	v26 =	vsel vm7, $0xA0F, v26;
	v21 =	vsel vm8, $0x1CE, v21;
	v25 =	vsel vm9, $0x58D, v25  }
0x109: {  	v13 =	vsel vm8, $0x9C3, v13;
	v21 =	vsel vm7, $0x20F, v21;
	v25 =	vsel vm8, $0x5CE, v25  }
0x10a: {  	v26 =	vsel vm6, $0xA40, v26;
	v21 =	vsel vm6, $0x240, v21;
	v25 =	vsel vm7, $0x60F, v25  }
0x10b: {  	v13 =	vsel vm7, $0xA04, v13;
	v21 =	vsel vm5, $0x281, v21;
	v25 =	vsel vm6, $0x640, v25  }
0x10c: {  	v26 =	vsel vm5, $0xA81, v26;
	v21 =	vsel vm4, $0x2C2, v21;
	v25 =	vsel vm5, $0x681, v25  }
0x10d: {  	v13 =	vsel vm6, $0xA45, v13;
	v21 =	vsel vm3, $0x303, v21;
	v25 =	vsel vm4, $0x6C2, v25  }
0x10e: {  	v26 =	vsel vm4, $0xAC2, v26;
	v21 =	vsel vm2, $0x344, v21;
	v25 =	vsel vm3, $0x703, v25  }
0x10f: {  	v42 =	vsel vm1, $0x385, v21;
	v21 =	vsel vm2, $0x744, v25;
	v25 =	vsel vm3, $0xB03, v26  }
0x110: {  	v41 =	vsel vm1, $0x785, v21;
	v21 =	vsel vm2, $0xB44, v25;
	v25 =	vsel vm10, $0xC4C, v47  }
0x111: {  	v44 =	vsel vm1, $0xB85, v21;
	v21 =	vsel vm9, $0xC4D, v25;
	v25 =	vsel vm10, $0x14D, v48  }
0x112: {  	v26 =	vsel vm10, $0x54D, v49;
	v21 =	vsel vm8, $0xC4E, v21;
	v25 =	vsel vm9, $0x18E, v25  }
0x113: {  	v26 =	vsel vm9, $0x58E, v26;
	v21 =	vsel vm7, $0xC4F, v21;
	v25 =	vsel vm8, $0x1CF, v25  }
0x114: {  	v26 =	vsel vm8, $0x5CF, v26;
	v21 =	vsel vm6, $0xC40, v21;
	v25 =	vsel vm7, $0x200, v25  }
0x115: {  	v26 =	vsel vm7, $0x600, v26;
	v21 =	vsel vm5, $0xC41, v21;
	v25 =	vsel vm6, $0x241, v25  }
0x116: {  	v26 =	vsel vm6, $0x641, v26;
	v21 =	vsel vm4, $0xC42, v21;
	v25 =	vsel vm5, $0x282, v25  }
0x117: {  	v26 =	vsel vm5, $0x682, v26;
	v21 =	vsel vm3, $0xC43, v21;
	v25 =	vsel vm4, $0x2C3, v25  }
0x118: {  	v26 =	vsel vm4, $0x6C3, v26;
	v21 =	vsel vm2, $0xC44, v21;
	v25 =	vsel vm3, $0x304, v25  }
0x119: {  	v45 =	vsel vm1, $0xC45, v21;
	v21 =	vsel vm2, $0x345, v25;
	v25 =	vsel vm3, $0x704, v26  }
0x11a: {  	v46 =	vsel vm1, $0x386, v21;
	v21 =	vsel vm2, $0x745, v25;
	v25 =	vsel vm10, $0x94D, v50  }
0x11b: {  	v47 =	vsel vm1, $0x786, v21;
	v21 =	vsel vm9, $0x98E, v25;
	v25 =	vsel vm10, $0xC4D, v51  }
0x11c: {  	v26 =	vsel vm10, $0x14E, v52;
	v21 =	vsel vm8, $0x9CF, v21;
	v25 =	vsel vm9, $0xC4E, v25  }
0x11d: {  	v26 =	vsel vm9, $0x18F, v26;
	v21 =	vsel vm7, $0xA00, v21;
	v25 =	vsel vm8, $0xC4F, v25  }
0x11e: {  	v26 =	vsel vm8, $0x1C0, v26;
	v21 =	vsel vm6, $0xA41, v21;
	v25 =	vsel vm7, $0xC40, v25  }
0x11f: {  	v26 =	vsel vm7, $0x201, v26;
	v21 =	vsel vm5, $0xA82, v21;
	v25 =	vsel vm6, $0xC41, v25  }
0x120: {  	v26 =	vsel vm6, $0x242, v26;
	v21 =	vsel vm4, $0xAC3, v21;
	v25 =	vsel vm5, $0xC42, v25  }
0x121: {  	v26 =	vsel vm5, $0x283, v26;
	v21 =	vsel vm3, $0xB04, v21;
	v25 =	vsel vm4, $0xC43, v25  }
0x122: {  	v26 =	vsel vm4, $0x2C4, v26;
	v21 =	vsel vm2, $0xB45, v21;
	v25 =	vsel vm3, $0xC44, v25  }
0x123: {  	v36 =	vmovc v61;
	v61 =	vsel vm1, $0xB86, v21;
	v21 =	vsel vm2, $0xC45, v25;
	v25 =	vsel vm3, $0x305, v26  }
0x124: {  	v31 =	vmovc v2;
	v2 =	vsel vm1, $0xC46, v21;
	v21 =	vsel vm2, $0x346, v25;
	v25 =	vsel vm10, $0x54E, v53  }
0x125: {  	v28 =	vmovc v57;
	v57 =	vsel vm1, $0x387, v21;
	v21 =	vsel vm9, $0x58F, v25;
	v25 =	vsel vm10, $0x94E, v54  }
0x126: {  	v26 =	vsel vm10, $0xC4E, v55;
	v21 =	vsel vm8, $0x5C0, v21;
	v25 =	vsel vm9, $0x98F, v25  }
0x127: {  	v26 =	vsel vm9, $0xC4F, v26;
	v21 =	vsel vm7, $0x601, v21;
	v25 =	vsel vm8, $0x9C0, v25  }
0x128: {  	v26 =	vsel vm8, $0xC40, v26;
	v21 =	vsel vm6, $0x642, v21;
	v25 =	vsel vm7, $0xA01, v25  }
0x129: {  	v26 =	vsel vm7, $0xC41, v26;
	v21 =	vsel vm5, $0x683, v21;
	v25 =	vsel vm6, $0xA42, v25  }
0x12a: {  	v32 =	vld [tilespmem:$0x1FB10];
	v26 =	vsel vm6, $0xC42, v26;
	v21 =	vsel vm4, $0x6C4, v21;
	v25 =	vsel vm5, $0xA83, v25  }
0x12b: {  	v37 =	vld [tilespmem:$0x1FB20];
	v26 =	vsel vm5, $0xC43, v26;
	v21 =	vsel vm3, $0x705, v21;
	v25 =	vsel vm4, $0xAC4, v25  }
0x12c: {  	v49 =	vld [tilespmem:$0x1FB40];
	v26 =	vsel vm4, $0xC44, v26;
	v21 =	vsel vm2, $0x746, v21;
	v25 =	vsel vm3, $0xB05, v25  }
0x12d: {  	v48 =	vld [tilespmem:$0x1FB30];
	v54 =	vsel vm1, $0x787, v21;
	v21 =	vsel vm2, $0xB46, v25;
	v25 =	vsel vm3, $0xC45, v26  }
0x12e: {  	v33 =	vmovc v58;
	v13 =	vsel vm5, $0xA86, v13;
	v52 =	vld [tilespmem:$0x1FB60];
	v58 =	vsel vm1, $0xB87, v21;
	v21 =	vsel vm2, $0xC46, v25  }
0x12f: {  	v5 =	vsel vm2, $0xB4B, v5;
	v13 =	vsel vm4, $0xAC7, v13;
	v51 =	vld [tilespmem:$0x1FB50];
	v53 =	vmovc v2;
	v2 =	vsel vm1, $0xC47, v21  }
0x130: {  	s0 =	rddreg [dreg:$0x0];
	s2 =	simm.s32 $0x0;
	v23 =	vsel vm10, $0x54F, v23;
	v13 =	vsel vm3, $0xB08, v13;
	v25 =	vld [tilespmem:$0x1FB70];
	[tilespmem:$0x1FB80] =	vst v2;
	v2 =	vsel vm1, $0xC48, v20  }
0x131: {  	[smem:$0x7FF] =	sst s2;
	v22 =	vsel vm9, $0x980, v22;
	v13 =	vsel vm2, $0xB49, v13;
	v21 =	vsel vm9, $0x180, v24;
	v24 =	vld [tilespmem:$0x1FB90];
	[tilespmem:$0x1FBA0] =	vst v2  }
0x132: {  	s1 =	rddreg [dreg:$0x1];
	v39 =	vunpack.c.0.s8.s32 v43;
	v18 =	vsel vm9, $0x581, v18;
	v20 =	vsel vm1, $0xB8A, v13;
	v13 =	vld [tilespmem:$0x1FBB0];
	_ =	strace $0x80000047;
	[tilespmem:$0x1FCC0] =	vst v60  }
0x133: {  	v19 =	vsel vm1, $0x389, v19;
	v17 =	vsel vm10, $0x940, v17;
	v14 =	vsel vm9, $0x582, v14;
	[tilespmem:$0x1FCD0] =	vst v59  }
0x134: {  	v12 =	vsel vm10, $0xC41, v12;
	v9 =	vsel vm9, $0x983, v9;
	v11 =	vsel vm1, $0x38B, v11;
	[tilespmem:$0x1FCF0] =	vst v39  }
0x135: {  	v8 =	vsel vm10, $0xC42, v8;
	v6 =	vsel vm10, $0x543, v6;
	v7 =	vsel vm1, $0x38C, v7;
	[tilespmem:$0x1FD00] =	vst v35  }
0x136: {  	v27 =	vmovc v62;
	v3 =	vsel vm10, $0x144, v3;
	v23 =	vsel vm9, $0x580, v23;
	v22 =	vsel vm8, $0x9C1, v22;
	[tilespmem:$0x1FD40] =	vst v36  }
0x137: {  	v18 =	vsel vm8, $0x5C2, v18;
	v17 =	vsel vm9, $0x981, v17;
	v14 =	vsel vm8, $0x5C3, v14;
	[tilespmem:$0x1FD50] =	vst v27  }
0x138: {  	v12 =	vsel vm9, $0xC42, v12;
	v9 =	vsel vm8, $0x9C4, v9;
	v8 =	vsel vm9, $0xC43, v8;
	[tilespmem:$0x1FD60] =	vst v33  }
0x139: {  	v6 =	vsel vm9, $0x584, v6;
	v3 =	vsel vm9, $0x185, v3;
	v23 =	vsel vm8, $0x5C1, v23;
	[tilespmem:$0x1FD70] =	vst v28  }
0x13a: {  	v43 =	vmovc v29;
	v22 =	vsel vm7, $0xA02, v22;
	v18 =	vsel vm7, $0x603, v18;
	v17 =	vsel vm8, $0x9C2, v17;
	[tilespmem:$0x1FD80] =	vst v31  }
0x13b: {  	v14 =	vsel vm7, $0x604, v14;
	v12 =	vsel vm8, $0xC43, v12;
	v9 =	vsel vm7, $0xA05, v9;
	[tilespmem:$0x1FDA0] =	vst v43  }
0x13c: {  	v8 =	vsel vm8, $0xC44, v8;
	v6 =	vsel vm8, $0x5C5, v6;
	v3 =	vsel vm8, $0x1C6, v3;
	[tilespmem:$0x1FDB0] =	vst v40  }
0x13d: {  	v23 =	vsel vm7, $0x602, v23;
	v22 =	vsel vm6, $0xA43, v22;
	v18 =	vsel vm6, $0x644, v18;
	[tilespmem:$0x1FDC0] =	vst v38  }
0x13e: {  	v17 =	vsel vm7, $0xA03, v17;
	v14 =	vsel vm6, $0x645, v14;
	v12 =	vsel vm7, $0xC44, v12;
	[tilespmem:$0x1FDD0] =	vst v42  }
0x13f: {  	v9 =	vsel vm6, $0xA46, v9;
	v8 =	vsel vm7, $0xC45, v8;
	v6 =	vsel vm7, $0x606, v6;
	[tilespmem:$0x1FDE0] =	vst v41  }
0x140: {  	v3 =	vsel vm7, $0x207, v3;
	v23 =	vsel vm6, $0x643, v23;
	v22 =	vsel vm5, $0xA84, v22;
	[tilespmem:$0x1FDF0] =	vst v44  }
0x141: {  	v18 =	vsel vm5, $0x685, v18;
	v17 =	vsel vm6, $0xA44, v17;
	v9 =	vsel vm5, $0xA87, v9;
	[tilespmem:$0x1FE00] =	vst v45  }
0x142: {  	v14 =	vsel vm5, $0x686, v14;
	v12 =	vsel vm6, $0xC45, v12;
	v9 =	vsel vm4, $0xAC8, v9;
	[tilespmem:$0x1FE10] =	vst v46  }
0x143: {  	v8 =	vsel vm6, $0xC46, v8;
	v6 =	vsel vm6, $0x647, v6;
	v9 =	vsel vm3, $0xB09, v9;
	[tilespmem:$0x1FE20] =	vst v47  }
0x144: {  	v3 =	vsel vm6, $0x248, v3;
	v12 =	vsel vm5, $0xC46, v12;
	v9 =	vsel vm2, $0xB4A, v9;
	[tilespmem:$0x1FE30] =	vst v61  }
0x145: {  	v18 =	vsel vm4, $0x6C6, v18;
	v12 =	vsel vm4, $0xC47, v12;
	v9 =	vsel vm1, $0xB8B, v9;
	[tilespmem:$0x1FE40] =	vst v53  }
0x146: {  	v2 =	vsel vm10, $0x544, v34;
	v34 =	vmovc v9;
	v9 =	vsel vm1, $0xC4D, v0;
	v0 =	vimm.s32 $0x31;
	[tilespmem:$0x1FE50] =	vst v57  }
0x147: {  	v17 =	vsel vm5, $0xA85, v17;
	v12 =	vsel vm3, $0xC48, v12;
	v0 =	vsel vm0, $0x30, v0;
	[tilespmem:$0x1FE60] =	vst v54  }
0x148: {  	v18 =	vsel vm3, $0x707, v18;
	v17 =	vsel vm4, $0xAC6, v17;
	v12 =	vsel vm2, $0xC49, v12;
	[tilespmem:$0x1FBC0] =	vst v0;
	v0 =	vld [tilespmem:$0x1FBD0]  }
0x149: {  	v18 =	vsel vm2, $0x748, v18;
	v17 =	vsel vm3, $0xB07, v17;
	v62 =	vsel vm1, $0xC4A, v12;
	[tilespmem:$0x1FE70] =	vst v58;
	v12 =	vld [tilespmem:$0x1FBE0]  }
0x14a: {  	v14 =	vsel vm4, $0x6C7, v14;
	v18 =	vsel vm1, $0x789, v18;
	v17 =	vsel vm2, $0xB48, v17;
	[tilespmem:$0x1FEB0] =	vst v19  }
0x14b: {  	v14 =	vsel vm3, $0x708, v14;
	v17 =	vsel vm1, $0xB89, v17;
	v21 =	vsel vm8, $0x1C1, v21;
	[tilespmem:$0x1FEC0] =	vst v18  }
0x14c: {  	v23 =	vsel vm5, $0x684, v23;
	v14 =	vsel vm2, $0x749, v14;
	v21 =	vsel vm7, $0x202, v21;
	[tilespmem:$0x1FED0] =	vst v17  }
0x14d: {  	v22 =	vsel vm4, $0xAC5, v22;
	v14 =	vsel vm1, $0x78A, v14;
	v21 =	vsel vm6, $0x243, v21;
	[tilespmem:$0x1FEF0] =	vst v15  }
0x14e: {  	v8 =	vsel vm5, $0xC47, v8;
	[tilespmem:$0x1FF00] =	vst v14;
	v21 =	vsel vm5, $0x284, v21;
	v0 =	vcombine.low v12, v0  }
0x14f: {  	v6 =	vsel vm5, $0x688, v6;
	v23 =	vsel vm4, $0x6C5, v23;
	[tilespmem:$0x1FF10] =	vst v20;
	v21 =	vsel vm4, $0x2C5, v21;
	v12 =	vld [tilespmem:$0x1FC10]  }
0x150: {  	v8 =	vsel vm4, $0xC48, v8;
	v23 =	vsel vm3, $0x706, v23;
	v21 =	vsel vm3, $0x306, v21;
	[tilespmem:$0x1FBF0] =	vst v0;
	v0 =	vld [tilespmem:$0x1FC00]  }
0x151: {  	v22 =	vsel vm3, $0xB06, v22;
	v8 =	vsel vm3, $0xC49, v8;
	[tilespmem:$0x1FF20] =	vst v62;
	v21 =	vsel vm2, $0x347, v21  }
0x152: {  	v8 =	vsel vm2, $0xC4A, v8;
	[tilespmem:$0x1FF30] =	vst v11;
	v26 =	vsel vm1, $0x388, v21;
	v21 =	vsel vm2, $0x747, v23  }
0x153: {  	v8 =	vsel vm1, $0xC4B, v8;
	[tilespmem:$0x1FF40] =	vst v10;
	v23 =	vmovc v56;
	v56 =	vsel vm1, $0x788, v21;
	v21 =	vsel vm2, $0xB47, v22  }
0x154: {  	[tilespmem:$0x1FF50] =	vst v34;
	v22 =	vsel vm1, $0xC49, v16;
	v16 =	vsel vm1, $0xB8C, v5;
	v5 =	vlaneseq.u32  }
0x155: {  	v6 =	vsel vm4, $0x6C9, v6;
	[tilespmem:$0x1FF60] =	vst v8;
	v5 =	vmul.u32 $0x41, v5;
	v0 =	vcombine.low v12, v0  }
0x156: {  	v4 =	vsel vm3, $0xC4A, v4;
	v3 =	vsel vm5, $0x289, v3;
	v6 =	vsel vm3, $0x70A, v6;
	[tilespmem:$0x1FF70] =	vst v7  }
0x157: {  	v3 =	vsel vm4, $0x2CA, v3;
	v6 =	vsel vm2, $0x74B, v6;
	v12 =	vld [tilespmem:$0x1FC50];
	[tilespmem:$0x1FC20] =	vst v0;
	v0 =	vor.u32 $0x400, v5  }
0x158: {  	v4 =	vsel vm2, $0xC4B, v4;
	v3 =	vsel vm3, $0x30B, v3;
	v6 =	vsel vm1, $0x78C, v6;
	[tilespmem:$0x1FC30] =	vst v0;
	v0 =	vld [tilespmem:$0x1FC40]  }
0x159: {  	v1 =	vsel vm3, $0xB0B, v1;
	v30 =	vsel vm1, $0xC4C, v4;
	v3 =	vsel vm2, $0x34C, v3;
	[tilespmem:$0x1FF80] =	vst v6  }
0x15a: {  	v1 =	vsel vm2, $0xB4C, v1;
	v3 =	vsel vm1, $0x38D, v3;
	[tilespmem:$0x1FFA0] =	vst v30  }
0x15b: {  	v1 =	vsel vm1, $0xB8D, v1;
	[tilespmem:$0x1FFB0] =	vst v3  }
0x15c: {  	[tilespmem:$0x1FFD0] =	vst v1  }
0x15d: {  	[tilespmem:$0x1FFE0] =	vst v9;
	v0 =	vcombine.low v12, v0  }
0x15e: {  	[tilespmem:$0x1FFF0] =	vst v63;
	v12 =	vld [tilespmem:$0x1FC80]  }
0x15f: {  	[tilespmem:$0x1FC60] =	vst v0;
	v0 =	vld [tilespmem:$0x1FC70]  }
0x160: {  	s3 =	srdreg.scid;
	s4 =	stileid.u32;
	[tilespmem:$0x1FD90] =	vst v23  }
0x161: {  	s10 =	simm.s32 $0x80;
	s11 =	simm.s32 $0x6;
	s19 =	simm.s32 $0x1;
	v2 =	vsel vm9, $0x585, v2;
	[tilespmem:$0x1FE80] =	vst v26  }
0x162: {  	s20 =	simm.s32 $0xF200;
	s21 =	simm.s32 $0x10000;
	s23 =	simm.s32 $0x10E00;
	v2 =	vsel vm8, $0x5C6, v2;
	[tilespmem:$0x1FE90] =	vst v56  }
0x163: {  	s25 =	simm.s32 $0x11C00;
	s26 =	simm.s32 $0x2;
	s28 =	simm.s32 $0x12A00;
	v2 =	vsel vm7, $0x607, v2;
	[tilespmem:$0x1FEE0] =	vst v22  }
0x164: {  	s29 =	simm.s32 $0x3;
	s3 =	sand.u32 $0x1, s3;
	s4 =	sshll.u32 s4, $0x1;
	v2 =	vsel vm6, $0x648, v2;
	v21 =	vsel vm1, $0xB88, v21;
	[tilespmem:$0x1FF90] =	vst v16;
	v0 =	vcombine.low v12, v0  }
0x165: {  	s30 =	simm.s32 $0x4;
	s31 =	simm.s32 $0x5;
	s5 =	sor.u32 s3, s4;
	v2 =	vsel vm5, $0x689, v2;
	[tilespmem:$0x1FEA0] =	vst v21  }
0x166: {  	s8 =	ssub.s32 $0x2, s3;
	s3 =	sadd.s32 $0x16E4000, s0;
	s7 =	smul.u32 $0xE00, s5;
	v2 =	vsel vm4, $0x6CA, v2;
	[tilespmem:$0x1FC90] =	vst v0;
	v0 =	vor.u32 $0x800, v5  }
.Ltmp0:
0x167: {  	s4 =	sshll.u32 s5, $0xD;
	s9 =	sshrl.u32 s8, $0x1;
	v2 =	vsel vm3, $0x70B, v2;
	[tilespmem:$0x1FCB0] =	vst v0;
	v0 =	vcombine.low v59, v60;
	(pc) =	sbr.rel .LBB2_1-.Ltmp0, $4  }
0x168: {  	s5 =	sshll.u32 s5, $0x6;
	s6 =	sadd.s32 s4, s0;
	s4 =	sadd.s32 $0xF42E00, s0;
	v2 =	vsel vm2, $0x74C, v2;
	[tilespmem:$0x1FCA0] =	vst v5  }
0x169: {  	s8 =	ssub.s32 s8, s9;
	s9 =	simm.s32 $0x38;
	s0 =	sadd.s32 s7, s0;
	v2 =	vsel vm1, $0x78D, v2;
	[tilespmem:$0x1FCE0] =	vst v0;
	v0 =	vcombine.low v35, v39  }
0x16a: {  	s6 =	sadd.s32 $0xA00, s6;
	s8 =	smax.u32 s8, $0x1;
	s7 =	sadd.s32 $0x40A00, s0;
	v29 =	vld [tilespmem:$0x1FD30];
	[tilespmem:$0x1FFC0] =	vst v2  }
0x16b: {  	s0 =	simm.s32 $0x0;
	[dreg:$0x3] =	wrdreg s6;
	s6 =	sadd.s32 s1, s5;
	v60 =	vmov v9;
	v59 =	vmov v1;
	v35 =	vld [tilespmem:$0x1FD20];
	v39 =	vmov v8;
	[tilespmem:$0x1FD10] =	vst v0  }
.LBB2_12:
0x16c: {  	[hbm4b:s7+s2] =	stream.linear.scatter [tilespmem:s28], [sflag:$0x6], $0x7000, $0x38;
	[tilespmem:$0x19A00] =	vst v63  }
0x16d: {  	_ =	swait.ge [sflag:s11], $0x7000  }
0x16e: {  	v52 =	vld [tilespmem:$0x1FB60]  }
0x16f: {  	v63 =	vld [tilespmem:$0x1FFF0]  }
0x170: {  	v32 =	vld [tilespmem:$0x1FB10]  }
0x171: {  	v37 =	vld [tilespmem:$0x1FB20]  }
0x172: {  	v36 =	vld [tilespmem:$0x1FD40]  }
0x173: {  	v29 =	vld [tilespmem:$0x1FD30]  }
0x174: {  	v35 =	vld [tilespmem:$0x1FD20]  }
0x175: {  	v13 =	vld [tilespmem:$0x1FBB0]  }
0x176: {  	v33 =	vld [tilespmem:$0x1FD60]  }
0x177: {  	v24 =	vld [tilespmem:$0x1FB90]  }
0x178: {  	v25 =	vld [tilespmem:$0x1FB70]  }
0x179: {  	v23 =	vld [tilespmem:$0x1FD90]  }
0x17a: {  	v43 =	vld [tilespmem:$0x1FDA0]  }
0x17b: {  	v40 =	vld [tilespmem:$0x1FDB0]  }
0x17c: {  	v42 =	vld [tilespmem:$0x1FDD0]  }
0x17d: {  	v41 =	vld [tilespmem:$0x1FDE0]  }
0x17e: {  	v44 =	vld [tilespmem:$0x1FDF0]  }
0x17f: {  	v45 =	vld [tilespmem:$0x1FE00]  }
0x180: {  	v46 =	vld [tilespmem:$0x1FE10]  }
0x181: {  	v47 =	vld [tilespmem:$0x1FE20]  }
0x182: {  	v61 =	vld [tilespmem:$0x1FE30]  }
0x183: {  	v53 =	vld [tilespmem:$0x1FE40]  }
0x184: {  	v57 =	vld [tilespmem:$0x1FE50]  }
0x185: {  	v54 =	vld [tilespmem:$0x1FE60]  }
0x186: {  	v58 =	vld [tilespmem:$0x1FE70]  }
0x187: {  	v26 =	vld [tilespmem:$0x1FE80]  }
0x188: {  	v56 =	vld [tilespmem:$0x1FE90]  }
0x189: {  	v21 =	vld [tilespmem:$0x1FEA0]  }
0x18a: {  	v19 =	vld [tilespmem:$0x1FEB0]  }
0x18b: {  	v18 =	vld [tilespmem:$0x1FEC0]  }
0x18c: {  	v17 =	vld [tilespmem:$0x1FED0]  }
0x18d: {  	v22 =	vld [tilespmem:$0x1FEE0]  }
0x18e: {  	v15 =	vld [tilespmem:$0x1FEF0]  }
0x18f: {  	v14 =	vld [tilespmem:$0x1FF00]  }
0x190: {  	v20 =	vld [tilespmem:$0x1FF10]  }
0x191: {  	v62 =	vld [tilespmem:$0x1FF20]  }
0x192: {  	v11 =	vld [tilespmem:$0x1FF30]  }
0x193: {  	v10 =	vld [tilespmem:$0x1FF40]  }
0x194: {  	v34 =	vld [tilespmem:$0x1FF50]  }
0x195: {  	v39 =	vld [tilespmem:$0x1FF60]  }
0x196: {  	v7 =	vld [tilespmem:$0x1FF70]  }
0x197: {  	s0 =	sadd.s32 $0x1, s0;
	v6 =	vld [tilespmem:$0x1FF80]  }
0x198: {  	p0 =	sne.s32 s0, s8;
	v16 =	vld [tilespmem:$0x1FF90]  }
.Ltmp1:
0x199: {  	v30 =	vld [tilespmem:$0x1FFA0];
	(pc) =	sbr.rel @!p0 .LBB2_13-.Ltmp1, $4  }
0x19a: {  	v3 =	vld [tilespmem:$0x1FFB0]  }
0x19b: {  	v2 =	vld [tilespmem:$0x1FFC0]  }
0x19c: {  	[sflag:s11] =	ssyncset.done $0x0;
	v59 =	vld [tilespmem:$0x1FFD0]  }
0x19d: {  	v60 =	vld [tilespmem:$0x1FFE0];
	[sflag:s11] =	ssyncadd.s32 $0xFFFF9000  }
.LBB2_1:
0x19e: {  	s1 =	rddreg [dreg:$0x3]  }
0x19f: {  	[tilespmem:s2], [sflag:$0x6] =	stream.strided.gather [hbm4b:s1+s9], $0x7000, s10, s9, $0x38;
	[tilespmem:$0x19A00] =	vst v63  }
0x1a0: {  	_ =	swait.ge [sflag:s11], $0x7000  }
0x1a1: {  	[sflag:s11] =	ssyncset.done $0x0  }
0x1a2: {  	s5 =	simm.s32 $0x7000;
	[sflag:s11] =	ssyncadd.s32 $0xFFFF9000  }
0x1a3: {  	[tilespmem:s5], [sflag:$0x6] =	stream.linear.gather [hbm4b:s6+s2], $0x200, $0x38;
	[tilespmem:$0x19A00] =	vst v63  }
0x1a4: {  	_ =	swait.ge [sflag:s11], $0x200  }
0x1a5: {  	[sflag:s11] =	ssyncset.done $0x0  }
0x1a6: {  	s1 =	simm.s32 $0x7200;
	[sflag:s11] =	ssyncadd.s32 $0xFFFFFE00  }
0x1a7: {  	[tilespmem:s1], [sflag:$0x1] =	stream.indirect.gather [hbm4b:s4+s10], $0x40, s5, s10, $0xb8;
	[tilespmem:$0x19A00] =	vst v63  }
0x1a8: {  	s14 =	simm.s32 $0x7080;
	s12 =	simm.s32 $0x9200  }
0x1a9: {  	[tilespmem:s12], [sflag:$0x1] =	stream.indirect.gather [hbm4b:s4+s10], $0x40, s14, s10, $0xb8;
	[tilespmem:$0x19A00] =	vst v63  }
0x1aa: {  	s15 =	simm.s32 $0x7100;
	s16 =	simm.s32 $0xB200  }
0x1ab: {  	[tilespmem:s16], [sflag:$0x1] =	stream.indirect.gather [hbm4b:s4+s10], $0x40, s15, s10, $0xb8;
	[tilespmem:$0x19A00] =	vst v63  }
0x1ac: {  	s17 =	simm.s32 $0x7180;
	s18 =	simm.s32 $0xD200  }
0x1ad: {  	[tilespmem:s18], [sflag:$0x1] =	stream.indirect.gather [hbm4b:s4+s10], $0x40, s17, s10, $0xb8;
	[tilespmem:$0x19A00] =	vst v63  }
0x1ae: {  	_ =	swait.ge [sflag:s19], $0x2000  }
0x1af: {  	[sflag:s19] =	ssyncset.done $0x0  }
0x1b0: {  	[sflag:s19] =	ssyncadd.s32 $0xFFFFE000  }
0x1b1: {  	_ =	swait.ge [sflag:s19], $0x2000  }
0x1b2: {  	[sflag:s19] =	ssyncset.done $0x0  }
0x1b3: {  	[sflag:s19] =	ssyncadd.s32 $0xFFFFE000  }
0x1b4: {  	_ =	swait.ge [sflag:s19], $0x2000  }
0x1b5: {  	[sflag:s19] =	ssyncset.done $0x0  }
0x1b6: {  	[sflag:s19] =	ssyncadd.s32 $0xFFFFE000  }
0x1b7: {  	_ =	swait.ge [sflag:s19], $0x2000  }
0x1b8: {  	[sflag:s19] =	ssyncset.done $0x0  }
0x1b9: {  	[sflag:s19] =	ssyncadd.s32 $0xFFFFE000  }
0x1ba: {  	[tilespmem:s20], [sflag:$0x2] =	stream.indirect.gather [hbm4b:s3+s9], $0x40, s2, s9, $0xb8;
	[tilespmem:$0x19A00] =	vst v63  }
0x1bb: {  	_ = 	snop  }
0x1bc: {  	[tilespmem:s21], [sflag:$0x3] =	stream.indirect.gather [hbm4b:s3+s9], $0x40, s9, s9, $0xb8;
	[tilespmem:$0x19A00] =	vst v63  }
0x1bd: {  	s22 =	simm.s32 $0x70;
	s24 =	simm.s32 $0xA8;
	s5 =	simm.s32 $0x7240  }
0x1be: {  	[tilespmem:s23], [sflag:$0x4] =	stream.indirect.gather [hbm4b:s3+s9], $0x40, s22, s9, $0xb8;
	[tilespmem:$0x19A00] =	vst v63  }
0x1bf: {  	s14 =	simm.s32 $0x7280;
	s15 =	simm.s32 $0x72C0;
	s16 =	simm.s32 $0x0  }
0x1c0: {  	v28 =	vmov v42;
	[tilespmem:s25], [sflag:$0x5] =	stream.indirect.gather [hbm4b:s3+s9], $0x40, s24, s9, $0xb8;
	[tilespmem:$0x19A00] =	vst v63  }
.LBB2_2:
0x1c1: {  	_ =	swait.ge [sflag:s26], $0xE00  }
0x1c2: {  	v8 =	vld [tilespmem:$0x1FCC0]  }
0x1c3: {  	v9 =	vld [tilespmem:$0x1FCD0];
	_ =	sdelay $0x4  }
0x1c4: {  	v27 =	vcombine.low v8, v9;
	v8 =	vld [tilespmem:$0x1FCF0]  }
0x1c5: {  	v9 =	vld [tilespmem:$0x1FD00];
	_ =	sdelay $0x4  }
0x1c6: {  	v31 =	vcombine.low v8, v9;
	v8 =	vld [tilespmem:$0x1FC40]  }
0x1c7: {  	v9 =	vld [tilespmem:$0x1FC50];
	_ =	sdelay $0x1  }
0x1c8: {  	s17 =	simm.s32 $0x0  }
0x1c9: {  	v1 =	vor.u32 s17, v2  }
0x1ca: {  	v5 =	vor.u32 s17, v10  }
0x1cb: {  	v38 =	vcombine.low v8, v9;
	v8 =	vld [tilespmem:$0x1FC70]  }
0x1cc: {  	[sflag:s26] =	ssyncset.done $0x0;
	v9 =	vld [tilespmem:$0x1FC80]  }
0x1cd: {  	[sflag:s26] =	ssyncadd.s32 $0xFFFFF200  }
0x1ce: {  	v2 =	vor.u32 s17, v7;
	v7 =	vld.idx.msk [tilespmem:v1+s20+$0x0], $0xffff  }
0x1cf: {  	v0 =	vor.u32 s17, v3;
	v1 =	vor.u32 s17, v15;
	v15 =	vld.idx.msk [tilespmem:v5+s20+$0x0], $0xffff  }
0x1d0: {  	v5 =	vld [tilespmem:$0x1FC00]  }
0x1d1: {  	v4 =	vor.u32 s17, v11;
	v50 =	vcombine.low v8, v9;
	v8 =	vld [tilespmem:$0x1FC10]  }
0x1d2: {  	v10 =	vld [tilespmem:s1+$0x0];
	_ =	sdelay $0x1  }
0x1d3: {  	v0 =	vld.idx.msk [tilespmem:v0+s20+$0x0], $0xffff  }
0x1d4: {  	v42 =	vmov v40;
	v3 =	vor.u32 s17, v6  }
0x1d5: {  	v40 =	vmovc v32;
	v32 =	vmovc v63;
	v6 =	vor.u32 s17, v14;
	v14 =	vld.idx.msk [tilespmem:v4+s20+$0x0], $0xffff;
	v63 =	vcombine.low v5, v8;
	v8 =	vor.u32 s17, v16  }
0x1d6: {  	v4 =	vor.u32 s17, v26;
	v26 =	vperm.xlane v10, v31;
	v9 =	vld [tilespmem:$0x1FBE0];
	[tilespmem:$0x1F920] =	vst v8;
	v8 =	vor.u32 s17, v30  }
0x1d7: {  	[tilespmem:$0x1F930] =	vst v8;
	v8 =	vld [tilespmem:$0x1FBD0]  }
0x1d8: {  	v0 =	vmul.f32 v0, v26  }
0x1d9: {  	v12 =	vld.idx.msk [tilespmem:v3+s20+$0x0], $0xffff;
	v3 =	vor.u32 s17, v18  }
0x1da: {  	[tilespmem:$0x1FA20] =	vst v0;
	v0 =	vmul.f32 v7, v26  }
0x1db: {  	[tilespmem:$0x1F9C0] =	vst v31  }
0x1dc: {  	v11 =	vld.idx.msk [tilespmem:v2+s20+$0x0], $0xffff;
	[tilespmem:$0x1FA30] =	vst v0;
	v30 =	vcombine.low v8, v9;
	v8 =	vor.u32 s17, v34  }
0x1dd: {  	v16 =	vld.idx.msk [tilespmem:v1+s20+$0x0], $0xffff;
	v1 =	vor.u32 s17, v57;
	[tilespmem:$0x1F940] =	vst v8;
	v8 =	vor.u32 s17, v20  }
0x1de: {  	v20 =	vld.idx.msk [tilespmem:v3+s20+$0x0], $0xffff;
	v3 =	vor.u32 s17, v21;
	[tilespmem:$0x1F950] =	vst v8  }
0x1df: {  	v0 =	vor.u32 s17, v37;
	v8 =	vor.u32 s17, v39;
	[tilespmem:$0x1F990] =	vst v3  }
0x1e0: {  	v23 =	vor.u32 s17, v23;
	v2 =	vor.u32 s17, v19;
	v3 =	vor.u32 s17, v22;
	[tilespmem:$0x1F960] =	vst v8  }
0x1e1: {  	v18 =	vld.idx.msk [tilespmem:v6+s20+$0x0], $0xffff;
	v9 =	vor.u32 s17, v28;
	v28 =	vperm.xlane v10, v27;
	[tilespmem:$0x1F9A0] =	vst v3;
	v3 =	vor.u32 s17, v58  }
0x1e2: {  	v8 =	vor.u32 s17, v17;
	v17 =	vor.u32 s17, v41;
	v41 =	vperm.xlane v10, v63;
	[tilespmem:$0x1F9D0] =	vst v3;
	v3 =	vld.idx.msk [tilespmem:v1+s20+$0x0], $0xffff  }
0x1e3: {  	[tilespmem:$0x1F9E0] =	vst v38;
	v5 =	vor.u32 s17, v59;
	v7 =	vmul.f32 v11, v28;
	v1 =	vld [tilespmem:$0x1FCE0]  }
0x1e4: {  	[tilespmem:$0x1F900] =	vst v5;
	v57 =	vmul.f32 v20, v41;
	v20 =	vld.idx.msk [tilespmem:v0+s20+$0x0], $0xffff  }
0x1e5: {  	v31 =	vperm.xlane v10, v50;
	v5 =	vor.u32 s17, v60;
	[tilespmem:$0x1FA40] =	vst v7;
	v7 =	vmul.f32 v12, v28;
	v0 =	vld [tilespmem:$0x1FBA0]  }
0x1e6: {  	v6 =	vor.u32 s17, v54;
	v19 =	vld.idx.msk [tilespmem:v2+s20+$0x0], $0xffff;
	[tilespmem:$0x1F910] =	vst v5  }
0x1e7: {  	v5 =	vor.u32 s17, v56;
	v34 =	vperm.xlane v10, v38;
	v38 =	vld.idx.msk [tilespmem:v23+s20+$0x0], $0xffff;
	[tilespmem:$0x1FA50] =	vst v7;
	v7 =	vmul.f32 v14, v31  }
0x1e8: {  	v2 =	vor.u32 s17, v46;
	v21 =	vld.idx.msk [tilespmem:v4+s20+$0x0], $0xffff  }
0x1e9: {  	[tilespmem:$0x1FA60] =	vst v7;
	v7 =	vmul.f32 v15, v31;
	v60 =	vperm.xlane v10, v1;
	v1 =	vld [tilespmem:$0x1FD10]  }
0x1ea: {  	v58 =	vor.u32 s17, v0;
	v0 =	vld [tilespmem:$0x1FB80]  }
0x1eb: {  	v4 =	vld.idx.msk [tilespmem:v6+s20+$0x0], $0xffff;
	[tilespmem:$0x1FA70] =	vst v7;
	v7 =	vmul.f32 v16, v34  }
0x1ec: {  	[tilespmem:$0x1F9F0] =	vst v50;
	v50 =	vperm.xlane v10, v25;
	v25 =	vor.u32 s17, v13;
	v22 =	vld.idx.msk [tilespmem:v5+s20+$0x0], $0xffff  }
0x1ed: {  	v29 =	vor.u32 s17, v29;
	v5 =	vld.idx.msk [tilespmem:v2+s20+$0x0], $0xffff;
	[tilespmem:$0x1FA80] =	vst v7;
	v7 =	vmul.f32 v18, v34  }
0x1ee: {  	v59 =	vperm.xlane v10, v1;
	v1 =	vld [tilespmem:$0x1FC60]  }
0x1ef: {  	[tilespmem:$0x1FA90] =	vst v7;
	v7 =	vor.u32 s17, v61;
	v61 =	vor.u32 s17, v0;
	v0 =	vld [tilespmem:$0x1FAB0]  }
0x1f0: {  	[tilespmem:$0x1FA00] =	vst v30;
	v46 =	vperm.xlane v10, v30;
	v30 =	vld [tilespmem:$0x1FAA0]  }
0x1f1: {  	[tilespmem:$0x1F9B0] =	vst v27;
	v27 =	vor.u32 s17, v33;
	v11 =	vld.idx.msk [tilespmem:v25+s20+$0x0], $0xffff  }
0x1f2: {  	v23 =	vor.u32 s17, v32;
	v15 =	vld.idx.msk [tilespmem:v29+s20+$0x0], $0xffff  }
0x1f3: {  	v13 =	vperm.xlane v10, v1;
	v1 =	vld [tilespmem:$0x1FC90]  }
0x1f4: {  	v29 =	vor.u32 s17, v0;
	v0 =	vld [tilespmem:$0x1FCA0]  }
0x1f5: {  	v25 =	vor.u32 s17, v40;
	v9 =	vld.idx.msk [tilespmem:v9+s20+$0x0], $0xffff  }
0x1f6: {  	v14 =	vld.idx.msk [tilespmem:v27+s20+$0x0], $0xffff  }
0x1f7: {  	[tilespmem:$0x1FA10] =	vst v63;
	v12 =	vor.u32 s17, v36;
	v63 =	vmul.f32 v22, v46;
	v22 =	vld.idx.msk [tilespmem:v23+s20+$0x0], $0xffff  }
0x1f8: {  	v6 =	vperm.xlane v10, v1;
	v1 =	vld [tilespmem:$0x1FBF0]  }
0x1f9: {  	v36 =	vor.u32 s17, v0;
	v0 =	vld [tilespmem:$0x1FC30]  }
0x1fa: {  	[tilespmem:$0x1F970] =	vst v8;
	v8 =	vor.u32 s17, v62;
	v23 =	vld.idx.msk [tilespmem:v25+s20+$0x0], $0xffff  }
0x1fb: {  	[tilespmem:$0x1F980] =	vst v8;
	v8 =	vor.u32 s17, v47;
	v33 =	vld.idx.msk [tilespmem:v17+s20+$0x0], $0xffff  }
0x1fc: {  	v27 =	vor.u32 s17, v52;
	v62 =	vmul.f32 v21, v46;
	v21 =	vld.idx.msk [tilespmem:v12+s20+$0x0], $0xffff  }
0x1fd: {  	v39 =	vperm.xlane v10, v30;
	v30 =	vor.u32 s17, v35;
	v2 =	vperm.xlane v10, v1;
	v1 =	vld [tilespmem:$0x1FC20]  }
0x1fe: {  	v54 =	vperm.xlane v10, v24;
	v24 =	vor.u32 s17, v43;
	v37 =	vor.u32 s17, v0;
	v0 =	vld [tilespmem:$0x1FCB0]  }
0x1ff: {  	v55 =	vimm.f32 $0.0e+00;
	v12 =	vor.u32 s17, v53;
	v53 =	vld [tilespmem:$0x1FB00]  }
0x200: {  	v32 =	vimm.f32 $0.0e+00;
	v56 =	vmul.f32 v19, v41;
	v19 =	vor.u32 s17, v45;
	v8 =	vld.idx.msk [tilespmem:v8+s20+$0x0], $0xffff  }
0x201: {  	v35 =	vor.u32 s17, v49;
	v25 =	vimm.f32 $0.0e+00;
	v17 =	vlaneseq.u32;
	v27 =	vld.idx.msk [tilespmem:v27+s20+$0x0], $0xffff  }
0x202: {  	v17 =	vperm.xlane v10, v17;
	v16 =	vld.idx.msk [tilespmem:v30+s20+$0x0], $0xffff;
	v18 =	vor.u32 s17, v44;
	v1 =	vperm.xlane v10, v1  }
0x203: {  	s18 =	simm.s32 $0x10;
	s12 =	smov.u32 s1;
	v10 =	vld.idx.msk [tilespmem:v24+s20+$0x0], $0xffff;
	v24 =	vor.u32 s17, v42;
	v30 =	vor.u32 s17, v0;
	v0 =	vimm.f32 $0.0e+00  }
.LBB2_3:
0x204: {  	v29 =	vld.idx.msk [tilespmem:v29+s20+$0x0], $0xffff  }
0x205: {  	v36 =	vld.idx.msk [tilespmem:v36+s20+$0x0], $0xffff  }
0x206: {  	v37 =	vld.idx.msk [tilespmem:v37+s20+$0x0], $0xffff  }
0x207: {  	v47 =	vld [tilespmem:$0x1FAF0]  }
0x208: {  	v43 =	vld [tilespmem:$0x1FAC0]  }
0x209: {  	v30 =	vld.idx.msk [tilespmem:v30+s20+$0x0], $0xffff  }
0x20a: {  	v44 =	vld [tilespmem:$0x1FAD0]  }
0x20b: {  	v42 =	vor.u32 s17, v51;
	v35 =	vld.idx.msk [tilespmem:v35+s20+$0x0], $0xffff  }
0x20c: {  	v45 =	vld [tilespmem:$0x1FAE0];
	v47 =	vor.u32 s17, v47  }
0x20d: {  	v49 =	vld [tilespmem:$0x1FD50]  }
0x20e: {  	v11 =	vmul.f32 v11, v6;
	v52 =	vld [tilespmem:$0x1FD80];
	v40 =	vor.u32 s17, v48;
	v43 =	vor.u32 s17, v43  }
0x20f: {  	v15 =	vmul.f32 v15, v13;
	v48 =	vor.u32 s17, v53;
	v53 =	vmovc v51;
	v51 =	vld [tilespmem:$0x1FD70];
	v44 =	vor.u32 s17, v44  }
0x210: {  	v42 =	vld.idx.msk [tilespmem:v42+s20+$0x0], $0xffff;
	v36 =	vmul.f32 v36, v17;
	v37 =	vmul.f32 v37, v17  }
0x211: {  	v45 =	vor.u32 s17, v45;
	v30 =	vmul.f32 v30, v17;
	v17 =	vmul.f32 v35, v17;
	v35 =	vld.idx.msk [tilespmem:v47+s20+$0x0], $0xffff  }
0x212: {  	v16 =	vmul.f32 v16, v13;
	v20 =	vmul.f32 v20, v1;
	v47 =	vld [tilespmem:$0x1FDC0]  }
0x213: {  	v21 =	vmul.f32 v21, v1;
	v27 =	vmul.f32 v27, v39;
	v49 =	vor.u32 s17, v49;
	v43 =	vld.idx.msk [tilespmem:v43+s20+$0x0], $0xffff  }
0x214: {  	v29 =	vmul.f32 v29, v39;
	v36 =	vadd.f32 v36, v55;
	v0 =	vadd.f32 v37, v0;
	v44 =	vld.idx.msk [tilespmem:v44+s20+$0x0], $0xffff  }
0x215: {  	v22 =	vmul.f32 v22, v2;
	v52 =	vor.u32 s17, v52;
	v30 =	vadd.f32 v30, v32;
	v40 =	vld.idx.msk [tilespmem:v40+s20+$0x0], $0xffff  }
0x216: {  	v23 =	vmul.f32 v23, v2;
	v27 =	vadd.f32 v27, v36;
	v0 =	vadd.f32 v29, v0;
	v45 =	vld.idx.msk [tilespmem:v45+s20+$0x0], $0xffff  }
0x217: {  	v17 =	vadd.f32 v17, v25;
	v25 =	vmul.f32 v42, v39;
	v47 =	vor.u32 s17, v47  }
0x218: {  	v51 =	vor.u32 s17, v51;
	v42 =	vld.idx.msk [tilespmem:v49+s20+$0x0], $0xffff;
	v22 =	vadd.f32 v22, v27;
	v0 =	vadd.f32 v23, v0  }
0x219: {  	v24 =	vld.idx.msk [tilespmem:v24+s20+$0x0], $0xffff;
	v17 =	vadd.f32 v25, v17;
	v29 =	vmul.f32 v43, v2;
	v2 =	vmul.f32 v44, v2  }
0x21a: {  	v25 =	vld.idx.msk [tilespmem:v52+s20+$0x0], $0xffff;
	v20 =	vadd.f32 v20, v22;
	v0 =	vadd.f32 v21, v0;
	v37 =	vmul.f32 v40, v39  }
0x21b: {  	v18 =	vld.idx.msk [tilespmem:v18+s20+$0x0], $0xffff;
	v23 =	vmul.f32 v45, v1;
	v1 =	vmul.f32 v35, v1;
	v2 =	vadd.f32 v2, v17  }
0x21c: {  	v14 =	vmul.f32 v14, v6;
	v15 =	vadd.f32 v15, v20;
	v0 =	vadd.f32 v16, v0;
	v17 =	vld.idx.msk [tilespmem:v47+s20+$0x0], $0xffff  }
0x21d: {  	v40 =	vld.idx.msk [tilespmem:v48+s20+$0x0], $0xffff;
	v30 =	vadd.f32 v37, v30;
	v1 =	vadd.f32 v1, v2;
	v2 =	vmul.f32 v42, v13  }
0x21e: {  	v38 =	vmul.f32 v38, v60;
	v11 =	vadd.f32 v11, v15;
	v0 =	vadd.f32 v14, v0;
	v14 =	vld [tilespmem:$0x1F9D0]  }
0x21f: {  	v43 =	vld.idx.msk [tilespmem:v51+s20+$0x0], $0xffff;
	v1 =	vadd.f32 v2, v1;
	v2 =	vmul.f32 v25, v6  }
0x220: {  	v7 =	vld.idx.msk [tilespmem:v7+s20+$0x0], $0xffff;
	v9 =	vmul.f32 v9, v59;
	v27 =	vadd.f32 v29, v30;
	v11 =	vadd.f32 v38, v11  }
0x221: {  	v5 =	vmul.f32 v5, v54;
	v1 =	vadd.f32 v2, v1;
	v2 =	vmul.f32 v17, v60;
	v17 =	vld [tilespmem:$0x1F990]  }
0x222: {  	v21 =	vmul.f32 v40, v13;
	v13 =	vld.idx.msk [tilespmem:v19+s20+$0x0], $0xffff;
	v22 =	vadd.f32 v23, v27;
	v9 =	vadd.f32 v9, v11  }
0x223: {  	v11 =	vld [tilespmem:$0x1F970]  }
0x224: {  	v16 =	vmul.f32 v43, v6;
	v19 =	vadd.f32 v21, v22;
	v5 =	vadd.f32 v5, v9;
	v9 =	vld [tilespmem:$0x1F950]  }
0x225: {  	v3 =	vmul.f32 v3, v50;
	v6 =	vld.idx.msk [tilespmem:v12+s20+$0x0], $0xffff  }
0x226: {  	v10 =	vmul.f32 v10, v60;
	v12 =	vmul.f32 v24, v60;
	v15 =	vadd.f32 v16, v19;
	v14 =	vld.idx.msk [tilespmem:v14+s20+$0x0], $0xffff  }
0x227: {  	v33 =	vmul.f32 v33, v59;
	v3 =	vadd.f32 v3, v5;
	v5 =	vld [tilespmem:$0x1F940]  }
0x228: {  	v0 =	vadd.f32 v10, v0;
	v10 =	vmul.f32 v18, v59;
	v12 =	vadd.f32 v12, v15  }
0x229: {  	v8 =	vmul.f32 v8, v54;
	v17 =	vld.idx.msk [tilespmem:v17+s20+$0x0], $0xffff  }
0x22a: {  	v7 =	vmul.f32 v7, v54;
	v0 =	vadd.f32 v33, v0;
	v10 =	vadd.f32 v10, v12  }
0x22b: {  	v4 =	vmul.f32 v4, v50;
	v11 =	vld.idx.msk [tilespmem:v11+s20+$0x0], $0xffff  }
0x22c: {  	v0 =	vadd.f32 v8, v0;
	v8 =	vmul.f32 v14, v50;
	v7 =	vadd.f32 v7, v10;
	v9 =	vld.idx.msk [tilespmem:v9+s20+$0x0], $0xffff;
	_ =	sdelay $0x1  }
0x22d: {  	v0 =	vadd.f32 v4, v0;
	v7 =	vadd.f32 v8, v7;
	v4 =	vmul.f32 v17, v46  }
0x22e: {  	v5 =	vld.idx.msk [tilespmem:v5+s20+$0x0], $0xffff  }
0x22f: {  	v12 =	vld [tilespmem:$0x1F920];
	v11 =	vmul.f32 v11, v41;
	v4 =	vadd.f32 v4, v7  }
0x230: {  	v7 =	vmul.f32 v9, v34;
	v9 =	vld [tilespmem:$0x1F900]  }
0x231: {  	v4 =	vadd.f32 v11, v4;
	v11 =	vld [tilespmem:$0x1FA80]  }
0x232: {  	v16 =	vld.idx.msk [tilespmem:v61+s20+$0x0], $0xffff;
	v1 =	vadd.f32 v2, v1;
	v2 =	vmul.f32 v13, v59;
	v3 =	vadd.f32 v62, v3  }
0x233: {  	v5 =	vmul.f32 v5, v31;
	v4 =	vadd.f32 v7, v4;
	v7 =	vld [tilespmem:$0x1FA60]  }
0x234: {  	v1 =	vadd.f32 v2, v1;
	v2 =	vmul.f32 v6, v54;
	v6 =	vld [tilespmem:$0x1F9A0];
	v3 =	vadd.f32 v56, v3  }
0x235: {  	v4 =	vadd.f32 v5, v4;
	v5 =	vld [tilespmem:$0x1FA40]  }
0x236: {  	v3 =	vadd.f32 v11, v3;
	v11 =	vld [tilespmem:$0x1FA90]  }
0x237: {  	v0 =	vadd.f32 v63, v0;
	v12 =	vld.idx.msk [tilespmem:v12+s20+$0x0], $0xffff  }
0x238: {  	v3 =	vadd.f32 v7, v3;
	v7 =	vld [tilespmem:$0x1FA70]  }
0x239: {  	v0 =	vadd.f32 v57, v0;
	v9 =	vld.idx.msk [tilespmem:v9+s20+$0x0], $0xffff  }
0x23a: {  	v3 =	vadd.f32 v5, v3;
	v5 =	vld [tilespmem:$0x1FA50]  }
0x23b: {  	v13 =	vld.idx.msk [tilespmem:v58+s20+$0x0], $0xffff;
	v0 =	vadd.f32 v11, v0;
	_ =	sdelay $0x1  }
0x23c: {  	v6 =	vld.idx.msk [tilespmem:v6+s20+$0x0], $0xffff;
	v0 =	vadd.f32 v7, v0;
	v7 =	vmul.f32 v12, v28  }
0x23d: {  	v1 =	vadd.f32 v2, v1;
	v2 =	vmul.f32 v16, v50  }
0x23e: {  	v10 =	vld [tilespmem:$0x1F980];
	v0 =	vadd.f32 v5, v0;
	v5 =	vmul.f32 v9, v26;
	v4 =	vadd.f32 v7, v4  }
0x23f: {  	v8 =	vld [tilespmem:$0x1F960];
	v1 =	vadd.f32 v2, v1;
	v2 =	vmul.f32 v13, v46  }
0x240: {  	v32 =	vadd.f32 v5, v4;
	v4 =	vld [tilespmem:$0x1FF30]  }
0x241: {  	v1 =	vadd.f32 v2, v1;
	v2 =	vmul.f32 v6, v41;
	v6 =	vld [tilespmem:$0x1F930];
	_ =	sdelay $0x3  }
0x242: {  	v4 =	vor.u32 s18, v4;
	_ =	sdelay $0x1  }
0x243: {  	v10 =	vld.idx.msk [tilespmem:v10+s20+$0x0], $0xffff  }
0x244: {  	v8 =	vld.idx.msk [tilespmem:v8+s20+$0x0], $0xffff  }
0x245: {  	v6 =	vld.idx.msk [tilespmem:v6+s20+$0x0], $0xffff  }
0x246: {  	v27 =	vld.idx.msk [tilespmem:v4+s20+$0x0], $0xffff  }
0x247: {  	v4 =	vld [tilespmem:$0x1FE80]  }
0x248: {  	v1 =	vadd.f32 v2, v1;
	v2 =	vmul.f32 v10, v34;
	_ =	sdelay $0x1  }
0x249: {  	v1 =	vadd.f32 v2, v1;
	v2 =	vmul.f32 v8, v31;
	_ =	sdelay $0x1  }
0x24a: {  	v1 =	vadd.f32 v2, v1;
	v2 =	vmul.f32 v6, v28;
	v6 =	vld [tilespmem:$0x1FFB0];
	v4 =	vor.u32 s18, v4;
	_ =	sdelay $0x4  }
0x24b: {  	v6 =	vor.u32 s18, v6;
	v44 =	vld.idx.msk [tilespmem:v4+s20+$0x0], $0xffff  }
0x24c: {  	v4 =	vld [tilespmem:$0x1FED0];
	_ =	sdelay $0x3  }
0x24d: {  	v20 =	vld.idx.msk [tilespmem:v6+s20+$0x0], $0xffff  }
0x24e: {  	v6 =	vld [tilespmem:$0x1FEF0];
	v4 =	vor.u32 s18, v4  }
0x24f: {  	[tilespmem:$0x1F970] =	vst v4;
	v4 =	vld [tilespmem:$0x1FF20];
	_ =	sdelay $0x4  }
0x250: {  	v6 =	vor.u32 s18, v6;
	v4 =	vor.u32 s18, v4  }
0x251: {  	[tilespmem:$0x1F980] =	vst v4;
	v4 =	vld [tilespmem:$0x1FE20];
	_ =	sdelay $0x3  }
0x252: {  	v35 =	vld.idx.msk [tilespmem:v6+s20+$0x0], $0xffff  }
0x253: {  	v6 =	vor.u32 s18, v4;
	v4 =	vld [tilespmem:$0x1FEA0]  }
0x254: {  	v10 =	vld [tilespmem:$0x1F910];
	_ =	sdelay $0x3  }
0x255: {  	v4 =	vor.u32 s18, v4  }
0x256: {  	[tilespmem:$0x1F990] =	vst v4;
	v4 =	vld [tilespmem:$0x1FEE0];
	_ =	sdelay $0x2  }
0x257: {  	v10 =	vld.idx.msk [tilespmem:v10+s20+$0x0], $0xffff;
	_ =	sdelay $0x1  }
0x258: {  	v4 =	vor.u32 s18, v4  }
0x259: {  	[tilespmem:$0x1F9A0] =	vst v4;
	v4 =	vld [tilespmem:$0x1FDD0];
	_ =	sdelay $0x1  }
0x25a: {  	v1 =	vadd.f32 v2, v1;
	v2 =	vmul.f32 v10, v26;
	_ =	sdelay $0x1  }
0x25b: {  	v25 =	vadd.f32 v2, v1;
	v1 =	vld [tilespmem:$0x1FF70]  }
0x25c: {  	v9 =	vor.u32 s18, v4;
	v4 =	vld [tilespmem:$0x1FE70]  }
0x25d: {  	s12 =	sadd.s32 $0x10, s12  }
0x25e: {  	v15 =	vld [tilespmem:s12+$0x0]  }
0x25f: {  	v7 =	vld [tilespmem:$0x1FA20]  }
0x260: {  	v1 =	vor.u32 s18, v1;
	v8 =	vld.idx.msk [tilespmem:v6+s20+$0x0], $0xffff  }
0x261: {  	v6 =	vld [tilespmem:$0x1F9B0];
	v4 =	vor.u32 s18, v4  }
0x262: {  	[tilespmem:$0x1F9D0] =	vst v4;
	v4 =	vld [tilespmem:$0x1FBA0]  }
0x263: {  	v5 =	vld [tilespmem:$0x1FF40]  }
0x264: {  	v55 =	vadd.f32 v7, v3;
	v3 =	vld [tilespmem:$0x1FA30]  }
0x265: {  	v22 =	vld.idx.msk [tilespmem:v1+s20+$0x0], $0xffff  }
0x266: {  	v28 =	vperm.xlane v15, v6;
	v6 =	vld [tilespmem:$0x1F9C0]  }
0x267: {  	v58 =	vor.u32 s18, v4;
	v4 =	vld [tilespmem:$0x1FDE0]  }
0x268: {  	v1 =	vld [tilespmem:$0x1FEB0]  }
0x269: {  	v5 =	vor.u32 s18, v5  }
0x26a: {  	v2 =	vld [tilespmem:$0x1FF80]  }
0x26b: {  	v26 =	vperm.xlane v15, v6;
	v6 =	vld [tilespmem:$0x1FD60]  }
0x26c: {  	v10 =	vor.u32 s18, v4;
	v4 =	vld [tilespmem:$0x1FE30]  }
0x26d: {  	v0 =	vadd.f32 v3, v0;
	v3 =	vld [tilespmem:$0x1FFC0];
	v1 =	vor.u32 s18, v1  }
0x26e: {  	v30 =	vld.idx.msk [tilespmem:v5+s20+$0x0], $0xffff  }
0x26f: {  	v2 =	vor.u32 s18, v2;
	v5 =	vld [tilespmem:$0x1FFD0]  }
0x270: {  	v14 =	vor.u32 s18, v6;
	v6 =	vld [tilespmem:$0x1F9E0]  }
0x271: {  	v7 =	vor.u32 s18, v4;
	v4 =	vld [tilespmem:$0x1FB80]  }
0x272: {  	v42 =	vld.idx.msk [tilespmem:v1+s20+$0x0], $0xffff  }
0x273: {  	v1 =	vld [tilespmem:$0x1FF50]  }
0x274: {  	v23 =	vld.idx.msk [tilespmem:v2+s20+$0x0], $0xffff  }
0x275: {  	v34 =	vperm.xlane v15, v6;
	v6 =	vld [tilespmem:$0x1F9F0]  }
0x276: {  	v61 =	vor.u32 s18, v4;
	v4 =	vld [tilespmem:$0x1FD90]  }
0x277: {  	v2 =	vld [tilespmem:$0x1FEC0]  }
0x278: {  	v3 =	vor.u32 s18, v3;
	v1 =	vor.u32 s18, v1  }
0x279: {  	[tilespmem:$0x1F940] =	vst v1;
	v1 =	vld [tilespmem:$0x1FE60]  }
0x27a: {  	v31 =	vperm.xlane v15, v6;
	v6 =	vld [tilespmem:$0x1FD30]  }
0x27b: {  	v5 =	vor.u32 s18, v5;
	v11 =	vor.u32 s18, v4;
	v4 =	vld [tilespmem:$0x1FDF0]  }
0x27c: {  	v2 =	vor.u32 s18, v2;
	[tilespmem:$0x1F900] =	vst v5;
	v5 =	vld [tilespmem:$0x1FFE0]  }
0x27d: {  	v21 =	vld.idx.msk [tilespmem:v3+s20+$0x0], $0xffff  }
0x27e: {  	v3 =	vld [tilespmem:$0x1FF00]  }
0x27f: {  	v16 =	vor.u32 s18, v6;
	v6 =	vld [tilespmem:$0x1FA00]  }
0x280: {  	v1 =	vor.u32 s18, v1;
	v18 =	vor.u32 s18, v4;
	v4 =	vld [tilespmem:$0x1FE40]  }
0x281: {  	v43 =	vld.idx.msk [tilespmem:v2+s20+$0x0], $0xffff  }
0x282: {  	v5 =	vor.u32 s18, v5;
	v2 =	vld [tilespmem:$0x1FF10]  }
0x283: {  	[tilespmem:$0x1F910] =	vst v5;
	v5 =	vld [tilespmem:$0x1FE90]  }
0x284: {  	v46 =	vperm.xlane v15, v6;
	v6 =	vld [tilespmem:$0x1FA10]  }
0x285: {  	v12 =	vor.u32 s18, v4;
	v4 =	vld.idx.msk [tilespmem:v1+s20+$0x0], $0xffff  }
0x286: {  	v1 =	vld [tilespmem:$0x1FDA0]  }
0x287: {  	v3 =	vor.u32 s18, v3  }
0x288: {  	v5 =	vor.u32 s18, v5;
	_ =	sdelay $0x1  }
0x289: {  	v2 =	vor.u32 s18, v2;
	v41 =	vperm.xlane v15, v6;
	v6 =	vld [tilespmem:$0x1FD20]  }
0x28a: {  	[tilespmem:$0x1F950] =	vst v2;
	v2 =	vld [tilespmem:$0x1FF60];
	v1 =	vor.u32 s18, v1  }
0x28b: {  	v40 =	vld.idx.msk [tilespmem:v3+s20+$0x0], $0xffff  }
0x28c: {  	v45 =	vld.idx.msk [tilespmem:v5+s20+$0x0], $0xffff  }
0x28d: {  	v33 =	vld.idx.msk [tilespmem:v10+s20+$0x0], $0xffff  }
0x28e: {  	v29 =	vor.u32 s18, v6;
	v6 =	vld [tilespmem:$0x1FB90]  }
0x28f: {  	v10 =	vld.idx.msk [tilespmem:v1+s20+$0x0], $0xffff  }
0x290: {  	v1 =	vld [tilespmem:$0x1FD10]  }
0x291: {  	v2 =	vor.u32 s18, v2;
	v5 =	vld [tilespmem:$0x1FDB0]  }
0x292: {  	[tilespmem:$0x1F960] =	vst v2;
	v2 =	vld [tilespmem:$0x1FE10]  }
0x293: {  	v3 =	vld [tilespmem:$0x1FF90]  }
0x294: {  	v54 =	vperm.xlane v15, v6;
	v6 =	vld [tilespmem:$0x1FB70]  }
0x295: {  	v59 =	vperm.xlane v15, v1;
	v1 =	vld [tilespmem:$0x1FD40];
	_ =	sdelay $0x1  }
0x296: {  	v24 =	vor.u32 s18, v5;
	v5 =	vld [tilespmem:$0x1FE00];
	v2 =	vor.u32 s18, v2;
	_ =	sdelay $0x1  }
0x297: {  	v50 =	vperm.xlane v15, v6;
	v6 =	vld [tilespmem:$0x1FB20]  }
0x298: {  	v3 =	vor.u32 s18, v3;
	v37 =	vor.u32 s18, v1;
	v1 =	vld [tilespmem:$0x1FC60]  }
0x299: {  	[tilespmem:$0x1F920] =	vst v3;
	v3 =	vld [tilespmem:$0x1FFA0]  }
0x29a: {  	v19 =	vor.u32 s18, v5;
	v5 =	vld.idx.msk [tilespmem:v2+s20+$0x0], $0xffff  }
0x29b: {  	v2 =	vld [tilespmem:$0x1FBB0]  }
0x29c: {  	v36 =	vor.u32 s18, v6;
	v6 =	vld [tilespmem:$0x1FCE0]  }
0x29d: {  	v13 =	vperm.xlane v15, v1;
	v1 =	vld [tilespmem:$0x1FC90]  }
0x29e: {  	v3 =	vor.u32 s18, v3  }
0x29f: {  	[tilespmem:$0x1F930] =	vst v3;
	v3 =	vld [tilespmem:$0x1FE50]  }
0x2a0: {  	v52 =	vld [tilespmem:$0x1FB60]  }
0x2a1: {  	v48 =	vld [tilespmem:$0x1FB30];
	v2 =	vor.u32 s18, v2  }
0x2a2: {  	v60 =	vperm.xlane v15, v6;
	v6 =	vperm.xlane v15, v1;
	v1 =	vld [tilespmem:$0x1FBF0]  }
0x2a3: {  	v51 =	vmov v53;
	v53 =	vld [tilespmem:$0x1FB00]  }
0x2a4: {  	v47 =	vld [tilespmem:$0x1FAF0];
	v3 =	vor.u32 s18, v3  }
0x2a5: {  	v20 =	vmul.f32 v20, v26;
	v38 =	vld.idx.msk [tilespmem:v11+s20+$0x0], $0xffff  }
0x2a6: {  	v11 =	vld.idx.msk [tilespmem:v2+s20+$0x0], $0xffff  }
0x2a7: {  	[tilespmem:$0x1FA20] =	vst v20;
	v20 =	vmul.f32 v21, v26;
	v2 =	vperm.xlane v15, v1;
	v1 =	vld [tilespmem:$0x1FFF0]  }
0x2a8: {  	v57 =	vld [tilespmem:$0x1FAA0];
	v21 =	vmul.f32 v22, v28  }
0x2a9: {  	v3 =	vld.idx.msk [tilespmem:v3+s20+$0x0], $0xffff;
	[tilespmem:$0x1FA30] =	vst v20  }
0x2aa: {  	v20 =	vld [tilespmem:$0x1FAB0];
	[tilespmem:$0x1FA40] =	vst v21;
	v21 =	vmul.f32 v23, v28  }
0x2ab: {  	v9 =	vld.idx.msk [tilespmem:v9+s20+$0x0], $0xffff;
	v23 =	vmul.f32 v35, v34  }
0x2ac: {  	[tilespmem:$0x1FA50] =	vst v21;
	v56 =	vor.u32 s18, v1;
	v1 =	vld [tilespmem:$0x1FC20]  }
0x2ad: {  	v21 =	vld [tilespmem:$0x1FCA0];
	[tilespmem:$0x1FA80] =	vst v23;
	v23 =	vmul.f32 v40, v34  }
0x2ae: {  	v63 =	vor.u32 s18, v52;
	v22 =	vmul.f32 v27, v31;
	v27 =	vld [tilespmem:$0x1FB40]  }
0x2af: {  	v14 =	vld.idx.msk [tilespmem:v14+s20+$0x0], $0xffff;
	[tilespmem:$0x1FA90] =	vst v23  }
0x2b0: {  	v39 =	vperm.xlane v15, v57;
	v17 =	vlaneseq.u32;
	v23 =	vld [tilespmem:$0x1FCB0];
	[tilespmem:$0x1FA60] =	vst v22;
	v22 =	vmul.f32 v30, v31  }
0x2b1: {  	v17 =	vperm.xlane v15, v17;
	v1 =	vperm.xlane v15, v1;
	v15 =	vld [tilespmem:$0x1FB10]  }
0x2b2: {  	s17 =	smov.u32 s18;
	[tilespmem:$0x1FA70] =	vst v22;
	v22 =	vld [tilespmem:$0x1FC30]  }
0x2b3: {  	v35 =	vor.u32 s17, v27;
	v27 =	vld.idx.msk [tilespmem:v63+s20+$0x0], $0xffff  }
0x2b4: {  	v63 =	vmul.f32 v45, v46;
	v45 =	vld [tilespmem:$0x1FAE0]  }
0x2b5: {  	v57 =	vmul.f32 v43, v41;
	v43 =	vld [tilespmem:$0x1FAC0]  }
0x2b6: {  	v62 =	vor.u32 s18, v15;
	v15 =	vld.idx.msk [tilespmem:v16+s20+$0x0], $0xffff  }
0x2b7: {  	p0 =	sne.s32 s18, $0x30;
	v16 =	vld.idx.msk [tilespmem:v29+s20+$0x0], $0xffff  }
.Ltmp2:
0x2b8: {  	v29 =	vor.u32 s18, v20;
	v20 =	vld.idx.msk [tilespmem:v36+s20+$0x0], $0xffff;
	(pc) =	sbr.rel @p0 .LBB2_3-.Ltmp2, $4  }
0x2b9: {  	v36 =	vor.u32 s18, v21;
	v21 =	vld.idx.msk [tilespmem:v37+s20+$0x0], $0xffff  }
0x2ba: {  	v37 =	vor.u32 s18, v22;
	v22 =	vld.idx.msk [tilespmem:v56+s20+$0x0], $0xffff  }
0x2bb: {  	v30 =	vor.u32 s18, v23;
	v23 =	vld.idx.msk [tilespmem:v62+s20+$0x0], $0xffff  }
0x2bc: {  	v56 =	vmul.f32 v42, v41;
	s18 =	sadd.s32 $0x10, s18;
	v62 =	vmul.f32 v44, v46;
	v44 =	vld [tilespmem:$0x1FAD0]  }
0x2bd: {  	_ =	sdelay $0x3  }
0x2be: {  	v36 =	vld.idx.msk [tilespmem:v36+s20+$0x0], $0xffff;
	v40 =	vor.u32 s17, v48;
	_ =	sdelay $0x1  }
0x2bf: {  	v37 =	vld.idx.msk [tilespmem:v37+s20+$0x0], $0xffff;
	v42 =	vor.u32 s17, v51  }
0x2c0: {  	v30 =	vld.idx.msk [tilespmem:v30+s20+$0x0], $0xffff  }
0x2c1: {  	v35 =	vld.idx.msk [tilespmem:v35+s20+$0x0], $0xffff  }
0x2c2: {  	v40 =	vld.idx.msk [tilespmem:v40+s20+$0x0], $0xffff;
	v36 =	vmul.f32 v36, v17  }
0x2c3: {  	v29 =	vld.idx.msk [tilespmem:v29+s20+$0x0], $0xffff;
	v43 =	vor.u32 s17, v43  }
0x2c4: {  	v45 =	vor.u32 s17, v45;
	v27 =	vmul.f32 v27, v39;
	v42 =	vld.idx.msk [tilespmem:v42+s20+$0x0], $0xffff;
	v55 =	vadd.f32 v36, v55  }
0x2c5: {  	v47 =	vor.u32 s17, v47;
	v22 =	vmul.f32 v22, v2;
	v37 =	vmul.f32 v37, v17  }
0x2c6: {  	v44 =	vor.u32 s17, v44;
	v30 =	vmul.f32 v30, v17;
	v27 =	vadd.f32 v27, v55  }
0x2c7: {  	v17 =	vmul.f32 v35, v17;
	v0 =	vadd.f32 v37, v0;
	v51 =	vmul.f32 v40, v39;
	v40 =	vld [tilespmem:$0x1FD50]  }
0x2c8: {  	v29 =	vmul.f32 v29, v39;
	v30 =	vadd.f32 v30, v32;
	v22 =	vadd.f32 v22, v27;
	v27 =	vld [tilespmem:$0x1FD70]  }
0x2c9: {  	v17 =	vadd.f32 v17, v25;
	v55 =	vld.idx.msk [tilespmem:v45+s20+$0x0], $0xffff;
	v25 =	vmul.f32 v42, v39  }
0x2ca: {  	v0 =	vadd.f32 v29, v0;
	v29 =	vadd.f32 v51, v30;
	v30 =	vld.idx.msk [tilespmem:v47+s20+$0x0], $0xffff  }
0x2cb: {  	v43 =	vld.idx.msk [tilespmem:v43+s20+$0x0], $0xffff;
	v17 =	vadd.f32 v25, v17;
	v25 =	vor.u32 s17, v53  }
0x2cc: {  	v20 =	vmul.f32 v20, v1;
	v49 =	vld.idx.msk [tilespmem:v44+s20+$0x0], $0xffff;
	v37 =	vor.u32 s17, v40  }
0x2cd: {  	v11 =	vmul.f32 v11, v6;
	v23 =	vmul.f32 v23, v2;
	v42 =	vld [tilespmem:$0x1FD80];
	v27 =	vor.u32 s17, v27  }
0x2ce: {  	v14 =	vmul.f32 v14, v6;
	v18 =	vld.idx.msk [tilespmem:v18+s20+$0x0], $0xffff;
	v21 =	vmul.f32 v21, v1  }
0x2cf: {  	v0 =	vadd.f32 v23, v0;
	v23 =	vmul.f32 v55, v1;
	v1 =	vmul.f32 v30, v1;
	v30 =	vld [tilespmem:$0x1FDC0]  }
0x2d0: {  	v15 =	vmul.f32 v15, v13;
	v36 =	vmul.f32 v43, v2;
	v20 =	vadd.f32 v20, v22;
	v25 =	vld.idx.msk [tilespmem:v25+s20+$0x0], $0xffff  }
0x2d1: {  	v16 =	vmul.f32 v16, v13;
	v0 =	vadd.f32 v21, v0;
	v2 =	vmul.f32 v49, v2;
	v43 =	vld.idx.msk [tilespmem:v37+s20+$0x0], $0xffff  }
0x2d2: {  	v29 =	vadd.f32 v36, v29;
	v32 =	vor.u32 s17, v42;
	v15 =	vadd.f32 v15, v20;
	v27 =	vld.idx.msk [tilespmem:v27+s20+$0x0], $0xffff  }
0x2d3: {  	v19 =	vld.idx.msk [tilespmem:v19+s20+$0x0], $0xffff;
	v22 =	vmul.f32 v38, v60;
	v0 =	vadd.f32 v16, v0;
	v2 =	vadd.f32 v2, v17  }
0x2d4: {  	v21 =	vld.idx.msk [tilespmem:v24+s20+$0x0], $0xffff;
	v23 =	vadd.f32 v23, v29;
	v11 =	vadd.f32 v11, v15;
	v30 =	vor.u32 s17, v30  }
0x2d5: {  	v0 =	vadd.f32 v14, v0;
	v14 =	vld [tilespmem:$0x1F9D0];
	v1 =	vadd.f32 v1, v2;
	v2 =	vmul.f32 v25, v13  }
0x2d6: {  	v9 =	vmul.f32 v9, v59;
	v7 =	vld.idx.msk [tilespmem:v7+s20+$0x0], $0xffff;
	v11 =	vadd.f32 v22, v11  }
0x2d7: {  	v32 =	vld.idx.msk [tilespmem:v32+s20+$0x0], $0xffff;
	v2 =	vadd.f32 v2, v23;
	v13 =	vmul.f32 v43, v13;
	v16 =	vmul.f32 v27, v6  }
0x2d8: {  	v10 =	vmul.f32 v10, v60;
	v9 =	vadd.f32 v9, v11;
	v11 =	vld [tilespmem:$0x1F970]  }
0x2d9: {  	v24 =	vld.idx.msk [tilespmem:v30+s20+$0x0], $0xffff;
	v1 =	vadd.f32 v13, v1;
	v13 =	vmul.f32 v21, v60;
	v2 =	vadd.f32 v16, v2  }
0x2da: {  	v5 =	vmul.f32 v5, v54;
	v12 =	vld.idx.msk [tilespmem:v12+s20+$0x0], $0xffff  }
0x2db: {  	v0 =	vadd.f32 v10, v0;
	v10 =	vmul.f32 v18, v59;
	v16 =	vld [tilespmem:$0x1F990];
	v2 =	vadd.f32 v13, v2  }
0x2dc: {  	v3 =	vmul.f32 v3, v50;
	v15 =	vld.idx.msk [tilespmem:v61+s20+$0x0], $0xffff;
	v5 =	vadd.f32 v5, v9;
	v6 =	vmul.f32 v32, v6  }
0x2dd: {  	v7 =	vmul.f32 v7, v54;
	v14 =	vld.idx.msk [tilespmem:v14+s20+$0x0], $0xffff;
	v2 =	vadd.f32 v10, v2  }
0x2de: {  	v3 =	vadd.f32 v3, v5;
	v5 =	vld [tilespmem:$0x1F980];
	v1 =	vadd.f32 v6, v1;
	v6 =	vmul.f32 v24, v60  }
0x2df: {  	v17 =	vmul.f32 v33, v59;
	v2 =	vadd.f32 v7, v2;
	v7 =	vld [tilespmem:$0x1F950]  }
0x2e0: {  	v11 =	vld.idx.msk [tilespmem:v11+s20+$0x0], $0xffff;
	v1 =	vadd.f32 v6, v1;
	v6 =	vmul.f32 v19, v59  }
0x2e1: {  	v8 =	vmul.f32 v8, v54;
	v0 =	vadd.f32 v17, v0;
	v13 =	vld.idx.msk [tilespmem:v58+s20+$0x0], $0xffff  }
0x2e2: {  	v10 =	vld [tilespmem:$0x1F9A0];
	v1 =	vadd.f32 v6, v1;
	v6 =	vmul.f32 v12, v54  }
0x2e3: {  	v0 =	vadd.f32 v8, v0;
	v8 =	vmul.f32 v14, v50;
	v16 =	vld.idx.msk [tilespmem:v16+s20+$0x0], $0xffff  }
0x2e4: {  	v1 =	vadd.f32 v6, v1;
	v6 =	vmul.f32 v15, v50  }
0x2e5: {  	v4 =	vmul.f32 v4, v50;
	v2 =	vadd.f32 v8, v2;
	v8 =	vld [tilespmem:$0x1F940]  }
0x2e6: {  	v9 =	vmul.f32 v11, v41;
	v11 =	vld [tilespmem:$0x1F960];
	v1 =	vadd.f32 v6, v1;
	v6 =	vmul.f32 v13, v46  }
0x2e7: {  	v7 =	vld.idx.msk [tilespmem:v7+s20+$0x0], $0xffff  }
0x2e8: {  	v0 =	vadd.f32 v4, v0;
	v4 =	vmul.f32 v16, v46;
	v1 =	vadd.f32 v6, v1;
	v6 =	vld [tilespmem:$0x1F920];
	_ =	sdelay $0x1  }
0x2e9: {  	v5 =	vld.idx.msk [tilespmem:v5+s20+$0x0], $0xffff;
	v2 =	vadd.f32 v4, v2  }
0x2ea: {  	v10 =	vld.idx.msk [tilespmem:v10+s20+$0x0], $0xffff  }
0x2eb: {  	v2 =	vadd.f32 v9, v2;
	v9 =	vld [tilespmem:$0x1FA80];
	v7 =	vmul.f32 v7, v34  }
0x2ec: {  	v3 =	vadd.f32 v62, v3;
	v8 =	vld.idx.msk [tilespmem:v8+s20+$0x0], $0xffff  }
0x2ed: {  	v2 =	vadd.f32 v7, v2;
	v7 =	vld [tilespmem:$0x1FA60]  }
0x2ee: {  	v3 =	vadd.f32 v56, v3;
	v11 =	vld.idx.msk [tilespmem:v11+s20+$0x0], $0xffff  }
0x2ef: {  	v4 =	vmul.f32 v10, v41;
	v6 =	vld.idx.msk [tilespmem:v6+s20+$0x0], $0xffff  }
0x2f0: {  	v10 =	vld [tilespmem:$0x1FA90];
	v3 =	vadd.f32 v9, v3  }
0x2f1: {  	v0 =	vadd.f32 v63, v0;
	v5 =	vmul.f32 v5, v34;
	v1 =	vadd.f32 v4, v1  }
0x2f2: {  	v8 =	vmul.f32 v8, v31;
	v3 =	vadd.f32 v7, v3;
	v7 =	vld [tilespmem:$0x1FA70]  }
0x2f3: {  	s17 =	sshll.u32 s16, $0x2;
	v0 =	vadd.f32 v57, v0;
	v4 =	vld [tilespmem:$0x1F930];
	v1 =	vadd.f32 v5, v1;
	v5 =	vmul.f32 v11, v31  }
0x2f4: {  	v11 =	vld [tilespmem:$0x1FA40];
	v9 =	vmov s17;
	v2 =	vadd.f32 v8, v2;
	v6 =	vmul.f32 v6, v28  }
0x2f5: {  	v0 =	vadd.f32 v10, v0;
	v10 =	vld [tilespmem:$0x1F900];
	v9 =	vmul.u32 $0x38, v9  }
0x2f6: {  	v2 =	vadd.f32 v6, v2;
	v6 =	vld [tilespmem:$0x1FA20]  }
0x2f7: {  	v0 =	vadd.f32 v7, v0;
	v7 =	vbroadcast v9, $0x0;
	v9 =	vld [tilespmem:$0x1F910];
	_ =	sdelay $0x1  }
0x2f8: {  	v3 =	vadd.f32 v11, v3;
	_ =	sdelay $0x1  }
0x2f9: {  	v3 =	vadd.f32 v6, v3;
	v6 =	vld [tilespmem:$0x1FBC0]  }
0x2fa: {  	v12 =	vld [tilespmem:$0x1FA50]  }
0x2fb: {  	v17 =	vlaneseq.u32;
	v4 =	vld.idx.msk [tilespmem:v4+s20+$0x0], $0xffff  }
0x2fc: {  	v8 =	vor.u32 $0x10, v17;
	v10 =	vld.idx.msk [tilespmem:v10+s20+$0x0], $0xffff  }
0x2fd: {  	v1 =	vadd.f32 v5, v1;
	[tilespmem:$0x1F7B0] =	vst v8;
	v11 =	vor.u32 $0x20, v17;
	v5 =	vor.u32 v17, v7;
	v9 =	vld.idx.msk [tilespmem:v9+s20+$0x0], $0xffff  }
0x2fe: {  	[tilespmem:$0x1F7C0] =	vst v11;
	v8 =	vor.u32 v8, v7;
	v11 =	vadd.s32 v11, v7;
	v6 =	vadd.s32 v6, v7;
	v7 =	vld [tilespmem:$0x1FA30];
	_ =	sdelay $0x2  }
0x2ff: {  	v4 =	vmul.f32 v4, v28;
	v0 =	vadd.f32 v12, v0  }
0x300: {  	v10 =	vmul.f32 v10, v26  }
0x301: {  	p0 =	seq.s32 s16, $0x7F;
	v1 =	vadd.f32 v4, v1;
	v4 =	vmul.f32 v9, v26;
	v0 =	vadd.f32 v7, v0  }
0x302: {  	s12 =	smul.u32 @!p0 $0x380, s16;
	v2 =	vadd.f32 v10, v2;
	[tilespmem:v5+s28+$0x0] =	vst.idx.msk $0xffff, v3  }
0x303: {  	v1 =	vadd.f32 v4, v1;
	[tilespmem:v8+s28+$0x0] =	vst.idx.msk $0xffff, v0  }
0x304: {  	s18 =	sshra.s32 @!p0 s12, $0x2;
	[tilespmem:v11+s28+$0x0] =	vst.idx.msk $0xffff, v2  }
0x305: {  	s13 =	simm.s32 @!p0 $0x38;
	s24 =	simm.s32 @!p0 $0xF200;
	s12 =	sadd.s32 @!p0 $0xE0, s18;
	[tilespmem:v6+s28+$0x0] =	vst.idx.msk $0x3, v1  }
0x306: {  	v0 =	vld [tilespmem:$0x1FFB0];
	[tilespmem:s24], [sflag:$0x2] =	stream.indirect.gather @!p0 [hbm4b:s3+s13], $0x40, s12, s13, $0xb8  }
0x307: {  	v1 =	vld [tilespmem:$0x1FFC0];
	_ =	swait.ge [sflag:s29], $0xE00  }
0x308: {  	v4 =	vld [tilespmem:$0x1FF30];
	_ =	sdelay $0x3  }
0x309: {  	s22 =	simm.s32 $0x0  }
0x30a: {  	v4 =	vor.u32 s22, v4;
	_ =	sdelay $0x2  }
0x30b: {  	[sflag:s29] =	ssyncset.done $0x0  }
0x30c: {  	[sflag:s29] =	ssyncadd.s32 $0xFFFFF200  }
0x30d: {  	v16 =	vld.idx.msk [tilespmem:v4+s21+$0x0], $0xffff  }
0x30e: {  	v4 =	vld [tilespmem:$0x1FE80]  }
0x30f: {  	v9 =	vld [tilespmem:$0x1FF50]  }
0x310: {  	v2 =	vld [tilespmem:$0x1FF70]  }
0x311: {  	v1 =	vor.u32 s22, v1;
	_ =	sdelay $0x1  }
0x312: {  	v4 =	vor.u32 s22, v4  }
0x313: {  	v9 =	vor.u32 s22, v9  }
0x314: {  	v2 =	vor.u32 s22, v2;
	[tilespmem:$0x1F800] =	vst v9;
	v9 =	vld [tilespmem:$0x1FFA0]  }
0x315: {  	v7 =	vld.idx.msk [tilespmem:v1+s21+$0x0], $0xffff  }
0x316: {  	v1 =	vld [tilespmem:$0x1FF00]  }
0x317: {  	v23 =	vld.idx.msk [tilespmem:v4+s21+$0x0], $0xffff  }
0x318: {  	v4 =	vld [tilespmem:$0x1FB80]  }
0x319: {  	v13 =	vld.idx.msk [tilespmem:v2+s21+$0x0], $0xffff  }
0x31a: {  	v2 =	vld [tilespmem:$0x1FEB0]  }
0x31b: {  	v10 =	vld [tilespmem:s5+$0x0];
	v9 =	vor.u32 s22, v9;
	v1 =	vor.u32 s22, v1  }
0x31c: {  	[tilespmem:$0x1F810] =	vst v9;
	v9 =	vld [tilespmem:$0x1FF10]  }
0x31d: {  	v53 =	vor.u32 s22, v4;
	v4 =	vld [tilespmem:$0x1F9C0];
	_ =	sdelay $0x1  }
0x31e: {  	v3 =	vld [tilespmem:$0x1FF80];
	v2 =	vor.u32 s22, v2  }
0x31f: {  	v20 =	vld.idx.msk [tilespmem:v1+s21+$0x0], $0xffff  }
0x320: {  	v1 =	vld [tilespmem:$0x1FE60]  }
0x321: {  	v9 =	vor.u32 s22, v9;
	v27 =	vperm.xlane v10, v4;
	v4 =	vld [tilespmem:$0x1F9E0]  }
0x322: {  	[tilespmem:$0x1F820] =	vst v9;
	v9 =	vld [tilespmem:$0x1FF60]  }
0x323: {  	v21 =	vld.idx.msk [tilespmem:v2+s21+$0x0], $0xffff  }
0x324: {  	v2 =	vld [tilespmem:$0x1FE10];
	_ =	sdelay $0x1  }
0x325: {  	v1 =	vor.u32 s22, v1;
	v36 =	vperm.xlane v10, v4;
	v4 =	vld [tilespmem:$0x1FD90];
	_ =	sdelay $0x1  }
0x326: {  	v3 =	vor.u32 s22, v3;
	v9 =	vor.u32 s22, v9  }
0x327: {  	[tilespmem:$0x1F830] =	vst v9;
	v9 =	vor.u32 s22, v2;
	v2 =	vld [tilespmem:$0x1FED0];
	_ =	sdelay $0x1  }
0x328: {  	v14 =	vor.u32 s22, v4;
	v4 =	vld.idx.msk [tilespmem:v1+s21+$0x0], $0xffff  }
0x329: {  	v1 =	vld [tilespmem:$0x1F9F0]  }
0x32a: {  	v15 =	vld.idx.msk [tilespmem:v3+s21+$0x0], $0xffff  }
0x32b: {  	v3 =	vld [tilespmem:$0x1FEC0];
	v2 =	vor.u32 s22, v2  }
0x32c: {  	[tilespmem:$0x1F840] =	vst v2;
	v2 =	vld [tilespmem:$0x1FF20];
	_ =	sdelay $0x1  }
0x32d: {  	v31 =	vperm.xlane v10, v1;
	v1 =	vld [tilespmem:$0x1FA00];
	_ =	sdelay $0x2  }
0x32e: {  	v3 =	vor.u32 s22, v3;
	v2 =	vor.u32 s22, v2  }
0x32f: {  	[tilespmem:$0x1F850] =	vst v2;
	v2 =	vld [tilespmem:$0x1FE20]  }
0x330: {  	v46 =	vperm.xlane v10, v1;
	v1 =	vld [tilespmem:$0x1FDA0];
	_ =	sdelay $0x2  }
0x331: {  	v22 =	vld.idx.msk [tilespmem:v3+s21+$0x0], $0xffff  }
0x332: {  	v3 =	vor.u32 s22, v2;
	v2 =	vld [tilespmem:$0x1FEA0]  }
0x333: {  	v25 =	vor.u32 s22, v1;
	v1 =	vld [tilespmem:$0x1FA10];
	_ =	sdelay $0x4  }
0x334: {  	v2 =	vor.u32 s22, v2;
	v43 =	vperm.xlane v10, v1;
	v1 =	vld [tilespmem:$0x1FB90]  }
0x335: {  	[tilespmem:$0x1F860] =	vst v2;
	v2 =	vld [tilespmem:$0x1FEE0];
	_ =	sdelay $0x3  }
0x336: {  	v56 =	vperm.xlane v10, v1;
	v1 =	vld [tilespmem:$0x1FBB0]  }
0x337: {  	v2 =	vor.u32 s22, v2  }
0x338: {  	[tilespmem:$0x1F870] =	vst v2;
	v2 =	vld [tilespmem:$0x1FDD0];
	_ =	sdelay $0x2  }
0x339: {  	v26 =	vor.u32 s22, v1;
	v1 =	vld [tilespmem:$0x1FB70]  }
0x33a: {  	v5 =	vld [tilespmem:$0x1FF40]  }
0x33b: {  	v11 =	vor.u32 s22, v2;
	v2 =	vld [tilespmem:$0x1FE70];
	_ =	sdelay $0x2  }
0x33c: {  	v51 =	vperm.xlane v10, v1;
	v1 =	vld [tilespmem:$0x1FCE0]  }
0x33d: {  	v5 =	vor.u32 s22, v5  }
0x33e: {  	v2 =	vor.u32 s22, v2  }
0x33f: {  	[tilespmem:$0x1F880] =	vst v2;
	v2 =	vld [tilespmem:$0x1FBA0];
	_ =	sdelay $0x1  }
0x340: {  	v62 =	vperm.xlane v10, v1;
	v1 =	vld [tilespmem:$0x1FD60]  }
0x341: {  	v19 =	vld.idx.msk [tilespmem:v5+s21+$0x0], $0xffff  }
0x342: {  	v5 =	vld [tilespmem:$0x1FFD0]  }
0x343: {  	v8 =	vld [tilespmem:$0x1FF90];
	v2 =	vor.u32 s22, v2  }
0x344: {  	[tilespmem:$0x1F890] =	vst v2;
	v2 =	vld [tilespmem:$0x1FDE0]  }
0x345: {  	v29 =	vor.u32 s22, v1;
	v1 =	vld [tilespmem:$0x1FD10];
	_ =	sdelay $0x1  }
0x346: {  	v5 =	vor.u32 s22, v5  }
0x347: {  	v0 =	vor.u32 s22, v0;
	[tilespmem:$0x1F7D0] =	vst v5;
	v5 =	vld [tilespmem:$0x1FE90]  }
0x348: {  	v12 =	vor.u32 s22, v2;
	v2 =	vld [tilespmem:$0x1FE30]  }
0x349: {  	v8 =	vor.u32 s22, v8;
	v61 =	vperm.xlane v10, v1;
	v1 =	vld [tilespmem:$0x1FC60]  }
0x34a: {  	[tilespmem:$0x1F7E0] =	vst v8;
	v8 =	vld [tilespmem:$0x1FFE0];
	_ =	sdelay $0x1  }
0x34b: {  	v0 =	vld.idx.msk [tilespmem:v0+s21+$0x0], $0xffff;
	v5 =	vor.u32 s22, v5  }
0x34c: {  	v57 =	vor.u32 s22, v2;
	v2 =	vld [tilespmem:$0x1F9B0]  }
0x34d: {  	v18 =	vperm.xlane v10, v1;
	v1 =	vld [tilespmem:$0x1FD30]  }
0x34e: {  	v6 =	vld [tilespmem:$0x1FEF0];
	v8 =	vor.u32 s22, v8  }
0x34f: {  	[tilespmem:$0x1F7F0] =	vst v8;
	v8 =	vld [tilespmem:$0x1FE50]  }
0x350: {  	v24 =	vld.idx.msk [tilespmem:v5+s21+$0x0], $0xffff  }
0x351: {  	v5 =	vld.idx.msk [tilespmem:v9+s21+$0x0], $0xffff;
	v0 =	vmul.f32 v0, v27  }
0x352: {  	v7 =	vmul.f32 v7, v27;
	v28 =	vperm.xlane v10, v2;
	v30 =	vor.u32 s22, v1;
	v1 =	vld [tilespmem:$0x1FC90]  }
0x353: {  	[tilespmem:$0x1F8A0] =	vst v0;
	v0 =	vld [tilespmem:$0x1FD40]  }
0x354: {  	[tilespmem:$0x1F8B0] =	vst v7;
	v39 =	vld.idx.msk [tilespmem:v25+s21+$0x0], $0xffff;
	v7 =	vmul.f32 v13, v28  }
0x355: {  	v8 =	vor.u32 s22, v8;
	v33 =	vld.idx.msk [tilespmem:v12+s21+$0x0], $0xffff  }
0x356: {  	[tilespmem:$0x1F8C0] =	vst v7;
	v7 =	vld [tilespmem:$0x1FFF0]  }
0x357: {  	v12 =	vperm.xlane v10, v1;
	v1 =	vld [tilespmem:$0x1FBF0]  }
0x358: {  	v9 =	vld.idx.msk [tilespmem:v11+s21+$0x0], $0xffff  }
0x359: {  	v6 =	vor.u32 s22, v6;
	v11 =	vld [tilespmem:$0x1FB20]  }
0x35a: {  	v2 =	vld.idx.msk [tilespmem:v8+s21+$0x0], $0xffff  }
0x35b: {  	v8 =	vld.idx.msk [tilespmem:v3+s21+$0x0], $0xffff  }
0x35c: {  	v25 =	vor.u32 s22, v7;
	v7 =	vmul.f32 v15, v28;
	v3 =	vperm.xlane v10, v1;
	v1 =	vld [tilespmem:$0x1FD20]  }
0x35d: {  	v0 =	vor.u32 s22, v0  }
0x35e: {  	v6 =	vld.idx.msk [tilespmem:v6+s21+$0x0], $0xffff;
	[tilespmem:$0x1F8D0] =	vst v7;
	v7 =	vmul.f32 v16, v31  }
0x35f: {  	v45 =	vor.u32 s22, v11;
	v11 =	vld [tilespmem:$0x1FAA0]  }
0x360: {  	[tilespmem:$0x1F8E0] =	vst v7;
	v7 =	vld [tilespmem:$0x1FB10]  }
0x361: {  	v44 =	vor.u32 s22, v1;
	v1 =	vld [tilespmem:$0x1FC20]  }
0x362: {  	v59 =	vmul.f32 v21, v43;
	v21 =	vld.idx.msk [tilespmem:v0+s21+$0x0], $0xffff  }
0x363: {  	v0 =	vld [tilespmem:$0x1FE40];
	_ =	sdelay $0x1  }
0x364: {  	v17 =	vperm.xlane v10, v17;
	v11 =	vperm.xlane v10, v11  }
0x365: {  	v1 =	vperm.xlane v10, v1;
	v10 =	vld.idx.msk [tilespmem:v26+s21+$0x0], $0xffff;
	v26 =	vor.u32 s22, v7;
	v7 =	vmul.f32 v19, v31  }
0x366: {  	v54 =	vmul.f32 v6, v36;
	v6 =	vld [tilespmem:$0x1FDF0]  }
0x367: {  	[tilespmem:$0x1F8F0] =	vst v7;
	v7 =	vor.u32 s22, v0;
	v0 =	vld [tilespmem:$0x1FDB0];
	_ =	sdelay $0x4  }
0x368: {  	v13 =	vor.u32 s22, v6;
	v6 =	vmul.f32 v24, v46;
	v24 =	vor.u32 s22, v0;
	v0 =	vld [tilespmem:$0x1FE00];
	_ =	sdelay $0x4  }
0x369: {  	v19 =	vor.u32 s22, v0;
	v0 =	vld [tilespmem:$0x1FAB0];
	_ =	sdelay $0x2  }
0x36a: {  	v38 =	vld.idx.msk [tilespmem:v14+s21+$0x0], $0xffff  }
0x36b: {  	v14 =	vld.idx.msk [tilespmem:v29+s21+$0x0], $0xffff  }
0x36c: {  	v29 =	vor.u32 s22, v0;
	v0 =	vld [tilespmem:$0x1FCA0];
	_ =	sdelay $0x4  }
0x36d: {  	v35 =	vor.u32 s22, v0;
	v0 =	vld [tilespmem:$0x1FC30];
	_ =	sdelay $0x2  }
0x36e: {  	v49 =	vld [tilespmem:$0x1FB40]  }
0x36f: {  	v55 =	vmul.f32 v20, v36;
	v20 =	vld.idx.msk [tilespmem:v45+s21+$0x0], $0xffff  }
0x370: {  	v47 =	vor.u32 s22, v52;
	v37 =	vor.u32 s22, v0;
	v0 =	vld [tilespmem:$0x1FCB0]  }
0x371: {  	v60 =	vmul.f32 v22, v43;
	v22 =	vld.idx.msk [tilespmem:v25+s21+$0x0], $0xffff  }
0x372: {  	v15 =	vld.idx.msk [tilespmem:v30+s21+$0x0], $0xffff  }
0x373: {  	v32 =	vimm.f32 $0.0e+00;
	v16 =	vld.idx.msk [tilespmem:v44+s21+$0x0], $0xffff  }
0x374: {  	v58 =	vimm.f32 $0.0e+00;
	v34 =	vor.u32 s22, v49;
	v63 =	vmul.f32 v23, v46;
	v23 =	vld.idx.msk [tilespmem:v26+s21+$0x0], $0xffff  }
0x375: {  	s24 =	sor.u32 $0x1, s17;
	s12 =	simm.s32 $0x10;
	s13 =	smov.u32 s5;
	v25 =	vimm.f32 $0.0e+00;
	v26 =	vld.idx.msk [tilespmem:v47+s21+$0x0], $0xffff;
	v30 =	vor.u32 s22, v0;
	v0 =	vimm.f32 $0.0e+00  }
.LBB2_5:
0x376: {  	v29 =	vld.idx.msk [tilespmem:v29+s21+$0x0], $0xffff  }
0x377: {  	v35 =	vld.idx.msk [tilespmem:v35+s21+$0x0], $0xffff  }
0x378: {  	v41 =	vld [tilespmem:$0x1FB50]  }
0x379: {  	v37 =	vld.idx.msk [tilespmem:v37+s21+$0x0], $0xffff  }
0x37a: {  	v42 =	vld [tilespmem:$0x1FAC0]  }
0x37b: {  	v30 =	vld.idx.msk [tilespmem:v30+s21+$0x0], $0xffff  }
0x37c: {  	v44 =	vld [tilespmem:$0x1FAD0]  }
0x37d: {  	v45 =	vld [tilespmem:$0x1FAE0]  }
0x37e: {  	v47 =	vld [tilespmem:$0x1FAF0];
	v40 =	vor.u32 s22, v48  }
0x37f: {  	v38 =	vmul.f32 v38, v62;
	v52 =	vld [tilespmem:$0x1FB00]  }
0x380: {  	v34 =	vld.idx.msk [tilespmem:v34+s21+$0x0], $0xffff;
	v10 =	vmul.f32 v10, v12;
	v14 =	vmul.f32 v14, v12;
	v42 =	vor.u32 s22, v42  }
0x381: {  	v50 =	vld [tilespmem:$0x1FD70];
	v15 =	vmul.f32 v15, v18;
	v20 =	vmul.f32 v20, v1;
	v41 =	vor.u32 s22, v41  }
0x382: {  	v49 =	vld [tilespmem:$0x1FD50];
	v21 =	vmul.f32 v21, v1;
	v22 =	vmul.f32 v22, v3;
	v45 =	vor.u32 s22, v45  }
0x383: {  	v44 =	vor.u32 s22, v44;
	v35 =	vmul.f32 v35, v17;
	v37 =	vmul.f32 v37, v17;
	v40 =	vld.idx.msk [tilespmem:v40+s21+$0x0], $0xffff  }
0x384: {  	v26 =	vmul.f32 v26, v11;
	v47 =	vor.u32 s22, v47;
	v48 =	vor.u32 s22, v52;
	v52 =	vld [tilespmem:$0x1FD80]  }
0x385: {  	v29 =	vmul.f32 v29, v11;
	v35 =	vadd.f32 v35, v58;
	v0 =	vadd.f32 v37, v0;
	v42 =	vld.idx.msk [tilespmem:v42+s21+$0x0], $0xffff  }
0x386: {  	v23 =	vmul.f32 v23, v3;
	v50 =	vor.u32 s22, v50;
	v30 =	vmul.f32 v30, v17;
	v41 =	vld.idx.msk [tilespmem:v41+s21+$0x0], $0xffff  }
0x387: {  	v49 =	vor.u32 s22, v49;
	v26 =	vadd.f32 v26, v35;
	v0 =	vadd.f32 v29, v0;
	v45 =	vld.idx.msk [tilespmem:v45+s21+$0x0], $0xffff  }
0x388: {  	v17 =	vmul.f32 v34, v17;
	v30 =	vadd.f32 v30, v32;
	v44 =	vld.idx.msk [tilespmem:v44+s21+$0x0], $0xffff;
	v37 =	vmul.f32 v40, v11  }
0x389: {  	v52 =	vor.u32 s22, v52;
	v58 =	vld.idx.msk [tilespmem:v48+s21+$0x0], $0xffff;
	v22 =	vadd.f32 v22, v26;
	v0 =	vadd.f32 v23, v0  }
0x38a: {  	v17 =	vadd.f32 v17, v25;
	v34 =	vld.idx.msk [tilespmem:v47+s21+$0x0], $0xffff;
	v29 =	vmul.f32 v42, v3;
	v30 =	vadd.f32 v37, v30  }
0x38b: {  	v16 =	vmul.f32 v16, v18;
	v20 =	vadd.f32 v20, v22;
	v0 =	vadd.f32 v21, v0;
	v42 =	vld.idx.msk [tilespmem:v50+s21+$0x0], $0xffff  }
0x38c: {  	v11 =	vmul.f32 v41, v11;
	v23 =	vmul.f32 v45, v1;
	v26 =	vadd.f32 v29, v30  }
0x38d: {  	v25 =	vld.idx.msk [tilespmem:v49+s21+$0x0], $0xffff;
	v3 =	vmul.f32 v44, v3;
	v15 =	vadd.f32 v15, v20;
	v0 =	vadd.f32 v16, v0  }
0x38e: {  	v21 =	vmul.f32 v58, v18;
	v11 =	vadd.f32 v11, v17;
	v17 =	vld.idx.msk [tilespmem:v52+s21+$0x0], $0xffff;
	v22 =	vadd.f32 v23, v26  }
0x38f: {  	v1 =	vmul.f32 v34, v1;
	v10 =	vadd.f32 v10, v15;
	v0 =	vadd.f32 v14, v0;
	v14 =	vld [tilespmem:$0x1F880]  }
0x390: {  	v24 =	vld.idx.msk [tilespmem:v24+s21+$0x0], $0xffff;
	v3 =	vadd.f32 v3, v11;
	v16 =	vmul.f32 v42, v12;
	v20 =	vadd.f32 v21, v22  }
0x391: {  	v13 =	vld.idx.msk [tilespmem:v13+s21+$0x0], $0xffff;
	v9 =	vmul.f32 v9, v61;
	v10 =	vadd.f32 v38, v10  }
0x392: {  	v1 =	vadd.f32 v1, v3;
	v3 =	vmul.f32 v25, v18;
	v15 =	vadd.f32 v16, v20;
	v16 =	vld [tilespmem:$0x1F860]  }
0x393: {  	v5 =	vmul.f32 v5, v56;
	v18 =	vld.idx.msk [tilespmem:v19+s21+$0x0], $0xffff  }
0x394: {  	v9 =	vadd.f32 v9, v10;
	v1 =	vadd.f32 v3, v1;
	v3 =	vmul.f32 v17, v12;
	v17 =	vld [tilespmem:$0x1F840]  }
0x395: {  	v19 =	vld.idx.msk [tilespmem:v57+s21+$0x0], $0xffff  }
0x396: {  	v2 =	vmul.f32 v2, v51;
	v5 =	vadd.f32 v5, v9;
	v9 =	vld [tilespmem:$0x1F820]  }
0x397: {  	v39 =	vmul.f32 v39, v62;
	v12 =	vmul.f32 v24, v62;
	v14 =	vld.idx.msk [tilespmem:v14+s21+$0x0], $0xffff  }
0x398: {  	v33 =	vmul.f32 v33, v61;
	v2 =	vadd.f32 v2, v5;
	v5 =	vld [tilespmem:$0x1F800]  }
0x399: {  	v13 =	vmul.f32 v13, v61;
	v0 =	vadd.f32 v39, v0;
	v12 =	vadd.f32 v12, v15  }
0x39a: {  	v8 =	vmul.f32 v8, v56;
	v16 =	vld.idx.msk [tilespmem:v16+s21+$0x0], $0xffff  }
0x39b: {  	v0 =	vadd.f32 v33, v0;
	v10 =	vmul.f32 v19, v56;
	v12 =	vadd.f32 v13, v12  }
0x39c: {  	v4 =	vmul.f32 v4, v51;
	v17 =	vld.idx.msk [tilespmem:v17+s21+$0x0], $0xffff  }
0x39d: {  	v0 =	vadd.f32 v8, v0;
	v8 =	vmul.f32 v14, v51;
	v10 =	vadd.f32 v10, v12  }
0x39e: {  	v9 =	vld.idx.msk [tilespmem:v9+s21+$0x0], $0xffff  }
0x39f: {  	v0 =	vadd.f32 v4, v0;
	v8 =	vadd.f32 v8, v10;
	v4 =	vmul.f32 v16, v46  }
0x3a0: {  	v5 =	vld.idx.msk [tilespmem:v5+s21+$0x0], $0xffff  }
0x3a1: {  	v0 =	vadd.f32 v6, v0;
	v12 =	vld [tilespmem:$0x1F7E0];
	v6 =	vmul.f32 v17, v43;
	v4 =	vadd.f32 v4, v8;
	_ =	sdelay $0x1  }
0x3a2: {  	v8 =	vmul.f32 v9, v36;
	v9 =	vld [tilespmem:$0x1F7D0];
	v4 =	vadd.f32 v6, v4  }
0x3a3: {  	v2 =	vadd.f32 v63, v2  }
0x3a4: {  	v5 =	vmul.f32 v5, v31;
	v4 =	vadd.f32 v8, v4;
	v8 =	vld [tilespmem:$0x1F8E0]  }
0x3a5: {  	v2 =	vadd.f32 v59, v2  }
0x3a6: {  	v4 =	vadd.f32 v5, v4;
	v5 =	vld [tilespmem:$0x1F8C0]  }
0x3a7: {  	v2 =	vadd.f32 v54, v2  }
0x3a8: {  	v12 =	vld.idx.msk [tilespmem:v12+s21+$0x0], $0xffff  }
0x3a9: {  	v2 =	vadd.f32 v8, v2;
	v8 =	vld [tilespmem:$0x1F8F0]  }
0x3aa: {  	v0 =	vadd.f32 v60, v0;
	v9 =	vld.idx.msk [tilespmem:v9+s21+$0x0], $0xffff  }
0x3ab: {  	v2 =	vadd.f32 v5, v2;
	v5 =	vld [tilespmem:$0x1F8D0]  }
0x3ac: {  	v0 =	vadd.f32 v55, v0;
	_ =	sdelay $0x1  }
0x3ad: {  	v0 =	vadd.f32 v8, v0;
	v8 =	vmul.f32 v12, v28;
	_ =	sdelay $0x1  }
0x3ae: {  	v0 =	vadd.f32 v5, v0;
	v5 =	vmul.f32 v9, v27;
	v4 =	vadd.f32 v8, v4;
	_ =	sdelay $0x1  }
0x3af: {  	v32 =	vadd.f32 v5, v4;
	v4 =	vld [tilespmem:$0x1FF30];
	_ =	sdelay $0x3  }
0x3b0: {  	v47 =	vld [tilespmem:$0x1FDC0]  }
0x3b1: {  	v4 =	vor.u32 s12, v4;
	_ =	sdelay $0x3  }
0x3b2: {  	v47 =	vor.u32 s22, v47  }
0x3b3: {  	v23 =	vld.idx.msk [tilespmem:v4+s21+$0x0], $0xffff  }
0x3b4: {  	v4 =	vld [tilespmem:$0x1FE80];
	_ =	sdelay $0x2  }
0x3b5: {  	v11 =	vld.idx.msk [tilespmem:v47+s21+$0x0], $0xffff;
	_ =	sdelay $0x1  }
0x3b6: {  	v4 =	vor.u32 s12, v4;
	_ =	sdelay $0x1  }
0x3b7: {  	v7 =	vld.idx.msk [tilespmem:v7+s21+$0x0], $0xffff  }
0x3b8: {  	v1 =	vadd.f32 v3, v1;
	v3 =	vmul.f32 v11, v62  }
0x3b9: {  	v15 =	vld [tilespmem:$0x1F890]  }
0x3ba: {  	v1 =	vadd.f32 v3, v1;
	v3 =	vmul.f32 v18, v61;
	v42 =	vld.idx.msk [tilespmem:v4+s21+$0x0], $0xffff  }
0x3bb: {  	v4 =	vld [tilespmem:$0x1FED0]  }
0x3bc: {  	v1 =	vadd.f32 v3, v1;
	v3 =	vmul.f32 v7, v56;
	v7 =	vld [tilespmem:$0x1F870];
	_ =	sdelay $0x3  }
0x3bd: {  	v11 =	vld.idx.msk [tilespmem:v53+s21+$0x0], $0xffff;
	v4 =	vor.u32 s12, v4  }
0x3be: {  	[tilespmem:$0x1F840] =	vst v4;
	v4 =	vld [tilespmem:$0x1FF20]  }
0x3bf: {  	v15 =	vld.idx.msk [tilespmem:v15+s21+$0x0], $0xffff;
	_ =	sdelay $0x1  }
0x3c0: {  	v7 =	vld.idx.msk [tilespmem:v7+s21+$0x0], $0xffff  }
0x3c1: {  	v1 =	vadd.f32 v3, v1;
	v3 =	vmul.f32 v11, v51;
	v11 =	vld [tilespmem:$0x1F850]  }
0x3c2: {  	v10 =	vld [tilespmem:$0x1F830];
	v4 =	vor.u32 s12, v4  }
0x3c3: {  	v1 =	vadd.f32 v3, v1;
	v3 =	vmul.f32 v15, v46;
	[tilespmem:$0x1F850] =	vst v4;
	v4 =	vld [tilespmem:$0x1FE20];
	_ =	sdelay $0x1  }
0x3c4: {  	v1 =	vadd.f32 v3, v1;
	v3 =	vmul.f32 v7, v43;
	v7 =	vld [tilespmem:$0x1F810];
	_ =	sdelay $0x1  }
0x3c5: {  	v6 =	vld [tilespmem:$0x1F7F0]  }
0x3c6: {  	v8 =	vor.u32 s12, v4;
	v4 =	vld [tilespmem:$0x1FEA0]  }
0x3c7: {  	v11 =	vld.idx.msk [tilespmem:v11+s21+$0x0], $0xffff;
	_ =	sdelay $0x1  }
0x3c8: {  	v10 =	vld.idx.msk [tilespmem:v10+s21+$0x0], $0xffff;
	_ =	sdelay $0x1  }
0x3c9: {  	v7 =	vld.idx.msk [tilespmem:v7+s21+$0x0], $0xffff;
	v4 =	vor.u32 s12, v4  }
0x3ca: {  	v1 =	vadd.f32 v3, v1;
	v3 =	vmul.f32 v11, v36;
	[tilespmem:$0x1F860] =	vst v4;
	v4 =	vld [tilespmem:$0x1FEE0]  }
0x3cb: {  	v6 =	vld.idx.msk [tilespmem:v6+s21+$0x0], $0xffff  }
0x3cc: {  	v1 =	vadd.f32 v3, v1;
	v3 =	vmul.f32 v10, v31;
	_ =	sdelay $0x1  }
0x3cd: {  	v1 =	vadd.f32 v3, v1;
	v3 =	vmul.f32 v7, v28  }
0x3ce: {  	v4 =	vor.u32 s12, v4  }
0x3cf: {  	v1 =	vadd.f32 v3, v1;
	v3 =	vmul.f32 v6, v27;
	[tilespmem:$0x1F870] =	vst v4;
	v4 =	vld [tilespmem:$0x1FDD0];
	_ =	sdelay $0x1  }
0x3d0: {  	v25 =	vadd.f32 v3, v1;
	v1 =	vld [tilespmem:$0x1FF70];
	_ =	sdelay $0x2  }
0x3d1: {  	v9 =	vor.u32 s12, v4;
	v4 =	vld [tilespmem:$0x1FE70];
	_ =	sdelay $0x1  }
0x3d2: {  	v49 =	vld [tilespmem:$0x1FB40];
	v1 =	vor.u32 s12, v1  }
0x3d3: {  	v50 =	vld [tilespmem:$0x1FAA0]  }
0x3d4: {  	v52 =	vld [tilespmem:$0x1FB60]  }
0x3d5: {  	v29 =	vld [tilespmem:$0x1FB10];
	v4 =	vor.u32 s12, v4  }
0x3d6: {  	[tilespmem:$0x1F880] =	vst v4;
	v4 =	vld [tilespmem:$0x1FBA0]  }
0x3d7: {  	v21 =	vld.idx.msk [tilespmem:v1+s21+$0x0], $0xffff  }
0x3d8: {  	v1 =	vld [tilespmem:$0x1FEB0]  }
0x3d9: {  	v14 =	vld [tilespmem:$0x1F9B0]  }
0x3da: {  	v15 =	vld [tilespmem:$0x1F9E0]  }
0x3db: {  	v7 =	vld [tilespmem:$0x1F8A0];
	v4 =	vor.u32 s12, v4  }
0x3dc: {  	s13 =	sadd.s32 $0x10, s13;
	[tilespmem:$0x1F890] =	vst v4;
	v4 =	vld [tilespmem:$0x1FDE0]  }
0x3dd: {  	v11 =	vld [tilespmem:s13+$0x0];
	v1 =	vor.u32 s12, v1  }
0x3de: {  	v5 =	vld [tilespmem:$0x1FF40]  }
0x3df: {  	v3 =	vld [tilespmem:$0x1FF80]  }
0x3e0: {  	v58 =	vadd.f32 v7, v2;
	v2 =	vld [tilespmem:$0x1F8B0]  }
0x3e1: {  	v10 =	vor.u32 s12, v4;
	v4 =	vld [tilespmem:$0x1FE30]  }
0x3e2: {  	v40 =	vld.idx.msk [tilespmem:v1+s21+$0x0], $0xffff  }
0x3e3: {  	v5 =	vor.u32 s12, v5;
	v1 =	vld [tilespmem:$0x1FF50]  }
0x3e4: {  	v6 =	vld [tilespmem:$0x1FFB0]  }
0x3e5: {  	v7 =	vld [tilespmem:$0x1FEF0]  }
0x3e6: {  	v57 =	vor.u32 s12, v4;
	v4 =	vld [tilespmem:$0x1FB80]  }
0x3e7: {  	v3 =	vor.u32 s12, v3;
	v0 =	vadd.f32 v2, v0;
	v2 =	vld [tilespmem:$0x1FFC0]  }
0x3e8: {  	v26 =	vld.idx.msk [tilespmem:v5+s21+$0x0], $0xffff;
	v1 =	vor.u32 s12, v1  }
0x3e9: {  	[tilespmem:$0x1F800] =	vst v1;
	v1 =	vld [tilespmem:$0x1FFA0]  }
0x3ea: {  	v5 =	vld [tilespmem:$0x1FFD0]  }
0x3eb: {  	v53 =	vor.u32 s12, v4;
	v4 =	vld [tilespmem:$0x1FD90]  }
0x3ec: {  	v6 =	vor.u32 s12, v6;
	v22 =	vld.idx.msk [tilespmem:v3+s21+$0x0], $0xffff  }
0x3ed: {  	v7 =	vor.u32 s12, v7;
	v3 =	vld [tilespmem:$0x1FEC0]  }
0x3ee: {  	v28 =	vperm.xlane v11, v14;
	v14 =	vld [tilespmem:$0x1F9C0];
	v1 =	vor.u32 s12, v1  }
0x3ef: {  	v2 =	vor.u32 s12, v2;
	[tilespmem:$0x1F810] =	vst v1;
	v1 =	vld [tilespmem:$0x1FE60]  }
0x3f0: {  	v12 =	vor.u32 s12, v4;
	v4 =	vld [tilespmem:$0x1FDF0]  }
0x3f1: {  	v6 =	vld.idx.msk [tilespmem:v6+s21+$0x0], $0xffff  }
0x3f2: {  	v30 =	vld.idx.msk [tilespmem:v7+s21+$0x0], $0xffff;
	v5 =	vor.u32 s12, v5;
	v3 =	vor.u32 s12, v3  }
0x3f3: {  	[tilespmem:$0x1F7D0] =	vst v5;
	v5 =	vld [tilespmem:$0x1FE90]  }
0x3f4: {  	v20 =	vld.idx.msk [tilespmem:v2+s21+$0x0], $0xffff  }
0x3f5: {  	v1 =	vor.u32 s12, v1;
	v13 =	vor.u32 s12, v4;
	v4 =	vld [tilespmem:$0x1FE40]  }
0x3f6: {  	v2 =	vld [tilespmem:$0x1FF00]  }
0x3f7: {  	v41 =	vld.idx.msk [tilespmem:v3+s21+$0x0], $0xffff  }
0x3f8: {  	v27 =	vperm.xlane v11, v14;
	v33 =	vld.idx.msk [tilespmem:v10+s21+$0x0], $0xffff  }
0x3f9: {  	v10 =	vld [tilespmem:$0x1FA00]  }
0x3fa: {  	v6 =	vmul.f32 v6, v27;
	v7 =	vor.u32 s12, v4;
	v4 =	vld.idx.msk [tilespmem:v1+s21+$0x0], $0xffff  }
0x3fb: {  	v5 =	vor.u32 s12, v5;
	v1 =	vld [tilespmem:$0x1FDA0]  }
0x3fc: {  	[tilespmem:$0x1F8A0] =	vst v6;
	v3 =	vld [tilespmem:$0x1FF10];
	v6 =	vmul.f32 v20, v27  }
0x3fd: {  	v36 =	vperm.xlane v11, v15;
	v15 =	vld [tilespmem:$0x1F9F0]  }
0x3fe: {  	v2 =	vor.u32 s12, v2;
	[tilespmem:$0x1F8B0] =	vst v6;
	v6 =	vld [tilespmem:$0x1FAB0]  }
0x3ff: {  	v46 =	vperm.xlane v11, v10;
	v10 =	vld [tilespmem:$0x1FA10]  }
0x400: {  	v44 =	vld.idx.msk [tilespmem:v5+s21+$0x0], $0xffff;
	v1 =	vor.u32 s12, v1  }
0x401: {  	v5 =	vld [tilespmem:$0x1FDB0];
	v3 =	vor.u32 s12, v3  }
0x402: {  	[tilespmem:$0x1F820] =	vst v3;
	v3 =	vld [tilespmem:$0x1FF60]  }
0x403: {  	v34 =	vld.idx.msk [tilespmem:v2+s21+$0x0], $0xffff  }
0x404: {  	v43 =	vperm.xlane v11, v10;
	v10 =	vld [tilespmem:$0x1FD20]  }
0x405: {  	v39 =	vld.idx.msk [tilespmem:v1+s21+$0x0], $0xffff  }
0x406: {  	v1 =	vld [tilespmem:$0x1FD10]  }
0x407: {  	v2 =	vld [tilespmem:$0x1FF90];
	v3 =	vor.u32 s12, v3  }
0x408: {  	[tilespmem:$0x1F830] =	vst v3;
	v3 =	vld [tilespmem:$0x1FE10]  }
0x409: {  	v31 =	vperm.xlane v11, v15;
	v15 =	vld [tilespmem:$0x1FD30]  }
0x40a: {  	v16 =	vor.u32 s12, v10;
	v10 =	vld [tilespmem:$0x1FB90]  }
0x40b: {  	v61 =	vperm.xlane v11, v1;
	v1 =	vld [tilespmem:$0x1FD40]  }
0x40c: {  	v63 =	vor.u32 s12, v29;
	v14 =	vld [tilespmem:$0x1FD60];
	v29 =	vor.u32 s12, v6;
	v6 =	vmul.f32 v21, v28  }
0x40d: {  	v24 =	vor.u32 s12, v5;
	v5 =	vld [tilespmem:$0x1FE00];
	v2 =	vor.u32 s12, v2;
	v3 =	vor.u32 s12, v3  }
0x40e: {  	[tilespmem:$0x1F7E0] =	vst v2;
	v2 =	vld [tilespmem:$0x1FFE0]  }
0x40f: {  	[tilespmem:$0x1F8C0] =	vst v6;
	v6 =	vmul.f32 v22, v28;
	v56 =	vperm.xlane v11, v10;
	v10 =	vld [tilespmem:$0x1FB70]  }
0x410: {  	v59 =	vor.u32 s12, v1;
	v1 =	vld [tilespmem:$0x1FC60]  }
0x411: {  	v15 =	vor.u32 s12, v15;
	[tilespmem:$0x1F8D0] =	vst v6;
	v6 =	vld [tilespmem:$0x1FCA0]  }
0x412: {  	v14 =	vor.u32 s12, v14;
	v19 =	vor.u32 s12, v5;
	v5 =	vld.idx.msk [tilespmem:v3+s21+$0x0], $0xffff  }
0x413: {  	v3 =	vld [tilespmem:$0x1FBB0]  }
0x414: {  	v51 =	vperm.xlane v11, v10;
	v10 =	vld [tilespmem:$0x1FB20]  }
0x415: {  	v18 =	vperm.xlane v11, v1;
	v1 =	vld [tilespmem:$0x1FC90]  }
0x416: {  	v15 =	vld.idx.msk [tilespmem:v15+s21+$0x0], $0xffff  }
0x417: {  	v14 =	vld.idx.msk [tilespmem:v14+s21+$0x0], $0xffff  }
0x418: {  	v2 =	vor.u32 s12, v2;
	v35 =	vor.u32 s12, v6;
	v38 =	vld.idx.msk [tilespmem:v12+s21+$0x0], $0xffff  }
0x419: {  	v6 =	vmul.f32 v23, v31;
	v3 =	vor.u32 s12, v3;
	v55 =	vor.u32 s12, v10;
	v10 =	vld [tilespmem:$0x1FCE0]  }
0x41a: {  	[tilespmem:$0x1F7F0] =	vst v2;
	v12 =	vperm.xlane v11, v1;
	v1 =	vld [tilespmem:$0x1FBF0]  }
0x41b: {  	v48 =	vor.u32 s12, v52;
	v2 =	vld [tilespmem:$0x1FE50];
	[tilespmem:$0x1F8E0] =	vst v6;
	v6 =	vmul.f32 v26, v31  }
0x41c: {  	v23 =	vld.idx.msk [tilespmem:v63+s21+$0x0], $0xffff  }
0x41d: {  	[tilespmem:$0x1F8F0] =	vst v6;
	v6 =	vld [tilespmem:$0x1FC30]  }
0x41e: {  	v62 =	vperm.xlane v11, v10;
	v10 =	vld.idx.msk [tilespmem:v3+s21+$0x0], $0xffff  }
0x41f: {  	v3 =	vperm.xlane v11, v1;
	v1 =	vld [tilespmem:$0x1FFF0]  }
0x420: {  	v26 =	vld.idx.msk [tilespmem:v48+s21+$0x0], $0xffff;
	v2 =	vor.u32 s12, v2  }
0x421: {  	v48 =	vld [tilespmem:$0x1FB30]  }
0x422: {  	v8 =	vld.idx.msk [tilespmem:v8+s21+$0x0], $0xffff  }
0x423: {  	v37 =	vor.u32 s12, v6;
	v6 =	vld [tilespmem:$0x1FCB0]  }
0x424: {  	v60 =	vor.u32 s12, v1;
	v1 =	vld [tilespmem:$0x1FC20]  }
0x425: {  	p1 =	sne.s32 s12, $0x30;
	v17 =	vlaneseq.u32;
	v2 =	vld.idx.msk [tilespmem:v2+s21+$0x0], $0xffff  }
.Ltmp3:
0x426: {  	v17 =	vperm.xlane v11, v17;
	v9 =	vld.idx.msk [tilespmem:v9+s21+$0x0], $0xffff;
	(pc) =	sbr.rel @p1 .LBB2_5-.Ltmp3, $4  }
0x427: {  	v54 =	vmul.f32 v30, v36;
	v63 =	vmul.f32 v42, v46;
	v16 =	vld.idx.msk [tilespmem:v16+s21+$0x0], $0xffff  }
0x428: {  	v30 =	vor.u32 s12, v6;
	v6 =	vmul.f32 v44, v46;
	v20 =	vld.idx.msk [tilespmem:v55+s21+$0x0], $0xffff;
	v55 =	vmul.f32 v34, v36  }
0x429: {  	s22 =	smov.u32 s12;
	v21 =	vld.idx.msk [tilespmem:v59+s21+$0x0], $0xffff;
	v59 =	vmul.f32 v40, v43;
	v1 =	vperm.xlane v11, v1  }
0x42a: {  	v34 =	vor.u32 s22, v49;
	s12 =	sadd.s32 $0x10, s12;
	v11 =	vperm.xlane v11, v50;
	v22 =	vld.idx.msk [tilespmem:v60+s21+$0x0], $0xffff;
	v60 =	vmul.f32 v41, v43  }
0x42b: {  	_ =	sdelay $0x1  }
0x42c: {  	v41 =	vld [tilespmem:$0x1FB50];
	_ =	sdelay $0x1  }
0x42d: {  	v35 =	vld.idx.msk [tilespmem:v35+s21+$0x0], $0xffff  }
0x42e: {  	v37 =	vld.idx.msk [tilespmem:v37+s21+$0x0], $0xffff  }
0x42f: {  	v40 =	vor.u32 s22, v48;
	v30 =	vld.idx.msk [tilespmem:v30+s21+$0x0], $0xffff  }
0x430: {  	v44 =	vld [tilespmem:$0x1FAD0];
	v41 =	vor.u32 s22, v41  }
0x431: {  	v45 =	vld [tilespmem:$0x1FAE0]  }
0x432: {  	v34 =	vld.idx.msk [tilespmem:v34+s21+$0x0], $0xffff  }
0x433: {  	v29 =	vld.idx.msk [tilespmem:v29+s21+$0x0], $0xffff  }
0x434: {  	v40 =	vld.idx.msk [tilespmem:v40+s21+$0x0], $0xffff  }
0x435: {  	v44 =	vor.u32 s22, v44;
	v41 =	vld.idx.msk [tilespmem:v41+s21+$0x0], $0xffff  }
0x436: {  	v47 =	vld [tilespmem:$0x1FAF0];
	v45 =	vor.u32 s22, v45  }
0x437: {  	v35 =	vmul.f32 v35, v17;
	v37 =	vmul.f32 v37, v17  }
0x438: {  	v42 =	vld [tilespmem:$0x1FAC0];
	v30 =	vmul.f32 v30, v17;
	v17 =	vmul.f32 v34, v17  }
0x439: {  	v26 =	vmul.f32 v26, v11;
	v29 =	vmul.f32 v29, v11;
	v34 =	vadd.f32 v35, v58  }
0x43a: {  	v17 =	vadd.f32 v17, v25;
	v58 =	vld.idx.msk [tilespmem:v44+s21+$0x0], $0xffff;
	v40 =	vmul.f32 v40, v11;
	v11 =	vmul.f32 v41, v11  }
0x43b: {  	v47 =	vor.u32 s22, v47;
	v25 =	vadd.f32 v26, v34;
	v26 =	vld.idx.msk [tilespmem:v45+s21+$0x0], $0xffff  }
0x43c: {  	v44 =	vld [tilespmem:$0x1FD50];
	v11 =	vadd.f32 v11, v17;
	v17 =	vmul.f32 v22, v3  }
0x43d: {  	v42 =	vor.u32 s22, v42;
	v0 =	vadd.f32 v37, v0;
	v22 =	vld [tilespmem:$0x1FB00]  }
0x43e: {  	v30 =	vadd.f32 v30, v32;
	v17 =	vadd.f32 v17, v25;
	v25 =	vld [tilespmem:$0x1FD70]  }
0x43f: {  	v23 =	vmul.f32 v23, v3;
	v0 =	vadd.f32 v29, v0;
	v45 =	vld [tilespmem:$0x1FD80]  }
0x440: {  	v29 =	vadd.f32 v40, v30;
	v30 =	vld.idx.msk [tilespmem:v47+s21+$0x0], $0xffff  }
0x441: {  	v0 =	vadd.f32 v23, v0;
	v35 =	vor.u32 s22, v44;
	v23 =	vmul.f32 v26, v1;
	v26 =	vld [tilespmem:$0x1FDC0]  }
0x442: {  	v48 =	vld.idx.msk [tilespmem:v42+s21+$0x0], $0xffff;
	v22 =	vor.u32 s22, v22  }
0x443: {  	v25 =	vor.u32 s22, v25  }
0x444: {  	v5 =	vmul.f32 v5, v56;
	v32 =	vor.u32 s22, v45  }
0x445: {  	v9 =	vmul.f32 v9, v61;
	v20 =	vmul.f32 v20, v1  }
0x446: {  	v21 =	vmul.f32 v21, v1;
	v1 =	vmul.f32 v30, v1;
	v26 =	vor.u32 s22, v26;
	v30 =	vld.idx.msk [tilespmem:v35+s21+$0x0], $0xffff  }
0x447: {  	v10 =	vmul.f32 v10, v12;
	v42 =	vmul.f32 v48, v3;
	v22 =	vld.idx.msk [tilespmem:v22+s21+$0x0], $0xffff  }
0x448: {  	v16 =	vmul.f32 v16, v18;
	v0 =	vadd.f32 v21, v0;
	v3 =	vmul.f32 v58, v3;
	v25 =	vld.idx.msk [tilespmem:v25+s21+$0x0], $0xffff  }
0x449: {  	v15 =	vmul.f32 v15, v18;
	v29 =	vadd.f32 v42, v29;
	v32 =	vld.idx.msk [tilespmem:v32+s21+$0x0], $0xffff;
	v17 =	vadd.f32 v20, v17  }
0x44a: {  	v14 =	vmul.f32 v14, v12;
	v21 =	vld.idx.msk [tilespmem:v24+s21+$0x0], $0xffff;
	v0 =	vadd.f32 v16, v0;
	v3 =	vadd.f32 v3, v11  }
0x44b: {  	v47 =	vmul.f32 v39, v62;
	v23 =	vadd.f32 v23, v29;
	v15 =	vadd.f32 v15, v17;
	v24 =	vld.idx.msk [tilespmem:v26+s21+$0x0], $0xffff  }
0x44c: {  	v19 =	vld.idx.msk [tilespmem:v19+s21+$0x0], $0xffff;
	v1 =	vadd.f32 v1, v3;
	v3 =	vmul.f32 v22, v18;
	v18 =	vmul.f32 v30, v18  }
0x44d: {  	v20 =	vmul.f32 v38, v62;
	v10 =	vadd.f32 v10, v15;
	v15 =	vld [tilespmem:$0x1F880];
	v16 =	vmul.f32 v25, v12  }
0x44e: {  	v13 =	vld.idx.msk [tilespmem:v13+s21+$0x0], $0xffff;
	v3 =	vadd.f32 v3, v23;
	v1 =	vadd.f32 v18, v1;
	v12 =	vmul.f32 v32, v12  }
0x44f: {  	v7 =	vld.idx.msk [tilespmem:v7+s21+$0x0], $0xffff;
	v0 =	vadd.f32 v14, v0;
	v14 =	vmul.f32 v21, v62;
	v10 =	vadd.f32 v20, v10  }
0x450: {  	v17 =	vld.idx.msk [tilespmem:v57+s21+$0x0], $0xffff;
	v3 =	vadd.f32 v16, v3;
	v1 =	vadd.f32 v12, v1;
	v12 =	vmul.f32 v24, v62  }
0x451: {  	v11 =	vmul.f32 v33, v61;
	v0 =	vadd.f32 v47, v0;
	v9 =	vadd.f32 v9, v10;
	v18 =	vld [tilespmem:$0x1F860]  }
0x452: {  	v3 =	vadd.f32 v14, v3;
	v1 =	vadd.f32 v12, v1;
	v12 =	vmul.f32 v19, v61;
	v14 =	vld [tilespmem:$0x1F890]  }
0x453: {  	v2 =	vmul.f32 v2, v51;
	v0 =	vadd.f32 v11, v0;
	v11 =	vld [tilespmem:$0x1F840]  }
0x454: {  	v13 =	vmul.f32 v13, v61;
	v5 =	vadd.f32 v5, v9;
	v1 =	vadd.f32 v12, v1;
	v12 =	vld [tilespmem:$0x1F870]  }
0x455: {  	v15 =	vld.idx.msk [tilespmem:v15+s21+$0x0], $0xffff  }
0x456: {  	v10 =	vmul.f32 v17, v56;
	v2 =	vadd.f32 v2, v5;
	v5 =	vld [tilespmem:$0x1F850];
	v3 =	vadd.f32 v13, v3  }
0x457: {  	v16 =	vld.idx.msk [tilespmem:v53+s21+$0x0], $0xffff  }
0x458: {  	v3 =	vadd.f32 v10, v3;
	v10 =	vld [tilespmem:$0x1F830]  }
0x459: {  	v18 =	vld.idx.msk [tilespmem:v18+s21+$0x0], $0xffff  }
0x45a: {  	v8 =	vmul.f32 v8, v56;
	v14 =	vld.idx.msk [tilespmem:v14+s21+$0x0], $0xffff  }
0x45b: {  	v7 =	vmul.f32 v7, v56;
	v9 =	vld [tilespmem:$0x1F820]  }
0x45c: {  	v4 =	vmul.f32 v4, v51;
	v0 =	vadd.f32 v8, v0;
	v8 =	vmul.f32 v15, v51;
	v12 =	vld.idx.msk [tilespmem:v12+s21+$0x0], $0xffff  }
0x45d: {  	v11 =	vld.idx.msk [tilespmem:v11+s21+$0x0], $0xffff;
	v1 =	vadd.f32 v7, v1;
	v7 =	vmul.f32 v16, v51  }
0x45e: {  	v0 =	vadd.f32 v4, v0;
	v5 =	vld.idx.msk [tilespmem:v5+s21+$0x0], $0xffff;
	v3 =	vadd.f32 v8, v3  }
0x45f: {  	v1 =	vadd.f32 v7, v1;
	v8 =	vld [tilespmem:$0x1F800];
	v4 =	vmul.f32 v18, v46;
	v7 =	vmul.f32 v14, v46  }
0x460: {  	v10 =	vld.idx.msk [tilespmem:v10+s21+$0x0], $0xffff  }
0x461: {  	v3 =	vadd.f32 v4, v3;
	v1 =	vadd.f32 v7, v1;
	v4 =	vmul.f32 v12, v43;
	v7 =	vld [tilespmem:$0x1F7E0]  }
0x462: {  	v0 =	vadd.f32 v6, v0  }
0x463: {  	v6 =	vmul.f32 v11, v43;
	v11 =	vld [tilespmem:$0x1F7D0];
	v5 =	vmul.f32 v5, v36;
	v1 =	vadd.f32 v4, v1  }
0x464: {  	v2 =	vadd.f32 v63, v2;
	v9 =	vld.idx.msk [tilespmem:v9+s21+$0x0], $0xffff  }
0x465: {  	v1 =	vadd.f32 v5, v1;
	v5 =	vmul.f32 v10, v31;
	v10 =	vld [tilespmem:$0x1F8E0]  }
0x466: {  	v2 =	vadd.f32 v59, v2  }
0x467: {  	v8 =	vld.idx.msk [tilespmem:v8+s21+$0x0], $0xffff  }
0x468: {  	v2 =	vadd.f32 v54, v2  }
0x469: {  	v7 =	vld.idx.msk [tilespmem:v7+s21+$0x0], $0xffff  }
0x46a: {  	v9 =	vmul.f32 v9, v36;
	v3 =	vadd.f32 v6, v3;
	v2 =	vadd.f32 v10, v2;
	v10 =	vld [tilespmem:$0x1F8F0]  }
0x46b: {  	v0 =	vadd.f32 v60, v0  }
0x46c: {  	v11 =	vld.idx.msk [tilespmem:v11+s21+$0x0], $0xffff;
	v3 =	vadd.f32 v9, v3;
	v8 =	vmul.f32 v8, v31  }
0x46d: {  	v0 =	vadd.f32 v55, v0;
	v6 =	vld [tilespmem:$0x1F810]  }
0x46e: {  	v3 =	vadd.f32 v8, v3;
	v8 =	vld [tilespmem:$0x1F8C0];
	v7 =	vmul.f32 v7, v28  }
0x46f: {  	v0 =	vadd.f32 v10, v0;
	v10 =	vld [tilespmem:$0x1F8D0]  }
0x470: {  	v3 =	vadd.f32 v7, v3;
	v7 =	vld [tilespmem:$0x1F8A0]  }
0x471: {  	v9 =	vld [tilespmem:$0x1F7F0];
	_ =	sdelay $0x1  }
0x472: {  	v2 =	vadd.f32 v8, v2;
	v8 =	vld [tilespmem:$0x1F7B0]  }
0x473: {  	v4 =	vmov s24;
	v0 =	vadd.f32 v10, v0;
	v10 =	vmul.f32 v11, v27;
	v11 =	vld [tilespmem:$0x1F7C0]  }
0x474: {  	v4 =	vmul.u32 $0x38, v4;
	v2 =	vadd.f32 v7, v2;
	v7 =	vld [tilespmem:$0x1FBC0];
	_ =	sdelay $0x1  }
0x475: {  	v4 =	vbroadcast v4, $0x0  }
0x476: {  	v17 =	vlaneseq.u32;
	v6 =	vld.idx.msk [tilespmem:v6+s21+$0x0], $0xffff  }
0x477: {  	v1 =	vadd.f32 v5, v1;
	v5 =	vadd.s32 v17, v4;
	v9 =	vld.idx.msk [tilespmem:v9+s21+$0x0], $0xffff  }
0x478: {  	v8 =	vadd.s32 v8, v4;
	v11 =	vadd.s32 v11, v4;
	v4 =	vadd.s32 v7, v4;
	v7 =	vld [tilespmem:$0x1F8B0];
	_ =	sdelay $0x2  }
0x479: {  	v6 =	vmul.f32 v6, v28;
	_ =	sdelay $0x1  }
0x47a: {  	v1 =	vadd.f32 v6, v1;
	v6 =	vmul.f32 v9, v27;
	v0 =	vadd.f32 v7, v0  }
0x47b: {  	v3 =	vadd.f32 v10, v3;
	[tilespmem:v5+s28+$0x0] =	vst.idx.msk $0xffff, v2  }
0x47c: {  	v1 =	vadd.f32 v6, v1;
	[tilespmem:v8+s28+$0x0] =	vst.idx.msk $0xffff, v0  }
0x47d: {  	[tilespmem:v11+s28+$0x0] =	vst.idx.msk $0xffff, v3  }
0x47e: {  	s12 =	sadd.s32 @!p0 $0x118, s18;
	s13 =	simm.s32 @!p0 $0x38;
	s24 =	simm.s32 @!p0 $0x10000;
	[tilespmem:v4+s28+$0x0] =	vst.idx.msk $0x3, v1  }
0x47f: {  	v0 =	vld [tilespmem:$0x1FFB0];
	[tilespmem:s24], [sflag:$0x3] =	stream.indirect.gather @!p0 [hbm4b:s3+s13], $0x40, s12, s13, $0xb8  }
0x480: {  	v1 =	vld [tilespmem:$0x1FFC0];
	_ =	swait.ge [sflag:s30], $0xE00  }
0x481: {  	v2 =	vld [tilespmem:$0x1FF70]  }
0x482: {  	v4 =	vld [tilespmem:$0x1FF30]  }
0x483: {  	v8 =	vld [tilespmem:$0x1FF90];
	_ =	sdelay $0x1  }
0x484: {  	s22 =	simm.s32 $0x0  }
0x485: {  	v2 =	vor.u32 s22, v2;
	_ =	sdelay $0x1  }
0x486: {  	v4 =	vor.u32 s22, v4;
	v8 =	vor.u32 s22, v8  }
0x487: {  	[sflag:s30] =	ssyncset.done $0x0;
	[tilespmem:$0x1F690] =	vst v8;
	v8 =	vld [tilespmem:$0x1FFE0]  }
0x488: {  	v9 =	vld [tilespmem:$0x1FF10];
	[sflag:s30] =	ssyncadd.s32 $0xFFFFF200  }
0x489: {  	v12 =	vld.idx.msk [tilespmem:v2+s23+$0x0], $0xffff  }
0x48a: {  	v2 =	vld [tilespmem:$0x1FEB0]  }
0x48b: {  	v16 =	vld.idx.msk [tilespmem:v4+s23+$0x0], $0xffff  }
0x48c: {  	v4 =	vld [tilespmem:$0x1FE80];
	v8 =	vor.u32 s22, v8  }
0x48d: {  	[tilespmem:$0x1F6A0] =	vst v8;
	v8 =	vld [tilespmem:$0x1FF50];
	_ =	sdelay $0x1  }
0x48e: {  	v2 =	vor.u32 s22, v2  }
0x48f: {  	v3 =	vld [tilespmem:$0x1FF80]  }
0x490: {  	v10 =	vld [tilespmem:s14+$0x0];
	v9 =	vor.u32 s22, v9;
	v4 =	vor.u32 s22, v4  }
0x491: {  	[tilespmem:$0x1F6D0] =	vst v9;
	v9 =	vld [tilespmem:$0x1FF60];
	v8 =	vor.u32 s22, v8  }
0x492: {  	[tilespmem:$0x1F6B0] =	vst v8;
	v8 =	vld [tilespmem:$0x1FFA0]  }
0x493: {  	v21 =	vld.idx.msk [tilespmem:v2+s23+$0x0], $0xffff  }
0x494: {  	v2 =	vld [tilespmem:$0x1FE10]  }
0x495: {  	v23 =	vld.idx.msk [tilespmem:v4+s23+$0x0], $0xffff  }
0x496: {  	v4 =	vld [tilespmem:$0x1F9B0];
	_ =	sdelay $0x1  }
0x497: {  	v8 =	vor.u32 s22, v8  }
0x498: {  	v3 =	vor.u32 s22, v3;
	v9 =	vor.u32 s22, v9;
	[tilespmem:$0x1F6C0] =	vst v8;
	v8 =	vld [tilespmem:$0x1FE60]  }
0x499: {  	[tilespmem:$0x1F6E0] =	vst v9;
	v9 =	vor.u32 s22, v2;
	v2 =	vld [tilespmem:$0x1FED0]  }
0x49a: {  	v28 =	vperm.xlane v10, v4;
	v4 =	vld [tilespmem:$0x1F9C0];
	_ =	sdelay $0x2  }
0x49b: {  	v15 =	vld.idx.msk [tilespmem:v3+s23+$0x0], $0xffff  }
0x49c: {  	v3 =	vld [tilespmem:$0x1FEC0]  }
0x49d: {  	v8 =	vor.u32 s22, v8;
	v2 =	vor.u32 s22, v2;
	v27 =	vperm.xlane v10, v4;
	v4 =	vld [tilespmem:$0x1FDF0]  }
0x49e: {  	[tilespmem:$0x1F6F0] =	vst v2;
	v2 =	vld [tilespmem:$0x1FF20];
	_ =	sdelay $0x3  }
0x49f: {  	v3 =	vor.u32 s22, v3;
	v62 =	vor.u32 s22, v4;
	v4 =	vld.idx.msk [tilespmem:v8+s23+$0x0], $0xffff  }
0x4a0: {  	v8 =	vld [tilespmem:$0x1FA00];
	v2 =	vor.u32 s22, v2  }
0x4a1: {  	[tilespmem:$0x1F700] =	vst v2;
	v2 =	vld [tilespmem:$0x1FE20];
	_ =	sdelay $0x1  }
0x4a2: {  	v5 =	vld [tilespmem:$0x1FF40]  }
0x4a3: {  	v22 =	vld.idx.msk [tilespmem:v3+s23+$0x0], $0xffff  }
0x4a4: {  	v46 =	vperm.xlane v10, v8;
	v8 =	vld [tilespmem:$0x1FA10]  }
0x4a5: {  	v3 =	vor.u32 s22, v2;
	v2 =	vld [tilespmem:$0x1FEA0];
	_ =	sdelay $0x2  }
0x4a6: {  	v5 =	vor.u32 s22, v5;
	_ =	sdelay $0x1  }
0x4a7: {  	v43 =	vperm.xlane v10, v8;
	v8 =	vld [tilespmem:$0x1FBB0];
	v2 =	vor.u32 s22, v2  }
0x4a8: {  	[tilespmem:$0x1F710] =	vst v2;
	v2 =	vld [tilespmem:$0x1FEE0];
	_ =	sdelay $0x1  }
0x4a9: {  	v19 =	vld.idx.msk [tilespmem:v5+s23+$0x0], $0xffff  }
0x4aa: {  	v5 =	vld [tilespmem:$0x1FFD0]  }
0x4ab: {  	v24 =	vor.u32 s22, v8;
	v8 =	vld.idx.msk [tilespmem:v3+s23+$0x0], $0xffff  }
0x4ac: {  	v3 =	vld [tilespmem:$0x1FB90];
	v2 =	vor.u32 s22, v2  }
0x4ad: {  	[tilespmem:$0x1F720] =	vst v2;
	v2 =	vld [tilespmem:$0x1FDD0];
	_ =	sdelay $0x1  }
0x4ae: {  	v1 =	vor.u32 s22, v1;
	v5 =	vor.u32 s22, v5  }
0x4af: {  	[tilespmem:$0x1F680] =	vst v5;
	v5 =	vld [tilespmem:$0x1FE90]  }
0x4b0: {  	v56 =	vperm.xlane v10, v3;
	v3 =	vld [tilespmem:$0x1FB70]  }
0x4b1: {  	v11 =	vor.u32 s22, v2;
	v2 =	vld [tilespmem:$0x1FE70];
	_ =	sdelay $0x1  }
0x4b2: {  	v7 =	vld.idx.msk [tilespmem:v1+s23+$0x0], $0xffff  }
0x4b3: {  	v0 =	vor.u32 s22, v0;
	v1 =	vld [tilespmem:$0x1FF00]  }
0x4b4: {  	v5 =	vor.u32 s22, v5  }
0x4b5: {  	v51 =	vperm.xlane v10, v3;
	v3 =	vld [tilespmem:$0x1FD60];
	v2 =	vor.u32 s22, v2  }
0x4b6: {  	[tilespmem:$0x1F730] =	vst v2;
	v2 =	vld [tilespmem:$0x1FBA0]  }
0x4b7: {  	v6 =	vld [tilespmem:$0x1FEF0]  }
0x4b8: {  	v0 =	vld.idx.msk [tilespmem:v0+s23+$0x0], $0xffff;
	v1 =	vor.u32 s22, v1  }
0x4b9: {  	v35 =	vld.idx.msk [tilespmem:v5+s23+$0x0], $0xffff  }
0x4ba: {  	v5 =	vld [tilespmem:$0x1F9E0]  }
0x4bb: {  	v26 =	vor.u32 s22, v3;
	v3 =	vld [tilespmem:$0x1FCE0];
	v2 =	vor.u32 s22, v2  }
0x4bc: {  	[tilespmem:$0x1F740] =	vst v2;
	v2 =	vld [tilespmem:$0x1FDE0]  }
0x4bd: {  	v20 =	vld.idx.msk [tilespmem:v1+s23+$0x0], $0xffff  }
0x4be: {  	v1 =	vld [tilespmem:$0x1FE50]  }
0x4bf: {  	v36 =	vperm.xlane v10, v5;
	v5 =	vld [tilespmem:$0x1F9F0];
	v0 =	vmul.f32 v0, v27  }
0x4c0: {  	v63 =	vperm.xlane v10, v3;
	v3 =	vld [tilespmem:$0x1FD10]  }
0x4c1: {  	[tilespmem:$0x1F750] =	vst v0;
	v0 =	vmul.f32 v7, v27;
	v13 =	vor.u32 s22, v2;
	v2 =	vld [tilespmem:$0x1FE30];
	_ =	sdelay $0x1  }
0x4c2: {  	v6 =	vor.u32 s22, v6;
	[tilespmem:$0x1F760] =	vst v0;
	v0 =	vld [tilespmem:$0x1FFF0]  }
0x4c3: {  	v31 =	vperm.xlane v10, v5;
	v5 =	vld [tilespmem:$0x1FDA0]  }
0x4c4: {  	v7 =	vmul.f32 v12, v28;
	v61 =	vperm.xlane v10, v3;
	v3 =	vld [tilespmem:$0x1FD30]  }
0x4c5: {  	v1 =	vor.u32 s22, v1;
	v57 =	vor.u32 s22, v2;
	v2 =	vld [tilespmem:$0x1FB80]  }
0x4c6: {  	[tilespmem:$0x1F770] =	vst v7;
	v7 =	vmul.f32 v15, v28  }
0x4c7: {  	v6 =	vld.idx.msk [tilespmem:v6+s23+$0x0], $0xffff;
	v0 =	vor.u32 s22, v0  }
0x4c8: {  	[tilespmem:$0x1F780] =	vst v7;
	v7 =	vld [tilespmem:$0x1FB10]  }
0x4c9: {  	v14 =	vor.u32 s22, v5;
	v29 =	vor.u32 s22, v3;
	v3 =	vld [tilespmem:$0x1FC60]  }
0x4ca: {  	v53 =	vor.u32 s22, v2;
	v2 =	vld.idx.msk [tilespmem:v1+s23+$0x0], $0xffff  }
0x4cb: {  	v1 =	vld [tilespmem:$0x1FD90]  }
0x4cc: {  	v60 =	vmul.f32 v22, v43;
	v22 =	vld.idx.msk [tilespmem:v0+s23+$0x0], $0xffff  }
0x4cd: {  	v0 =	vld [tilespmem:$0x1FE00]  }
0x4ce: {  	v39 =	vld.idx.msk [tilespmem:v14+s23+$0x0], $0xffff  }
0x4cf: {  	v18 =	vperm.xlane v10, v3;
	v3 =	vld [tilespmem:$0x1FC90]  }
0x4d0: {  	v14 =	vld.idx.msk [tilespmem:v26+s23+$0x0], $0xffff;
	v26 =	vor.u32 s22, v7;
	v7 =	vmul.f32 v16, v31;
	v1 =	vor.u32 s22, v1  }
0x4d1: {  	v5 =	vld.idx.msk [tilespmem:v9+s23+$0x0], $0xffff  }
0x4d2: {  	[tilespmem:$0x1F790] =	vst v7;
	v7 =	vmul.f32 v19, v31;
	v19 =	vor.u32 s22, v0;
	v0 =	vld [tilespmem:$0x1FAB0]  }
0x4d3: {  	v33 =	vld.idx.msk [tilespmem:v13+s23+$0x0], $0xffff  }
0x4d4: {  	v13 =	vperm.xlane v10, v3;
	v3 =	vld [tilespmem:$0x1FD20]  }
0x4d5: {  	v38 =	vld.idx.msk [tilespmem:v1+s23+$0x0], $0xffff  }
0x4d6: {  	v1 =	vld [tilespmem:$0x1FBF0]  }
0x4d7: {  	v9 =	vld.idx.msk [tilespmem:v11+s23+$0x0], $0xffff  }
0x4d8: {  	v11 =	vld [tilespmem:$0x1FB20]  }
0x4d9: {  	v15 =	vld.idx.msk [tilespmem:v29+s23+$0x0], $0xffff  }
0x4da: {  	v29 =	vor.u32 s22, v0;
	v0 =	vld [tilespmem:$0x1FCA0]  }
0x4db: {  	v30 =	vor.u32 s22, v3;
	v3 =	vperm.xlane v10, v1;
	v1 =	vld [tilespmem:$0x1FC20];
	_ =	sdelay $0x2  }
0x4dc: {  	v17 =	vperm.xlane v10, v17;
	v55 =	vmul.f32 v6, v36;
	v6 =	vld [tilespmem:$0x1FE40]  }
0x4dd: {  	v48 =	vor.u32 s22, v11;
	[tilespmem:$0x1F7A0] =	vst v7;
	v7 =	vmul.f32 v35, v46;
	v35 =	vor.u32 s22, v0;
	v0 =	vld [tilespmem:$0x1FC30]  }
0x4de: {  	v11 =	vperm.xlane v10, v50;
	v1 =	vperm.xlane v10, v1;
	v10 =	vld [tilespmem:$0x1FD40];
	_ =	sdelay $0x2  }
0x4df: {  	v12 =	vor.u32 s22, v6;
	v6 =	vld [tilespmem:$0x1FDB0]  }
0x4e0: {  	v25 =	vor.u32 s22, v52;
	v54 =	vmul.f32 v20, v36;
	v20 =	vld.idx.msk [tilespmem:v48+s23+$0x0], $0xffff  }
0x4e1: {  	v37 =	vor.u32 s22, v0;
	v0 =	vld [tilespmem:$0x1FCB0];
	v50 =	vor.u32 s22, v10  }
0x4e2: {  	v16 =	vld.idx.msk [tilespmem:v30+s23+$0x0], $0xffff  }
0x4e3: {  	v10 =	vld.idx.msk [tilespmem:v24+s23+$0x0], $0xffff  }
0x4e4: {  	v58 =	vimm.f32 $0.0e+00;
	v24 =	vor.u32 s22, v6;
	v6 =	vmul.f32 v23, v46;
	v23 =	vld.idx.msk [tilespmem:v26+s23+$0x0], $0xffff  }
0x4e5: {  	v34 =	vor.u32 s22, v49;
	v32 =	vimm.f32 $0.0e+00;
	v59 =	vmul.f32 v21, v43;
	v26 =	vld.idx.msk [tilespmem:v25+s23+$0x0], $0xffff  }
0x4e6: {  	s24 =	sor.u32 $0x2, s17;
	s12 =	simm.s32 $0x10;
	s13 =	smov.u32 s14;
	v30 =	vor.u32 s22, v0;
	v0 =	vimm.f32 $0.0e+00;
	v25 =	vimm.f32 $0.0e+00;
	v21 =	vld.idx.msk [tilespmem:v50+s23+$0x0], $0xffff  }
.LBB2_7:
0x4e7: {  	_ =	sdelay $0x2  }
0x4e8: {  	v29 =	vld.idx.msk [tilespmem:v29+s23+$0x0], $0xffff  }
0x4e9: {  	v40 =	vld [tilespmem:$0x1FB30]  }
0x4ea: {  	v35 =	vld.idx.msk [tilespmem:v35+s23+$0x0], $0xffff  }
0x4eb: {  	v41 =	vld [tilespmem:$0x1FB50]  }
0x4ec: {  	v37 =	vld.idx.msk [tilespmem:v37+s23+$0x0], $0xffff  }
0x4ed: {  	v42 =	vld [tilespmem:$0x1FAC0]  }
0x4ee: {  	v30 =	vld.idx.msk [tilespmem:v30+s23+$0x0], $0xffff  }
0x4ef: {  	v47 =	vld [tilespmem:$0x1FAF0]  }
0x4f0: {  	v44 =	vld [tilespmem:$0x1FAD0]  }
0x4f1: {  	v34 =	vld.idx.msk [tilespmem:v34+s23+$0x0], $0xffff  }
0x4f2: {  	v45 =	vld [tilespmem:$0x1FAE0];
	v40 =	vor.u32 s22, v40  }
0x4f3: {  	v48 =	vld [tilespmem:$0x1FB00];
	v41 =	vor.u32 s22, v41  }
0x4f4: {  	v38 =	vmul.f32 v38, v63;
	v49 =	vld [tilespmem:$0x1FD50];
	v47 =	vor.u32 s22, v47  }
0x4f5: {  	v10 =	vmul.f32 v10, v13;
	v50 =	vld [tilespmem:$0x1FD70];
	v14 =	vmul.f32 v14, v13  }
0x4f6: {  	v52 =	vld [tilespmem:$0x1FD80];
	v15 =	vmul.f32 v15, v18;
	v16 =	vmul.f32 v16, v18;
	v42 =	vor.u32 s22, v42  }
0x4f7: {  	v20 =	vmul.f32 v20, v1;
	v21 =	vmul.f32 v21, v1;
	v44 =	vor.u32 s22, v44;
	v40 =	vld.idx.msk [tilespmem:v40+s23+$0x0], $0xffff  }
0x4f8: {  	v45 =	vor.u32 s22, v45;
	v35 =	vmul.f32 v35, v17;
	v37 =	vmul.f32 v37, v17;
	v41 =	vld.idx.msk [tilespmem:v41+s23+$0x0], $0xffff  }
0x4f9: {  	v30 =	vmul.f32 v30, v17;
	v17 =	vmul.f32 v34, v17;
	v34 =	vld.idx.msk [tilespmem:v47+s23+$0x0], $0xffff  }
0x4fa: {  	v22 =	vmul.f32 v22, v3;
	v23 =	vmul.f32 v23, v3;
	v48 =	vor.u32 s22, v48;
	v47 =	vld [tilespmem:$0x1FDC0]  }
0x4fb: {  	v49 =	vor.u32 s22, v49;
	v29 =	vmul.f32 v29, v11;
	v0 =	vadd.f32 v37, v0;
	v42 =	vld.idx.msk [tilespmem:v42+s23+$0x0], $0xffff  }
0x4fc: {  	v26 =	vmul.f32 v26, v11;
	v50 =	vor.u32 s22, v50;
	v35 =	vadd.f32 v35, v58;
	v44 =	vld.idx.msk [tilespmem:v44+s23+$0x0], $0xffff  }
0x4fd: {  	v52 =	vor.u32 s22, v52;
	v30 =	vadd.f32 v30, v32;
	v0 =	vadd.f32 v29, v0;
	v45 =	vld.idx.msk [tilespmem:v45+s23+$0x0], $0xffff  }
0x4fe: {  	v24 =	vld.idx.msk [tilespmem:v24+s23+$0x0], $0xffff;
	v17 =	vadd.f32 v17, v25;
	v26 =	vadd.f32 v26, v35;
	v37 =	vmul.f32 v40, v11  }
0x4ff: {  	v58 =	vld.idx.msk [tilespmem:v48+s23+$0x0], $0xffff;
	v0 =	vadd.f32 v23, v0;
	v47 =	vor.u32 s22, v47;
	v11 =	vmul.f32 v41, v11  }
0x500: {  	v25 =	vld.idx.msk [tilespmem:v49+s23+$0x0], $0xffff;
	v22 =	vadd.f32 v22, v26;
	v29 =	vmul.f32 v42, v3;
	v30 =	vadd.f32 v37, v30  }
0x501: {  	v0 =	vadd.f32 v21, v0;
	v42 =	vld.idx.msk [tilespmem:v50+s23+$0x0], $0xffff;
	v3 =	vmul.f32 v44, v3;
	v11 =	vadd.f32 v11, v17  }
0x502: {  	v20 =	vadd.f32 v20, v22;
	v23 =	vmul.f32 v45, v1;
	v17 =	vld.idx.msk [tilespmem:v52+s23+$0x0], $0xffff;
	v26 =	vadd.f32 v29, v30  }
0x503: {  	v12 =	vld.idx.msk [tilespmem:v12+s23+$0x0], $0xffff;
	v1 =	vmul.f32 v34, v1;
	v0 =	vadd.f32 v16, v0;
	v3 =	vadd.f32 v3, v11  }
0x504: {  	v21 =	vmul.f32 v58, v18;
	v15 =	vadd.f32 v15, v20;
	v11 =	vld.idx.msk [tilespmem:v47+s23+$0x0], $0xffff;
	v23 =	vadd.f32 v23, v26  }
0x505: {  	v0 =	vadd.f32 v14, v0;
	v14 =	vld [tilespmem:$0x1F730];
	v1 =	vadd.f32 v1, v3;
	v3 =	vmul.f32 v25, v18  }
0x506: {  	v10 =	vadd.f32 v10, v15;
	v16 =	vmul.f32 v42, v13;
	v18 =	vld.idx.msk [tilespmem:v19+s23+$0x0], $0xffff;
	v20 =	vadd.f32 v21, v23  }
0x507: {  	v9 =	vmul.f32 v9, v61;
	v22 =	vld.idx.msk [tilespmem:v62+s23+$0x0], $0xffff;
	v1 =	vadd.f32 v3, v1;
	v3 =	vmul.f32 v17, v13  }
0x508: {  	v10 =	vadd.f32 v38, v10;
	v19 =	vld.idx.msk [tilespmem:v57+s23+$0x0], $0xffff;
	v13 =	vmul.f32 v24, v63;
	v15 =	vadd.f32 v16, v20  }
0x509: {  	v17 =	vld [tilespmem:$0x1F710];
	v1 =	vadd.f32 v3, v1;
	v3 =	vmul.f32 v11, v63  }
0x50a: {  	v5 =	vmul.f32 v5, v56;
	v9 =	vadd.f32 v9, v10;
	v13 =	vadd.f32 v13, v15;
	v15 =	vld [tilespmem:$0x1F740]  }
0x50b: {  	v1 =	vadd.f32 v3, v1;
	v3 =	vmul.f32 v18, v61;
	v18 =	vld [tilespmem:$0x1F6F0]  }
0x50c: {  	v39 =	vmul.f32 v39, v63;
	v5 =	vadd.f32 v5, v9;
	v9 =	vld [tilespmem:$0x1F6D0]  }
0x50d: {  	v2 =	vmul.f32 v2, v51;
	v1 =	vadd.f32 v3, v1;
	v3 =	vmul.f32 v12, v56;
	v12 =	vld [tilespmem:$0x1F720]  }
0x50e: {  	v14 =	vld.idx.msk [tilespmem:v14+s23+$0x0], $0xffff  }
0x50f: {  	v33 =	vmul.f32 v33, v61;
	v0 =	vadd.f32 v39, v0;
	v2 =	vadd.f32 v2, v5;
	v5 =	vld [tilespmem:$0x1F6B0]  }
0x510: {  	v11 =	vld.idx.msk [tilespmem:v53+s23+$0x0], $0xffff;
	v16 =	vmul.f32 v22, v61  }
0x511: {  	v8 =	vmul.f32 v8, v56;
	v0 =	vadd.f32 v33, v0;
	v17 =	vld.idx.msk [tilespmem:v17+s23+$0x0], $0xffff  }
0x512: {  	v10 =	vmul.f32 v19, v56;
	v13 =	vadd.f32 v16, v13;
	v15 =	vld.idx.msk [tilespmem:v15+s23+$0x0], $0xffff  }
0x513: {  	v4 =	vmul.f32 v4, v51;
	v0 =	vadd.f32 v8, v0;
	v18 =	vld.idx.msk [tilespmem:v18+s23+$0x0], $0xffff  }
0x514: {  	v8 =	vmul.f32 v14, v51;
	v9 =	vld.idx.msk [tilespmem:v9+s23+$0x0], $0xffff;
	v10 =	vadd.f32 v10, v13  }
0x515: {  	v0 =	vadd.f32 v4, v0;
	v1 =	vadd.f32 v3, v1;
	v3 =	vmul.f32 v11, v51;
	v12 =	vld.idx.msk [tilespmem:v12+s23+$0x0], $0xffff  }
0x516: {  	v2 =	vadd.f32 v6, v2;
	v8 =	vadd.f32 v8, v10;
	v4 =	vmul.f32 v17, v46  }
0x517: {  	v0 =	vadd.f32 v7, v0;
	v5 =	vld.idx.msk [tilespmem:v5+s23+$0x0], $0xffff;
	v1 =	vadd.f32 v3, v1  }
0x518: {  	v7 =	vld [tilespmem:$0x1F690];
	v4 =	vadd.f32 v4, v8;
	v3 =	vmul.f32 v15, v46;
	v6 =	vmul.f32 v18, v43  }
0x519: {  	v9 =	vmul.f32 v9, v36  }
0x51a: {  	v1 =	vadd.f32 v3, v1;
	v3 =	vmul.f32 v12, v43;
	v12 =	vld [tilespmem:$0x1F680];
	v4 =	vadd.f32 v6, v4;
	_ =	sdelay $0x1  }
0x51b: {  	v5 =	vmul.f32 v5, v31;
	v4 =	vadd.f32 v9, v4;
	v9 =	vld [tilespmem:$0x1F790]  }
0x51c: {  	v2 =	vadd.f32 v59, v2  }
0x51d: {  	v4 =	vadd.f32 v5, v4;
	v5 =	vld [tilespmem:$0x1F770]  }
0x51e: {  	v2 =	vadd.f32 v55, v2  }
0x51f: {  	v7 =	vld.idx.msk [tilespmem:v7+s23+$0x0], $0xffff  }
0x520: {  	v2 =	vadd.f32 v9, v2;
	v9 =	vld [tilespmem:$0x1F7A0]  }
0x521: {  	v0 =	vadd.f32 v60, v0;
	v12 =	vld.idx.msk [tilespmem:v12+s23+$0x0], $0xffff  }
0x522: {  	v2 =	vadd.f32 v5, v2;
	v5 =	vld [tilespmem:$0x1F780]  }
0x523: {  	v0 =	vadd.f32 v54, v0;
	_ =	sdelay $0x1  }
0x524: {  	v7 =	vmul.f32 v7, v28;
	v0 =	vadd.f32 v9, v0;
	_ =	sdelay $0x1  }
0x525: {  	v4 =	vadd.f32 v7, v4;
	v0 =	vadd.f32 v5, v0;
	v5 =	vmul.f32 v12, v27;
	_ =	sdelay $0x1  }
0x526: {  	v32 =	vadd.f32 v5, v4;
	v4 =	vld [tilespmem:$0x1FF30];
	_ =	sdelay $0x4  }
0x527: {  	v4 =	vor.u32 s12, v4;
	_ =	sdelay $0x4  }
0x528: {  	v23 =	vld.idx.msk [tilespmem:v4+s23+$0x0], $0xffff  }
0x529: {  	v4 =	vld [tilespmem:$0x1FE80];
	_ =	sdelay $0x4  }
0x52a: {  	v4 =	vor.u32 s12, v4;
	_ =	sdelay $0x3  }
0x52b: {  	v11 =	vld [tilespmem:$0x1F700]  }
0x52c: {  	v41 =	vld.idx.msk [tilespmem:v4+s23+$0x0], $0xffff  }
0x52d: {  	v4 =	vld [tilespmem:$0x1FED0];
	_ =	sdelay $0x1  }
0x52e: {  	v10 =	vld [tilespmem:$0x1F6E0]  }
0x52f: {  	v8 =	vld [tilespmem:$0x1F6C0];
	_ =	sdelay $0x1  }
0x530: {  	v4 =	vor.u32 s12, v4  }
0x531: {  	[tilespmem:$0x1F6F0] =	vst v4;
	v4 =	vld [tilespmem:$0x1FF20];
	_ =	sdelay $0x1  }
0x532: {  	v11 =	vld.idx.msk [tilespmem:v11+s23+$0x0], $0xffff;
	_ =	sdelay $0x1  }
0x533: {  	v10 =	vld.idx.msk [tilespmem:v10+s23+$0x0], $0xffff  }
0x534: {  	v8 =	vld.idx.msk [tilespmem:v8+s23+$0x0], $0xffff;
	v4 =	vor.u32 s12, v4  }
0x535: {  	[tilespmem:$0x1F700] =	vst v4;
	v4 =	vld [tilespmem:$0x1FE20]  }
0x536: {  	v1 =	vadd.f32 v3, v1;
	v3 =	vmul.f32 v11, v36;
	_ =	sdelay $0x1  }
0x537: {  	v1 =	vadd.f32 v3, v1;
	v3 =	vmul.f32 v10, v31  }
0x538: {  	v6 =	vld [tilespmem:$0x1F6A0]  }
0x539: {  	v1 =	vadd.f32 v3, v1;
	v3 =	vmul.f32 v8, v28;
	v8 =	vor.u32 s12, v4;
	v4 =	vld [tilespmem:$0x1FEA0];
	_ =	sdelay $0x4  }
0x53a: {  	v4 =	vor.u32 s12, v4  }
0x53b: {  	[tilespmem:$0x1F710] =	vst v4;
	v4 =	vld [tilespmem:$0x1FEE0]  }
0x53c: {  	v6 =	vld.idx.msk [tilespmem:v6+s23+$0x0], $0xffff;
	_ =	sdelay $0x3  }
0x53d: {  	v4 =	vor.u32 s12, v4  }
0x53e: {  	v1 =	vadd.f32 v3, v1;
	v3 =	vmul.f32 v6, v27;
	[tilespmem:$0x1F720] =	vst v4;
	v4 =	vld [tilespmem:$0x1FDD0];
	_ =	sdelay $0x1  }
0x53f: {  	v25 =	vadd.f32 v3, v1;
	v1 =	vld [tilespmem:$0x1FF70];
	_ =	sdelay $0x2  }
0x540: {  	v9 =	vor.u32 s12, v4;
	v4 =	vld [tilespmem:$0x1FE70];
	_ =	sdelay $0x1  }
0x541: {  	v1 =	vor.u32 s12, v1  }
0x542: {  	v48 =	vld [tilespmem:$0x1FB40]  }
0x543: {  	v49 =	vld [tilespmem:$0x1FAA0]  }
0x544: {  	v50 =	vld [tilespmem:$0x1FAB0];
	v4 =	vor.u32 s12, v4  }
0x545: {  	[tilespmem:$0x1F730] =	vst v4;
	v4 =	vld [tilespmem:$0x1FBA0]  }
0x546: {  	v21 =	vld.idx.msk [tilespmem:v1+s23+$0x0], $0xffff  }
0x547: {  	v1 =	vld [tilespmem:$0x1FEB0]  }
0x548: {  	v7 =	vld [tilespmem:$0x1F750]  }
0x549: {  	v29 =	vld [tilespmem:$0x1FB10]  }
0x54a: {  	v15 =	vld [tilespmem:$0x1F9E0];
	v4 =	vor.u32 s12, v4  }
0x54b: {  	s13 =	sadd.s32 $0x10, s13;
	[tilespmem:$0x1F740] =	vst v4;
	v4 =	vld [tilespmem:$0x1FDE0]  }
0x54c: {  	v11 =	vld [tilespmem:s13+$0x0];
	v1 =	vor.u32 s12, v1  }
0x54d: {  	v58 =	vadd.f32 v7, v2;
	v2 =	vld [tilespmem:$0x1F760]  }
0x54e: {  	v3 =	vld [tilespmem:$0x1FF80]  }
0x54f: {  	v5 =	vld [tilespmem:$0x1FF40]  }
0x550: {  	v10 =	vor.u32 s12, v4;
	v4 =	vld [tilespmem:$0x1FE30]  }
0x551: {  	v34 =	vld.idx.msk [tilespmem:v1+s23+$0x0], $0xffff  }
0x552: {  	v1 =	vld [tilespmem:$0x1FF50]  }
0x553: {  	v60 =	vor.u32 s12, v29;
	v29 =	vld [tilespmem:$0x1FB60]  }
0x554: {  	v14 =	vld [tilespmem:$0x1F9B0];
	v3 =	vor.u32 s12, v3  }
0x555: {  	v57 =	vor.u32 s12, v4;
	v4 =	vld [tilespmem:$0x1FB80]  }
0x556: {  	v36 =	vperm.xlane v11, v15;
	v15 =	vld [tilespmem:$0x1F9F0]  }
0x557: {  	v0 =	vadd.f32 v2, v0;
	v2 =	vld [tilespmem:$0x1FFC0];
	v5 =	vor.u32 s12, v5;
	v1 =	vor.u32 s12, v1  }
0x558: {  	[tilespmem:$0x1F6B0] =	vst v1;
	v1 =	vld [tilespmem:$0x1FFA0]  }
0x559: {  	v22 =	vld.idx.msk [tilespmem:v3+s23+$0x0], $0xffff  }
0x55a: {  	v53 =	vor.u32 s12, v4;
	v4 =	vld [tilespmem:$0x1FD90]  }
0x55b: {  	v3 =	vld [tilespmem:$0x1FEC0]  }
0x55c: {  	v26 =	vld.idx.msk [tilespmem:v5+s23+$0x0], $0xffff  }
0x55d: {  	v2 =	vor.u32 s12, v2;
	v5 =	vld [tilespmem:$0x1FFD0];
	v1 =	vor.u32 s12, v1  }
0x55e: {  	[tilespmem:$0x1F6C0] =	vst v1;
	v1 =	vld [tilespmem:$0x1FE60]  }
0x55f: {  	v13 =	vor.u32 s12, v4;
	v4 =	vld [tilespmem:$0x1FDF0]  }
0x560: {  	v28 =	vperm.xlane v11, v14;
	v14 =	vld [tilespmem:$0x1F9C0]  }
0x561: {  	v6 =	vld [tilespmem:$0x1FFB0];
	v3 =	vor.u32 s12, v3  }
0x562: {  	v20 =	vld.idx.msk [tilespmem:v2+s23+$0x0], $0xffff  }
0x563: {  	v2 =	vld [tilespmem:$0x1FF00]  }
0x564: {  	v5 =	vor.u32 s12, v5;
	v1 =	vor.u32 s12, v1;
	v62 =	vor.u32 s12, v4;
	v4 =	vld [tilespmem:$0x1FE40]  }
0x565: {  	[tilespmem:$0x1F680] =	vst v5;
	v5 =	vld [tilespmem:$0x1FE90]  }
0x566: {  	v40 =	vld.idx.msk [tilespmem:v3+s23+$0x0], $0xffff  }
0x567: {  	v33 =	vld.idx.msk [tilespmem:v10+s23+$0x0], $0xffff  }
0x568: {  	v10 =	vld [tilespmem:$0x1FA00]  }
0x569: {  	v12 =	vor.u32 s12, v4;
	v4 =	vld.idx.msk [tilespmem:v1+s23+$0x0], $0xffff  }
0x56a: {  	v6 =	vor.u32 s12, v6;
	v1 =	vld [tilespmem:$0x1FDA0]  }
0x56b: {  	v2 =	vor.u32 s12, v2;
	v3 =	vld [tilespmem:$0x1FF10]  }
0x56c: {  	v7 =	vld [tilespmem:$0x1FEF0]  }
0x56d: {  	v31 =	vperm.xlane v11, v15;
	v15 =	vld [tilespmem:$0x1FD30];
	v5 =	vor.u32 s12, v5  }
0x56e: {  	v46 =	vperm.xlane v11, v10;
	v10 =	vld [tilespmem:$0x1FA10]  }
0x56f: {  	v6 =	vld.idx.msk [tilespmem:v6+s23+$0x0], $0xffff;
	v1 =	vor.u32 s12, v1  }
0x570: {  	v30 =	vld.idx.msk [tilespmem:v2+s23+$0x0], $0xffff;
	v3 =	vor.u32 s12, v3  }
0x571: {  	[tilespmem:$0x1F6D0] =	vst v3;
	v3 =	vld [tilespmem:$0x1FF60]  }
0x572: {  	v27 =	vperm.xlane v11, v14;
	v42 =	vld.idx.msk [tilespmem:v5+s23+$0x0], $0xffff  }
0x573: {  	v43 =	vperm.xlane v11, v10;
	v10 =	vld [tilespmem:$0x1FD20]  }
0x574: {  	v6 =	vmul.f32 v6, v27;
	v39 =	vld.idx.msk [tilespmem:v1+s23+$0x0], $0xffff  }
0x575: {  	v1 =	vld [tilespmem:$0x1FD10]  }
0x576: {  	[tilespmem:$0x1F750] =	vst v6;
	v5 =	vld [tilespmem:$0x1FDB0];
	v3 =	vor.u32 s12, v3  }
0x577: {  	v6 =	vmul.f32 v20, v27;
	[tilespmem:$0x1F6E0] =	vst v3;
	v3 =	vld [tilespmem:$0x1FE10]  }
0x578: {  	v2 =	vld [tilespmem:$0x1FF90]  }
0x579: {  	[tilespmem:$0x1F760] =	vst v6;
	v6 =	vmul.f32 v21, v28;
	v16 =	vor.u32 s12, v10;
	v10 =	vld [tilespmem:$0x1FB90]  }
0x57a: {  	v61 =	vperm.xlane v11, v1;
	v1 =	vld [tilespmem:$0x1FD40]  }
0x57b: {  	v14 =	vld [tilespmem:$0x1FD60];
	[tilespmem:$0x1F770] =	vst v6;
	v6 =	vmul.f32 v22, v28  }
0x57c: {  	v24 =	vor.u32 s12, v5;
	v5 =	vld [tilespmem:$0x1FE00];
	v3 =	vor.u32 s12, v3  }
0x57d: {  	[tilespmem:$0x1F780] =	vst v6;
	v6 =	vld [tilespmem:$0x1FCA0]  }
0x57e: {  	v56 =	vperm.xlane v11, v10;
	v10 =	vld [tilespmem:$0x1FB70]  }
0x57f: {  	v2 =	vor.u32 s12, v2;
	v55 =	vor.u32 s12, v1;
	v1 =	vld [tilespmem:$0x1FC60]  }
0x580: {  	v7 =	vor.u32 s12, v7;
	[tilespmem:$0x1F690] =	vst v2;
	v2 =	vld [tilespmem:$0x1FFE0]  }
0x581: {  	v19 =	vor.u32 s12, v5;
	v5 =	vld.idx.msk [tilespmem:v3+s23+$0x0], $0xffff  }
0x582: {  	v3 =	vld [tilespmem:$0x1FBB0]  }
0x583: {  	v51 =	vperm.xlane v11, v10;
	v10 =	vld [tilespmem:$0x1FB20]  }
0x584: {  	v18 =	vperm.xlane v11, v1;
	v1 =	vld [tilespmem:$0x1FC90]  }
0x585: {  	v15 =	vor.u32 s12, v15;
	v7 =	vld.idx.msk [tilespmem:v7+s23+$0x0], $0xffff;
	v2 =	vor.u32 s12, v2  }
0x586: {  	v14 =	vor.u32 s12, v14;
	[tilespmem:$0x1F6A0] =	vst v2;
	v2 =	vld [tilespmem:$0x1FE50]  }
0x587: {  	v35 =	vor.u32 s12, v6;
	v38 =	vld.idx.msk [tilespmem:v13+s23+$0x0], $0xffff  }
0x588: {  	v6 =	vmul.f32 v23, v31;
	v3 =	vor.u32 s12, v3;
	v54 =	vor.u32 s12, v10;
	v10 =	vld [tilespmem:$0x1FCE0]  }
0x589: {  	v13 =	vperm.xlane v11, v1;
	v1 =	vld [tilespmem:$0x1FBF0]  }
0x58a: {  	v15 =	vld.idx.msk [tilespmem:v15+s23+$0x0], $0xffff;
	[tilespmem:$0x1F790] =	vst v6;
	v6 =	vmul.f32 v26, v31  }
0x58b: {  	v47 =	vor.u32 s12, v29;
	v14 =	vld.idx.msk [tilespmem:v14+s23+$0x0], $0xffff  }
0x58c: {  	[tilespmem:$0x1F7A0] =	vst v6;
	v6 =	vld [tilespmem:$0x1FC30]  }
0x58d: {  	v2 =	vor.u32 s12, v2;
	v63 =	vperm.xlane v11, v10;
	v10 =	vld.idx.msk [tilespmem:v3+s23+$0x0], $0xffff  }
0x58e: {  	v3 =	vperm.xlane v11, v1;
	v1 =	vld [tilespmem:$0x1FFF0]  }
0x58f: {  	v23 =	vld.idx.msk [tilespmem:v60+s23+$0x0], $0xffff  }
0x590: {  	v26 =	vld.idx.msk [tilespmem:v47+s23+$0x0], $0xffff  }
0x591: {  	v37 =	vor.u32 s12, v6;
	v6 =	vld [tilespmem:$0x1FCB0]  }
0x592: {  	v2 =	vld.idx.msk [tilespmem:v2+s23+$0x0], $0xffff  }
0x593: {  	v59 =	vor.u32 s12, v1;
	v1 =	vld [tilespmem:$0x1FC20]  }
0x594: {  	p1 =	sne.s32 s12, $0x30;
	v17 =	vlaneseq.u32;
	v8 =	vld.idx.msk [tilespmem:v8+s23+$0x0], $0xffff  }
.Ltmp4:
0x595: {  	v17 =	vperm.xlane v11, v17;
	v9 =	vld.idx.msk [tilespmem:v9+s23+$0x0], $0xffff;
	(pc) =	sbr.rel @p1 .LBB2_7-.Ltmp4, $4  }
0x596: {  	v60 =	vmul.f32 v40, v43;
	v20 =	vld.idx.msk [tilespmem:v54+s23+$0x0], $0xffff;
	v54 =	vmul.f32 v30, v36  }
0x597: {  	v30 =	vor.u32 s12, v6;
	v6 =	vmul.f32 v41, v46;
	v21 =	vld.idx.msk [tilespmem:v55+s23+$0x0], $0xffff;
	v55 =	vmul.f32 v7, v36  }
0x598: {  	s22 =	smov.u32 s12;
	v29 =	vor.u32 s12, v50;
	v16 =	vld.idx.msk [tilespmem:v16+s23+$0x0], $0xffff;
	v7 =	vmul.f32 v42, v46;
	v1 =	vperm.xlane v11, v1  }
0x599: {  	s12 =	sadd.s32 $0x10, s12;
	v11 =	vperm.xlane v11, v49;
	v22 =	vld.idx.msk [tilespmem:v59+s23+$0x0], $0xffff;
	v59 =	vmul.f32 v34, v43;
	v34 =	vor.u32 s22, v48  }
0x59a: {  	_ =	sdelay $0x1  }
0x59b: {  	v40 =	vld [tilespmem:$0x1FB30]  }
0x59c: {  	v41 =	vld [tilespmem:$0x1FB50]  }
0x59d: {  	v35 =	vld.idx.msk [tilespmem:v35+s23+$0x0], $0xffff  }
0x59e: {  	v37 =	vld.idx.msk [tilespmem:v37+s23+$0x0], $0xffff  }
0x59f: {  	v30 =	vld.idx.msk [tilespmem:v30+s23+$0x0], $0xffff  }
0x5a0: {  	v34 =	vld.idx.msk [tilespmem:v34+s23+$0x0], $0xffff;
	v40 =	vor.u32 s22, v40  }
0x5a1: {  	v42 =	vld [tilespmem:$0x1FAC0];
	v41 =	vor.u32 s22, v41  }
0x5a2: {  	v44 =	vld [tilespmem:$0x1FAD0]  }
0x5a3: {  	v29 =	vld.idx.msk [tilespmem:v29+s23+$0x0], $0xffff  }
0x5a4: {  	v45 =	vld [tilespmem:$0x1FAE0]  }
0x5a5: {  	v40 =	vld.idx.msk [tilespmem:v40+s23+$0x0], $0xffff  }
0x5a6: {  	v42 =	vor.u32 s22, v42;
	v41 =	vld.idx.msk [tilespmem:v41+s23+$0x0], $0xffff  }
0x5a7: {  	v26 =	vmul.f32 v26, v11;
	v44 =	vor.u32 s22, v44  }
0x5a8: {  	v35 =	vmul.f32 v35, v17;
	v37 =	vmul.f32 v37, v17  }
0x5a9: {  	v45 =	vor.u32 s22, v45;
	v30 =	vmul.f32 v30, v17;
	v17 =	vmul.f32 v34, v17  }
0x5aa: {  	v47 =	vld [tilespmem:$0x1FAF0];
	v29 =	vmul.f32 v29, v11;
	v34 =	vadd.f32 v35, v58;
	v0 =	vadd.f32 v37, v0  }
0x5ab: {  	v17 =	vadd.f32 v17, v25;
	v42 =	vld.idx.msk [tilespmem:v42+s23+$0x0], $0xffff;
	v58 =	vmul.f32 v40, v11;
	v11 =	vmul.f32 v41, v11  }
0x5ac: {  	v23 =	vmul.f32 v23, v3;
	v0 =	vadd.f32 v29, v0;
	v52 =	vld.idx.msk [tilespmem:v44+s23+$0x0], $0xffff  }
0x5ad: {  	v25 =	vadd.f32 v26, v34;
	v11 =	vadd.f32 v11, v17;
	v17 =	vmul.f32 v22, v3;
	v22 =	vld [tilespmem:$0x1FB00]  }
0x5ae: {  	v21 =	vmul.f32 v21, v1;
	v26 =	vld.idx.msk [tilespmem:v45+s23+$0x0], $0xffff;
	v0 =	vadd.f32 v23, v0  }
0x5af: {  	v17 =	vadd.f32 v17, v25;
	v25 =	vld [tilespmem:$0x1FD70]  }
0x5b0: {  	v16 =	vmul.f32 v16, v18;
	v47 =	vor.u32 s22, v47;
	v0 =	vadd.f32 v21, v0;
	v41 =	vld [tilespmem:$0x1FD50]  }
0x5b1: {  	v14 =	vmul.f32 v14, v13;
	v40 =	vmul.f32 v42, v3;
	v42 =	vld [tilespmem:$0x1FD80]  }
0x5b2: {  	v19 =	vld.idx.msk [tilespmem:v19+s23+$0x0], $0xffff;
	v20 =	vmul.f32 v20, v1;
	v0 =	vadd.f32 v16, v0;
	v22 =	vor.u32 s22, v22  }
0x5b3: {  	v12 =	vld.idx.msk [tilespmem:v12+s23+$0x0], $0xffff;
	v30 =	vadd.f32 v30, v32;
	v44 =	vmul.f32 v39, v63;
	v3 =	vmul.f32 v52, v3  }
0x5b4: {  	v23 =	vmul.f32 v26, v1;
	v26 =	vld [tilespmem:$0x1FDC0];
	v0 =	vadd.f32 v14, v0;
	v25 =	vor.u32 s22, v25  }
0x5b5: {  	v29 =	vadd.f32 v58, v30;
	v30 =	vld.idx.msk [tilespmem:v47+s23+$0x0], $0xffff;
	v3 =	vadd.f32 v3, v11;
	v35 =	vor.u32 s22, v41  }
0x5b6: {  	v21 =	vld.idx.msk [tilespmem:v24+s23+$0x0], $0xffff;
	v11 =	vmul.f32 v33, v61;
	v0 =	vadd.f32 v44, v0;
	v32 =	vor.u32 s22, v42  }
0x5b7: {  	v15 =	vmul.f32 v15, v18;
	v17 =	vadd.f32 v20, v17;
	v22 =	vld.idx.msk [tilespmem:v22+s23+$0x0], $0xffff  }
0x5b8: {  	v4 =	vmul.f32 v4, v51;
	v10 =	vmul.f32 v10, v13;
	v0 =	vadd.f32 v11, v0;
	v11 =	vld [tilespmem:$0x1F6F0]  }
0x5b9: {  	v29 =	vadd.f32 v40, v29;
	v26 =	vor.u32 s22, v26;
	v15 =	vadd.f32 v15, v17;
	v25 =	vld.idx.msk [tilespmem:v25+s23+$0x0], $0xffff  }
0x5ba: {  	v8 =	vmul.f32 v8, v56;
	v1 =	vmul.f32 v30, v1;
	v30 =	vld.idx.msk [tilespmem:v35+s23+$0x0], $0xffff  }
0x5bb: {  	v20 =	vmul.f32 v38, v63;
	v23 =	vadd.f32 v23, v29;
	v32 =	vld.idx.msk [tilespmem:v32+s23+$0x0], $0xffff;
	v10 =	vadd.f32 v10, v15  }
0x5bc: {  	v0 =	vadd.f32 v8, v0;
	v1 =	vadd.f32 v1, v3;
	v15 =	vld [tilespmem:$0x1F730];
	v3 =	vmul.f32 v22, v18  }
0x5bd: {  	v5 =	vmul.f32 v5, v56;
	v10 =	vadd.f32 v20, v10;
	v20 =	vld [tilespmem:$0x1F710]  }
0x5be: {  	v24 =	vld.idx.msk [tilespmem:v26+s23+$0x0], $0xffff;
	v0 =	vadd.f32 v4, v0;
	v16 =	vmul.f32 v25, v13;
	v3 =	vadd.f32 v3, v23  }
0x5bf: {  	v9 =	vmul.f32 v9, v61;
	v17 =	vld.idx.msk [tilespmem:v57+s23+$0x0], $0xffff;
	v18 =	vmul.f32 v30, v18  }
0x5c0: {  	v14 =	vmul.f32 v21, v63;
	v0 =	vadd.f32 v7, v0;
	v7 =	vld [tilespmem:$0x1F6E0];
	v3 =	vadd.f32 v16, v3  }
0x5c1: {  	v9 =	vadd.f32 v9, v10;
	v22 =	vld.idx.msk [tilespmem:v62+s23+$0x0], $0xffff;
	v1 =	vadd.f32 v18, v1;
	v13 =	vmul.f32 v32, v13  }
0x5c2: {  	v3 =	vadd.f32 v14, v3;
	v14 =	vld [tilespmem:$0x1F740]  }
0x5c3: {  	v5 =	vadd.f32 v5, v9;
	v9 =	vld [tilespmem:$0x1F6D0];
	v1 =	vadd.f32 v13, v1;
	v13 =	vmul.f32 v24, v63  }
0x5c4: {  	v15 =	vld.idx.msk [tilespmem:v15+s23+$0x0], $0xffff  }
0x5c5: {  	v20 =	vld.idx.msk [tilespmem:v20+s23+$0x0], $0xffff;
	v1 =	vadd.f32 v13, v1;
	v13 =	vmul.f32 v19, v61  }
0x5c6: {  	v2 =	vmul.f32 v2, v51;
	v16 =	vld.idx.msk [tilespmem:v53+s23+$0x0], $0xffff;
	v18 =	vmul.f32 v22, v61  }
0x5c7: {  	v1 =	vadd.f32 v13, v1;
	v13 =	vld [tilespmem:$0x1F720]  }
0x5c8: {  	v10 =	vmul.f32 v17, v56;
	v2 =	vadd.f32 v2, v5;
	v5 =	vld [tilespmem:$0x1F700];
	v3 =	vadd.f32 v18, v3  }
0x5c9: {  	v11 =	vld.idx.msk [tilespmem:v11+s23+$0x0], $0xffff  }
0x5ca: {  	v12 =	vmul.f32 v12, v56;
	v8 =	vmul.f32 v15, v51;
	v3 =	vadd.f32 v10, v3;
	v14 =	vld.idx.msk [tilespmem:v14+s23+$0x0], $0xffff  }
0x5cb: {  	v9 =	vld.idx.msk [tilespmem:v9+s23+$0x0], $0xffff;
	v4 =	vmul.f32 v20, v46  }
0x5cc: {  	v1 =	vadd.f32 v12, v1;
	v10 =	vmul.f32 v16, v51;
	v3 =	vadd.f32 v8, v3  }
0x5cd: {  	v2 =	vadd.f32 v6, v2  }
0x5ce: {  	v6 =	vmul.f32 v11, v43;
	v1 =	vadd.f32 v10, v1;
	v10 =	vld [tilespmem:$0x1F6B0];
	v3 =	vadd.f32 v4, v3  }
0x5cf: {  	v13 =	vld.idx.msk [tilespmem:v13+s23+$0x0], $0xffff;
	v8 =	vmul.f32 v14, v46  }
0x5d0: {  	v5 =	vld.idx.msk [tilespmem:v5+s23+$0x0], $0xffff;
	v9 =	vmul.f32 v9, v36;
	v3 =	vadd.f32 v6, v3  }
0x5d1: {  	v1 =	vadd.f32 v8, v1;
	v8 =	vld [tilespmem:$0x1F690]  }
0x5d2: {  	v3 =	vadd.f32 v9, v3;
	v9 =	vld [tilespmem:$0x1F790]  }
0x5d3: {  	v7 =	vld.idx.msk [tilespmem:v7+s23+$0x0], $0xffff;
	v2 =	vadd.f32 v59, v2  }
0x5d4: {  	v11 =	vld [tilespmem:$0x1F680];
	v4 =	vmul.f32 v13, v43  }
0x5d5: {  	v2 =	vadd.f32 v55, v2;
	v6 =	vld [tilespmem:$0x1F6C0]  }
0x5d6: {  	v5 =	vmul.f32 v5, v36;
	v10 =	vld.idx.msk [tilespmem:v10+s23+$0x0], $0xffff;
	v1 =	vadd.f32 v4, v1  }
0x5d7: {  	v2 =	vadd.f32 v9, v2;
	v9 =	vld [tilespmem:$0x1F7A0]  }
0x5d8: {  	v1 =	vadd.f32 v5, v1;
	v5 =	vmul.f32 v7, v31;
	v7 =	vld [tilespmem:$0x1F6A0]  }
0x5d9: {  	v8 =	vld.idx.msk [tilespmem:v8+s23+$0x0], $0xffff  }
0x5da: {  	v0 =	vadd.f32 v60, v0;
	_ =	sdelay $0x1  }
0x5db: {  	v0 =	vadd.f32 v54, v0;
	v11 =	vld.idx.msk [tilespmem:v11+s23+$0x0], $0xffff;
	v10 =	vmul.f32 v10, v31  }
0x5dc: {  	v6 =	vld.idx.msk [tilespmem:v6+s23+$0x0], $0xffff  }
0x5dd: {  	v3 =	vadd.f32 v10, v3;
	v0 =	vadd.f32 v9, v0;
	v9 =	vld [tilespmem:$0x1F770];
	v8 =	vmul.f32 v8, v28  }
0x5de: {  	v10 =	vld [tilespmem:$0x1F780]  }
0x5df: {  	v3 =	vadd.f32 v8, v3;
	v8 =	vld [tilespmem:$0x1F750]  }
0x5e0: {  	v7 =	vld.idx.msk [tilespmem:v7+s23+$0x0], $0xffff  }
0x5e1: {  	v4 =	vmov s24  }
0x5e2: {  	v4 =	vmul.u32 $0x38, v4;
	v1 =	vadd.f32 v5, v1;
	v2 =	vadd.f32 v9, v2;
	v9 =	vld [tilespmem:$0x1F7B0]  }
0x5e3: {  	v6 =	vmul.f32 v6, v28;
	v0 =	vadd.f32 v10, v0;
	v10 =	vmul.f32 v11, v27;
	v11 =	vld [tilespmem:$0x1F7C0]  }
0x5e4: {  	v4 =	vbroadcast v4, $0x0;
	v2 =	vadd.f32 v8, v2;
	v8 =	vld [tilespmem:$0x1FBC0]  }
0x5e5: {  	v16 =	vlaneseq.u32;
	v1 =	vadd.f32 v6, v1;
	v6 =	vmul.f32 v7, v27;
	v7 =	vld [tilespmem:$0x1F760]  }
0x5e6: {  	v5 =	vor.u32 v16, v4  }
0x5e7: {  	v9 =	vadd.s32 v9, v4  }
0x5e8: {  	v11 =	vadd.s32 v11, v4  }
0x5e9: {  	v4 =	vadd.s32 v8, v4  }
0x5ea: {  	v0 =	vadd.f32 v7, v0  }
0x5eb: {  	v3 =	vadd.f32 v10, v3;
	[tilespmem:v5+s28+$0x0] =	vst.idx.msk $0xffff, v2  }
0x5ec: {  	v1 =	vadd.f32 v6, v1;
	[tilespmem:v9+s28+$0x0] =	vst.idx.msk $0xffff, v0  }
0x5ed: {  	[tilespmem:v11+s28+$0x0] =	vst.idx.msk $0xffff, v3  }
0x5ee: {  	s12 =	sadd.s32 @!p0 $0x150, s18;
	s13 =	simm.s32 @!p0 $0x38;
	s18 =	simm.s32 @!p0 $0x10E00;
	[tilespmem:v4+s28+$0x0] =	vst.idx.msk $0x3, v1  }
0x5ef: {  	v0 =	vld [tilespmem:$0x1FFB0];
	[tilespmem:s18], [sflag:$0x4] =	stream.indirect.gather @!p0 [hbm4b:s3+s13], $0x40, s12, s13, $0xb8  }
0x5f0: {  	v1 =	vld [tilespmem:$0x1FFC0];
	_ =	swait.ge [sflag:s31], $0xE00  }
0x5f1: {  	v9 =	vld [tilespmem:$0x1FF10];
	_ =	sdelay $0x3  }
0x5f2: {  	s22 =	simm.s32 $0x0  }
0x5f3: {  	v9 =	vor.u32 s22, v9  }
0x5f4: {  	[tilespmem:$0x1F5A0] =	vst v9;
	v9 =	vld [tilespmem:$0x1FF60];
	_ =	sdelay $0x4  }
0x5f5: {  	v9 =	vor.u32 s22, v9  }
0x5f6: {  	[tilespmem:$0x1F5B0] =	vst v9;
	v9 =	vld [tilespmem:$0x1FED0];
	_ =	sdelay $0x4  }
0x5f7: {  	v2 =	vld [tilespmem:$0x1FF70];
	v9 =	vor.u32 s22, v9  }
0x5f8: {  	[tilespmem:$0x1F5C0] =	vst v9;
	v9 =	vld [tilespmem:$0x1FF20];
	_ =	sdelay $0x4  }
0x5f9: {  	v2 =	vor.u32 s22, v2;
	v9 =	vor.u32 s22, v9  }
0x5fa: {  	[tilespmem:$0x1F5D0] =	vst v9;
	v9 =	vld [tilespmem:$0x1FEA0];
	_ =	sdelay $0x1  }
0x5fb: {  	[sflag:s31] =	ssyncset.done $0x0  }
0x5fc: {  	v7 =	vld [tilespmem:$0x1FF00];
	[sflag:s31] =	ssyncadd.s32 $0xFFFFF200  }
0x5fd: {  	v12 =	vld.idx.msk [tilespmem:v2+s25+$0x0], $0xffff  }
0x5fe: {  	v2 =	vld [tilespmem:$0x1FEB0];
	v9 =	vor.u32 s22, v9  }
0x5ff: {  	[tilespmem:$0x1F5E0] =	vst v9;
	v9 =	vld [tilespmem:$0x1FEE0];
	_ =	sdelay $0x2  }
0x600: {  	v7 =	vor.u32 s22, v7;
	_ =	sdelay $0x1  }
0x601: {  	v2 =	vor.u32 s22, v2;
	v9 =	vor.u32 s22, v9  }
0x602: {  	[tilespmem:$0x1F5F0] =	vst v9;
	v9 =	vld [tilespmem:$0x1FE70];
	_ =	sdelay $0x1  }
0x603: {  	v20 =	vld.idx.msk [tilespmem:v7+s25+$0x0], $0xffff  }
0x604: {  	v7 =	vld [tilespmem:$0x1FE50]  }
0x605: {  	v21 =	vld.idx.msk [tilespmem:v2+s25+$0x0], $0xffff  }
0x606: {  	v2 =	vld [tilespmem:$0x1FE10];
	v9 =	vor.u32 s22, v9  }
0x607: {  	[tilespmem:$0x1F600] =	vst v9;
	v9 =	vld [tilespmem:$0x1FBA0];
	_ =	sdelay $0x1  }
0x608: {  	v7 =	vor.u32 s22, v7;
	_ =	sdelay $0x1  }
0x609: {  	v2 =	vor.u32 s22, v2  }
0x60a: {  	v10 =	vld [tilespmem:s15+$0x0];
	v9 =	vor.u32 s22, v9  }
0x60b: {  	[tilespmem:$0x1F610] =	vst v9;
	v9 =	vld [tilespmem:$0x1FE30]  }
0x60c: {  	v18 =	vld.idx.msk [tilespmem:v7+s25+$0x0], $0xffff  }
0x60d: {  	v7 =	vld [tilespmem:$0x1FD90]  }
0x60e: {  	v32 =	vld.idx.msk [tilespmem:v2+s25+$0x0], $0xffff  }
0x60f: {  	v2 =	vld [tilespmem:$0x1FA00]  }
0x610: {  	v57 =	vor.u32 s22, v9;
	v9 =	vld [tilespmem:$0x1FB80];
	_ =	sdelay $0x3  }
0x611: {  	v47 =	vperm.xlane v10, v2;
	v2 =	vld [tilespmem:$0x1FA10]  }
0x612: {  	v53 =	vor.u32 s22, v9;
	v9 =	vor.u32 s22, v7;
	v7 =	vld [tilespmem:$0x1F9B0];
	_ =	sdelay $0x1  }
0x613: {  	v3 =	vld [tilespmem:$0x1FF80]  }
0x614: {  	v4 =	vld [tilespmem:$0x1FF30]  }
0x615: {  	v43 =	vperm.xlane v10, v2;
	v2 =	vld [tilespmem:$0x1FBB0]  }
0x616: {  	v28 =	vperm.xlane v10, v7;
	v7 =	vld [tilespmem:$0x1F9C0]  }
0x617: {  	v8 =	vld [tilespmem:$0x1FF90];
	_ =	sdelay $0x1  }
0x618: {  	v3 =	vor.u32 s22, v3  }
0x619: {  	v14 =	vor.u32 s22, v2;
	v2 =	vld [tilespmem:$0x1FB90]  }
0x61a: {  	v27 =	vperm.xlane v10, v7;
	v7 =	vld [tilespmem:$0x1FDF0]  }
0x61b: {  	v5 =	vld [tilespmem:$0x1FF40];
	v4 =	vor.u32 s22, v4;
	v8 =	vor.u32 s22, v8  }
0x61c: {  	[tilespmem:$0x1F560] =	vst v8;
	v8 =	vld [tilespmem:$0x1FFE0]  }
0x61d: {  	v15 =	vld.idx.msk [tilespmem:v3+s25+$0x0], $0xffff  }
0x61e: {  	v56 =	vperm.xlane v10, v2;
	v2 =	vld [tilespmem:$0x1FB70]  }
0x61f: {  	v62 =	vor.u32 s22, v7;
	v7 =	vld [tilespmem:$0x1F9E0]  }
0x620: {  	v5 =	vor.u32 s22, v5;
	v17 =	vld.idx.msk [tilespmem:v4+s25+$0x0], $0xffff  }
0x621: {  	v3 =	vld [tilespmem:$0x1FEC0]  }
0x622: {  	v4 =	vld [tilespmem:$0x1FE80]  }
0x623: {  	v52 =	vperm.xlane v10, v2;
	v2 =	vld [tilespmem:$0x1FD60]  }
0x624: {  	v36 =	vperm.xlane v10, v7;
	v7 =	vld [tilespmem:$0x1F9F0]  }
0x625: {  	v19 =	vld.idx.msk [tilespmem:v5+s25+$0x0], $0xffff  }
0x626: {  	v0 =	vor.u32 s22, v0;
	v5 =	vld [tilespmem:$0x1FFD0];
	v8 =	vor.u32 s22, v8  }
0x627: {  	[tilespmem:$0x1F570] =	vst v8;
	v8 =	vld [tilespmem:$0x1FF50]  }
0x628: {  	v1 =	vor.u32 s22, v1;
	v29 =	vor.u32 s22, v2;
	v2 =	vld [tilespmem:$0x1FCE0]  }
0x629: {  	v31 =	vperm.xlane v10, v7;
	v7 =	vld [tilespmem:$0x1FDA0]  }
0x62a: {  	v6 =	vld [tilespmem:$0x1FEF0]  }
0x62b: {  	v0 =	vld.idx.msk [tilespmem:v0+s25+$0x0], $0xffff;
	v3 =	vor.u32 s22, v3;
	v5 =	vor.u32 s22, v5  }
0x62c: {  	[tilespmem:$0x1F550] =	vst v5;
	v5 =	vld [tilespmem:$0x1FE90]  }
0x62d: {  	v1 =	vld.idx.msk [tilespmem:v1+s25+$0x0], $0xffff;
	v4 =	vor.u32 s22, v4  }
0x62e: {  	v8 =	vor.u32 s22, v8;
	v11 =	vor.u32 s22, v7;
	v7 =	vperm.xlane v10, v2;
	v2 =	vld [tilespmem:$0x1FD10]  }
0x62f: {  	[tilespmem:$0x1F580] =	vst v8;
	v8 =	vld [tilespmem:$0x1FFA0]  }
0x630: {  	v22 =	vld.idx.msk [tilespmem:v3+s25+$0x0], $0xffff  }
0x631: {  	v3 =	vld [tilespmem:$0x1FE20];
	v5 =	vor.u32 s22, v5  }
0x632: {  	v23 =	vld.idx.msk [tilespmem:v4+s25+$0x0], $0xffff  }
0x633: {  	v61 =	vperm.xlane v10, v2;
	v2 =	vld [tilespmem:$0x1FD30]  }
0x634: {  	v4 =	vld [tilespmem:$0x1FDD0];
	v8 =	vor.u32 s22, v8  }
0x635: {  	[tilespmem:$0x1F590] =	vst v8;
	v8 =	vld [tilespmem:$0x1FE60]  }
0x636: {  	v26 =	vld.idx.msk [tilespmem:v5+s25+$0x0], $0xffff  }
0x637: {  	v6 =	vor.u32 s22, v6;
	v5 =	vld [tilespmem:$0x1FDE0];
	v0 =	vmul.f32 v0, v27  }
0x638: {  	v30 =	vor.u32 s22, v2;
	v2 =	vld [tilespmem:$0x1FC60]  }
0x639: {  	v3 =	vor.u32 s22, v3;
	[tilespmem:$0x1F620] =	vst v0;
	v0 =	vmul.f32 v1, v27  }
0x63a: {  	v4 =	vor.u32 s22, v4  }
0x63b: {  	v8 =	vor.u32 s22, v8;
	[tilespmem:$0x1F630] =	vst v0;
	v0 =	vld [tilespmem:$0x1FFF0]  }
0x63c: {  	v6 =	vld.idx.msk [tilespmem:v6+s25+$0x0], $0xffff;
	v5 =	vor.u32 s22, v5  }
0x63d: {  	v25 =	vperm.xlane v10, v2;
	v2 =	vld [tilespmem:$0x1FC90]  }
0x63e: {  	v33 =	vld.idx.msk [tilespmem:v3+s25+$0x0], $0xffff  }
0x63f: {  	v3 =	vld.idx.msk [tilespmem:v4+s25+$0x0], $0xffff  }
0x640: {  	v24 =	vld.idx.msk [tilespmem:v8+s25+$0x0], $0xffff;
	v0 =	vor.u32 s22, v0  }
0x641: {  	v4 =	vld.idx.msk [tilespmem:v5+s25+$0x0], $0xffff  }
0x642: {  	v13 =	vperm.xlane v10, v2;
	v2 =	vld [tilespmem:$0x1FD20]  }
0x643: {  	v8 =	vld.idx.msk [tilespmem:v9+s25+$0x0], $0xffff;
	v1 =	vmul.f32 v12, v28  }
0x644: {  	v9 =	vld [tilespmem:$0x1FB20]  }
0x645: {  	v60 =	vmul.f32 v22, v43;
	[tilespmem:$0x1F640] =	vst v1;
	v1 =	vmul.f32 v15, v28;
	v22 =	vld.idx.msk [tilespmem:v0+s25+$0x0], $0xffff  }
0x646: {  	v0 =	vld [tilespmem:$0x1FE00];
	v12 =	vmul.f32 v17, v31  }
0x647: {  	[tilespmem:$0x1F650] =	vst v1;
	v45 =	vor.u32 s22, v2;
	v2 =	vld [tilespmem:$0x1FBF0]  }
0x648: {  	v1 =	vld [tilespmem:$0x1FB10];
	[tilespmem:$0x1F660] =	vst v12;
	v12 =	vmul.f32 v19, v31  }
0x649: {  	v54 =	vmul.f32 v6, v36;
	v6 =	vld [tilespmem:$0x1FE40]  }
0x64a: {  	[tilespmem:$0x1F670] =	vst v12;
	v12 =	vld [tilespmem:$0x1FB60]  }
0x64b: {  	v19 =	vor.u32 s22, v0;
	v0 =	vld [tilespmem:$0x1FCA0]  }
0x64c: {  	v5 =	vperm.xlane v10, v2;
	v2 =	vld [tilespmem:$0x1FC20];
	_ =	sdelay $0x1  }
0x64d: {  	v46 =	vor.u32 s22, v9;
	v9 =	vld.idx.msk [tilespmem:v11+s25+$0x0], $0xffff  }
0x64e: {  	v1 =	vor.u32 s22, v1;
	v51 =	vor.u32 s22, v12;
	v12 =	vor.u32 s22, v6;
	v6 =	vld [tilespmem:$0x1FDB0]  }
0x64f: {  	v16 =	vperm.xlane v10, v16;
	v34 =	vor.u32 s22, v0;
	v0 =	vld [tilespmem:$0x1FC30]  }
0x650: {  	v11 =	vperm.xlane v10, v49;
	v2 =	vperm.xlane v10, v2;
	v10 =	vld [tilespmem:$0x1FD40];
	_ =	sdelay $0x1  }
0x651: {  	v55 =	vmul.f32 v20, v36;
	v20 =	vld.idx.msk [tilespmem:v46+s25+$0x0], $0xffff  }
0x652: {  	v63 =	vmul.f32 v23, v47;
	v23 =	vld.idx.msk [tilespmem:v1+s25+$0x0], $0xffff  }
0x653: {  	v37 =	vor.u32 s22, v0;
	v0 =	vld [tilespmem:$0x1FCB0]  }
0x654: {  	v38 =	vor.u32 s22, v6;
	v6 =	vmul.f32 v26, v47;
	v26 =	vld.idx.msk [tilespmem:v51+s25+$0x0], $0xffff;
	v49 =	vor.u32 s22, v10  }
0x655: {  	v10 =	vld.idx.msk [tilespmem:v14+s25+$0x0], $0xffff  }
0x656: {  	v14 =	vld.idx.msk [tilespmem:v29+s25+$0x0], $0xffff;
	v29 =	vor.u32 s22, v50  }
0x657: {  	v39 =	vimm.f32 $0.0e+00;
	v15 =	vld.idx.msk [tilespmem:v30+s25+$0x0], $0xffff  }
0x658: {  	v58 =	vimm.f32 $0.0e+00;
	v59 =	vmul.f32 v21, v43;
	v1 =	vimm.f32 $0.0e+00;
	v17 =	vld.idx.msk [tilespmem:v45+s25+$0x0], $0xffff  }
0x659: {  	s17 =	sor.u32 $0x3, s17;
	s12 =	simm.s32 $0x10;
	s13 =	smov.u32 s15;
	v30 =	vor.u32 s22, v48;
	v35 =	vor.u32 s22, v0;
	v0 =	vimm.f32 $0.0e+00;
	v21 =	vld.idx.msk [tilespmem:v49+s25+$0x0], $0xffff  }
.LBB2_9:
0x65a: {  	_ = 	snop  }
0x65b: {  	v29 =	vld.idx.msk [tilespmem:v29+s25+$0x0], $0xffff  }
0x65c: {  	v40 =	vld [tilespmem:$0x1FB30]  }
0x65d: {  	v34 =	vld.idx.msk [tilespmem:v34+s25+$0x0], $0xffff  }
0x65e: {  	v41 =	vld [tilespmem:$0x1FB50]  }
0x65f: {  	v37 =	vld.idx.msk [tilespmem:v37+s25+$0x0], $0xffff  }
0x660: {  	v42 =	vld [tilespmem:$0x1FAC0]  }
0x661: {  	v35 =	vld.idx.msk [tilespmem:v35+s25+$0x0], $0xffff  }
0x662: {  	v46 =	vld [tilespmem:$0x1FAF0]  }
0x663: {  	v44 =	vld [tilespmem:$0x1FAD0]  }
0x664: {  	v30 =	vld.idx.msk [tilespmem:v30+s25+$0x0], $0xffff  }
0x665: {  	v45 =	vld [tilespmem:$0x1FAE0];
	v40 =	vor.u32 s22, v40  }
0x666: {  	v48 =	vld [tilespmem:$0x1FB00];
	v41 =	vor.u32 s22, v41  }
0x667: {  	v49 =	vld [tilespmem:$0x1FD50];
	v46 =	vor.u32 s22, v46  }
0x668: {  	v50 =	vld [tilespmem:$0x1FD70];
	v10 =	vmul.f32 v10, v13  }
0x669: {  	v51 =	vld [tilespmem:$0x1FD80];
	v14 =	vmul.f32 v14, v13;
	v15 =	vmul.f32 v15, v25;
	v42 =	vor.u32 s22, v42  }
0x66a: {  	v20 =	vmul.f32 v20, v2;
	v26 =	vmul.f32 v26, v11;
	v44 =	vor.u32 s22, v44;
	v40 =	vld.idx.msk [tilespmem:v40+s25+$0x0], $0xffff  }
0x66b: {  	v45 =	vor.u32 s22, v45;
	v34 =	vmul.f32 v34, v16;
	v37 =	vmul.f32 v37, v16;
	v41 =	vld.idx.msk [tilespmem:v41+s25+$0x0], $0xffff  }
0x66c: {  	v35 =	vmul.f32 v35, v16;
	v16 =	vmul.f32 v30, v16;
	v30 =	vld.idx.msk [tilespmem:v46+s25+$0x0], $0xffff  }
0x66d: {  	v29 =	vmul.f32 v29, v11;
	v34 =	vadd.f32 v34, v58;
	v1 =	vadd.f32 v37, v1;
	v46 =	vld [tilespmem:$0x1FDC0]  }
0x66e: {  	v22 =	vmul.f32 v22, v5;
	v23 =	vmul.f32 v23, v5;
	v49 =	vor.u32 s22, v49;
	v42 =	vld.idx.msk [tilespmem:v42+s25+$0x0], $0xffff  }
0x66f: {  	v48 =	vor.u32 s22, v48;
	v26 =	vadd.f32 v26, v34;
	v1 =	vadd.f32 v29, v1;
	v44 =	vld.idx.msk [tilespmem:v44+s25+$0x0], $0xffff  }
0x670: {  	v21 =	vmul.f32 v21, v2;
	v51 =	vor.u32 s22, v51;
	v16 =	vadd.f32 v16, v39;
	v45 =	vld.idx.msk [tilespmem:v45+s25+$0x0], $0xffff  }
0x671: {  	v50 =	vor.u32 s22, v50;
	v22 =	vadd.f32 v22, v26;
	v1 =	vadd.f32 v23, v1  }
0x672: {  	v19 =	vld.idx.msk [tilespmem:v19+s25+$0x0], $0xffff;
	v46 =	vor.u32 s22, v46;
	v37 =	vmul.f32 v40, v11;
	v11 =	vmul.f32 v41, v11  }
0x673: {  	v17 =	vmul.f32 v17, v25;
	v20 =	vadd.f32 v20, v22;
	v1 =	vadd.f32 v21, v1;
	v41 =	vld.idx.msk [tilespmem:v49+s25+$0x0], $0xffff  }
0x674: {  	v58 =	vld.idx.msk [tilespmem:v48+s25+$0x0], $0xffff;
	v29 =	vmul.f32 v42, v5;
	v5 =	vmul.f32 v44, v5;
	v11 =	vadd.f32 v11, v16  }
0x675: {  	v0 =	vadd.f32 v35, v0;
	v23 =	vmul.f32 v45, v2;
	v15 =	vadd.f32 v15, v20;
	v16 =	vld.idx.msk [tilespmem:v51+s25+$0x0], $0xffff  }
0x676: {  	v42 =	vld.idx.msk [tilespmem:v50+s25+$0x0], $0xffff;
	v2 =	vmul.f32 v30, v2;
	v1 =	vadd.f32 v17, v1;
	v5 =	vadd.f32 v5, v11  }
0x677: {  	v8 =	vmul.f32 v8, v7;
	v0 =	vadd.f32 v37, v0;
	v10 =	vadd.f32 v10, v15;
	v11 =	vld.idx.msk [tilespmem:v46+s25+$0x0], $0xffff  }
0x678: {  	v1 =	vadd.f32 v14, v1;
	v14 =	vld [tilespmem:$0x1F600];
	v2 =	vadd.f32 v2, v5;
	v5 =	vmul.f32 v41, v25  }
0x679: {  	v26 =	vld.idx.msk [tilespmem:v38+s25+$0x0], $0xffff;
	v0 =	vadd.f32 v29, v0  }
0x67a: {  	v8 =	vadd.f32 v8, v10;
	v10 =	vld [tilespmem:$0x1F5E0];
	v2 =	vadd.f32 v5, v2;
	v5 =	vmul.f32 v16, v13  }
0x67b: {  	v22 =	vld.idx.msk [tilespmem:v62+s25+$0x0], $0xffff;
	v21 =	vmul.f32 v58, v25;
	v0 =	vadd.f32 v23, v0  }
0x67c: {  	v2 =	vadd.f32 v5, v2;
	v5 =	vmul.f32 v11, v7;
	v11 =	vld [tilespmem:$0x1F610]  }
0x67d: {  	v3 =	vmul.f32 v3, v61;
	v12 =	vld.idx.msk [tilespmem:v12+s25+$0x0], $0xffff;
	v17 =	vmul.f32 v42, v13;
	v0 =	vadd.f32 v21, v0  }
0x67e: {  	v9 =	vmul.f32 v9, v7;
	v20 =	vld.idx.msk [tilespmem:v57+s25+$0x0], $0xffff  }
0x67f: {  	v3 =	vadd.f32 v3, v8;
	v8 =	vld [tilespmem:$0x1F5C0];
	v13 =	vmul.f32 v26, v7;
	v0 =	vadd.f32 v17, v0  }
0x680: {  	v14 =	vld.idx.msk [tilespmem:v14+s25+$0x0], $0xffff  }
0x681: {  	v1 =	vadd.f32 v9, v1;
	v9 =	vmul.f32 v22, v61;
	v7 =	vld.idx.msk [tilespmem:v53+s25+$0x0], $0xffff;
	v0 =	vadd.f32 v13, v0  }
0x682: {  	v10 =	vld.idx.msk [tilespmem:v10+s25+$0x0], $0xffff;
	v2 =	vadd.f32 v5, v2;
	v5 =	vmul.f32 v19, v61  }
0x683: {  	v4 =	vmul.f32 v4, v61;
	v0 =	vadd.f32 v9, v0;
	v9 =	vld [tilespmem:$0x1F5F0]  }
0x684: {  	v2 =	vadd.f32 v5, v2;
	v5 =	vmul.f32 v12, v56;
	v11 =	vld.idx.msk [tilespmem:v11+s25+$0x0], $0xffff  }
0x685: {  	v1 =	vadd.f32 v4, v1;
	v4 =	vmul.f32 v20, v56;
	v13 =	vld [tilespmem:$0x1F5A0]  }
0x686: {  	v12 =	vmul.f32 v14, v52;
	v2 =	vadd.f32 v5, v2;
	v5 =	vld [tilespmem:$0x1F5D0]  }
0x687: {  	v0 =	vadd.f32 v4, v0;
	v4 =	vmul.f32 v7, v52;
	v7 =	vmul.f32 v10, v47;
	v10 =	vld [tilespmem:$0x1F580];
	_ =	sdelay $0x1  }
0x688: {  	v0 =	vadd.f32 v12, v0;
	v2 =	vadd.f32 v4, v2;
	v4 =	vmul.f32 v11, v47;
	v11 =	vld [tilespmem:$0x1F5B0]  }
0x689: {  	v33 =	vmul.f32 v33, v56;
	v8 =	vld.idx.msk [tilespmem:v8+s25+$0x0], $0xffff  }
0x68a: {  	v0 =	vadd.f32 v7, v0;
	v7 =	vld [tilespmem:$0x1F590]  }
0x68b: {  	v24 =	vmul.f32 v24, v52;
	v1 =	vadd.f32 v33, v1;
	v9 =	vld.idx.msk [tilespmem:v9+s25+$0x0], $0xffff  }
0x68c: {  	v32 =	vmul.f32 v32, v56;
	v13 =	vld.idx.msk [tilespmem:v13+s25+$0x0], $0xffff  }
0x68d: {  	v1 =	vadd.f32 v24, v1;
	v5 =	vld.idx.msk [tilespmem:v5+s25+$0x0], $0xffff  }
0x68e: {  	v18 =	vmul.f32 v18, v52;
	v3 =	vadd.f32 v32, v3;
	v10 =	vld.idx.msk [tilespmem:v10+s25+$0x0], $0xffff  }
0x68f: {  	v1 =	vadd.f32 v6, v1;
	v6 =	vmul.f32 v8, v43  }
0x690: {  	v3 =	vadd.f32 v18, v3;
	v2 =	vadd.f32 v4, v2;
	v4 =	vmul.f32 v9, v43;
	v11 =	vld.idx.msk [tilespmem:v11+s25+$0x0], $0xffff  }
0x691: {  	v0 =	vadd.f32 v6, v0;
	v9 =	vmul.f32 v13, v36  }
0x692: {  	v3 =	vadd.f32 v63, v3;
	v7 =	vld.idx.msk [tilespmem:v7+s25+$0x0], $0xffff;
	v2 =	vadd.f32 v4, v2  }
0x693: {  	v4 =	vmul.f32 v5, v36;
	v0 =	vadd.f32 v9, v0;
	v9 =	vld [tilespmem:$0x1F660];
	v6 =	vmul.f32 v10, v31  }
0x694: {  	v3 =	vadd.f32 v59, v3  }
0x695: {  	v2 =	vadd.f32 v4, v2;
	v0 =	vadd.f32 v6, v0;
	v6 =	vld [tilespmem:$0x1F640];
	v4 =	vmul.f32 v11, v31  }
0x696: {  	v3 =	vadd.f32 v54, v3  }
0x697: {  	v2 =	vadd.f32 v4, v2;
	v4 =	vmul.f32 v7, v28;
	v7 =	vld [tilespmem:$0x1F620]  }
0x698: {  	v3 =	vadd.f32 v9, v3;
	v9 =	vld [tilespmem:$0x1F670]  }
0x699: {  	v1 =	vadd.f32 v60, v1  }
0x69a: {  	v3 =	vadd.f32 v6, v3;
	v6 =	vld [tilespmem:$0x1F650]  }
0x69b: {  	v1 =	vadd.f32 v55, v1  }
0x69c: {  	v58 =	vadd.f32 v7, v3;
	v3 =	vld [tilespmem:$0x1F630]  }
0x69d: {  	v1 =	vadd.f32 v9, v1;
	_ =	sdelay $0x1  }
0x69e: {  	v1 =	vadd.f32 v6, v1;
	_ =	sdelay $0x1  }
0x69f: {  	v1 =	vadd.f32 v3, v1;
	v3 =	vld [tilespmem:$0x1FFC0];
	_ =	sdelay $0x4  }
0x6a0: {  	v5 =	vld [tilespmem:$0x1F570];
	v3 =	vor.u32 s12, v3;
	_ =	sdelay $0x4  }
0x6a1: {  	v21 =	vld.idx.msk [tilespmem:v3+s25+$0x0], $0xffff  }
0x6a2: {  	v3 =	vld [tilespmem:$0x1FF00];
	_ =	sdelay $0x1  }
0x6a3: {  	v5 =	vld.idx.msk [tilespmem:v5+s25+$0x0], $0xffff;
	_ =	sdelay $0x2  }
0x6a4: {  	v3 =	vor.u32 s12, v3;
	_ =	sdelay $0x1  }
0x6a5: {  	v2 =	vadd.f32 v4, v2;
	v4 =	vmul.f32 v5, v27;
	_ =	sdelay $0x1  }
0x6a6: {  	v39 =	vadd.f32 v4, v2;
	v4 =	vld [tilespmem:$0x1FF80]  }
0x6a7: {  	v35 =	vld.idx.msk [tilespmem:v3+s25+$0x0], $0xffff  }
0x6a8: {  	v3 =	vld [tilespmem:$0x1FF90];
	_ =	sdelay $0x2  }
0x6a9: {  	v8 =	vld [tilespmem:$0x1F560]  }
0x6aa: {  	v5 =	vld [tilespmem:$0x1FFB0];
	v4 =	vor.u32 s12, v4  }
0x6ab: {  	v3 =	vor.u32 s12, v3  }
0x6ac: {  	[tilespmem:$0x1F560] =	vst v3;
	v3 =	vld [tilespmem:$0x1FFE0];
	_ =	sdelay $0x2  }
0x6ad: {  	v5 =	vor.u32 s12, v5;
	v23 =	vld.idx.msk [tilespmem:v4+s25+$0x0], $0xffff  }
0x6ae: {  	v4 =	vld [tilespmem:$0x1FEC0]  }
0x6af: {  	v8 =	vld.idx.msk [tilespmem:v8+s25+$0x0], $0xffff;
	v3 =	vor.u32 s12, v3  }
0x6b0: {  	[tilespmem:$0x1F570] =	vst v3;
	v3 =	vld [tilespmem:$0x1FE50];
	_ =	sdelay $0x1  }
0x6b1: {  	v20 =	vld.idx.msk [tilespmem:v5+s25+$0x0], $0xffff  }
0x6b2: {  	v5 =	vld [tilespmem:$0x1FEF0];
	v4 =	vor.u32 s12, v4  }
0x6b3: {  	v12 =	vld [tilespmem:$0x1F550]  }
0x6b4: {  	v8 =	vmul.f32 v8, v28;
	v2 =	vld [tilespmem:$0x1FF70];
	v3 =	vor.u32 s12, v3  }
0x6b5: {  	v9 =	vld [tilespmem:$0x1FE70]  }
0x6b6: {  	v0 =	vadd.f32 v8, v0;
	v8 =	vld [tilespmem:$0x1FE80]  }
0x6b7: {  	v5 =	vor.u32 s12, v5;
	v41 =	vld.idx.msk [tilespmem:v4+s25+$0x0], $0xffff  }
0x6b8: {  	v4 =	vld [tilespmem:$0x1FF10]  }
0x6b9: {  	v2 =	vor.u32 s12, v2;
	v18 =	vld.idx.msk [tilespmem:v3+s25+$0x0], $0xffff  }
0x6ba: {  	v9 =	vor.u32 s12, v9;
	v3 =	vld [tilespmem:$0x1FB80]  }
0x6bb: {  	[tilespmem:$0x1F600] =	vst v9;
	v9 =	vld [tilespmem:$0x1FE30]  }
0x6bc: {  	v30 =	vld.idx.msk [tilespmem:v5+s25+$0x0], $0xffff  }
0x6bd: {  	v5 =	vld [tilespmem:$0x1FFD0]  }
0x6be: {  	v22 =	vld.idx.msk [tilespmem:v2+s25+$0x0], $0xffff  }
0x6bf: {  	v4 =	vor.u32 s12, v4;
	v53 =	vor.u32 s12, v3;
	v3 =	vld [tilespmem:$0x1FD90]  }
0x6c0: {  	[tilespmem:$0x1F5A0] =	vst v4;
	v4 =	vld [tilespmem:$0x1FF60]  }
0x6c1: {  	v2 =	vld [tilespmem:$0x1FEB0]  }
0x6c2: {  	v5 =	vor.u32 s12, v5  }
0x6c3: {  	v8 =	vor.u32 s12, v8;
	[tilespmem:$0x1F550] =	vst v5;
	v5 =	vld [tilespmem:$0x1FE90]  }
0x6c4: {  	v57 =	vor.u32 s12, v9;
	v9 =	vor.u32 s12, v3;
	v3 =	vld [tilespmem:$0x1FDF0]  }
0x6c5: {  	v12 =	vld.idx.msk [tilespmem:v12+s25+$0x0], $0xffff;
	v4 =	vor.u32 s12, v4  }
0x6c6: {  	s13 =	sadd.s32 $0x10, s13;
	v2 =	vor.u32 s12, v2;
	[tilespmem:$0x1F5B0] =	vst v4;
	v4 =	vld [tilespmem:$0x1FE10]  }
0x6c7: {  	v11 =	vld [tilespmem:s13+$0x0]  }
0x6c8: {  	v42 =	vld.idx.msk [tilespmem:v8+s25+$0x0], $0xffff;
	v5 =	vor.u32 s12, v5  }
0x6c9: {  	v62 =	vor.u32 s12, v3;
	v3 =	vld [tilespmem:$0x1FE40]  }
0x6ca: {  	v8 =	vld [tilespmem:$0x1FEA0]  }
0x6cb: {  	v40 =	vld.idx.msk [tilespmem:v2+s25+$0x0], $0xffff;
	v4 =	vor.u32 s12, v4  }
0x6cc: {  	v2 =	vld [tilespmem:$0x1FF50]  }
0x6cd: {  	v44 =	vld.idx.msk [tilespmem:v5+s25+$0x0], $0xffff  }
0x6ce: {  	v6 =	vmul.f32 v12, v27;
	v12 =	vor.u32 s12, v3;
	v3 =	vld [tilespmem:$0x1FDB0]  }
0x6cf: {  	v5 =	vld [tilespmem:$0x1FBA0]  }
0x6d0: {  	v32 =	vld.idx.msk [tilespmem:v4+s25+$0x0], $0xffff  }
0x6d1: {  	v2 =	vor.u32 s12, v2;
	v4 =	vld [tilespmem:$0x1F9E0]  }
0x6d2: {  	[tilespmem:$0x1F580] =	vst v2;
	v2 =	vld [tilespmem:$0x1FFA0]  }
0x6d3: {  	v38 =	vor.u32 s12, v3;
	v3 =	vld [tilespmem:$0x1FE00]  }
0x6d4: {  	v5 =	vor.u32 s12, v5  }
0x6d5: {  	[tilespmem:$0x1F610] =	vst v5;
	v5 =	vld [tilespmem:$0x1FDE0]  }
0x6d6: {  	v8 =	vor.u32 s12, v8;
	v36 =	vperm.xlane v11, v4;
	v4 =	vld [tilespmem:$0x1F9F0]  }
0x6d7: {  	[tilespmem:$0x1F5E0] =	vst v8;
	v8 =	vld [tilespmem:$0x1FEE0]  }
0x6d8: {  	v2 =	vor.u32 s12, v2;
	v19 =	vor.u32 s12, v3;
	v3 =	vld [tilespmem:$0x1FBB0]  }
0x6d9: {  	[tilespmem:$0x1F590] =	vst v2;
	v2 =	vld [tilespmem:$0x1FE60];
	_ =	sdelay $0x1  }
0x6da: {  	v5 =	vor.u32 s12, v5;
	v31 =	vperm.xlane v11, v4;
	v4 =	vld [tilespmem:$0x1FD30];
	_ =	sdelay $0x1  }
0x6db: {  	v10 =	vor.u32 s12, v3;
	v3 =	vld [tilespmem:$0x1F9B0]  }
0x6dc: {  	v7 =	vld [tilespmem:$0x1FF40];
	v8 =	vor.u32 s12, v8;
	v2 =	vor.u32 s12, v2  }
0x6dd: {  	[tilespmem:$0x1F5F0] =	vst v8;
	v8 =	vld [tilespmem:$0x1FDD0]  }
0x6de: {  	v15 =	vor.u32 s12, v4;
	v4 =	vld.idx.msk [tilespmem:v5+s25+$0x0], $0xffff  }
0x6df: {  	v5 =	vld [tilespmem:$0x1FA00]  }
0x6e0: {  	v28 =	vperm.xlane v11, v3;
	v3 =	vld [tilespmem:$0x1F9C0]  }
0x6e1: {  	v24 =	vld.idx.msk [tilespmem:v2+s25+$0x0], $0xffff  }
0x6e2: {  	v7 =	vor.u32 s12, v7;
	v2 =	vld [tilespmem:$0x1FDA0];
	_ =	sdelay $0x1  }
0x6e3: {  	v47 =	vperm.xlane v11, v5;
	v5 =	vld [tilespmem:$0x1FA10]  }
0x6e4: {  	v8 =	vor.u32 s12, v8;
	v27 =	vperm.xlane v11, v3;
	v3 =	vld [tilespmem:$0x1FD60];
	_ =	sdelay $0x1  }
0x6e5: {  	v26 =	vld.idx.msk [tilespmem:v7+s25+$0x0], $0xffff;
	v2 =	vor.u32 s12, v2  }
0x6e6: {  	v7 =	vld [tilespmem:$0x1FED0]  }
0x6e7: {  	v43 =	vperm.xlane v11, v5;
	v5 =	vld [tilespmem:$0x1FD20]  }
0x6e8: {  	v14 =	vor.u32 s12, v3;
	v3 =	vld.idx.msk [tilespmem:v8+s25+$0x0], $0xffff  }
0x6e9: {  	v8 =	vld.idx.msk [tilespmem:v9+s25+$0x0], $0xffff  }
0x6ea: {  	v9 =	vld.idx.msk [tilespmem:v2+s25+$0x0], $0xffff  }
0x6eb: {  	v2 =	vld [tilespmem:$0x1FD10]  }
0x6ec: {  	v0 =	vadd.f32 v6, v0;
	v6 =	vld [tilespmem:$0x1FF30];
	_ =	sdelay $0x2  }
0x6ed: {  	v17 =	vor.u32 s12, v5;
	v5 =	vld [tilespmem:$0x1FB90]  }
0x6ee: {  	v7 =	vor.u32 s12, v7;
	v61 =	vperm.xlane v11, v2;
	v2 =	vld [tilespmem:$0x1FD40]  }
0x6ef: {  	v6 =	vor.u32 s12, v6;
	[tilespmem:$0x1F5C0] =	vst v7;
	v7 =	vld [tilespmem:$0x1FF20];
	_ =	sdelay $0x1  }
0x6f0: {  	v29 =	vld [tilespmem:$0x1FB10]  }
0x6f1: {  	v56 =	vperm.xlane v11, v5;
	v5 =	vld [tilespmem:$0x1FB70]  }
0x6f2: {  	v59 =	vor.u32 s12, v2;
	v2 =	vld [tilespmem:$0x1FC60]  }
0x6f3: {  	v6 =	vld.idx.msk [tilespmem:v6+s25+$0x0], $0xffff;
	v7 =	vor.u32 s12, v7  }
0x6f4: {  	[tilespmem:$0x1F5D0] =	vst v7;
	v7 =	vld [tilespmem:$0x1FE20]  }
0x6f5: {  	v63 =	vor.u32 s12, v29;
	v29 =	vld [tilespmem:$0x1FB60]  }
0x6f6: {  	v52 =	vperm.xlane v11, v5;
	v5 =	vld [tilespmem:$0x1FB20]  }
0x6f7: {  	v25 =	vperm.xlane v11, v2;
	v2 =	vld [tilespmem:$0x1FC90];
	_ =	sdelay $0x1  }
0x6f8: {  	v49 =	vld [tilespmem:$0x1FB40];
	v7 =	vor.u32 s12, v7;
	v6 =	vmul.f32 v6, v31  }
0x6f9: {  	v50 =	vld [tilespmem:$0x1FAA0];
	v48 =	vor.u32 s12, v29  }
0x6fa: {  	[tilespmem:$0x1F660] =	vst v6;
	v6 =	vmul.f32 v26, v31;
	v55 =	vor.u32 s12, v5;
	v5 =	vld [tilespmem:$0x1FCE0]  }
0x6fb: {  	v13 =	vperm.xlane v11, v2;
	v2 =	vld [tilespmem:$0x1FBF0]  }
0x6fc: {  	[tilespmem:$0x1F670] =	vst v6;
	v6 =	vld [tilespmem:$0x1FC30]  }
0x6fd: {  	v33 =	vld.idx.msk [tilespmem:v7+s25+$0x0], $0xffff;
	v20 =	vmul.f32 v20, v27  }
0x6fe: {  	v26 =	vld.idx.msk [tilespmem:v48+s25+$0x0], $0xffff  }
0x6ff: {  	v15 =	vld.idx.msk [tilespmem:v15+s25+$0x0], $0xffff;
	v7 =	vperm.xlane v11, v5;
	[tilespmem:$0x1F620] =	vst v20;
	v20 =	vmul.f32 v21, v27  }
0x700: {  	v21 =	vmul.f32 v22, v28;
	v5 =	vperm.xlane v11, v2;
	v2 =	vld [tilespmem:$0x1FFF0]  }
0x701: {  	v37 =	vor.u32 s12, v6;
	v6 =	vld [tilespmem:$0x1FCB0]  }
0x702: {  	v17 =	vld.idx.msk [tilespmem:v17+s25+$0x0], $0xffff;
	[tilespmem:$0x1F640] =	vst v21;
	v21 =	vmul.f32 v23, v28  }
0x703: {  	[tilespmem:$0x1F630] =	vst v20;
	v20 =	vld [tilespmem:$0x1FAB0]  }
0x704: {  	[tilespmem:$0x1F650] =	vst v21;
	v21 =	vld [tilespmem:$0x1FCA0]  }
0x705: {  	v60 =	vor.u32 s12, v2;
	v2 =	vld [tilespmem:$0x1FC20]  }
0x706: {  	p1 =	sne.s32 s12, $0x30;
	v51 =	vlaneseq.u32;
	v10 =	vld.idx.msk [tilespmem:v10+s25+$0x0], $0xffff  }
.Ltmp5:
0x707: {  	v16 =	vperm.xlane v11, v51;
	v23 =	vld.idx.msk [tilespmem:v63+s25+$0x0], $0xffff;
	(pc) =	sbr.rel @p1 .LBB2_9-.Ltmp5, $4  }
0x708: {  	v54 =	vmul.f32 v30, v36;
	v63 =	vmul.f32 v42, v47;
	v14 =	vld.idx.msk [tilespmem:v14+s25+$0x0], $0xffff;
	v29 =	vor.u32 s12, v20  }
0x709: {  	v20 =	vld.idx.msk [tilespmem:v55+s25+$0x0], $0xffff;
	v55 =	vmul.f32 v35, v36;
	v35 =	vor.u32 s12, v6;
	v6 =	vmul.f32 v44, v47  }
0x70a: {  	s22 =	smov.u32 s12;
	v34 =	vor.u32 s12, v21;
	v21 =	vld.idx.msk [tilespmem:v59+s25+$0x0], $0xffff;
	v59 =	vmul.f32 v40, v43;
	v2 =	vperm.xlane v11, v2  }
0x70b: {  	v30 =	vor.u32 s22, v49;
	s12 =	sadd.s32 $0x10, s12;
	v11 =	vperm.xlane v11, v50;
	v22 =	vld.idx.msk [tilespmem:v60+s25+$0x0], $0xffff;
	v60 =	vmul.f32 v41, v43  }
0x70c: {  	_ =	sdelay $0x3  }
0x70d: {  	v34 =	vld.idx.msk [tilespmem:v34+s25+$0x0], $0xffff  }
0x70e: {  	v37 =	vld.idx.msk [tilespmem:v37+s25+$0x0], $0xffff  }
0x70f: {  	v48 =	vld [tilespmem:$0x1FB30]  }
0x710: {  	v46 =	vld [tilespmem:$0x1FB50]  }
0x711: {  	v30 =	vld.idx.msk [tilespmem:v30+s25+$0x0], $0xffff  }
0x712: {  	v42 =	vld [tilespmem:$0x1FAC0]  }
0x713: {  	v44 =	vld [tilespmem:$0x1FAD0]  }
0x714: {  	v35 =	vld.idx.msk [tilespmem:v35+s25+$0x0], $0xffff  }
0x715: {  	v45 =	vld [tilespmem:$0x1FAE0];
	v40 =	vor.u32 s22, v48  }
0x716: {  	v41 =	vor.u32 s22, v46;
	v34 =	vmul.f32 v34, v16  }
0x717: {  	v29 =	vld.idx.msk [tilespmem:v29+s25+$0x0], $0xffff;
	v42 =	vor.u32 s22, v42;
	v50 =	vmul.f32 v30, v16  }
0x718: {  	v44 =	vor.u32 s22, v44;
	v30 =	vadd.f32 v34, v58;
	v58 =	vld [tilespmem:$0x1FAF0]  }
0x719: {  	v37 =	vmul.f32 v37, v16;
	v35 =	vmul.f32 v35, v16;
	v16 =	vadd.f32 v50, v39;
	v50 =	vld [tilespmem:$0x1FB00]  }
0x71a: {  	v45 =	vor.u32 s22, v45;
	v40 =	vld.idx.msk [tilespmem:v40+s25+$0x0], $0xffff  }
0x71b: {  	v41 =	vld.idx.msk [tilespmem:v41+s25+$0x0], $0xffff  }
0x71c: {  	v0 =	vadd.f32 v35, v0;
	v35 =	vld.idx.msk [tilespmem:v42+s25+$0x0], $0xffff  }
0x71d: {  	v26 =	vmul.f32 v26, v11;
	v34 =	vor.u32 s22, v58;
	v58 =	vld [tilespmem:$0x1FD50]  }
0x71e: {  	v1 =	vadd.f32 v37, v1;
	v37 =	vld.idx.msk [tilespmem:v44+s25+$0x0], $0xffff  }
0x71f: {  	v26 =	vadd.f32 v26, v30;
	v30 =	vld.idx.msk [tilespmem:v45+s25+$0x0], $0xffff;
	v39 =	vor.u32 s22, v50  }
0x720: {  	v29 =	vmul.f32 v29, v11;
	v44 =	vmul.f32 v23, v5;
	v23 =	vld [tilespmem:$0x1F5C0]  }
0x721: {  	v40 =	vmul.f32 v40, v11;
	v45 =	vmul.f32 v35, v5;
	v35 =	vld [tilespmem:$0x1FDC0]  }
0x722: {  	v22 =	vmul.f32 v22, v5;
	v42 =	vor.u32 s22, v58;
	v58 =	vld [tilespmem:$0x1FD70]  }
0x723: {  	v1 =	vadd.f32 v29, v1;
	v29 =	vld.idx.msk [tilespmem:v34+s25+$0x0], $0xffff;
	v0 =	vadd.f32 v40, v0  }
0x724: {  	v22 =	vadd.f32 v22, v26;
	v50 =	vmul.f32 v41, v11;
	v26 =	vld.idx.msk [tilespmem:v39+s25+$0x0], $0xffff  }
0x725: {  	v34 =	vld [tilespmem:$0x1FD80];
	v0 =	vadd.f32 v45, v0;
	v45 =	vmul.f32 v30, v2  }
0x726: {  	v11 =	vadd.f32 v50, v16;
	v30 =	vmul.f32 v17, v25;
	v17 =	vmul.f32 v33, v56;
	v33 =	vld [tilespmem:$0x1F5D0]  }
0x727: {  	v50 =	vmul.f32 v37, v5;
	v41 =	vor.u32 s22, v58;
	v58 =	vmul.f32 v20, v2;
	v20 =	vld.idx.msk [tilespmem:v42+s25+$0x0], $0xffff  }
0x728: {  	v1 =	vadd.f32 v44, v1;
	v42 =	vmul.f32 v21, v2;
	v21 =	vld [tilespmem:$0x1F610]  }
0x729: {  	v5 =	vadd.f32 v50, v11;
	v50 =	vmul.f32 v29, v2;
	v37 =	vmul.f32 v26, v25;
	v26 =	vld [tilespmem:$0x1F5F0]  }
0x72a: {  	v1 =	vadd.f32 v42, v1;
	v42 =	vld.idx.msk [tilespmem:v19+s25+$0x0], $0xffff  }
0x72b: {  	v0 =	vadd.f32 v45, v0;
	v34 =	vor.u32 s22, v34;
	v2 =	vadd.f32 v50, v5;
	v50 =	vld.idx.msk [tilespmem:v12+s25+$0x0], $0xffff  }
0x72c: {  	v29 =	vmul.f32 v15, v25;
	v16 =	vadd.f32 v58, v22;
	v19 =	vld [tilespmem:$0x1F5E0]  }
0x72d: {  	v40 =	vor.u32 s22, v35;
	v0 =	vadd.f32 v37, v0;
	v37 =	vld [tilespmem:$0x1F580]  }
0x72e: {  	v11 =	vadd.f32 v29, v16;
	v29 =	vld [tilespmem:$0x1F5A0]  }
0x72f: {  	v44 =	vld.idx.msk [tilespmem:v41+s25+$0x0], $0xffff  }
0x730: {  	v58 =	vld.idx.msk [tilespmem:v34+s25+$0x0], $0xffff  }
0x731: {  	v34 =	vld.idx.msk [tilespmem:v38+s25+$0x0], $0xffff  }
0x732: {  	v38 =	vld.idx.msk [tilespmem:v40+s25+$0x0], $0xffff  }
0x733: {  	v14 =	vmul.f32 v14, v13;
	v1 =	vadd.f32 v30, v1;
	v41 =	vld.idx.msk [tilespmem:v62+s25+$0x0], $0xffff  }
0x734: {  	v62 =	vld.idx.msk [tilespmem:v53+s25+$0x0], $0xffff  }
0x735: {  	v10 =	vmul.f32 v10, v13;
	v9 =	vmul.f32 v9, v7;
	v53 =	vld [tilespmem:$0x1F570];
	v1 =	vadd.f32 v14, v1  }
0x736: {  	v12 =	vld.idx.msk [tilespmem:v21+s25+$0x0], $0xffff  }
0x737: {  	v8 =	vmul.f32 v8, v7;
	v10 =	vadd.f32 v10, v11;
	v1 =	vadd.f32 v9, v1;
	v9 =	vld.idx.msk [tilespmem:v33+s25+$0x0], $0xffff  }
0x738: {  	v39 =	vmul.f32 v44, v13;
	v44 =	vld.idx.msk [tilespmem:v57+s25+$0x0], $0xffff  }
0x739: {  	v3 =	vmul.f32 v3, v61;
	v8 =	vadd.f32 v8, v10;
	v57 =	vld [tilespmem:$0x1F600]  }
0x73a: {  	v11 =	vld.idx.msk [tilespmem:v19+s25+$0x0], $0xffff  }
0x73b: {  	v3 =	vadd.f32 v3, v8;
	v8 =	vld.idx.msk [tilespmem:v23+s25+$0x0], $0xffff  }
0x73c: {  	v20 =	vmul.f32 v20, v25;
	v40 =	vmul.f32 v58, v13;
	v13 =	vld.idx.msk [tilespmem:v26+s25+$0x0], $0xffff  }
0x73d: {  	v5 =	vmul.f32 v34, v7;
	v45 =	vmul.f32 v38, v7;
	v7 =	vld.idx.msk [tilespmem:v37+s25+$0x0], $0xffff  }
0x73e: {  	v4 =	vmul.f32 v4, v61;
	v38 =	vld [tilespmem:$0x1F5B0]  }
0x73f: {  	v2 =	vadd.f32 v20, v2;
	v58 =	vmul.f32 v41, v61;
	v61 =	vmul.f32 v42, v61;
	v42 =	vld [tilespmem:$0x1F590]  }
0x740: {  	v1 =	vadd.f32 v4, v1;
	v4 =	vmul.f32 v62, v52;
	v62 =	vld [tilespmem:$0x1F630];
	v0 =	vadd.f32 v39, v0  }
0x741: {  	v2 =	vadd.f32 v40, v2;
	v39 =	vld [tilespmem:$0x1F560]  }
0x742: {  	v0 =	vadd.f32 v5, v0;
	v5 =	vld.idx.msk [tilespmem:v57+s25+$0x0], $0xffff  }
0x743: {  	v22 =	vmul.f32 v18, v52;
	v16 =	vmul.f32 v32, v56;
	v2 =	vadd.f32 v45, v2;
	v45 =	vld [tilespmem:$0x1F660]  }
0x744: {  	v32 =	vmul.f32 v12, v47;
	v30 =	vmul.f32 v11, v47;
	v47 =	vld [tilespmem:$0x1F550]  }
0x745: {  	v10 =	vmul.f32 v50, v56;
	v20 =	vmul.f32 v44, v56;
	v56 =	vld [tilespmem:$0x1F640];
	v0 =	vadd.f32 v58, v0  }
0x746: {  	v25 =	vmul.f32 v24, v52;
	v3 =	vadd.f32 v16, v3;
	v1 =	vadd.f32 v17, v1;
	v58 =	vld [tilespmem:$0x1F650]  }
0x747: {  	v2 =	vadd.f32 v61, v2;
	v61 =	vld [tilespmem:$0x1FBC0];
	v0 =	vadd.f32 v20, v0;
	v5 =	vmul.f32 v5, v52  }
0x748: {  	v3 =	vadd.f32 v22, v3;
	v1 =	vadd.f32 v25, v1;
	v34 =	vmul.f32 v8, v43;
	v8 =	vld.idx.msk [tilespmem:v38+s25+$0x0], $0xffff  }
0x749: {  	v2 =	vadd.f32 v10, v2;
	v0 =	vadd.f32 v5, v0;
	v5 =	vld.idx.msk [tilespmem:v29+s25+$0x0], $0xffff  }
0x74a: {  	v41 =	vmov s17;
	v40 =	vmul.f32 v9, v36;
	v3 =	vadd.f32 v63, v3;
	v10 =	vld.idx.msk [tilespmem:v42+s25+$0x0], $0xffff  }
0x74b: {  	v9 =	vmul.u32 $0x38, v41;
	v1 =	vadd.f32 v6, v1;
	v57 =	vld [tilespmem:$0x1F7B0];
	v2 =	vadd.f32 v4, v2  }
0x74c: {  	v35 =	vmul.f32 v13, v43;
	v3 =	vadd.f32 v59, v3;
	v4 =	vld.idx.msk [tilespmem:v39+s25+$0x0], $0xffff;
	v0 =	vadd.f32 v30, v0  }
0x74d: {  	v50 =	vbroadcast v9, $0x0;
	v1 =	vadd.f32 v60, v1;
	v2 =	vadd.f32 v32, v2;
	v52 =	vld [tilespmem:$0x1F670]  }
0x74e: {  	v59 =	vld [tilespmem:$0x1F7C0];
	v3 =	vadd.f32 v54, v3;
	v0 =	vadd.f32 v34, v0;
	v5 =	vmul.f32 v5, v36  }
0x74f: {  	v43 =	vmul.f32 v7, v31;
	v60 =	vld [tilespmem:$0x1F620];
	v1 =	vadd.f32 v55, v1;
	v2 =	vadd.f32 v35, v2  }
0x750: {  	v54 =	vadd.s32 v51, v50;
	v3 =	vadd.f32 v45, v3;
	v7 =	vld.idx.msk [tilespmem:v47+s25+$0x0], $0xffff;
	v0 =	vadd.f32 v5, v0  }
0x751: {  	v44 =	vmul.f32 v8, v31;
	v55 =	vmul.f32 v10, v28;
	v2 =	vadd.f32 v40, v2;
	v5 =	vld.idx.msk [tilespmem:v53+s25+$0x0], $0xffff  }
0x752: {  	v4 =	vmul.f32 v4, v28;
	v1 =	vadd.f32 v52, v1;
	v0 =	vadd.f32 v43, v0  }
0x753: {  	v10 =	vadd.s32 v57, v50;
	v3 =	vadd.f32 v56, v3;
	v2 =	vadd.f32 v44, v2  }
0x754: {  	v1 =	vadd.f32 v58, v1;
	v0 =	vadd.f32 v4, v0;
	v4 =	vadd.s32 v59, v50  }
0x755: {  	v8 =	vadd.s32 v61, v50;
	v3 =	vadd.f32 v60, v3;
	v7 =	vmul.f32 v7, v27  }
.Ltmp6:
0x756: {  	v2 =	vadd.f32 v55, v2;
	v1 =	vadd.f32 v62, v1;
	v5 =	vmul.f32 v5, v27;
	(pc) =	sbr.rel @p0 .LBB2_12-.Ltmp6, $4  }
0x757: {  	[tilespmem:v54+s28+$0x0] =	vst.idx.msk $0xffff, v3;
	v0 =	vadd.f32 v7, v0  }
0x758: {  	[tilespmem:v10+s28+$0x0] =	vst.idx.msk $0xffff, v1;
	v63 =	vadd.f32 v5, v2  }
0x759: {  	[tilespmem:v4+s28+$0x0] =	vst.idx.msk $0xffff, v0  }
0x75a: {  	v51 =	vmov v46;
	[tilespmem:v8+s28+$0x0] =	vst.idx.msk $0x3, v63  }
0x75b: {  	v52 =	vld [tilespmem:$0x1FB60]  }
0x75c: {  	v63 =	vld [tilespmem:$0x1FFF0]  }
0x75d: {  	v32 =	vld [tilespmem:$0x1FB10]  }
0x75e: {  	v37 =	vld [tilespmem:$0x1FB20]  }
0x75f: {  	v36 =	vld [tilespmem:$0x1FD40]  }
0x760: {  	v29 =	vld [tilespmem:$0x1FD30]  }
0x761: {  	v35 =	vld [tilespmem:$0x1FD20]  }
0x762: {  	v13 =	vld [tilespmem:$0x1FBB0]  }
0x763: {  	v33 =	vld [tilespmem:$0x1FD60]  }
0x764: {  	v24 =	vld [tilespmem:$0x1FB90]  }
0x765: {  	v25 =	vld [tilespmem:$0x1FB70]  }
0x766: {  	v23 =	vld [tilespmem:$0x1FD90]  }
0x767: {  	v43 =	vld [tilespmem:$0x1FDA0]  }
0x768: {  	v40 =	vld [tilespmem:$0x1FDB0]  }
0x769: {  	v28 =	vld [tilespmem:$0x1FDD0]  }
0x76a: {  	v41 =	vld [tilespmem:$0x1FDE0]  }
0x76b: {  	v44 =	vld [tilespmem:$0x1FDF0]  }
0x76c: {  	v45 =	vld [tilespmem:$0x1FE00]  }
0x76d: {  	v46 =	vld [tilespmem:$0x1FE10]  }
0x76e: {  	v47 =	vld [tilespmem:$0x1FE20]  }
0x76f: {  	v61 =	vld [tilespmem:$0x1FE30]  }
0x770: {  	v53 =	vld [tilespmem:$0x1FE40]  }
0x771: {  	v57 =	vld [tilespmem:$0x1FE50]  }
0x772: {  	v54 =	vld [tilespmem:$0x1FE60]  }
0x773: {  	v58 =	vld [tilespmem:$0x1FE70]  }
0x774: {  	v26 =	vld [tilespmem:$0x1FE80]  }
0x775: {  	v56 =	vld [tilespmem:$0x1FE90]  }
0x776: {  	v21 =	vld [tilespmem:$0x1FEA0]  }
0x777: {  	v19 =	vld [tilespmem:$0x1FEB0]  }
0x778: {  	v18 =	vld [tilespmem:$0x1FEC0]  }
0x779: {  	v17 =	vld [tilespmem:$0x1FED0]  }
0x77a: {  	v22 =	vld [tilespmem:$0x1FEE0]  }
0x77b: {  	v15 =	vld [tilespmem:$0x1FEF0]  }
0x77c: {  	v14 =	vld [tilespmem:$0x1FF00]  }
0x77d: {  	v20 =	vld [tilespmem:$0x1FF10]  }
0x77e: {  	v62 =	vld [tilespmem:$0x1FF20]  }
0x77f: {  	v11 =	vld [tilespmem:$0x1FF30]  }
0x780: {  	v10 =	vld [tilespmem:$0x1FF40]  }
0x781: {  	v34 =	vld [tilespmem:$0x1FF50]  }
0x782: {  	v39 =	vld [tilespmem:$0x1FF60]  }
0x783: {  	v7 =	vld [tilespmem:$0x1FF70]  }
0x784: {  	v6 =	vld [tilespmem:$0x1FF80]  }
0x785: {  	s12 =	smul.u32 $0x380, s16;
	v16 =	vld [tilespmem:$0x1FF90]  }
.Ltmp7:
0x786: {  	v30 =	vld [tilespmem:$0x1FFA0];
	(pc) =	sbr.rel .LBB2_2-.Ltmp7, $4  }
0x787: {  	s16 =	sadd.s32 $0x1, s16;
	v3 =	vld [tilespmem:$0x1FFB0]  }
0x788: {  	s1 =	sadd.s32 $0x100, s1;
	s5 =	sadd.s32 $0x100, s5;
	v2 =	vld [tilespmem:$0x1FFC0];
	s12 =	sshra.s32 s12, $0x2  }
0x789: {  	s14 =	sadd.s32 $0x100, s14;
	s15 =	sadd.s32 $0x100, s15;
	v59 =	vld [tilespmem:$0x1FFD0];
	s12 =	sadd.s32 $0x188, s12  }
0x78a: {  	v60 =	vld [tilespmem:$0x1FFE0];
	[tilespmem:s25], [sflag:$0x5] =	stream.indirect.gather [hbm4b:s3+s9], $0x40, s12, s9, $0xb8  }
.LBB2_13:
0x78b: {  	_ =	sfence.sel $0x180000  }
0x78c: {  	[bflag:$0x0] =	sbarrier.arrive $0xFFFF  }
0x78d: {  	_ =	strace $0x90000047  }
0x78e: {  	s0 =	stileid.u32;
	[bflag:$0x2] =	sbarrier.arrive $0xFFFF  }
0x78f: {  	p0 =	sne.s32 s0, $0x0;
	s0 =	rddreg [dreg:$0x2]  }
0x790: {  	s0 =	sadd.s32 @!p0 $0x100000, s0  }
0x791: {  	[sflag:s0] =	ssyncadd.tile.s32 @!p0 $0x1;
	_ =	shalt  }
.Lfunc_end2:
_tile_overlayer_lowered:
.L_overlay_start_2:
0x792: {  	(tag) =	ssettag $0x2  }
0x793: {  	s0 =	rddreg [dreg:$0x0];
	s2 =	stileid.u32  }
0x794: {  	s1 =	rddreg [dreg:$0x1];
	p0 =	sne.s32 s2, $0x0  }
0x795: {  	s3 =	rddreg [dreg:$0x2];
	[bflag:$0x3] =	sbarrier.arrive $0xFFFF;
	s2 =	simm.s32 @!p0 $0x1C06  }
0x796: {  	[timem:s3], [sflag:s2] =	dma.local @!p0 [hbm:s0], s1  }
0x797: {  	s0 =	simm.s32 @!p0 $0x6  }
0x798: {  	_ =	swait.ge @!p0 [sflag:s0], s1  }
0x799: {  	s1 =	ssub.s32 @!p0 $0x0, s1;
	[sflag:s0] =	ssyncset.done @!p0 $0x0  }
0x79a: {  	[sflag:s0] =	ssyncadd.s32 @!p0 s1  }
0x79b: {  	[bflag:$0x3] =	sbarrier.arrive $0xFFFF  }
0x79c: {  	_ =	shalt  }

</sc_bundles>
